<compile_context>
chip_gen: v7x
topology: tpu7x:2x2x1
jax: 0.10.2.dev20260603
libtpu: 0.0.44.dev20260713+nightly
codegen_flags: <defaults>
</compile_context>

<pallas_src>
import functools

import jax
import jax.numpy as jnp
from jax import lax
from jax.experimental import pallas as pl
from jax.experimental.pallas import tpu as pltpu
from jax.experimental.pallas import tpu_sc as plsc

_C = 1
_O = 64
_L = 50
_N = 100000
_F = 128

_BTC = 4096
_KTC = 15
_NTC = _KTC * _BTC
_NSC = _N - _NTC

_LOAD = 128
_NLOAD = _NSC // _LOAD
_TROWS = _NSC - _NLOAD * _LOAD
_NBUF = 4
_LAG = 2


def _seg_sum_sc(x, labels):
    info = plsc.get_sparse_core_info()
    nc, ns = info.num_cores, info.num_subcores
    nw = nc * ns

    nslots = (_NLOAD + nw - 1) // nw
    last_cut = _NLOAD - (nslots - 1) * nw

    mesh = plsc.VectorSubcoreMesh(core_axis_name="c", subcore_axis_name="s")

    @functools.partial(
        pl.kernel,
        out_type=jax.ShapeDtypeStruct((nc, _L, _F), jnp.float32),
        mesh=mesh,
        scratch_types=[
            pltpu.VMEM((_NBUF, _LOAD, _F), jnp.float32),
            pltpu.VMEM((_NBUF, _LOAD), jnp.int32),
            pltpu.VMEM((_TROWS, _F), jnp.float32),
            pltpu.VMEM((_TROWS,), jnp.int32),
            pltpu.VMEM((_L, _F), jnp.float32),
            pltpu.VMEM_SHARED((_L, _F), jnp.float32),
        ] + [pltpu.SemaphoreType.DMA] * (3 * _NBUF + 1),
    )
    def seg_kernel(x_hbm, lbl_hbm, out_hbm, x_v, lbl_v, xt_v, lblt_v, zero_v,
                   acc_sh, *sems):
        cid = lax.axis_index("c")
        sid = lax.axis_index("s")
        wid = sid * nc + cid
        sx = sems[0:_NBUF]
        sl = sems[_NBUF:2 * _NBUF]
        sc = sems[2 * _NBUF:3 * _NBUF]
        sq = sems[3 * _NBUF]

        def mk_loads(i, b):
            m = wid + i * nw
            row0 = pl.multiple_of(_NTC + m * _LOAD, _LOAD)
            dl = pltpu.make_async_copy(
                lbl_hbm.at[pl.ds(row0, _LOAD)], lbl_v.at[b], sl[b])
            dx = pltpu.make_async_copy(
                x_hbm.at[pl.ds(row0, _LOAD), :], x_v.at[b], sx[b])
            return dl, dx

        def start_loads(i, b):
            for d in mk_loads(i, b):
                d.start()

        def mk_scat(b):
            return pltpu.make_async_copy(
                x_v.at[b], acc_sh.at[lbl_v.at[b]], sc[b])

        for p in range(_LAG):
            if p < nslots - 1:
                start_loads(p, p % _NBUF)
            elif p == nslots - 1:
                @pl.when(wid < last_cut)
                def _(p=p):
                    start_loads(p, p % _NBUF)
        t0 = _NTC + _NLOAD * _LOAD
        dtl = pltpu.make_async_copy(lbl_hbm.at[pl.ds(t0, _TROWS)], lblt_v, sq)
        dtx = pltpu.make_async_copy(x_hbm.at[pl.ds(t0, _TROWS), :], xt_v, sq)

        @pl.when(wid == nw - 1)
        def _():
            dtl.start()
            dtx.start()

        @pl.when(sid == 0)
        def _():
            for l in range(_L):
                for j in range(_F // 16):
                    zero_v[l, pl.ds(j * 16, 16)] = jnp.zeros((16,), jnp.float32)
            pltpu.sync_copy(zero_v, acc_sh)

        plsc.subcore_barrier()

        for i in range(nslots):
            b = i % _NBUF

            def body(i=i, b=b):
                if i >= _LAG:
                    mk_scat((i - _LAG) % _NBUF).wait()
                nxt = i + _LAG
                if nxt < nslots - 1:
                    start_loads(nxt, nxt % _NBUF)
                elif nxt == nslots - 1:
                    @pl.when(wid < last_cut)
                    def _():
                        start_loads(nxt, nxt % _NBUF)
                for d in mk_loads(i, b):
                    d.wait()
                mk_scat(b).start(add=True)

            if i < nslots - 1:
                body()
            else:
                pl.when(wid < last_cut)(body)

        @pl.when(wid < last_cut)
        def _():
            for j in range(max(nslots - _LAG, 0), nslots):
                mk_scat(j % _NBUF).wait()

        @pl.when(jnp.logical_not(wid < last_cut))
        def _():
            for j in range(max(nslots - 1 - _LAG, 0), nslots - 1):
                mk_scat(j % _NBUF).wait()

        @pl.when(wid == nw - 1)
        def _():
            dtl.wait()
            dtx.wait()
            pltpu.sync_copy(xt_v, acc_sh.at[lblt_v], add=True)

        plsc.subcore_barrier()

        @pl.when(sid == 0)
        def _():
            pltpu.sync_copy(acc_sh, out_hbm.at[cid])

    return seg_kernel(x, labels)


def _seg_sum_tc(x, labels_tc):
    def body(lbl_ref, x_ref, o_ref):
        k = pl.program_id(0)

        @pl.when(k == 0)
        def _():
            o_ref[...] = jnp.zeros_like(o_ref)

        lbl = lbl_ref[...].reshape(1, _BTC)
        rows = lax.broadcasted_iota(jnp.int32, (_O, _BTC), 0)
        oh = (rows == jnp.broadcast_to(lbl, (_O, _BTC))).astype(jnp.bfloat16)
        xb = x_ref[...].astype(jnp.bfloat16)
        o_ref[...] += jnp.dot(oh, xb, preferred_element_type=jnp.float32)

    return pl.pallas_call(
        body,
        grid=(_KTC,),
        in_specs=[
            pl.BlockSpec((_BTC,), lambda k: (k,)),
            pl.BlockSpec((_BTC, _F), lambda k: (k, 0)),
        ],
        out_specs=pl.BlockSpec((_O, _F), lambda k: (0, 0)),
        out_shape=jax.ShapeDtypeStruct((_O, _F), jnp.float32),
    )(labels_tc, x)


def _combine_tc(partials, tc_part, w2, b):
    def tc_body(p_ref, t_ref, w_ref, b_ref, o_ref):
        seg = p_ref[0] + p_ref[1] + t_ref[pl.ds(0, _L), :]
        o_ref[...] = (
            jax.lax.dot(w_ref[...], seg, preferred_element_type=jnp.float32)
            + b_ref[0]
        )

    return pl.pallas_call(
        tc_body,
        out_shape=jax.ShapeDtypeStruct((_O, _F), jnp.float32),
    )(partials, tc_part, w2, b)


def kernel(x, node_labels, Param_W, Param_b):
    labels = node_labels.astype(jnp.int32)
    w2 = Param_W.reshape(_O, _L)
    sc_part = _seg_sum_sc(x, labels)
    tc_part = _seg_sum_tc(x, labels)
    out = _combine_tc(sc_part, tc_part, w2, Param_b)
    return out.reshape(_C, _O, _F)

# --- scband reference (transcript-rebuilt; emitter-appended) ---
"""Pipeline reference for scband-rule-aggregation-layer-44006234915594 (READ-ONLY COPY).

The authoritative reference and input builder live on the scoring server;
editing this copy changes nothing except your own understanding.
"""

import jax, jax.numpy as jnp
import numpy as np

C = 1        # out_channels
O = 64       # out_dim
L = 50       # n_node_labels (num_unique_node_labels)
N = 100000   # number_of_nodes
F = 128      # input_feature_dimension


def setup_inputs(seed: int = 0) -> dict:
    key = jax.random.key(seed)
    k1, k2, k3 = jax.random.split(key, 3)
    x = jax.random.normal(k1, (N, F), dtype=jnp.float32)
    node_labels = jax.random.randint(k2, (N,), 0, L)
    weight_num = C * O * L
    lower = -1.0 / np.sqrt(weight_num)
    upper = 1.0 / np.sqrt(weight_num)
    Param_W = (lower + jax.random.normal(k3, (weight_num,), dtype=jnp.float32) * (upper - lower)).astype(jnp.float32)
    Param_b = jnp.zeros((C, O, F), dtype=jnp.float32)
    return {"x": x, "node_labels": node_labels, "Param_W": Param_W, "Param_b": Param_b}


def reference(x, node_labels, Param_W, Param_b):
    # Faithful to RuleAggregationLayer.forward:
    # current_W[c, o, v] = Param_W[weight_map[c, o, label[v]]]  (scatter of shared
    # per-label weights into a (C, O, N) matrix), then out = current_W @ x + b.
    # out[c, o, f] = sum_v W[c, o, label[v]] * x[v, f] + b[c, o, f]
    # which equals W @ segment_sum(x by label): a label-segment reduction.
    W = Param_W.reshape(C, O, L)
    seg = jax.ops.segment_sum(x, node_labels, num_segments=L)  # (L, F)
    out = jnp.einsum('col,lf->cof', W, seg) + Param_b           # (C, O, F)
    return out

if __name__ == "__main__":
    import jax
    _d = setup_inputs()
    print(jax.jit(kernel)(*tuple(_d.values())))

</pallas_src>

<mosaic_0001>
#map = affine_map<(d0, d1) -> (0, 0)>
#map1 = affine_map<(d0, d1) -> (0)>
#map2 = affine_map<(d0, d1) -> (0, 0, 0)>
module attributes {stable_mosaic.version = 14 : i64} {
  func.func @seg_kernel(%arg0: i32, %arg1: i32, %arg2: memref<100000x128xf32, #tpu.memory_space<hbm>>, %arg3: memref<100000xi32, #tpu.memory_space<hbm>>, %arg4: memref<2x50x128xf32, #tpu.memory_space<hbm>>, %arg5: memref<4x128x128xf32, #tpu.memory_space<vmem>>, %arg6: memref<4x128xi32, #tpu.memory_space<vmem>>, %arg7: memref<32x128xf32, #tpu.memory_space<vmem>>, %arg8: memref<32xi32, #tpu.memory_space<vmem>>, %arg9: memref<50x128xf32, #tpu.memory_space<vmem>>, %arg10: memref<50x128xf32, #tpu.memory_space<vmem_shared>>, %arg11: memref<!tpu.dma_semaphore, #tpu.memory_space<semaphore_mem>>, %arg12: memref<!tpu.dma_semaphore, #tpu.memory_space<semaphore_mem>>, %arg13: memref<!tpu.dma_semaphore, #tpu.memory_space<semaphore_mem>>, %arg14: memref<!tpu.dma_semaphore, #tpu.memory_space<semaphore_mem>>, %arg15: memref<!tpu.dma_semaphore, #tpu.memory_space<semaphore_mem>>, %arg16: memref<!tpu.dma_semaphore, #tpu.memory_space<semaphore_mem>>, %arg17: memref<!tpu.dma_semaphore, #tpu.memory_space<semaphore_mem>>, %arg18: memref<!tpu.dma_semaphore, #tpu.memory_space<semaphore_mem>>, %arg19: memref<!tpu.dma_semaphore, #tpu.memory_space<semaphore_mem>>, %arg20: memref<!tpu.dma_semaphore, #tpu.memory_space<semaphore_mem>>, %arg21: memref<!tpu.dma_semaphore, #tpu.memory_space<semaphore_mem>>, %arg22: memref<!tpu.dma_semaphore, #tpu.memory_space<semaphore_mem>>, %arg23: memref<!tpu.dma_semaphore, #tpu.memory_space<semaphore_mem>>) attributes {dimension_semantics = [#tpu.dimension_semantics<core_parallel>, #tpu.dimension_semantics<subcore_parallel>], iteration_bounds = array<i64: 2, 16>, scalar_prefetch = 0 : i64, scratch_operands = 19 : i64, tpu.core_type = #tpu.core_type<sc_vector_subcore>, window_params = [{transform_indices = #map}, {transform_indices = #map1}, {transform_indices = #map2}]} {
    %mul3A = arith.constant 2 : i32
    %mul3A_0 = arith.muli %arg1, %mul3A : i32
    %add3A = arith.addi %mul3A_0, %arg0 : i32
    %add3A_1 = arith.constant 0 : i32
    %add3A_2 = arith.addi %add3A, %add3A_1 : i32
    %mul3A_3 = arith.constant 128 : i32
    %mul3A_4 = arith.muli %add3A_2, %mul3A_3 : i32
    %add3A_5 = arith.constant 61440 : i32
    %add3A_6 = arith.addi %add3A_5, %mul3A_4 : i32
    %multiple_of3A = tpu.assume_multiple %add3A_6, 128 : i32
    %dma_start3A = arith.constant 0 : i32
    %dma_start3A_7 = arith.constant 0 : i32
    %dma_start3A_8 = tpu.memref_slice %arg6[%dma_start3A, %dma_start3A_7] : memref<4x128xi32, #tpu.memory_space<vmem>> -> memref<1x128xi32, #tpu.memory_space<vmem>>
    %dma_start3A_9 = tpu.memref_squeeze %dma_start3A_8 : memref<1x128xi32, #tpu.memory_space<vmem>> -> memref<128xi32, #tpu.memory_space<vmem>>
    %dma_start3A_10 = tpu.memref_slice %arg3[%multiple_of3A] : memref<100000xi32, #tpu.memory_space<hbm>> -> memref<128xi32, #tpu.memory_space<hbm>>
    %dma_start3A_11 = arith.constant 0 : i32
    %dma_start3A_12 = tpu.memref_slice %arg6[%dma_start3A, %dma_start3A_11] : memref<4x128xi32, #tpu.memory_space<vmem>> -> memref<1x128xi32, #tpu.memory_space<vmem>>
    %dma_start3A_13 = tpu.memref_squeeze %dma_start3A_12 : memref<1x128xi32, #tpu.memory_space<vmem>> -> memref<128xi32, #tpu.memory_space<vmem>>
    %dma_start3A_14 = tpu.memref_slice %arg3[%multiple_of3A] : memref<100000xi32, #tpu.memory_space<hbm>> -> memref<128xi32, #tpu.memory_space<hbm>>
    tpu.enqueue_dma source(%dma_start3A_14 : memref<128xi32, #tpu.memory_space<hbm>>) target(%dma_start3A_13 : memref<128xi32, #tpu.memory_space<vmem>>) target_semaphore(%arg15 : memref<!tpu.dma_semaphore, #tpu.memory_space<semaphore_mem>>)
    %dma_start3A_15 = arith.constant 0 : i32
    %dma_start3A_16 = arith.constant 0 : i32
    %dma_start3A_17 = arith.constant 0 : i32
    %dma_start3A_18 = tpu.memref_slice %arg5[%dma_start3A_15, %dma_start3A_16, %dma_start3A_17] : memref<4x128x128xf32, #tpu.memory_space<vmem>> -> memref<1x128x128xf32, #tpu.memory_space<vmem>>
    %dma_start3A_19 = tpu.memref_squeeze %dma_start3A_18 : memref<1x128x128xf32, #tpu.memory_space<vmem>> -> memref<128x128xf32, #tpu.memory_space<vmem>>
    %dma_start3A_20 = arith.constant 0 : i32
    %dma_start3A_21 = tpu.memref_slice %arg2[%multiple_of3A, %dma_start3A_20] : memref<100000x128xf32, #tpu.memory_space<hbm>> -> memref<128x128xf32, #tpu.memory_space<hbm>>
    %dma_start3A_22 = arith.constant 0 : i32
    %dma_start3A_23 = arith.constant 0 : i32
    %dma_start3A_24 = tpu.memref_slice %arg5[%dma_start3A_15, %dma_start3A_22, %dma_start3A_23] : memref<4x128x128xf32, #tpu.memory_space<vmem>> -> memref<1x128x128xf32, #tpu.memory_space<vmem>>
    %dma_start3A_25 = tpu.memref_squeeze %dma_start3A_24 : memref<1x128x128xf32, #tpu.memory_space<vmem>> -> memref<128x128xf32, #tpu.memory_space<vmem>>
    %dma_start3A_26 = arith.constant 0 : i32
    %dma_start3A_27 = tpu.memref_slice %arg2[%multiple_of3A, %dma_start3A_26] : memref<100000x128xf32, #tpu.memory_space<hbm>> -> memref<128x128xf32, #tpu.memory_space<hbm>>
    tpu.enqueue_dma source(%dma_start3A_27 : memref<128x128xf32, #tpu.memory_space<hbm>>) target(%dma_start3A_25 : memref<128x128xf32, #tpu.memory_space<vmem>>) target_semaphore(%arg11 : memref<!tpu.dma_semaphore, #tpu.memory_space<semaphore_mem>>)
    %add3A_28 = arith.constant 32 : i32
    %add3A_29 = arith.addi %add3A, %add3A_28 : i32
    %mul3A_30 = arith.constant 128 : i32
    %mul3A_31 = arith.muli %add3A_29, %mul3A_30 : i32
    %add3A_32 = arith.constant 61440 : i32
    %add3A_33 = arith.addi %add3A_32, %mul3A_31 : i32
    %multiple_of3A_34 = tpu.assume_multiple %add3A_33, 128 : i32
    %dma_start3A_35 = arith.constant 1 : i32
    %dma_start3A_36 = arith.constant 0 : i32
    %dma_start3A_37 = tpu.memref_slice %arg6[%dma_start3A_35, %dma_start3A_36] : memref<4x128xi32, #tpu.memory_space<vmem>> -> memref<1x128xi32, #tpu.memory_space<vmem>>
    %dma_start3A_38 = tpu.memref_squeeze %dma_start3A_37 : memref<1x128xi32, #tpu.memory_space<vmem>> -> memref<128xi32, #tpu.memory_space<vmem>>
    %dma_start3A_39 = tpu.memref_slice %arg3[%multiple_of3A_34] : memref<100000xi32, #tpu.memory_space<hbm>> -> memref<128xi32, #tpu.memory_space<hbm>>
    %dma_start3A_40 = arith.constant 0 : i32
    %dma_start3A_41 = tpu.memref_slice %arg6[%dma_start3A_35, %dma_start3A_40] : memref<4x128xi32, #tpu.memory_space<vmem>> -> memref<1x128xi32, #tpu.memory_space<vmem>>
    %dma_start3A_42 = tpu.memref_squeeze %dma_start3A_41 : memref<1x128xi32, #tpu.memory_space<vmem>> -> memref<128xi32, #tpu.memory_space<vmem>>
    %dma_start3A_43 = tpu.memref_slice %arg3[%multiple_of3A_34] : memref<100000xi32, #tpu.memory_space<hbm>> -> memref<128xi32, #tpu.memory_space<hbm>>
    tpu.enqueue_dma source(%dma_start3A_43 : memref<128xi32, #tpu.memory_space<hbm>>) target(%dma_start3A_42 : memref<128xi32, #tpu.memory_space<vmem>>) target_semaphore(%arg16 : memref<!tpu.dma_semaphore, #tpu.memory_space<semaphore_mem>>)
    %dma_start3A_44 = arith.constant 1 : i32
    %dma_start3A_45 = arith.constant 0 : i32
    %dma_start3A_46 = arith.constant 0 : i32
    %dma_start3A_47 = tpu.memref_slice %arg5[%dma_start3A_44, %dma_start3A_45, %dma_start3A_46] : memref<4x128x128xf32, #tpu.memory_space<vmem>> -> memref<1x128x128xf32, #tpu.memory_space<vmem>>
    %dma_start3A_48 = tpu.memref_squeeze %dma_start3A_47 : memref<1x128x128xf32, #tpu.memory_space<vmem>> -> memref<128x128xf32, #tpu.memory_space<vmem>>
    %dma_start3A_49 = arith.constant 0 : i32
    %dma_start3A_50 = tpu.memref_slice %arg2[%multiple_of3A_34, %dma_start3A_49] : memref<100000x128xf32, #tpu.memory_space<hbm>> -> memref<128x128xf32, #tpu.memory_space<hbm>>
    %dma_start3A_51 = arith.constant 0 : i32
    %dma_start3A_52 = arith.constant 0 : i32
    %dma_start3A_53 = tpu.memref_slice %arg5[%dma_start3A_44, %dma_start3A_51, %dma_start3A_52] : memref<4x128x128xf32, #tpu.memory_space<vmem>> -> memref<1x128x128xf32, #tpu.memory_space<vmem>>
    %dma_start3A_54 = tpu.memref_squeeze %dma_start3A_53 : memref<1x128x128xf32, #tpu.memory_space<vmem>> -> memref<128x128xf32, #tpu.memory_space<vmem>>
    %dma_start3A_55 = arith.constant 0 : i32
    %dma_start3A_56 = tpu.memref_slice %arg2[%multiple_of3A_34, %dma_start3A_55] : memref<100000x128xf32, #tpu.memory_space<hbm>> -> memref<128x128xf32, #tpu.memory_space<hbm>>
    tpu.enqueue_dma source(%dma_start3A_56 : memref<128x128xf32, #tpu.memory_space<hbm>>) target(%dma_start3A_54 : memref<128x128xf32, #tpu.memory_space<vmem>>) target_semaphore(%arg12 : memref<!tpu.dma_semaphore, #tpu.memory_space<semaphore_mem>>)
    %eq3A = arith.constant 31 : i32
    %eq3A_57 = arith.cmpi eq, %add3A, %eq3A : i32
    %convert_element_type3A = arith.extui %eq3A_57 : i1 to i32
    %cond3A = arith.constant 0 : i32
    %cond3A_58 = arith.cmpi ne, %convert_element_type3A, %cond3A : i32
    scf.if %cond3A_58 {
      %dma_start3A_750 = arith.constant 99968 : i32
      %dma_start3A_751 = tpu.memref_slice %arg3[%dma_start3A_750] : memref<100000xi32, #tpu.memory_space<hbm>> -> memref<32xi32, #tpu.memory_space<hbm>>
      %dma_start3A_752 = arith.constant 99968 : i32
      %dma_start3A_753 = tpu.memref_slice %arg3[%dma_start3A_752] : memref<100000xi32, #tpu.memory_space<hbm>> -> memref<32xi32, #tpu.memory_space<hbm>>
      tpu.enqueue_dma source(%dma_start3A_753 : memref<32xi32, #tpu.memory_space<hbm>>) target(%arg8 : memref<32xi32, #tpu.memory_space<vmem>>) target_semaphore(%arg23 : memref<!tpu.dma_semaphore, #tpu.memory_space<semaphore_mem>>)
      %dma_start3A_754 = arith.constant 99968 : i32
      %dma_start3A_755 = arith.constant 0 : i32
      %dma_start3A_756 = tpu.memref_slice %arg2[%dma_start3A_754, %dma_start3A_755] : memref<100000x128xf32, #tpu.memory_space<hbm>> -> memref<32x128xf32, #tpu.memory_space<hbm>>
      %dma_start3A_757 = arith.constant 99968 : i32
      %dma_start3A_758 = arith.constant 0 : i32
      %dma_start3A_759 = tpu.memref_slice %arg2[%dma_start3A_757, %dma_start3A_758] : memref<100000x128xf32, #tpu.memory_space<hbm>> -> memref<32x128xf32, #tpu.memory_space<hbm>>
      tpu.enqueue_dma source(%dma_start3A_759 : memref<32x128xf32, #tpu.memory_space<hbm>>) target(%arg7 : memref<32x128xf32, #tpu.memory_space<vmem>>) target_semaphore(%arg23 : memref<!tpu.dma_semaphore, #tpu.memory_space<semaphore_mem>>)
    } else {
    }
    %eq3A_59 = arith.constant 0 : i32
    %eq3A_60 = arith.cmpi eq, %arg1, %eq3A_59 : i32
    %convert_element_type3A_61 = arith.extui %eq3A_60 : i1 to i32
    %cond3A_62 = arith.constant 0 : i32
    %cond3A_63 = arith.cmpi ne, %convert_element_type3A_61, %cond3A_62 : i32
    scf.if %cond3A_63 {
      %broadcast_in_dim3A = arith.constant 0.000000e+00 : f32
      %broadcast_in_dim3A_750 = vector.broadcast %broadcast_in_dim3A : f32 to vector<16xf32>
      %swap3A = arith.constant 0 : i32
      %swap3A_751 = arith.index_cast %swap3A : i32 to index
      %swap3A_752 = arith.constant 0 : index
      %swap3A_753 = tpu.vector_load %arg9[%swap3A_751, %swap3A_752] {strides = array<i32>} : memref<50x128xf32, #tpu.memory_space<vmem>>, vector<1x16xf32>,
      %swap3A_754 = vector.shape_cast %swap3A_753 : vector<1x16xf32> to vector<16xf32>
      %swap3A_755 = vector.shape_cast %broadcast_in_dim3A_750 : vector<16xf32> to vector<1x16xf32>
      tpu.vector_store %arg9[%swap3A_751, %swap3A_752], %swap3A_755 {strides = array<i32>} : memref<50x128xf32, #tpu.memory_space<vmem>>, vector<1x16xf32>,
      %broadcast_in_dim3A_756 = arith.constant 0.000000e+00 : f32
      %broadcast_in_dim3A_757 = vector.broadcast %broadcast_in_dim3A_756 : f32 to vector<16xf32>
      %swap3A_758 = arith.constant 0 : i32
      %swap3A_759 = arith.index_cast %swap3A_758 : i32 to index
      %swap3A_760 = arith.constant 16 : index
      %swap3A_761 = tpu.vector_load %arg9[%swap3A_759, %swap3A_760] {strides = array<i32>} : memref<50x128xf32, #tpu.memory_space<vmem>>, vector<1x16xf32>,
      %swap3A_762 = vector.shape_cast %swap3A_761 : vector<1x16xf32> to vector<16xf32>
      %swap3A_763 = vector.shape_cast %broadcast_in_dim3A_757 : vector<16xf32> to vector<1x16xf32>
      tpu.vector_store %arg9[%swap3A_759, %swap3A_760], %swap3A_763 {strides = array<i32>} : memref<50x128xf32, #tpu.memory_space<vmem>>, vector<1x16xf32>,
      %broadcast_in_dim3A_764 = arith.constant 0.000000e+00 : f32
      %broadcast_in_dim3A_765 = vector.broadcast %broadcast_in_dim3A_764 : f32 to vector<16xf32>
      %swap3A_766 = arith.constant 0 : i32
      %swap3A_767 = arith.index_cast %swap3A_766 : i32 to index
      %swap3A_768 = arith.constant 32 : index
      %swap3A_769 = tpu.vector_load %arg9[%swap3A_767, %swap3A_768] {strides = array<i32>} : memref<50x128xf32, #tpu.memory_space<vmem>>, vector<1x16xf32>,
      %swap3A_770 = vector.shape_cast %swap3A_769 : vector<1x16xf32> to vector<16xf32>
      %swap3A_771 = vector.shape_cast %broadcast_in_dim3A_765 : vector<16xf32> to vector<1x16xf32>
      tpu.vector_store %arg9[%swap3A_767, %swap3A_768], %swap3A_771 {strides = array<i32>} : memref<50x128xf32, #tpu.memory_space<vmem>>, vector<1x16xf32>,
      %broadcast_in_dim3A_772 = arith.constant 0.000000e+00 : f32
      %broadcast_in_dim3A_773 = vector.broadcast %broadcast_in_dim3A_772 : f32 to vector<16xf32>
      %swap3A_774 = arith.constant 0 : i32
      %swap3A_775 = arith.index_cast %swap3A_774 : i32 to index
      %swap3A_776 = arith.constant 48 : index
      %swap3A_777 = tpu.vector_load %arg9[%swap3A_775, %swap3A_776] {strides = array<i32>} : memref<50x128xf32, #tpu.memory_space<vmem>>, vector<1x16xf32>,
      %swap3A_778 = vector.shape_cast %swap3A_777 : vector<1x16xf32> to vector<16xf32>
      %swap3A_779 = vector.shape_cast %broadcast_in_dim3A_773 : vector<16xf32> to vector<1x16xf32>
      tpu.vector_store %arg9[%swap3A_775, %swap3A_776], %swap3A_779 {strides = array<i32>} : memref<50x128xf32, #tpu.memory_space<vmem>>, vector<1x16xf32>,
      %broadcast_in_dim3A_780 = arith.constant 0.000000e+00 : f32
      %broadcast_in_dim3A_781 = vector.broadcast %broadcast_in_dim3A_780 : f32 to vector<16xf32>
      %swap3A_782 = arith.constant 0 : i32
      %swap3A_783 = arith.index_cast %swap3A_782 : i32 to index
      %swap3A_784 = arith.constant 64 : index
      %swap3A_785 = tpu.vector_load %arg9[%swap3A_783, %swap3A_784] {strides = array<i32>} : memref<50x128xf32, #tpu.memory_space<vmem>>, vector<1x16xf32>,
      %swap3A_786 = vector.shape_cast %swap3A_785 : vector<1x16xf32> to vector<16xf32>
      %swap3A_787 = vector.shape_cast %broadcast_in_dim3A_781 : vector<16xf32> to vector<1x16xf32>
      tpu.vector_store %arg9[%swap3A_783, %swap3A_784], %swap3A_787 {strides = array<i32>} : memref<50x128xf32, #tpu.memory_space<vmem>>, vector<1x16xf32>,
      %broadcast_in_dim3A_788 = arith.constant 0.000000e+00 : f32
      %broadcast_in_dim3A_789 = vector.broadcast %broadcast_in_dim3A_788 : f32 to vector<16xf32>
      %swap3A_790 = arith.constant 0 : i32
      %swap3A_791 = arith.index_cast %swap3A_790 : i32 to index
      %swap3A_792 = arith.constant 80 : index
      %swap3A_793 = tpu.vector_load %arg9[%swap3A_791, %swap3A_792] {strides = array<i32>} : memref<50x128xf32, #tpu.memory_space<vmem>>, vector<1x16xf32>,
      %swap3A_794 = vector.shape_cast %swap3A_793 : vector<1x16xf32> to vector<16xf32>
      %swap3A_795 = vector.shape_cast %broadcast_in_dim3A_789 : vector<16xf32> to vector<1x16xf32>
      tpu.vector_store %arg9[%swap3A_791, %swap3A_792], %swap3A_795 {strides = array<i32>} : memref<50x128xf32, #tpu.memory_space<vmem>>, vector<1x16xf32>,
      %broadcast_in_dim3A_796 = arith.constant 0.000000e+00 : f32
      %broadcast_in_dim3A_797 = vector.broadcast %broadcast_in_dim3A_796 : f32 to vector<16xf32>
      %swap3A_798 = arith.constant 0 : i32
      %swap3A_799 = arith.index_cast %swap3A_798 : i32 to index
      %swap3A_800 = arith.constant 96 : index
      %swap3A_801 = tpu.vector_load %arg9[%swap3A_799, %swap3A_800] {strides = array<i32>} : memref<50x128xf32, #tpu.memory_space<vmem>>, vector<1x16xf32>,
      %swap3A_802 = vector.shape_cast %swap3A_801 : vector<1x16xf32> to vector<16xf32>
      %swap3A_803 = vector.shape_cast %broadcast_in_dim3A_797 : vector<16xf32> to vector<1x16xf32>
      tpu.vector_store %arg9[%swap3A_799, %swap3A_800], %swap3A_803 {strides = array<i32>} : memref<50x128xf32, #tpu.memory_space<vmem>>, vector<1x16xf32>,
      %broadcast_in_dim3A_804 = arith.constant 0.000000e+00 : f32
      %broadcast_in_dim3A_805 = vector.broadcast %broadcast_in_dim3A_804 : f32 to vector<16xf32>
      %swap3A_806 = arith.constant 0 : i32
      %swap3A_807 = arith.index_cast %swap3A_806 : i32 to index
      %swap3A_808 = arith.constant 112 : index
      %swap3A_809 = tpu.vector_load %arg9[%swap3A_807, %swap3A_808] {strides = array<i32>} : memref<50x128xf32, #tpu.memory_space<vmem>>, vector<1x16xf32>,
      %swap3A_810 = vector.shape_cast %swap3A_809 : vector<1x16xf32> to vector<16xf32>
      %swap3A_811 = vector.shape_cast %broadcast_in_dim3A_805 : vector<16xf32> to vector<1x16xf32>
      tpu.vector_store %arg9[%swap3A_807, %swap3A_808], %swap3A_811 {strides = array<i32>} : memref<50x128xf32, #tpu.memory_space<vmem>>, vector<1x16xf32>,
      %broadcast_in_dim3A_812 = arith.constant 0.000000e+00 : f32
      %broadcast_in_dim3A_813 = vector.broadcast %broadcast_in_dim3A_812 : f32 to vector<16xf32>
      %swap3A_814 = arith.constant 1 : i32
      %swap3A_815 = arith.index_cast %swap3A_814 : i32 to index
      %swap3A_816 = arith.constant 0 : index
      %swap3A_817 = tpu.vector_load %arg9[%swap3A_815, %swap3A_816] {strides = array<i32>} : memref<50x128xf32, #tpu.memory_space<vmem>>, vector<1x16xf32>,
      %swap3A_818 = vector.shape_cast %swap3A_817 : vector<1x16xf32> to vector<16xf32>
      %swap3A_819 = vector.shape_cast %broadcast_in_dim3A_813 : vector<16xf32> to vector<1x16xf32>
      tpu.vector_store %arg9[%swap3A_815, %swap3A_816], %swap3A_819 {strides = array<i32>} : memref<50x128xf32, #tpu.memory_space<vmem>>, vector<1x16xf32>,
      %broadcast_in_dim3A_820 = arith.constant 0.000000e+00 : f32
      %broadcast_in_dim3A_821 = vector.broadcast %broadcast_in_dim3A_820 : f32 to vector<16xf32>
      %swap3A_822 = arith.constant 1 : i32
      %swap3A_823 = arith.index_cast %swap3A_822 : i32 to index
      %swap3A_824 = arith.constant 16 : index
      %swap3A_825 = tpu.vector_load %arg9[%swap3A_823, %swap3A_824] {strides = array<i32>} : memref<50x128xf32, #tpu.memory_space<vmem>>, vector<1x16xf32>,
      %swap3A_826 = vector.shape_cast %swap3A_825 : vector<1x16xf32> to vector<16xf32>
      %swap3A_827 = vector.shape_cast %broadcast_in_dim3A_821 : vector<16xf32> to vector<1x16xf32>
      tpu.vector_store %arg9[%swap3A_823, %swap3A_824], %swap3A_827 {strides = array<i32>} : memref<50x128xf32, #tpu.memory_space<vmem>>, vector<1x16xf32>,
      %broadcast_in_dim3A_828 = arith.constant 0.000000e+00 : f32
      %broadcast_in_dim3A_829 = vector.broadcast %broadcast_in_dim3A_828 : f32 to vector<16xf32>
      %swap3A_830 = arith.constant 1 : i32
      %swap3A_831 = arith.index_cast %swap3A_830 : i32 to index
      %swap3A_832 = arith.constant 32 : index
      %swap3A_833 = tpu.vector_load %arg9[%swap3A_831, %swap3A_832] {strides = array<i32>} : memref<50x128xf32, #tpu.memory_space<vmem>>, vector<1x16xf32>,
      %swap3A_834 = vector.shape_cast %swap3A_833 : vector<1x16xf32> to vector<16xf32>
      %swap3A_835 = vector.shape_cast %broadcast_in_dim3A_829 : vector<16xf32> to vector<1x16xf32>
      tpu.vector_store %arg9[%swap3A_831, %swap3A_832], %swap3A_835 {strides = array<i32>} : memref<50x128xf32, #tpu.memory_space<vmem>>, vector<1x16xf32>,
      %broadcast_in_dim3A_836 = arith.constant 0.000000e+00 : f32
      %broadcast_in_dim3A_837 = vector.broadcast %broadcast_in_dim3A_836 : f32 to vector<16xf32>
      %swap3A_838 = arith.constant 1 : i32
      %swap3A_839 = arith.index_cast %swap3A_838 : i32 to index
      %swap3A_840 = arith.constant 48 : index
      %swap3A_841 = tpu.vector_load %arg9[%swap3A_839, %swap3A_840] {strides = array<i32>} : memref<50x128xf32, #tpu.memory_space<vmem>>, vector<1x16xf32>,
      %swap3A_842 = vector.shape_cast %swap3A_841 : vector<1x16xf32> to vector<16xf32>
      %swap3A_843 = vector.shape_cast %broadcast_in_dim3A_837 : vector<16xf32> to vector<1x16xf32>
      tpu.vector_store %arg9[%swap3A_839, %swap3A_840], %swap3A_843 {strides = array<i32>} : memref<50x128xf32, #tpu.memory_space<vmem>>, vector<1x16xf32>,
      %broadcast_in_dim3A_844 = arith.constant 0.000000e+00 : f32
      %broadcast_in_dim3A_845 = vector.broadcast %broadcast_in_dim3A_844 : f32 to vector<16xf32>
      %swap3A_846 = arith.constant 1 : i32
      %swap3A_847 = arith.index_cast %swap3A_846 : i32 to index
      %swap3A_848 = arith.constant 64 : index
      %swap3A_849 = tpu.vector_load %arg9[%swap3A_847, %swap3A_848] {strides = array<i32>} : memref<50x128xf32, #tpu.memory_space<vmem>>, vector<1x16xf32>,
      %swap3A_850 = vector.shape_cast %swap3A_849 : vector<1x16xf32> to vector<16xf32>
      %swap3A_851 = vector.shape_cast %broadcast_in_dim3A_845 : vector<16xf32> to vector<1x16xf32>
      tpu.vector_store %arg9[%swap3A_847, %swap3A_848], %swap3A_851 {strides = array<i32>} : memref<50x128xf32, #tpu.memory_space<vmem>>, vector<1x16xf32>,
      %broadcast_in_dim3A_852 = arith.constant 0.000000e+00 : f32
      %broadcast_in_dim3A_853 = vector.broadcast %broadcast_in_dim3A_852 : f32 to vector<16xf32>
      %swap3A_854 = arith.constant 1 : i32
      %swap3A_855 = arith.index_cast %swap3A_854 : i32 to index
      %swap3A_856 = arith.constant 80 : index
      %swap3A_857 = tpu.vector_load %arg9[%swap3A_855, %swap3A_856] {strides = array<i32>} : memref<50x128xf32, #tpu.memory_space<vmem>>, vector<1x16xf32>,
      %swap3A_858 = vector.shape_cast %swap3A_857 : vector<1x16xf32> to vector<16xf32>
      %swap3A_859 = vector.shape_cast %broadcast_in_dim3A_853 : vector<16xf32> to vector<1x16xf32>
      tpu.vector_store %arg9[%swap3A_855, %swap3A_856], %swap3A_859 {strides = array<i32>} : memref<50x128xf32, #tpu.memory_space<vmem>>, vector<1x16xf32>,
      %broadcast_in_dim3A_860 = arith.constant 0.000000e+00 : f32
      %broadcast_in_dim3A_861 = vector.broadcast %broadcast_in_dim3A_860 : f32 to vector<16xf32>
      %swap3A_862 = arith.constant 1 : i32
      %swap3A_863 = arith.index_cast %swap3A_862 : i32 to index
      %swap3A_864 = arith.constant 96 : index
      %swap3A_865 = tpu.vector_load %arg9[%swap3A_863, %swap3A_864] {strides = array<i32>} : memref<50x128xf32, #tpu.memory_space<vmem>>, vector<1x16xf32>,
      %swap3A_866 = vector.shape_cast %swap3A_865 : vector<1x16xf32> to vector<16xf32>
      %swap3A_867 = vector.shape_cast %broadcast_in_dim3A_861 : vector<16xf32> to vector<1x16xf32>
      tpu.vector_store %arg9[%swap3A_863, %swap3A_864], %swap3A_867 {strides = array<i32>} : memref<50x128xf32, #tpu.memory_space<vmem>>, vector<1x16xf32>,
      %broadcast_in_dim3A_868 = arith.constant 0.000000e+00 : f32
      %broadcast_in_dim3A_869 = vector.broadcast %broadcast_in_dim3A_868 : f32 to vector<16xf32>
      %swap3A_870 = arith.constant 1 : i32
      %swap3A_871 = arith.index_cast %swap3A_870 : i32 to index
      %swap3A_872 = arith.constant 112 : index
      %swap3A_873 = tpu.vector_load %arg9[%swap3A_871, %swap3A_872] {strides = array<i32>} : memref<50x128xf32, #tpu.memory_space<vmem>>, vector<1x16xf32>,
      %swap3A_874 = vector.shape_cast %swap3A_873 : vector<1x16xf32> to vector<16xf32>
      %swap3A_875 = vector.shape_cast %broadcast_in_dim3A_869 : vector<16xf32> to vector<1x16xf32>
      tpu.vector_store %arg9[%swap3A_871, %swap3A_872], %swap3A_875 {strides = array<i32>} : memref<50x128xf32, #tpu.memory_space<vmem>>, vector<1x16xf32>,
      %broadcast_in_dim3A_876 = arith.constant 0.000000e+00 : f32
      %broadcast_in_dim3A_877 = vector.broadcast %broadcast_in_dim3A_876 : f32 to vector<16xf32>
      %swap3A_878 = arith.constant 2 : i32
      %swap3A_879 = arith.index_cast %swap3A_878 : i32 to index
      %swap3A_880 = arith.constant 0 : index
      %swap3A_881 = tpu.vector_load %arg9[%swap3A_879, %swap3A_880] {strides = array<i32>} : memref<50x128xf32, #tpu.memory_space<vmem>>, vector<1x16xf32>,
      %swap3A_882 = vector.shape_cast %swap3A_881 : vector<1x16xf32> to vector<16xf32>
      %swap3A_883 = vector.shape_cast %broadcast_in_dim3A_877 : vector<16xf32> to vector<1x16xf32>
      tpu.vector_store %arg9[%swap3A_879, %swap3A_880], %swap3A_883 {strides = array<i32>} : memref<50x128xf32, #tpu.memory_space<vmem>>, vector<1x16xf32>,
      %broadcast_in_dim3A_884 = arith.constant 0.000000e+00 : f32
      %broadcast_in_dim3A_885 = vector.broadcast %broadcast_in_dim3A_884 : f32 to vector<16xf32>
      %swap3A_886 = arith.constant 2 : i32
      %swap3A_887 = arith.index_cast %swap3A_886 : i32 to index
      %swap3A_888 = arith.constant 16 : index
      %swap3A_889 = tpu.vector_load %arg9[%swap3A_887, %swap3A_888] {strides = array<i32>} : memref<50x128xf32, #tpu.memory_space<vmem>>, vector<1x16xf32>,
      %swap3A_890 = vector.shape_cast %swap3A_889 : vector<1x16xf32> to vector<16xf32>
      %swap3A_891 = vector.shape_cast %broadcast_in_dim3A_885 : vector<16xf32> to vector<1x16xf32>
      tpu.vector_store %arg9[%swap3A_887, %swap3A_888], %swap3A_891 {strides = array<i32>} : memref<50x128xf32, #tpu.memory_space<vmem>>, vector<1x16xf32>,
      %broadcast_in_dim3A_892 = arith.constant 0.000000e+00 : f32
      %broadcast_in_dim3A_893 = vector.broadcast %broadcast_in_dim3A_892 : f32 to vector<16xf32>
      %swap3A_894 = arith.constant 2 : i32
      %swap3A_895 = arith.index_cast %swap3A_894 : i32 to index
      %swap3A_896 = arith.constant 32 : index
      %swap3A_897 = tpu.vector_load %arg9[%swap3A_895, %swap3A_896] {strides = array<i32>} : memref<50x128xf32, #tpu.memory_space<vmem>>, vector<1x16xf32>,
      %swap3A_898 = vector.shape_cast %swap3A_897 : vector<1x16xf32> to vector<16xf32>
      %swap3A_899 = vector.shape_cast %broadcast_in_dim3A_893 : vector<16xf32> to vector<1x16xf32>
      tpu.vector_store %arg9[%swap3A_895, %swap3A_896], %swap3A_899 {strides = array<i32>} : memref<50x128xf32, #tpu.memory_space<vmem>>, vector<1x16xf32>,
      %broadcast_in_dim3A_900 = arith.constant 0.000000e+00 : f32
      %broadcast_in_dim3A_901 = vector.broadcast %broadcast_in_dim3A_900 : f32 to vector<16xf32>
      %swap3A_902 = arith.constant 2 : i32
      %swap3A_903 = arith.index_cast %swap3A_902 : i32 to index
      %swap3A_904 = arith.constant 48 : index
      %swap3A_905 = tpu.vector_load %arg9[%swap3A_903, %swap3A_904] {strides = array<i32>} : memref<50x128xf32, #tpu.memory_space<vmem>>, vector<1x16xf32>,
      %swap3A_906 = vector.shape_cast %swap3A_905 : vector<1x16xf32> to vector<16xf32>
      %swap3A_907 = vector.shape_cast %broadcast_in_dim3A_901 : vector<16xf32> to vector<1x16xf32>
      tpu.vector_store %arg9[%swap3A_903, %swap3A_904], %swap3A_907 {strides = array<i32>} : memref<50x128xf32, #tpu.memory_space<vmem>>, vector<1x16xf32>,
      %broadcast_in_dim3A_908 = arith.constant 0.000000e+00 : f32
      %broadcast_in_dim3A_909 = vector.broadcast %broadcast_in_dim3A_908 : f32 to vector<16xf32>
      %swap3A_910 = arith.constant 2 : i32
      %swap3A_911 = arith.index_cast %swap3A_910 : i32 to index
      %swap3A_912 = arith.constant 64 : index
      %swap3A_913 = tpu.vector_load %arg9[%swap3A_911, %swap3A_912] {strides = array<i32>} : memref<50x128xf32, #tpu.memory_space<vmem>>, vector<1x16xf32>,
      %swap3A_914 = vector.shape_cast %swap3A_913 : vector<1x16xf32> to vector<16xf32>
      %swap3A_915 = vector.shape_cast %broadcast_in_dim3A_909 : vector<16xf32> to vector<1x16xf32>
      tpu.vector_store %arg9[%swap3A_911, %swap3A_912], %swap3A_915 {strides = array<i32>} : memref<50x128xf32, #tpu.memory_space<vmem>>, vector<1x16xf32>,
      %broadcast_in_dim3A_916 = arith.constant 0.000000e+00 : f32
      %broadcast_in_dim3A_917 = vector.broadcast %broadcast_in_dim3A_916 : f32 to vector<16xf32>
      %swap3A_918 = arith.constant 2 : i32
      %swap3A_919 = arith.index_cast %swap3A_918 : i32 to index
      %swap3A_920 = arith.constant 80 : index
      %swap3A_921 = tpu.vector_load %arg9[%swap3A_919, %swap3A_920] {strides = array<i32>} : memref<50x128xf32, #tpu.memory_space<vmem>>, vector<1x16xf32>,
      %swap3A_922 = vector.shape_cast %swap3A_921 : vector<1x16xf32> to vector<16xf32>
      %swap3A_923 = vector.shape_cast %broadcast_in_dim3A_917 : vector<16xf32> to vector<1x16xf32>
      tpu.vector_store %arg9[%swap3A_919, %swap3A_920], %swap3A_923 {strides = array<i32>} : memref<50x128xf32, #tpu.memory_space<vmem>>, vector<1x16xf32>,
      %broadcast_in_dim3A_924 = arith.constant 0.000000e+00 : f32
      %broadcast_in_dim3A_925 = vector.broadcast %broadcast_in_dim3A_924 : f32 to vector<16xf32>
      %swap3A_926 = arith.constant 2 : i32
      %swap3A_927 = arith.index_cast %swap3A_926 : i32 to index
      %swap3A_928 = arith.constant 96 : index
      %swap3A_929 = tpu.vector_load %arg9[%swap3A_927, %swap3A_928] {strides = array<i32>} : memref<50x128xf32, #tpu.memory_space<vmem>>, vector<1x16xf32>,
      %swap3A_930 = vector.shape_cast %swap3A_929 : vector<1x16xf32> to vector<16xf32>
      %swap3A_931 = vector.shape_cast %broadcast_in_dim3A_925 : vector<16xf32> to vector<1x16xf32>
      tpu.vector_store %arg9[%swap3A_927, %swap3A_928], %swap3A_931 {strides = array<i32>} : memref<50x128xf32, #tpu.memory_space<vmem>>, vector<1x16xf32>,
      %broadcast_in_dim3A_932 = arith.constant 0.000000e+00 : f32
      %broadcast_in_dim3A_933 = vector.broadcast %broadcast_in_dim3A_932 : f32 to vector<16xf32>
      %swap3A_934 = arith.constant 2 : i32
      %swap3A_935 = arith.index_cast %swap3A_934 : i32 to index
      %swap3A_936 = arith.constant 112 : index
      %swap3A_937 = tpu.vector_load %arg9[%swap3A_935, %swap3A_936] {strides = array<i32>} : memref<50x128xf32, #tpu.memory_space<vmem>>, vector<1x16xf32>,
      %swap3A_938 = vector.shape_cast %swap3A_937 : vector<1x16xf32> to vector<16xf32>
      %swap3A_939 = vector.shape_cast %broadcast_in_dim3A_933 : vector<16xf32> to vector<1x16xf32>
      tpu.vector_store %arg9[%swap3A_935, %swap3A_936], %swap3A_939 {strides = array<i32>} : memref<50x128xf32, #tpu.memory_space<vmem>>, vector<1x16xf32>,
      %broadcast_in_dim3A_940 = arith.constant 0.000000e+00 : f32
      %broadcast_in_dim3A_941 = vector.broadcast %broadcast_in_dim3A_940 : f32 to vector<16xf32>
      %swap3A_942 = arith.constant 3 : i32
      %swap3A_943 = arith.index_cast %swap3A_942 : i32 to index
      %swap3A_944 = arith.constant 0 : index
      %swap3A_945 = tpu.vector_load %arg9[%swap3A_943, %swap3A_944] {strides = array<i32>} : memref<50x128xf32, #tpu.memory_space<vmem>>, vector<1x16xf32>,
      %swap3A_946 = vector.shape_cast %swap3A_945 : vector<1x16xf32> to vector<16xf32>
      %swap3A_947 = vector.shape_cast %broadcast_in_dim3A_941 : vector<16xf32> to vector<1x16xf32>
      tpu.vector_store %arg9[%swap3A_943, %swap3A_944], %swap3A_947 {strides = array<i32>} : memref<50x128xf32, #tpu.memory_space<vmem>>, vector<1x16xf32>,
      %broadcast_in_dim3A_948 = arith.constant 0.000000e+00 : f32
      %broadcast_in_dim3A_949 = vector.broadcast %broadcast_in_dim3A_948 : f32 to vector<16xf32>
      %swap3A_950 = arith.constant 3 : i32
      %swap3A_951 = arith.index_cast %swap3A_950 : i32 to index
      %swap3A_952 = arith.constant 16 : index
      %swap3A_953 = tpu.vector_load %arg9[%swap3A_951, %swap3A_952] {strides = array<i32>} : memref<50x128xf32, #tpu.memory_space<vmem>>, vector<1x16xf32>,
      %swap3A_954 = vector.shape_cast %swap3A_953 : vector<1x16xf32> to vector<16xf32>
      %swap3A_955 = vector.shape_cast %broadcast_in_dim3A_949 : vector<16xf32> to vector<1x16xf32>
      tpu.vector_store %arg9[%swap3A_951, %swap3A_952], %swap3A_955 {strides = array<i32>} : memref<50x128xf32, #tpu.memory_space<vmem>>, vector<1x16xf32>,
      %broadcast_in_dim3A_956 = arith.constant 0.000000e+00 : f32
      %broadcast_in_dim3A_957 = vector.broadcast %broadcast_in_dim3A_956 : f32 to vector<16xf32>
      %swap3A_958 = arith.constant 3 : i32
      %swap3A_959 = arith.index_cast %swap3A_958 : i32 to index
      %swap3A_960 = arith.constant 32 : index
      %swap3A_961 = tpu.vector_load %arg9[%swap3A_959, %swap3A_960] {strides = array<i32>} : memref<50x128xf32, #tpu.memory_space<vmem>>, vector<1x16xf32>,
      %swap3A_962 = vector.shape_cast %swap3A_961 : vector<1x16xf32> to vector<16xf32>
      %swap3A_963 = vector.shape_cast %broadcast_in_dim3A_957 : vector<16xf32> to vector<1x16xf32>
      tpu.vector_store %arg9[%swap3A_959, %swap3A_960], %swap3A_963 {strides = array<i32>} : memref<50x128xf32, #tpu.memory_space<vmem>>, vector<1x16xf32>,
      %broadcast_in_dim3A_964 = arith.constant 0.000000e+00 : f32
      %broadcast_in_dim3A_965 = vector.broadcast %broadcast_in_dim3A_964 : f32 to vector<16xf32>
      %swap3A_966 = arith.constant 3 : i32
      %swap3A_967 = arith.index_cast %swap3A_966 : i32 to index
      %swap3A_968 = arith.constant 48 : index
      %swap3A_969 = tpu.vector_load %arg9[%swap3A_967, %swap3A_968] {strides = array<i32>} : memref<50x128xf32, #tpu.memory_space<vmem>>, vector<1x16xf32>,
      %swap3A_970 = vector.shape_cast %swap3A_969 : vector<1x16xf32> to vector<16xf32>
      %swap3A_971 = vector.shape_cast %broadcast_in_dim3A_965 : vector<16xf32> to vector<1x16xf32>
      tpu.vector_store %arg9[%swap3A_967, %swap3A_968], %swap3A_971 {strides = array<i32>} : memref<50x128xf32, #tpu.memory_space<vmem>>, vector<1x16xf32>,
      %broadcast_in_dim3A_972 = arith.constant 0.000000e+00 : f32
      %broadcast_in_dim3A_973 = vector.broadcast %broadcast_in_dim3A_972 : f32 to vector<16xf32>
      %swap3A_974 = arith.constant 3 : i32
      %swap3A_975 = arith.index_cast %swap3A_974 : i32 to index
      %swap3A_976 = arith.constant 64 : index
      %swap3A_977 = tpu.vector_load %arg9[%swap3A_975, %swap3A_976] {strides = array<i32>} : memref<50x128xf32, #tpu.memory_space<vmem>>, vector<1x16xf32>,
      %swap3A_978 = vector.shape_cast %swap3A_977 : vector<1x16xf32> to vector<16xf32>
      %swap3A_979 = vector.shape_cast %broadcast_in_dim3A_973 : vector<16xf32> to vector<1x16xf32>
      tpu.vector_store %arg9[%swap3A_975, %swap3A_976], %swap3A_979 {strides = array<i32>} : memref<50x128xf32, #tpu.memory_space<vmem>>, vector<1x16xf32>,
      %broadcast_in_dim3A_980 = arith.constant 0.000000e+00 : f32
      %broadcast_in_dim3A_981 = vector.broadcast %broadcast_in_dim3A_980 : f32 to vector<16xf32>
      %swap3A_982 = arith.constant 3 : i32
      %swap3A_983 = arith.index_cast %swap3A_982 : i32 to index
      %swap3A_984 = arith.constant 80 : index
      %swap3A_985 = tpu.vector_load %arg9[%swap3A_983, %swap3A_984] {strides = array<i32>} : memref<50x128xf32, #tpu.memory_space<vmem>>, vector<1x16xf32>,
      %swap3A_986 = vector.shape_cast %swap3A_985 : vector<1x16xf32> to vector<16xf32>
      %swap3A_987 = vector.shape_cast %broadcast_in_dim3A_981 : vector<16xf32> to vector<1x16xf32>
      tpu.vector_store %arg9[%swap3A_983, %swap3A_984], %swap3A_987 {strides = array<i32>} : memref<50x128xf32, #tpu.memory_space<vmem>>, vector<1x16xf32>,
      %broadcast_in_dim3A_988 = arith.constant 0.000000e+00 : f32
      %broadcast_in_dim3A_989 = vector.broadcast %broadcast_in_dim3A_988 : f32 to vector<16xf32>
      %swap3A_990 = arith.constant 3 : i32
      %swap3A_991 = arith.index_cast %swap3A_990 : i32 to index
      %swap3A_992 = arith.constant 96 : index
      %swap3A_993 = tpu.vector_load %arg9[%swap3A_991, %swap3A_992] {strides = array<i32>} : memref<50x128xf32, #tpu.memory_space<vmem>>, vector<1x16xf32>,
      %swap3A_994 = vector.shape_cast %swap3A_993 : vector<1x16xf32> to vector<16xf32>
      %swap3A_995 = vector.shape_cast %broadcast_in_dim3A_989 : vector<16xf32> to vector<1x16xf32>
      tpu.vector_store %arg9[%swap3A_991, %swap3A_992], %swap3A_995 {strides = array<i32>} : memref<50x128xf32, #tpu.memory_space<vmem>>, vector<1x16xf32>,
      %broadcast_in_dim3A_996 = arith.constant 0.000000e+00 : f32
      %broadcast_in_dim3A_997 = vector.broadcast %broadcast_in_dim3A_996 : f32 to vector<16xf32>
      %swap3A_998 = arith.constant 3 : i32
      %swap3A_999 = arith.index_cast %swap3A_998 : i32 to index
      %swap3A_1000 = arith.constant 112 : index
      %swap3A_1001 = tpu.vector_load %arg9[%swap3A_999, %swap3A_1000] {strides = array<i32>} : memref<50x128xf32, #tpu.memory_space<vmem>>, vector<1x16xf32>,
      %swap3A_1002 = vector.shape_cast %swap3A_1001 : vector<1x16xf32> to vector<16xf32>
      %swap3A_1003 = vector.shape_cast %broadcast_in_dim3A_997 : vector<16xf32> to vector<1x16xf32>
      tpu.vector_store %arg9[%swap3A_999, %swap3A_1000], %swap3A_1003 {strides = array<i32>} : memref<50x128xf32, #tpu.memory_space<vmem>>, vector<1x16xf32>,
      %broadcast_in_dim3A_1004 = arith.constant 0.000000e+00 : f32
      %broadcast_in_dim3A_1005 = vector.broadcast %broadcast_in_dim3A_1004 : f32 to vector<16xf32>
      %swap3A_1006 = arith.constant 4 : i32
      %swap3A_1007 = arith.index_cast %swap3A_1006 : i32 to index
      %swap3A_1008 = arith.constant 0 : index
      %swap3A_1009 = tpu.vector_load %arg9[%swap3A_1007, %swap3A_1008] {strides = array<i32>} : memref<50x128xf32, #tpu.memory_space<vmem>>, vector<1x16xf32>,
      %swap3A_1010 = vector.shape_cast %swap3A_1009 : vector<1x16xf32> to vector<16xf32>
      %swap3A_1011 = vector.shape_cast %broadcast_in_dim3A_1005 : vector<16xf32> to vector<1x16xf32>
      tpu.vector_store %arg9[%swap3A_1007, %swap3A_1008], %swap3A_1011 {strides = array<i32>} : memref<50x128xf32, #tpu.memory_space<vmem>>, vector<1x16xf32>,
      %broadcast_in_dim3A_1012 = arith.constant 0.000000e+00 : f32
      %broadcast_in_dim3A_1013 = vector.broadcast %broadcast_in_dim3A_1012 : f32 to vector<16xf32>
      %swap3A_1014 = arith.constant 4 : i32
      %swap3A_1015 = arith.index_cast %swap3A_1014 : i32 to index
      %swap3A_1016 = arith.constant 16 : index
      %swap3A_1017 = tpu.vector_load %arg9[%swap3A_1015, %swap3A_1016] {strides = array<i32>} : memref<50x128xf32, #tpu.memory_space<vmem>>, vector<1x16xf32>,
      %swap3A_1018 = vector.shape_cast %swap3A_1017 : vector<1x16xf32> to vector<16xf32>
      %swap3A_1019 = vector.shape_cast %broadcast_in_dim3A_1013 : vector<16xf32> to vector<1x16xf32>
      tpu.vector_store %arg9[%swap3A_1015, %swap3A_1016], %swap3A_1019 {strides = array<i32>} : memref<50x128xf32, #tpu.memory_space<vmem>>, vector<1x16xf32>,
      %broadcast_in_dim3A_1020 = arith.constant 0.000000e+00 : f32
      %broadcast_in_dim3A_1021 = vector.broadcast %broadcast_in_dim3A_1020 : f32 to vector<16xf32>
      %swap3A_1022 = arith.constant 4 : i32
      %swap3A_1023 = arith.index_cast %swap3A_1022 : i32 to index
      %swap3A_1024 = arith.constant 32 : index
      %swap3A_1025 = tpu.vector_load %arg9[%swap3A_1023, %swap3A_1024] {strides = array<i32>} : memref<50x128xf32, #tpu.memory_space<vmem>>, vector<1x16xf32>,
      %swap3A_1026 = vector.shape_cast %swap3A_1025 : vector<1x16xf32> to vector<16xf32>
      %swap3A_1027 = vector.shape_cast %broadcast_in_dim3A_1021 : vector<16xf32> to vector<1x16xf32>
      tpu.vector_store %arg9[%swap3A_1023, %swap3A_1024], %swap3A_1027 {strides = array<i32>} : memref<50x128xf32, #tpu.memory_space<vmem>>, vector<1x16xf32>,
      %broadcast_in_dim3A_1028 = arith.constant 0.000000e+00 : f32
      %broadcast_in_dim3A_1029 = vector.broadcast %broadcast_in_dim3A_1028 : f32 to vector<16xf32>
      %swap3A_1030 = arith.constant 4 : i32
      %swap3A_1031 = arith.index_cast %swap3A_1030 : i32 to index
      %swap3A_1032 = arith.constant 48 : index
      %swap3A_1033 = tpu.vector_load %arg9[%swap3A_1031, %swap3A_1032] {strides = array<i32>} : memref<50x128xf32, #tpu.memory_space<vmem>>, vector<1x16xf32>,
      %swap3A_1034 = vector.shape_cast %swap3A_1033 : vector<1x16xf32> to vector<16xf32>
      %swap3A_1035 = vector.shape_cast %broadcast_in_dim3A_1029 : vector<16xf32> to vector<1x16xf32>
      tpu.vector_store %arg9[%swap3A_1031, %swap3A_1032], %swap3A_1035 {strides = array<i32>} : memref<50x128xf32, #tpu.memory_space<vmem>>, vector<1x16xf32>,
      %broadcast_in_dim3A_1036 = arith.constant 0.000000e+00 : f32
      %broadcast_in_dim3A_1037 = vector.broadcast %broadcast_in_dim3A_1036 : f32 to vector<16xf32>
      %swap3A_1038 = arith.constant 4 : i32
      %swap3A_1039 = arith.index_cast %swap3A_1038 : i32 to index
      %swap3A_1040 = arith.constant 64 : index
      %swap3A_1041 = tpu.vector_load %arg9[%swap3A_1039, %swap3A_1040] {strides = array<i32>} : memref<50x128xf32, #tpu.memory_space<vmem>>, vector<1x16xf32>,
      %swap3A_1042 = vector.shape_cast %swap3A_1041 : vector<1x16xf32> to vector<16xf32>
      %swap3A_1043 = vector.shape_cast %broadcast_in_dim3A_1037 : vector<16xf32> to vector<1x16xf32>
      tpu.vector_store %arg9[%swap3A_1039, %swap3A_1040], %swap3A_1043 {strides = array<i32>} : memref<50x128xf32, #tpu.memory_space<vmem>>, vector<1x16xf32>,
      %broadcast_in_dim3A_1044 = arith.constant 0.000000e+00 : f32
      %broadcast_in_dim3A_1045 = vector.broadcast %broadcast_in_dim3A_1044 : f32 to vector<16xf32>
      %swap3A_1046 = arith.constant 4 : i32
      %swap3A_1047 = arith.index_cast %swap3A_1046 : i32 to index
      %swap3A_1048 = arith.constant 80 : index
      %swap3A_1049 = tpu.vector_load %arg9[%swap3A_1047, %swap3A_1048] {strides = array<i32>} : memref<50x128xf32, #tpu.memory_space<vmem>>, vector<1x16xf32>,
      %swap3A_1050 = vector.shape_cast %swap3A_1049 : vector<1x16xf32> to vector<16xf32>
      %swap3A_1051 = vector.shape_cast %broadcast_in_dim3A_1045 : vector<16xf32> to vector<1x16xf32>
      tpu.vector_store %arg9[%swap3A_1047, %swap3A_1048], %swap3A_1051 {strides = array<i32>} : memref<50x128xf32, #tpu.memory_space<vmem>>, vector<1x16xf32>,
      %broadcast_in_dim3A_1052 = arith.constant 0.000000e+00 : f32
      %broadcast_in_dim3A_1053 = vector.broadcast %broadcast_in_dim3A_1052 : f32 to vector<16xf32>
      %swap3A_1054 = arith.constant 4 : i32
      %swap3A_1055 = arith.index_cast %swap3A_1054 : i32 to index
      %swap3A_1056 = arith.constant 96 : index
      %swap3A_1057 = tpu.vector_load %arg9[%swap3A_1055, %swap3A_1056] {strides = array<i32>} : memref<50x128xf32, #tpu.memory_space<vmem>>, vector<1x16xf32>,
      %swap3A_1058 = vector.shape_cast %swap3A_1057 : vector<1x16xf32> to vector<16xf32>
      %swap3A_1059 = vector.shape_cast %broadcast_in_dim3A_1053 : vector<16xf32> to vector<1x16xf32>
      tpu.vector_store %arg9[%swap3A_1055, %swap3A_1056], %swap3A_1059 {strides = array<i32>} : memref<50x128xf32, #tpu.memory_space<vmem>>, vector<1x16xf32>,
      %broadcast_in_dim3A_1060 = arith.constant 0.000000e+00 : f32
      %broadcast_in_dim3A_1061 = vector.broadcast %broadcast_in_dim3A_1060 : f32 to vector<16xf32>
      %swap3A_1062 = arith.constant 4 : i32
      %swap3A_1063 = arith.index_cast %swap3A_1062 : i32 to index
      %swap3A_1064 = arith.constant 112 : index
      %swap3A_1065 = tpu.vector_load %arg9[%swap3A_1063, %swap3A_1064] {strides = array<i32>} : memref<50x128xf32, #tpu.memory_space<vmem>>, vector<1x16xf32>,
      %swap3A_1066 = vector.shape_cast %swap3A_1065 : vector<1x16xf32> to vector<16xf32>
      %swap3A_1067 = vector.shape_cast %broadcast_in_dim3A_1061 : vector<16xf32> to vector<1x16xf32>
      tpu.vector_store %arg9[%swap3A_1063, %swap3A_1064], %swap3A_1067 {strides = array<i32>} : memref<50x128xf32, #tpu.memory_space<vmem>>, vector<1x16xf32>,
      %broadcast_in_dim3A_1068 = arith.constant 0.000000e+00 : f32
      %broadcast_in_dim3A_1069 = vector.broadcast %broadcast_in_dim3A_1068 : f32 to vector<16xf32>
      %swap3A_1070 = arith.constant 5 : i32
      %swap3A_1071 = arith.index_cast %swap3A_1070 : i32 to index
      %swap3A_1072 = arith.constant 0 : index
      %swap3A_1073 = tpu.vector_load %arg9[%swap3A_1071, %swap3A_1072] {strides = array<i32>} : memref<50x128xf32, #tpu.memory_space<vmem>>, vector<1x16xf32>,
      %swap3A_1074 = vector.shape_cast %swap3A_1073 : vector<1x16xf32> to vector<16xf32>
      %swap3A_1075 = vector.shape_cast %broadcast_in_dim3A_1069 : vector<16xf32> to vector<1x16xf32>
      tpu.vector_store %arg9[%swap3A_1071, %swap3A_1072], %swap3A_1075 {strides = array<i32>} : memref<50x128xf32, #tpu.memory_space<vmem>>, vector<1x16xf32>,
      %broadcast_in_dim3A_1076 = arith.constant 0.000000e+00 : f32
      %broadcast_in_dim3A_1077 = vector.broadcast %broadcast_in_dim3A_1076 : f32 to vector<16xf32>
      %swap3A_1078 = arith.constant 5 : i32
      %swap3A_1079 = arith.index_cast %swap3A_1078 : i32 to index
      %swap3A_1080 = arith.constant 16 : index
      %swap3A_1081 = tpu.vector_load %arg9[%swap3A_1079, %swap3A_1080] {strides = array<i32>} : memref<50x128xf32, #tpu.memory_space<vmem>>, vector<1x16xf32>,
      %swap3A_1082 = vector.shape_cast %swap3A_1081 : vector<1x16xf32> to vector<16xf32>
      %swap3A_1083 = vector.shape_cast %broadcast_in_dim3A_1077 : vector<16xf32> to vector<1x16xf32>
      tpu.vector_store %arg9[%swap3A_1079, %swap3A_1080], %swap3A_1083 {strides = array<i32>} : memref<50x128xf32, #tpu.memory_space<vmem>>, vector<1x16xf32>,
      %broadcast_in_dim3A_1084 = arith.constant 0.000000e+00 : f32
      %broadcast_in_dim3A_1085 = vector.broadcast %broadcast_in_dim3A_1084 : f32 to vector<16xf32>
      %swap3A_1086 = arith.constant 5 : i32
      %swap3A_1087 = arith.index_cast %swap3A_1086 : i32 to index
      %swap3A_1088 = arith.constant 32 : index
      %swap3A_1089 = tpu.vector_load %arg9[%swap3A_1087, %swap3A_1088] {strides = array<i32>} : memref<50x128xf32, #tpu.memory_space<vmem>>, vector<1x16xf32>,
      %swap3A_1090 = vector.shape_cast %swap3A_1089 : vector<1x16xf32> to vector<16xf32>
      %swap3A_1091 = vector.shape_cast %broadcast_in_dim3A_1085 : vector<16xf32> to vector<1x16xf32>
      tpu.vector_store %arg9[%swap3A_1087, %swap3A_1088], %swap3A_1091 {strides = array<i32>} : memref<50x128xf32, #tpu.memory_space<vmem>>, vector<1x16xf32>,
      %broadcast_in_dim3A_1092 = arith.constant 0.000000e+00 : f32
      %broadcast_in_dim3A_1093 = vector.broadcast %broadcast_in_dim3A_1092 : f32 to vector<16xf32>
      %swap3A_1094 = arith.constant 5 : i32
      %swap3A_1095 = arith.index_cast %swap3A_1094 : i32 to index
      %swap3A_1096 = arith.constant 48 : index
      %swap3A_1097 = tpu.vector_load %arg9[%swap3A_1095, %swap3A_1096] {strides = array<i32>} : memref<50x128xf32, #tpu.memory_space<vmem>>, vector<1x16xf32>,
      %swap3A_1098 = vector.shape_cast %swap3A_1097 : vector<1x16xf32> to vector<16xf32>
      %swap3A_1099 = vector.shape_cast %broadcast_in_dim3A_1093 : vector<16xf32> to vector<1x16xf32>
      tpu.vector_store %arg9[%swap3A_1095, %swap3A_1096], %swap3A_1099 {strides = array<i32>} : memref<50x128xf32, #tpu.memory_space<vmem>>, vector<1x16xf32>,
      %broadcast_in_dim3A_1100 = arith.constant 0.000000e+00 : f32
      %broadcast_in_dim3A_1101 = vector.broadcast %broadcast_in_dim3A_1100 : f32 to vector<16xf32>
      %swap3A_1102 = arith.constant 5 : i32
      %swap3A_1103 = arith.index_cast %swap3A_1102 : i32 to index
      %swap3A_1104 = arith.constant 64 : index
      %swap3A_1105 = tpu.vector_load %arg9[%swap3A_1103, %swap3A_1104] {strides = array<i32>} : memref<50x128xf32, #tpu.memory_space<vmem>>, vector<1x16xf32>,
      %swap3A_1106 = vector.shape_cast %swap3A_1105 : vector<1x16xf32> to vector<16xf32>
      %swap3A_1107 = vector.shape_cast %broadcast_in_dim3A_1101 : vector<16xf32> to vector<1x16xf32>
      tpu.vector_store %arg9[%swap3A_1103, %swap3A_1104], %swap3A_1107 {strides = array<i32>} : memref<50x128xf32, #tpu.memory_space<vmem>>, vector<1x16xf32>,
      %broadcast_in_dim3A_1108 = arith.constant 0.000000e+00 : f32
      %broadcast_in_dim3A_1109 = vector.broadcast %broadcast_in_dim3A_1108 : f32 to vector<16xf32>
      %swap3A_1110 = arith.constant 5 : i32
      %swap3A_1111 = arith.index_cast %swap3A_1110 : i32 to index
      %swap3A_1112 = arith.constant 80 : index
      %swap3A_1113 = tpu.vector_load %arg9[%swap3A_1111, %swap3A_1112] {strides = array<i32>} : memref<50x128xf32, #tpu.memory_space<vmem>>, vector<1x16xf32>,
      %swap3A_1114 = vector.shape_cast %swap3A_1113 : vector<1x16xf32> to vector<16xf32>
      %swap3A_1115 = vector.shape_cast %broadcast_in_dim3A_1109 : vector<16xf32> to vector<1x16xf32>
      tpu.vector_store %arg9[%swap3A_1111, %swap3A_1112], %swap3A_1115 {strides = array<i32>} : memref<50x128xf32, #tpu.memory_space<vmem>>, vector<1x16xf32>,
      %broadcast_in_dim3A_1116 = arith.constant 0.000000e+00 : f32
      %broadcast_in_dim3A_1117 = vector.broadcast %broadcast_in_dim3A_1116 : f32 to vector<16xf32>
      %swap3A_1118 = arith.constant 5 : i32
      %swap3A_1119 = arith.index_cast %swap3A_1118 : i32 to index
      %swap3A_1120 = arith.constant 96 : index
      %swap3A_1121 = tpu.vector_load %arg9[%swap3A_1119, %swap3A_1120] {strides = array<i32>} : memref<50x128xf32, #tpu.memory_space<vmem>>, vector<1x16xf32>,
      %swap3A_1122 = vector.shape_cast %swap3A_1121 : vector<1x16xf32> to vector<16xf32>
      %swap3A_1123 = vector.shape_cast %broadcast_in_dim3A_1117 : vector<16xf32> to vector<1x16xf32>
      tpu.vector_store %arg9[%swap3A_1119, %swap3A_1120], %swap3A_1123 {strides = array<i32>} : memref<50x128xf32, #tpu.memory_space<vmem>>, vector<1x16xf32>,
      %broadcast_in_dim3A_1124 = arith.constant 0.000000e+00 : f32
      %broadcast_in_dim3A_1125 = vector.broadcast %broadcast_in_dim3A_1124 : f32 to vector<16xf32>
      %swap3A_1126 = arith.constant 5 : i32
      %swap3A_1127 = arith.index_cast %swap3A_1126 : i32 to index
      %swap3A_1128 = arith.constant 112 : index
      %swap3A_1129 = tpu.vector_load %arg9[%swap3A_1127, %swap3A_1128] {strides = array<i32>} : memref<50x128xf32, #tpu.memory_space<vmem>>, vector<1x16xf32>,
      %swap3A_1130 = vector.shape_cast %swap3A_1129 : vector<1x16xf32> to vector<16xf32>
      %swap3A_1131 = vector.shape_cast %broadcast_in_dim3A_1125 : vector<16xf32> to vector<1x16xf32>
      tpu.vector_store %arg9[%swap3A_1127, %swap3A_1128], %swap3A_1131 {strides = array<i32>} : memref<50x128xf32, #tpu.memory_space<vmem>>, vector<1x16xf32>,
      %broadcast_in_dim3A_1132 = arith.constant 0.000000e+00 : f32
      %broadcast_in_dim3A_1133 = vector.broadcast %broadcast_in_dim3A_1132 : f32 to vector<16xf32>
      %swap3A_1134 = arith.constant 6 : i32
      %swap3A_1135 = arith.index_cast %swap3A_1134 : i32 to index
      %swap3A_1136 = arith.constant 0 : index
      %swap3A_1137 = tpu.vector_load %arg9[%swap3A_1135, %swap3A_1136] {strides = array<i32>} : memref<50x128xf32, #tpu.memory_space<vmem>>, vector<1x16xf32>,
      %swap3A_1138 = vector.shape_cast %swap3A_1137 : vector<1x16xf32> to vector<16xf32>
      %swap3A_1139 = vector.shape_cast %broadcast_in_dim3A_1133 : vector<16xf32> to vector<1x16xf32>
      tpu.vector_store %arg9[%swap3A_1135, %swap3A_1136], %swap3A_1139 {strides = array<i32>} : memref<50x128xf32, #tpu.memory_space<vmem>>, vector<1x16xf32>,
      %broadcast_in_dim3A_1140 = arith.constant 0.000000e+00 : f32
      %broadcast_in_dim3A_1141 = vector.broadcast %broadcast_in_dim3A_1140 : f32 to vector<16xf32>
      %swap3A_1142 = arith.constant 6 : i32
      %swap3A_1143 = arith.index_cast %swap3A_1142 : i32 to index
      %swap3A_1144 = arith.constant 16 : index
      %swap3A_1145 = tpu.vector_load %arg9[%swap3A_1143, %swap3A_1144] {strides = array<i32>} : memref<50x128xf32, #tpu.memory_space<vmem>>, vector<1x16xf32>,
      %swap3A_1146 = vector.shape_cast %swap3A_1145 : vector<1x16xf32> to vector<16xf32>
      %swap3A_1147 = vector.shape_cast %broadcast_in_dim3A_1141 : vector<16xf32> to vector<1x16xf32>
      tpu.vector_store %arg9[%swap3A_1143, %swap3A_1144], %swap3A_1147 {strides = array<i32>} : memref<50x128xf32, #tpu.memory_space<vmem>>, vector<1x16xf32>,
      %broadcast_in_dim3A_1148 = arith.constant 0.000000e+00 : f32
      %broadcast_in_dim3A_1149 = vector.broadcast %broadcast_in_dim3A_1148 : f32 to vector<16xf32>
      %swap3A_1150 = arith.constant 6 : i32
      %swap3A_1151 = arith.index_cast %swap3A_1150 : i32 to index
      %swap3A_1152 = arith.constant 32 : index
      %swap3A_1153 = tpu.vector_load %arg9[%swap3A_1151, %swap3A_1152] {strides = array<i32>} : memref<50x128xf32, #tpu.memory_space<vmem>>, vector<1x16xf32>,
      %swap3A_1154 = vector.shape_cast %swap3A_1153 : vector<1x16xf32> to vector<16xf32>
      %swap3A_1155 = vector.shape_cast %broadcast_in_dim3A_1149 : vector<16xf32> to vector<1x16xf32>
      tpu.vector_store %arg9[%swap3A_1151, %swap3A_1152], %swap3A_1155 {strides = array<i32>} : memref<50x128xf32, #tpu.memory_space<vmem>>, vector<1x16xf32>,
      %broadcast_in_dim3A_1156 = arith.constant 0.000000e+00 : f32
      %broadcast_in_dim3A_1157 = vector.broadcast %broadcast_in_dim3A_1156 : f32 to vector<16xf32>
      %swap3A_1158 = arith.constant 6 : i32
      %swap3A_1159 = arith.index_cast %swap3A_1158 : i32 to index
      %swap3A_1160 = arith.constant 48 : index
      %swap3A_1161 = tpu.vector_load %arg9[%swap3A_1159, %swap3A_1160] {strides = array<i32>} : memref<50x128xf32, #tpu.memory_space<vmem>>, vector<1x16xf32>,
      %swap3A_1162 = vector.shape_cast %swap3A_1161 : vector<1x16xf32> to vector<16xf32>
      %swap3A_1163 = vector.shape_cast %broadcast_in_dim3A_1157 : vector<16xf32> to vector<1x16xf32>
      tpu.vector_store %arg9[%swap3A_1159, %swap3A_1160], %swap3A_1163 {strides = array<i32>} : memref<50x128xf32, #tpu.memory_space<vmem>>, vector<1x16xf32>,
      %broadcast_in_dim3A_1164 = arith.constant 0.000000e+00 : f32
      %broadcast_in_dim3A_1165 = vector.broadcast %broadcast_in_dim3A_1164 : f32 to vector<16xf32>
      %swap3A_1166 = arith.constant 6 : i32
      %swap3A_1167 = arith.index_cast %swap3A_1166 : i32 to index
      %swap3A_1168 = arith.constant 64 : index
      %swap3A_1169 = tpu.vector_load %arg9[%swap3A_1167, %swap3A_1168] {strides = array<i32>} : memref<50x128xf32, #tpu.memory_space<vmem>>, vector<1x16xf32>,
      %swap3A_1170 = vector.shape_cast %swap3A_1169 : vector<1x16xf32> to vector<16xf32>
      %swap3A_1171 = vector.shape_cast %broadcast_in_dim3A_1165 : vector<16xf32> to vector<1x16xf32>
      tpu.vector_store %arg9[%swap3A_1167, %swap3A_1168], %swap3A_1171 {strides = array<i32>} : memref<50x128xf32, #tpu.memory_space<vmem>>, vector<1x16xf32>,
      %broadcast_in_dim3A_1172 = arith.constant 0.000000e+00 : f32
      %broadcast_in_dim3A_1173 = vector.broadcast %broadcast_in_dim3A_1172 : f32 to vector<16xf32>
      %swap3A_1174 = arith.constant 6 : i32
      %swap3A_1175 = arith.index_cast %swap3A_1174 : i32 to index
      %swap3A_1176 = arith.constant 80 : index
      %swap3A_1177 = tpu.vector_load %arg9[%swap3A_1175, %swap3A_1176] {strides = array<i32>} : memref<50x128xf32, #tpu.memory_space<vmem>>, vector<1x16xf32>,
      %swap3A_1178 = vector.shape_cast %swap3A_1177 : vector<1x16xf32> to vector<16xf32>
      %swap3A_1179 = vector.shape_cast %broadcast_in_dim3A_1173 : vector<16xf32> to vector<1x16xf32>
      tpu.vector_store %arg9[%swap3A_1175, %swap3A_1176], %swap3A_1179 {strides = array<i32>} : memref<50x128xf32, #tpu.memory_space<vmem>>, vector<1x16xf32>,
      %broadcast_in_dim3A_1180 = arith.constant 0.000000e+00 : f32
      %broadcast_in_dim3A_1181 = vector.broadcast %broadcast_in_dim3A_1180 : f32 to vector<16xf32>
      %swap3A_1182 = arith.constant 6 : i32
      %swap3A_1183 = arith.index_cast %swap3A_1182 : i32 to index
      %swap3A_1184 = arith.constant 96 : index
      %swap3A_1185 = tpu.vector_load %arg9[%swap3A_1183, %swap3A_1184] {strides = array<i32>} : memref<50x128xf32, #tpu.memory_space<vmem>>, vector<1x16xf32>,
      %swap3A_1186 = vector.shape_cast %swap3A_1185 : vector<1x16xf32> to vector<16xf32>
      %swap3A_1187 = vector.shape_cast %broadcast_in_dim3A_1181 : vector<16xf32> to vector<1x16xf32>
      tpu.vector_store %arg9[%swap3A_1183, %swap3A_1184], %swap3A_1187 {strides = array<i32>} : memref<50x128xf32, #tpu.memory_space<vmem>>, vector<1x16xf32>,
      %broadcast_in_dim3A_1188 = arith.constant 0.000000e+00 : f32
      %broadcast_in_dim3A_1189 = vector.broadcast %broadcast_in_dim3A_1188 : f32 to vector<16xf32>
      %swap3A_1190 = arith.constant 6 : i32
      %swap3A_1191 = arith.index_cast %swap3A_1190 : i32 to index
      %swap3A_1192 = arith.constant 112 : index
      %swap3A_1193 = tpu.vector_load %arg9[%swap3A_1191, %swap3A_1192] {strides = array<i32>} : memref<50x128xf32, #tpu.memory_space<vmem>>, vector<1x16xf32>,
      %swap3A_1194 = vector.shape_cast %swap3A_1193 : vector<1x16xf32> to vector<16xf32>
      %swap3A_1195 = vector.shape_cast %broadcast_in_dim3A_1189 : vector<16xf32> to vector<1x16xf32>
      tpu.vector_store %arg9[%swap3A_1191, %swap3A_1192], %swap3A_1195 {strides = array<i32>} : memref<50x128xf32, #tpu.memory_space<vmem>>, vector<1x16xf32>,
      %broadcast_in_dim3A_1196 = arith.constant 0.000000e+00 : f32
      %broadcast_in_dim3A_1197 = vector.broadcast %broadcast_in_dim3A_1196 : f32 to vector<16xf32>
      %swap3A_1198 = arith.constant 7 : i32
      %swap3A_1199 = arith.index_cast %swap3A_1198 : i32 to index
      %swap3A_1200 = arith.constant 0 : index
      %swap3A_1201 = tpu.vector_load %arg9[%swap3A_1199, %swap3A_1200] {strides = array<i32>} : memref<50x128xf32, #tpu.memory_space<vmem>>, vector<1x16xf32>,
      %swap3A_1202 = vector.shape_cast %swap3A_1201 : vector<1x16xf32> to vector<16xf32>
      %swap3A_1203 = vector.shape_cast %broadcast_in_dim3A_1197 : vector<16xf32> to vector<1x16xf32>
      tpu.vector_store %arg9[%swap3A_1199, %swap3A_1200], %swap3A_1203 {strides = array<i32>} : memref<50x128xf32, #tpu.memory_space<vmem>>, vector<1x16xf32>,
      %broadcast_in_dim3A_1204 = arith.constant 0.000000e+00 : f32
      %broadcast_in_dim3A_1205 = vector.broadcast %broadcast_in_dim3A_1204 : f32 to vector<16xf32>
      %swap3A_1206 = arith.constant 7 : i32
      %swap3A_1207 = arith.index_cast %swap3A_1206 : i32 to index
      %swap3A_1208 = arith.constant 16 : index
      %swap3A_1209 = tpu.vector_load %arg9[%swap3A_1207, %swap3A_1208] {strides = array<i32>} : memref<50x128xf32, #tpu.memory_space<vmem>>, vector<1x16xf32>,
      %swap3A_1210 = vector.shape_cast %swap3A_1209 : vector<1x16xf32> to vector<16xf32>
      %swap3A_1211 = vector.shape_cast %broadcast_in_dim3A_1205 : vector<16xf32> to vector<1x16xf32>
      tpu.vector_store %arg9[%swap3A_1207, %swap3A_1208], %swap3A_1211 {strides = array<i32>} : memref<50x128xf32, #tpu.memory_space<vmem>>, vector<1x16xf32>,
      %broadcast_in_dim3A_1212 = arith.constant 0.000000e+00 : f32
      %broadcast_in_dim3A_1213 = vector.broadcast %broadcast_in_dim3A_1212 : f32 to vector<16xf32>
      %swap3A_1214 = arith.constant 7 : i32
      %swap3A_1215 = arith.index_cast %swap3A_1214 : i32 to index
      %swap3A_1216 = arith.constant 32 : index
      %swap3A_1217 = tpu.vector_load %arg9[%swap3A_1215, %swap3A_1216] {strides = array<i32>} : memref<50x128xf32, #tpu.memory_space<vmem>>, vector<1x16xf32>,
      %swap3A_1218 = vector.shape_cast %swap3A_1217 : vector<1x16xf32> to vector<16xf32>
      %swap3A_1219 = vector.shape_cast %broadcast_in_dim3A_1213 : vector<16xf32> to vector<1x16xf32>
      tpu.vector_store %arg9[%swap3A_1215, %swap3A_1216], %swap3A_1219 {strides = array<i32>} : memref<50x128xf32, #tpu.memory_space<vmem>>, vector<1x16xf32>,
      %broadcast_in_dim3A_1220 = arith.constant 0.000000e+00 : f32
      %broadcast_in_dim3A_1221 = vector.broadcast %broadcast_in_dim3A_1220 : f32 to vector<16xf32>
      %swap3A_1222 = arith.constant 7 : i32
      %swap3A_1223 = arith.index_cast %swap3A_1222 : i32 to index
      %swap3A_1224 = arith.constant 48 : index
      %swap3A_1225 = tpu.vector_load %arg9[%swap3A_1223, %swap3A_1224] {strides = array<i32>} : memref<50x128xf32, #tpu.memory_space<vmem>>, vector<1x16xf32>,
      %swap3A_1226 = vector.shape_cast %swap3A_1225 : vector<1x16xf32> to vector<16xf32>
      %swap3A_1227 = vector.shape_cast %broadcast_in_dim3A_1221 : vector<16xf32> to vector<1x16xf32>
      tpu.vector_store %arg9[%swap3A_1223, %swap3A_1224], %swap3A_1227 {strides = array<i32>} : memref<50x128xf32, #tpu.memory_space<vmem>>, vector<1x16xf32>,
      %broadcast_in_dim3A_1228 = arith.constant 0.000000e+00 : f32
      %broadcast_in_dim3A_1229 = vector.broadcast %broadcast_in_dim3A_1228 : f32 to vector<16xf32>
      %swap3A_1230 = arith.constant 7 : i32
      %swap3A_1231 = arith.index_cast %swap3A_1230 : i32 to index
      %swap3A_1232 = arith.constant 64 : index
      %swap3A_1233 = tpu.vector_load %arg9[%swap3A_1231, %swap3A_1232] {strides = array<i32>} : memref<50x128xf32, #tpu.memory_space<vmem>>, vector<1x16xf32>,
      %swap3A_1234 = vector.shape_cast %swap3A_1233 : vector<1x16xf32> to vector<16xf32>
      %swap3A_1235 = vector.shape_cast %broadcast_in_dim3A_1229 : vector<16xf32> to vector<1x16xf32>
      tpu.vector_store %arg9[%swap3A_1231, %swap3A_1232], %swap3A_1235 {strides = array<i32>} : memref<50x128xf32, #tpu.memory_space<vmem>>, vector<1x16xf32>,
      %broadcast_in_dim3A_1236 = arith.constant 0.000000e+00 : f32
      %broadcast_in_dim3A_1237 = vector.broadcast %broadcast_in_dim3A_1236 : f32 to vector<16xf32>
      %swap3A_1238 = arith.constant 7 : i32
      %swap3A_1239 = arith.index_cast %swap3A_1238 : i32 to index
      %swap3A_1240 = arith.constant 80 : index
      %swap3A_1241 = tpu.vector_load %arg9[%swap3A_1239, %swap3A_1240] {strides = array<i32>} : memref<50x128xf32, #tpu.memory_space<vmem>>, vector<1x16xf32>,
      %swap3A_1242 = vector.shape_cast %swap3A_1241 : vector<1x16xf32> to vector<16xf32>
      %swap3A_1243 = vector.shape_cast %broadcast_in_dim3A_1237 : vector<16xf32> to vector<1x16xf32>
      tpu.vector_store %arg9[%swap3A_1239, %swap3A_1240], %swap3A_1243 {strides = array<i32>} : memref<50x128xf32, #tpu.memory_space<vmem>>, vector<1x16xf32>,
      %broadcast_in_dim3A_1244 = arith.constant 0.000000e+00 : f32
      %broadcast_in_dim3A_1245 = vector.broadcast %broadcast_in_dim3A_1244 : f32 to vector<16xf32>
      %swap3A_1246 = arith.constant 7 : i32
      %swap3A_1247 = arith.index_cast %swap3A_1246 : i32 to index
      %swap3A_1248 = arith.constant 96 : index
      %swap3A_1249 = tpu.vector_load %arg9[%swap3A_1247, %swap3A_1248] {strides = array<i32>} : memref<50x128xf32, #tpu.memory_space<vmem>>, vector<1x16xf32>,
      %swap3A_1250 = vector.shape_cast %swap3A_1249 : vector<1x16xf32> to vector<16xf32>
      %swap3A_1251 = vector.shape_cast %broadcast_in_dim3A_1245 : vector<16xf32> to vector<1x16xf32>
      tpu.vector_store %arg9[%swap3A_1247, %swap3A_1248], %swap3A_1251 {strides = array<i32>} : memref<50x128xf32, #tpu.memory_space<vmem>>, vector<1x16xf32>,
      %broadcast_in_dim3A_1252 = arith.constant 0.000000e+00 : f32
      %broadcast_in_dim3A_1253 = vector.broadcast %broadcast_in_dim3A_1252 : f32 to vector<16xf32>
      %swap3A_1254 = arith.constant 7 : i32
      %swap3A_1255 = arith.index_cast %swap3A_1254 : i32 to index
      %swap3A_1256 = arith.constant 112 : index
      %swap3A_1257 = tpu.vector_load %arg9[%swap3A_1255, %swap3A_1256] {strides = array<i32>} : memref<50x128xf32, #tpu.memory_space<vmem>>, vector<1x16xf32>,
      %swap3A_1258 = vector.shape_cast %swap3A_1257 : vector<1x16xf32> to vector<16xf32>
      %swap3A_1259 = vector.shape_cast %broadcast_in_dim3A_1253 : vector<16xf32> to vector<1x16xf32>
      tpu.vector_store %arg9[%swap3A_1255, %swap3A_1256], %swap3A_1259 {strides = array<i32>} : memref<50x128xf32, #tpu.memory_space<vmem>>, vector<1x16xf32>,
      %broadcast_in_dim3A_1260 = arith.constant 0.000000e+00 : f32
      %broadcast_in_dim3A_1261 = vector.broadcast %broadcast_in_dim3A_1260 : f32 to vector<16xf32>
      %swap3A_1262 = arith.constant 8 : i32
      %swap3A_1263 = arith.index_cast %swap3A_1262 : i32 to index
      %swap3A_1264 = arith.constant 0 : index
      %swap3A_1265 = tpu.vector_load %arg9[%swap3A_1263, %swap3A_1264] {strides = array<i32>} : memref<50x128xf32, #tpu.memory_space<vmem>>, vector<1x16xf32>,
      %swap3A_1266 = vector.shape_cast %swap3A_1265 : vector<1x16xf32> to vector<16xf32>
      %swap3A_1267 = vector.shape_cast %broadcast_in_dim3A_1261 : vector<16xf32> to vector<1x16xf32>
      tpu.vector_store %arg9[%swap3A_1263, %swap3A_1264], %swap3A_1267 {strides = array<i32>} : memref<50x128xf32, #tpu.memory_space<vmem>>, vector<1x16xf32>,
      %broadcast_in_dim3A_1268 = arith.constant 0.000000e+00 : f32
      %broadcast_in_dim3A_1269 = vector.broadcast %broadcast_in_dim3A_1268 : f32 to vector<16xf32>
      %swap3A_1270 = arith.constant 8 : i32
      %swap3A_1271 = arith.index_cast %swap3A_1270 : i32 to index
      %swap3A_1272 = arith.constant 16 : index
      %swap3A_1273 = tpu.vector_load %arg9[%swap3A_1271, %swap3A_1272] {strides = array<i32>} : memref<50x128xf32, #tpu.memory_space<vmem>>, vector<1x16xf32>,
      %swap3A_1274 = vector.shape_cast %swap3A_1273 : vector<1x16xf32> to vector<16xf32>
      %swap3A_1275 = vector.shape_cast %broadcast_in_dim3A_1269 : vector<16xf32> to vector<1x16xf32>
      tpu.vector_store %arg9[%swap3A_1271, %swap3A_1272], %swap3A_1275 {strides = array<i32>} : memref<50x128xf32, #tpu.memory_space<vmem>>, vector<1x16xf32>,
      %broadcast_in_dim3A_1276 = arith.constant 0.000000e+00 : f32
      %broadcast_in_dim3A_1277 = vector.broadcast %broadcast_in_dim3A_1276 : f32 to vector<16xf32>
      %swap3A_1278 = arith.constant 8 : i32
      %swap3A_1279 = arith.index_cast %swap3A_1278 : i32 to index
      %swap3A_1280 = arith.constant 32 : index
      %swap3A_1281 = tpu.vector_load %arg9[%swap3A_1279, %swap3A_1280] {strides = array<i32>} : memref<50x128xf32, #tpu.memory_space<vmem>>, vector<1x16xf32>,
      %swap3A_1282 = vector.shape_cast %swap3A_1281 : vector<1x16xf32> to vector<16xf32>
      %swap3A_1283 = vector.shape_cast %broadcast_in_dim3A_1277 : vector<16xf32> to vector<1x16xf32>
      tpu.vector_store %arg9[%swap3A_1279, %swap3A_1280], %swap3A_1283 {strides = array<i32>} : memref<50x128xf32, #tpu.memory_space<vmem>>, vector<1x16xf32>,
      %broadcast_in_dim3A_1284 = arith.constant 0.000000e+00 : f32
      %broadcast_in_dim3A_1285 = vector.broadcast %broadcast_in_dim3A_1284 : f32 to vector<16xf32>
      %swap3A_1286 = arith.constant 8 : i32
      %swap3A_1287 = arith.index_cast %swap3A_1286 : i32 to index
      %swap3A_1288 = arith.constant 48 : index
      %swap3A_1289 = tpu.vector_load %arg9[%swap3A_1287, %swap3A_1288] {strides = array<i32>} : memref<50x128xf32, #tpu.memory_space<vmem>>, vector<1x16xf32>,
      %swap3A_1290 = vector.shape_cast %swap3A_1289 : vector<1x16xf32> to vector<16xf32>
      %swap3A_1291 = vector.shape_cast %broadcast_in_dim3A_1285 : vector<16xf32> to vector<1x16xf32>
      tpu.vector_store %arg9[%swap3A_1287, %swap3A_1288], %swap3A_1291 {strides = array<i32>} : memref<50x128xf32, #tpu.memory_space<vmem>>, vector<1x16xf32>,
      %broadcast_in_dim3A_1292 = arith.constant 0.000000e+00 : f32
      %broadcast_in_dim3A_1293 = vector.broadcast %broadcast_in_dim3A_1292 : f32 to vector<16xf32>
      %swap3A_1294 = arith.constant 8 : i32
      %swap3A_1295 = arith.index_cast %swap3A_1294 : i32 to index
      %swap3A_1296 = arith.constant 64 : index
      %swap3A_1297 = tpu.vector_load %arg9[%swap3A_1295, %swap3A_1296] {strides = array<i32>} : memref<50x128xf32, #tpu.memory_space<vmem>>, vector<1x16xf32>,
      %swap3A_1298 = vector.shape_cast %swap3A_1297 : vector<1x16xf32> to vector<16xf32>
      %swap3A_1299 = vector.shape_cast %broadcast_in_dim3A_1293 : vector<16xf32> to vector<1x16xf32>
      tpu.vector_store %arg9[%swap3A_1295, %swap3A_1296], %swap3A_1299 {strides = array<i32>} : memref<50x128xf32, #tpu.memory_space<vmem>>, vector<1x16xf32>,
      %broadcast_in_dim3A_1300 = arith.constant 0.000000e+00 : f32
      %broadcast_in_dim3A_1301 = vector.broadcast %broadcast_in_dim3A_1300 : f32 to vector<16xf32>
      %swap3A_1302 = arith.constant 8 : i32
      %swap3A_1303 = arith.index_cast %swap3A_1302 : i32 to index
      %swap3A_1304 = arith.constant 80 : index
      %swap3A_1305 = tpu.vector_load %arg9[%swap3A_1303, %swap3A_1304] {strides = array<i32>} : memref<50x128xf32, #tpu.memory_space<vmem>>, vector<1x16xf32>,
      %swap3A_1306 = vector.shape_cast %swap3A_1305 : vector<1x16xf32> to vector<16xf32>
      %swap3A_1307 = vector.shape_cast %broadcast_in_dim3A_1301 : vector<16xf32> to vector<1x16xf32>
      tpu.vector_store %arg9[%swap3A_1303, %swap3A_1304], %swap3A_1307 {strides = array<i32>} : memref<50x128xf32, #tpu.memory_space<vmem>>, vector<1x16xf32>,
      %broadcast_in_dim3A_1308 = arith.constant 0.000000e+00 : f32
      %broadcast_in_dim3A_1309 = vector.broadcast %broadcast_in_dim3A_1308 : f32 to vector<16xf32>
      %swap3A_1310 = arith.constant 8 : i32
      %swap3A_1311 = arith.index_cast %swap3A_1310 : i32 to index
      %swap3A_1312 = arith.constant 96 : index
      %swap3A_1313 = tpu.vector_load %arg9[%swap3A_1311, %swap3A_1312] {strides = array<i32>} : memref<50x128xf32, #tpu.memory_space<vmem>>, vector<1x16xf32>,
      %swap3A_1314 = vector.shape_cast %swap3A_1313 : vector<1x16xf32> to vector<16xf32>
      %swap3A_1315 = vector.shape_cast %broadcast_in_dim3A_1309 : vector<16xf32> to vector<1x16xf32>
      tpu.vector_store %arg9[%swap3A_1311, %swap3A_1312], %swap3A_1315 {strides = array<i32>} : memref<50x128xf32, #tpu.memory_space<vmem>>, vector<1x16xf32>,
      %broadcast_in_dim3A_1316 = arith.constant 0.000000e+00 : f32
      %broadcast_in_dim3A_1317 = vector.broadcast %broadcast_in_dim3A_1316 : f32 to vector<16xf32>
      %swap3A_1318 = arith.constant 8 : i32
      %swap3A_1319 = arith.index_cast %swap3A_1318 : i32 to index
      %swap3A_1320 = arith.constant 112 : index
      %swap3A_1321 = tpu.vector_load %arg9[%swap3A_1319, %swap3A_1320] {strides = array<i32>} : memref<50x128xf32, #tpu.memory_space<vmem>>, vector<1x16xf32>,
      %swap3A_1322 = vector.shape_cast %swap3A_1321 : vector<1x16xf32> to vector<16xf32>
      %swap3A_1323 = vector.shape_cast %broadcast_in_dim3A_1317 : vector<16xf32> to vector<1x16xf32>
      tpu.vector_store %arg9[%swap3A_1319, %swap3A_1320], %swap3A_1323 {strides = array<i32>} : memref<50x128xf32, #tpu.memory_space<vmem>>, vector<1x16xf32>,
      %broadcast_in_dim3A_1324 = arith.constant 0.000000e+00 : f32
      %broadcast_in_dim3A_1325 = vector.broadcast %broadcast_in_dim3A_1324 : f32 to vector<16xf32>
      %swap3A_1326 = arith.constant 9 : i32
      %swap3A_1327 = arith.index_cast %swap3A_1326 : i32 to index
      %swap3A_1328 = arith.constant 0 : index
      %swap3A_1329 = tpu.vector_load %arg9[%swap3A_1327, %swap3A_1328] {strides = array<i32>} : memref<50x128xf32, #tpu.memory_space<vmem>>, vector<1x16xf32>,
      %swap3A_1330 = vector.shape_cast %swap3A_1329 : vector<1x16xf32> to vector<16xf32>
      %swap3A_1331 = vector.shape_cast %broadcast_in_dim3A_1325 : vector<16xf32> to vector<1x16xf32>
      tpu.vector_store %arg9[%swap3A_1327, %swap3A_1328], %swap3A_1331 {strides = array<i32>} : memref<50x128xf32, #tpu.memory_space<vmem>>, vector<1x16xf32>,
      %broadcast_in_dim3A_1332 = arith.constant 0.000000e+00 : f32
      %broadcast_in_dim3A_1333 = vector.broadcast %broadcast_in_dim3A_1332 : f32 to vector<16xf32>
      %swap3A_1334 = arith.constant 9 : i32
      %swap3A_1335 = arith.index_cast %swap3A_1334 : i32 to index
      %swap3A_1336 = arith.constant 16 : index
      %swap3A_1337 = tpu.vector_load %arg9[%swap3A_1335, %swap3A_1336] {strides = array<i32>} : memref<50x128xf32, #tpu.memory_space<vmem>>, vector<1x16xf32>,
      %swap3A_1338 = vector.shape_cast %swap3A_1337 : vector<1x16xf32> to vector<16xf32>
      %swap3A_1339 = vector.shape_cast %broadcast_in_dim3A_1333 : vector<16xf32> to vector<1x16xf32>
      tpu.vector_store %arg9[%swap3A_1335, %swap3A_1336], %swap3A_1339 {strides = array<i32>} : memref<50x128xf32, #tpu.memory_space<vmem>>, vector<1x16xf32>,
      %broadcast_in_dim3A_1340 = arith.constant 0.000000e+00 : f32
      %broadcast_in_dim3A_1341 = vector.broadcast %broadcast_in_dim3A_1340 : f32 to vector<16xf32>
      %swap3A_1342 = arith.constant 9 : i32
      %swap3A_1343 = arith.index_cast %swap3A_1342 : i32 to index
      %swap3A_1344 = arith.constant 32 : index
      %swap3A_1345 = tpu.vector_load %arg9[%swap3A_1343, %swap3A_1344] {strides = array<i32>} : memref<50x128xf32, #tpu.memory_space<vmem>>, vector<1x16xf32>,
      %swap3A_1346 = vector.shape_cast %swap3A_1345 : vector<1x16xf32> to vector<16xf32>
      %swap3A_1347 = vector.shape_cast %broadcast_in_dim3A_1341 : vector<16xf32> to vector<1x16xf32>
      tpu.vector_store %arg9[%swap3A_1343, %swap3A_1344], %swap3A_1347 {strides = array<i32>} : memref<50x128xf32, #tpu.memory_space<vmem>>, vector<1x16xf32>,
      %broadcast_in_dim3A_1348 = arith.constant 0.000000e+00 : f32
      %broadcast_in_dim3A_1349 = vector.broadcast %broadcast_in_dim3A_1348 : f32 to vector<16xf32>
      %swap3A_1350 = arith.constant 9 : i32
      %swap3A_1351 = arith.index_cast %swap3A_1350 : i32 to index
      %swap3A_1352 = arith.constant 48 : index
      %swap3A_1353 = tpu.vector_load %arg9[%swap3A_1351, %swap3A_1352] {strides = array<i32>} : memref<50x128xf32, #tpu.memory_space<vmem>>, vector<1x16xf32>,
      %swap3A_1354 = vector.shape_cast %swap3A_1353 : vector<1x16xf32> to vector<16xf32>
      %swap3A_1355 = vector.shape_cast %broadcast_in_dim3A_1349 : vector<16xf32> to vector<1x16xf32>
      tpu.vector_store %arg9[%swap3A_1351, %swap3A_1352], %swap3A_1355 {strides = array<i32>} : memref<50x128xf32, #tpu.memory_space<vmem>>, vector<1x16xf32>,
      %broadcast_in_dim3A_1356 = arith.constant 0.000000e+00 : f32
      %broadcast_in_dim3A_1357 = vector.broadcast %broadcast_in_dim3A_1356 : f32 to vector<16xf32>
      %swap3A_1358 = arith.constant 9 : i32
      %swap3A_1359 = arith.index_cast %swap3A_1358 : i32 to index
      %swap3A_1360 = arith.constant 64 : index
      %swap3A_1361 = tpu.vector_load %arg9[%swap3A_1359, %swap3A_1360] {strides = array<i32>} : memref<50x128xf32, #tpu.memory_space<vmem>>, vector<1x16xf32>,
      %swap3A_1362 = vector.shape_cast %swap3A_1361 : vector<1x16xf32> to vector<16xf32>
      %swap3A_1363 = vector.shape_cast %broadcast_in_dim3A_1357 : vector<16xf32> to vector<1x16xf32>
      tpu.vector_store %arg9[%swap3A_1359, %swap3A_1360], %swap3A_1363 {strides = array<i32>} : memref<50x128xf32, #tpu.memory_space<vmem>>, vector<1x16xf32>,
      %broadcast_in_dim3A_1364 = arith.constant 0.000000e+00 : f32
      %broadcast_in_dim3A_1365 = vector.broadcast %broadcast_in_dim3A_1364 : f32 to vector<16xf32>
      %swap3A_1366 = arith.constant 9 : i32
      %swap3A_1367 = arith.index_cast %swap3A_1366 : i32 to index
      %swap3A_1368 = arith.constant 80 : index
      %swap3A_1369 = tpu.vector_load %arg9[%swap3A_1367, %swap3A_1368] {strides = array<i32>} : memref<50x128xf32, #tpu.memory_space<vmem>>, vector<1x16xf32>,
      %swap3A_1370 = vector.shape_cast %swap3A_1369 : vector<1x16xf32> to vector<16xf32>
      %swap3A_1371 = vector.shape_cast %broadcast_in_dim3A_1365 : vector<16xf32> to vector<1x16xf32>
      tpu.vector_store %arg9[%swap3A_1367, %swap3A_1368], %swap3A_1371 {strides = array<i32>} : memref<50x128xf32, #tpu.memory_space<vmem>>, vector<1x16xf32>,
      %broadcast_in_dim3A_1372 = arith.constant 0.000000e+00 : f32
      %broadcast_in_dim3A_1373 = vector.broadcast %broadcast_in_dim3A_1372 : f32 to vector<16xf32>
      %swap3A_1374 = arith.constant 9 : i32
      %swap3A_1375 = arith.index_cast %swap3A_1374 : i32 to index
      %swap3A_1376 = arith.constant 96 : index
      %swap3A_1377 = tpu.vector_load %arg9[%swap3A_1375, %swap3A_1376] {strides = array<i32>} : memref<50x128xf32, #tpu.memory_space<vmem>>, vector<1x16xf32>,
      %swap3A_1378 = vector.shape_cast %swap3A_1377 : vector<1x16xf32> to vector<16xf32>
      %swap3A_1379 = vector.shape_cast %broadcast_in_dim3A_1373 : vector<16xf32> to vector<1x16xf32>
      tpu.vector_store %arg9[%swap3A_1375, %swap3A_1376], %swap3A_1379 {strides = array<i32>} : memref<50x128xf32, #tpu.memory_space<vmem>>, vector<1x16xf32>,
      %broadcast_in_dim3A_1380 = arith.constant 0.000000e+00 : f32
      %broadcast_in_dim3A_1381 = vector.broadcast %broadcast_in_dim3A_1380 : f32 to vector<16xf32>
      %swap3A_1382 = arith.constant 9 : i32
      %swap3A_1383 = arith.index_cast %swap3A_1382 : i32 to index
      %swap3A_1384 = arith.constant 112 : index
      %swap3A_1385 = tpu.vector_load %arg9[%swap3A_1383, %swap3A_1384] {strides = array<i32>} : memref<50x128xf32, #tpu.memory_space<vmem>>, vector<1x16xf32>,
      %swap3A_1386 = vector.shape_cast %swap3A_1385 : vector<1x16xf32> to vector<16xf32>
      %swap3A_1387 = vector.shape_cast %broadcast_in_dim3A_1381 : vector<16xf32> to vector<1x16xf32>
      tpu.vector_store %arg9[%swap3A_1383, %swap3A_1384], %swap3A_1387 {strides = array<i32>} : memref<50x128xf32, #tpu.memory_space<vmem>>, vector<1x16xf32>,
      %broadcast_in_dim3A_1388 = arith.constant 0.000000e+00 : f32
      %broadcast_in_dim3A_1389 = vector.broadcast %broadcast_in_dim3A_1388 : f32 to vector<16xf32>
      %swap3A_1390 = arith.constant 10 : i32
      %swap3A_1391 = arith.index_cast %swap3A_1390 : i32 to index
      %swap3A_1392 = arith.constant 0 : index
      %swap3A_1393 = tpu.vector_load %arg9[%swap3A_1391, %swap3A_1392] {strides = array<i32>} : memref<50x128xf32, #tpu.memory_space<vmem>>, vector<1x16xf32>,
      %swap3A_1394 = vector.shape_cast %swap3A_1393 : vector<1x16xf32> to vector<16xf32>
      %swap3A_1395 = vector.shape_cast %broadcast_in_dim3A_1389 : vector<16xf32> to vector<1x16xf32>
      tpu.vector_store %arg9[%swap3A_1391, %swap3A_1392], %swap3A_1395 {strides = array<i32>} : memref<50x128xf32, #tpu.memory_space<vmem>>, vector<1x16xf32>,
      %broadcast_in_dim3A_1396 = arith.constant 0.000000e+00 : f32
      %broadcast_in_dim3A_1397 = vector.broadcast %broadcast_in_dim3A_1396 : f32 to vector<16xf32>
      %swap3A_1398 = arith.constant 10 : i32
      %swap3A_1399 = arith.index_cast %swap3A_1398 : i32 to index
      %swap3A_1400 = arith.constant 16 : index
      %swap3A_1401 = tpu.vector_load %arg9[%swap3A_1399, %swap3A_1400] {strides = array<i32>} : memref<50x128xf32, #tpu.memory_space<vmem>>, vector<1x16xf32>,
      %swap3A_1402 = vector.shape_cast %swap3A_1401 : vector<1x16xf32> to vector<16xf32>
      %swap3A_1403 = vector.shape_cast %broadcast_in_dim3A_1397 : vector<16xf32> to vector<1x16xf32>
      tpu.vector_store %arg9[%swap3A_1399, %swap3A_1400], %swap3A_1403 {strides = array<i32>} : memref<50x128xf32, #tpu.memory_space<vmem>>, vector<1x16xf32>,
      %broadcast_in_dim3A_1404 = arith.constant 0.000000e+00 : f32
      %broadcast_in_dim3A_1405 = vector.broadcast %broadcast_in_dim3A_1404 : f32 to vector<16xf32>
      %swap3A_1406 = arith.constant 10 : i32
      %swap3A_1407 = arith.index_cast %swap3A_1406 : i32 to index
      %swap3A_1408 = arith.constant 32 : index
      %swap3A_1409 = tpu.vector_load %arg9[%swap3A_1407, %swap3A_1408] {strides = array<i32>} : memref<50x128xf32, #tpu.memory_space<vmem>>, vector<1x16xf32>,
      %swap3A_1410 = vector.shape_cast %swap3A_1409 : vector<1x16xf32> to vector<16xf32>
      %swap3A_1411 = vector.shape_cast %broadcast_in_dim3A_1405 : vector<16xf32> to vector<1x16xf32>
      tpu.vector_store %arg9[%swap3A_1407, %swap3A_1408], %swap3A_1411 {strides = array<i32>} : memref<50x128xf32, #tpu.memory_space<vmem>>, vector<1x16xf32>,
      %broadcast_in_dim3A_1412 = arith.constant 0.000000e+00 : f32
      %broadcast_in_dim3A_1413 = vector.broadcast %broadcast_in_dim3A_1412 : f32 to vector<16xf32>
      %swap3A_1414 = arith.constant 10 : i32
      %swap3A_1415 = arith.index_cast %swap3A_1414 : i32 to index
      %swap3A_1416 = arith.constant 48 : index
      %swap3A_1417 = tpu.vector_load %arg9[%swap3A_1415, %swap3A_1416] {strides = array<i32>} : memref<50x128xf32, #tpu.memory_space<vmem>>, vector<1x16xf32>,
      %swap3A_1418 = vector.shape_cast %swap3A_1417 : vector<1x16xf32> to vector<16xf32>
      %swap3A_1419 = vector.shape_cast %broadcast_in_dim3A_1413 : vector<16xf32> to vector<1x16xf32>
      tpu.vector_store %arg9[%swap3A_1415, %swap3A_1416], %swap3A_1419 {strides = array<i32>} : memref<50x128xf32, #tpu.memory_space<vmem>>, vector<1x16xf32>,
      %broadcast_in_dim3A_1420 = arith.constant 0.000000e+00 : f32
      %broadcast_in_dim3A_1421 = vector.broadcast %broadcast_in_dim3A_1420 : f32 to vector<16xf32>
      %swap3A_1422 = arith.constant 10 : i32
      %swap3A_1423 = arith.index_cast %swap3A_1422 : i32 to index
      %swap3A_1424 = arith.constant 64 : index
      %swap3A_1425 = tpu.vector_load %arg9[%swap3A_1423, %swap3A_1424] {strides = array<i32>} : memref<50x128xf32, #tpu.memory_space<vmem>>, vector<1x16xf32>,
      %swap3A_1426 = vector.shape_cast %swap3A_1425 : vector<1x16xf32> to vector<16xf32>
      %swap3A_1427 = vector.shape_cast %broadcast_in_dim3A_1421 : vector<16xf32> to vector<1x16xf32>
      tpu.vector_store %arg9[%swap3A_1423, %swap3A_1424], %swap3A_1427 {strides = array<i32>} : memref<50x128xf32, #tpu.memory_space<vmem>>, vector<1x16xf32>,
      %broadcast_in_dim3A_1428 = arith.constant 0.000000e+00 : f32
      %broadcast_in_dim3A_1429 = vector.broadcast %broadcast_in_dim3A_1428 : f32 to vector<16xf32>
      %swap3A_1430 = arith.constant 10 : i32
      %swap3A_1431 = arith.index_cast %swap3A_1430 : i32 to index
      %swap3A_1432 = arith.constant 80 : index
      %swap3A_1433 = tpu.vector_load %arg9[%swap3A_1431, %swap3A_1432] {strides = array<i32>} : memref<50x128xf32, #tpu.memory_space<vmem>>, vector<1x16xf32>,
      %swap3A_1434 = vector.shape_cast %swap3A_1433 : vector<1x16xf32> to vector<16xf32>
      %swap3A_1435 = vector.shape_cast %broadcast_in_dim3A_1429 : vector<16xf32> to vector<1x16xf32>
      tpu.vector_store %arg9[%swap3A_1431, %swap3A_1432], %swap3A_1435 {strides = array<i32>} : memref<50x128xf32, #tpu.memory_space<vmem>>, vector<1x16xf32>,
      %broadcast_in_dim3A_1436 = arith.constant 0.000000e+00 : f32
      %broadcast_in_dim3A_1437 = vector.broadcast %broadcast_in_dim3A_1436 : f32 to vector<16xf32>
      %swap3A_1438 = arith.constant 10 : i32
      %swap3A_1439 = arith.index_cast %swap3A_1438 : i32 to index
      %swap3A_1440 = arith.constant 96 : index
      %swap3A_1441 = tpu.vector_load %arg9[%swap3A_1439, %swap3A_1440] {strides = array<i32>} : memref<50x128xf32, #tpu.memory_space<vmem>>, vector<1x16xf32>,
      %swap3A_1442 = vector.shape_cast %swap3A_1441 : vector<1x16xf32> to vector<16xf32>
      %swap3A_1443 = vector.shape_cast %broadcast_in_dim3A_1437 : vector<16xf32> to vector<1x16xf32>
      tpu.vector_store %arg9[%swap3A_1439, %swap3A_1440], %swap3A_1443 {strides = array<i32>} : memref<50x128xf32, #tpu.memory_space<vmem>>, vector<1x16xf32>,
      %broadcast_in_dim3A_1444 = arith.constant 0.000000e+00 : f32
      %broadcast_in_dim3A_1445 = vector.broadcast %broadcast_in_dim3A_1444 : f32 to vector<16xf32>
      %swap3A_1446 = arith.constant 10 : i32
      %swap3A_1447 = arith.index_cast %swap3A_1446 : i32 to index
      %swap3A_1448 = arith.constant 112 : index
      %swap3A_1449 = tpu.vector_load %arg9[%swap3A_1447, %swap3A_1448] {strides = array<i32>} : memref<50x128xf32, #tpu.memory_space<vmem>>, vector<1x16xf32>,
      %swap3A_1450 = vector.shape_cast %swap3A_1449 : vector<1x16xf32> to vector<16xf32>
      %swap3A_1451 = vector.shape_cast %broadcast_in_dim3A_1445 : vector<16xf32> to vector<1x16xf32>
      tpu.vector_store %arg9[%swap3A_1447, %swap3A_1448], %swap3A_1451 {strides = array<i32>} : memref<50x128xf32, #tpu.memory_space<vmem>>, vector<1x16xf32>,
      %broadcast_in_dim3A_1452 = arith.constant 0.000000e+00 : f32
      %broadcast_in_dim3A_1453 = vector.broadcast %broadcast_in_dim3A_1452 : f32 to vector<16xf32>
      %swap3A_1454 = arith.constant 11 : i32
      %swap3A_1455 = arith.index_cast %swap3A_1454 : i32 to index
      %swap3A_1456 = arith.constant 0 : index
      %swap3A_1457 = tpu.vector_load %arg9[%swap3A_1455, %swap3A_1456] {strides = array<i32>} : memref<50x128xf32, #tpu.memory_space<vmem>>, vector<1x16xf32>,
      %swap3A_1458 = vector.shape_cast %swap3A_1457 : vector<1x16xf32> to vector<16xf32>
      %swap3A_1459 = vector.shape_cast %broadcast_in_dim3A_1453 : vector<16xf32> to vector<1x16xf32>
      tpu.vector_store %arg9[%swap3A_1455, %swap3A_1456], %swap3A_1459 {strides = array<i32>} : memref<50x128xf32, #tpu.memory_space<vmem>>, vector<1x16xf32>,
      %broadcast_in_dim3A_1460 = arith.constant 0.000000e+00 : f32
      %broadcast_in_dim3A_1461 = vector.broadcast %broadcast_in_dim3A_1460 : f32 to vector<16xf32>
      %swap3A_1462 = arith.constant 11 : i32
      %swap3A_1463 = arith.index_cast %swap3A_1462 : i32 to index
      %swap3A_1464 = arith.constant 16 : index
      %swap3A_1465 = tpu.vector_load %arg9[%swap3A_1463, %swap3A_1464] {strides = array<i32>} : memref<50x128xf32, #tpu.memory_space<vmem>>, vector<1x16xf32>,
      %swap3A_1466 = vector.shape_cast %swap3A_1465 : vector<1x16xf32> to vector<16xf32>
      %swap3A_1467 = vector.shape_cast %broadcast_in_dim3A_1461 : vector<16xf32> to vector<1x16xf32>
      tpu.vector_store %arg9[%swap3A_1463, %swap3A_1464], %swap3A_1467 {strides = array<i32>} : memref<50x128xf32, #tpu.memory_space<vmem>>, vector<1x16xf32>,
      %broadcast_in_dim3A_1468 = arith.constant 0.000000e+00 : f32
      %broadcast_in_dim3A_1469 = vector.broadcast %broadcast_in_dim3A_1468 : f32 to vector<16xf32>
      %swap3A_1470 = arith.constant 11 : i32
      %swap3A_1471 = arith.index_cast %swap3A_1470 : i32 to index
      %swap3A_1472 = arith.constant 32 : index
      %swap3A_1473 = tpu.vector_load %arg9[%swap3A_1471, %swap3A_1472] {strides = array<i32>} : memref<50x128xf32, #tpu.memory_space<vmem>>, vector<1x16xf32>,
      %swap3A_1474 = vector.shape_cast %swap3A_1473 : vector<1x16xf32> to vector<16xf32>
      %swap3A_1475 = vector.shape_cast %broadcast_in_dim3A_1469 : vector<16xf32> to vector<1x16xf32>
      tpu.vector_store %arg9[%swap3A_1471, %swap3A_1472], %swap3A_1475 {strides = array<i32>} : memref<50x128xf32, #tpu.memory_space<vmem>>, vector<1x16xf32>,
      %broadcast_in_dim3A_1476 = arith.constant 0.000000e+00 : f32
      %broadcast_in_dim3A_1477 = vector.broadcast %broadcast_in_dim3A_1476 : f32 to vector<16xf32>
      %swap3A_1478 = arith.constant 11 : i32
      %swap3A_1479 = arith.index_cast %swap3A_1478 : i32 to index
      %swap3A_1480 = arith.constant 48 : index
      %swap3A_1481 = tpu.vector_load %arg9[%swap3A_1479, %swap3A_1480] {strides = array<i32>} : memref<50x128xf32, #tpu.memory_space<vmem>>, vector<1x16xf32>,
      %swap3A_1482 = vector.shape_cast %swap3A_1481 : vector<1x16xf32> to vector<16xf32>
      %swap3A_1483 = vector.shape_cast %broadcast_in_dim3A_1477 : vector<16xf32> to vector<1x16xf32>
      tpu.vector_store %arg9[%swap3A_1479, %swap3A_1480], %swap3A_1483 {strides = array<i32>} : memref<50x128xf32, #tpu.memory_space<vmem>>, vector<1x16xf32>,
      %broadcast_in_dim3A_1484 = arith.constant 0.000000e+00 : f32
      %broadcast_in_dim3A_1485 = vector.broadcast %broadcast_in_dim3A_1484 : f32 to vector<16xf32>
      %swap3A_1486 = arith.constant 11 : i32
      %swap3A_1487 = arith.index_cast %swap3A_1486 : i32 to index
      %swap3A_1488 = arith.constant 64 : index
      %swap3A_1489 = tpu.vector_load %arg9[%swap3A_1487, %swap3A_1488] {strides = array<i32>} : memref<50x128xf32, #tpu.memory_space<vmem>>, vector<1x16xf32>,
      %swap3A_1490 = vector.shape_cast %swap3A_1489 : vector<1x16xf32> to vector<16xf32>
      %swap3A_1491 = vector.shape_cast %broadcast_in_dim3A_1485 : vector<16xf32> to vector<1x16xf32>
      tpu.vector_store %arg9[%swap3A_1487, %swap3A_1488], %swap3A_1491 {strides = array<i32>} : memref<50x128xf32, #tpu.memory_space<vmem>>, vector<1x16xf32>,
      %broadcast_in_dim3A_1492 = arith.constant 0.000000e+00 : f32
      %broadcast_in_dim3A_1493 = vector.broadcast %broadcast_in_dim3A_1492 : f32 to vector<16xf32>
      %swap3A_1494 = arith.constant 11 : i32
      %swap3A_1495 = arith.index_cast %swap3A_1494 : i32 to index
      %swap3A_1496 = arith.constant 80 : index
      %swap3A_1497 = tpu.vector_load %arg9[%swap3A_1495, %swap3A_1496] {strides = array<i32>} : memref<50x128xf32, #tpu.memory_space<vmem>>, vector<1x16xf32>,
      %swap3A_1498 = vector.shape_cast %swap3A_1497 : vector<1x16xf32> to vector<16xf32>
      %swap3A_1499 = vector.shape_cast %broadcast_in_dim3A_1493 : vector<16xf32> to vector<1x16xf32>
      tpu.vector_store %arg9[%swap3A_1495, %swap3A_1496], %swap3A_1499 {strides = array<i32>} : memref<50x128xf32, #tpu.memory_space<vmem>>, vector<1x16xf32>,
      %broadcast_in_dim3A_1500 = arith.constant 0.000000e+00 : f32
      %broadcast_in_dim3A_1501 = vector.broadcast %broadcast_in_dim3A_1500 : f32 to vector<16xf32>
      %swap3A_1502 = arith.constant 11 : i32
      %swap3A_1503 = arith.index_cast %swap3A_1502 : i32 to index
      %swap3A_1504 = arith.constant 96 : index
      %swap3A_1505 = tpu.vector_load %arg9[%swap3A_1503, %swap3A_1504] {strides = array<i32>} : memref<50x128xf32, #tpu.memory_space<vmem>>, vector<1x16xf32>,
      %swap3A_1506 = vector.shape_cast %swap3A_1505 : vector<1x16xf32> to vector<16xf32>
      %swap3A_1507 = vector.shape_cast %broadcast_in_dim3A_1501 : vector<16xf32> to vector<1x16xf32>
      tpu.vector_store %arg9[%swap3A_1503, %swap3A_1504], %swap3A_1507 {strides = array<i32>} : memref<50x128xf32, #tpu.memory_space<vmem>>, vector<1x16xf32>,
      %broadcast_in_dim3A_1508 = arith.constant 0.000000e+00 : f32
      %broadcast_in_dim3A_1509 = vector.broadcast %broadcast_in_dim3A_1508 : f32 to vector<16xf32>
      %swap3A_1510 = arith.constant 11 : i32
      %swap3A_1511 = arith.index_cast %swap3A_1510 : i32 to index
      %swap3A_1512 = arith.constant 112 : index
      %swap3A_1513 = tpu.vector_load %arg9[%swap3A_1511, %swap3A_1512] {strides = array<i32>} : memref<50x128xf32, #tpu.memory_space<vmem>>, vector<1x16xf32>,
      %swap3A_1514 = vector.shape_cast %swap3A_1513 : vector<1x16xf32> to vector<16xf32>
      %swap3A_1515 = vector.shape_cast %broadcast_in_dim3A_1509 : vector<16xf32> to vector<1x16xf32>
      tpu.vector_store %arg9[%swap3A_1511, %swap3A_1512], %swap3A_1515 {strides = array<i32>} : memref<50x128xf32, #tpu.memory_space<vmem>>, vector<1x16xf32>,
      %broadcast_in_dim3A_1516 = arith.constant 0.000000e+00 : f32
      %broadcast_in_dim3A_1517 = vector.broadcast %broadcast_in_dim3A_1516 : f32 to vector<16xf32>
      %swap3A_1518 = arith.constant 12 : i32
      %swap3A_1519 = arith.index_cast %swap3A_1518 : i32 to index
      %swap3A_1520 = arith.constant 0 : index
      %swap3A_1521 = tpu.vector_load %arg9[%swap3A_1519, %swap3A_1520] {strides = array<i32>} : memref<50x128xf32, #tpu.memory_space<vmem>>, vector<1x16xf32>,
      %swap3A_1522 = vector.shape_cast %swap3A_1521 : vector<1x16xf32> to vector<16xf32>
      %swap3A_1523 = vector.shape_cast %broadcast_in_dim3A_1517 : vector<16xf32> to vector<1x16xf32>
      tpu.vector_store %arg9[%swap3A_1519, %swap3A_1520], %swap3A_1523 {strides = array<i32>} : memref<50x128xf32, #tpu.memory_space<vmem>>, vector<1x16xf32>,
      %broadcast_in_dim3A_1524 = arith.constant 0.000000e+00 : f32
      %broadcast_in_dim3A_1525 = vector.broadcast %broadcast_in_dim3A_1524 : f32 to vector<16xf32>
      %swap3A_1526 = arith.constant 12 : i32
      %swap3A_1527 = arith.index_cast %swap3A_1526 : i32 to index
      %swap3A_1528 = arith.constant 16 : index
      %swap3A_1529 = tpu.vector_load %arg9[%swap3A_1527, %swap3A_1528] {strides = array<i32>} : memref<50x128xf32, #tpu.memory_space<vmem>>, vector<1x16xf32>,
      %swap3A_1530 = vector.shape_cast %swap3A_1529 : vector<1x16xf32> to vector<16xf32>
      %swap3A_1531 = vector.shape_cast %broadcast_in_dim3A_1525 : vector<16xf32> to vector<1x16xf32>
      tpu.vector_store %arg9[%swap3A_1527, %swap3A_1528], %swap3A_1531 {strides = array<i32>} : memref<50x128xf32, #tpu.memory_space<vmem>>, vector<1x16xf32>,
      %broadcast_in_dim3A_1532 = arith.constant 0.000000e+00 : f32
      %broadcast_in_dim3A_1533 = vector.broadcast %broadcast_in_dim3A_1532 : f32 to vector<16xf32>
      %swap3A_1534 = arith.constant 12 : i32
      %swap3A_1535 = arith.index_cast %swap3A_1534 : i32 to index
      %swap3A_1536 = arith.constant 32 : index
      %swap3A_1537 = tpu.vector_load %arg9[%swap3A_1535, %swap3A_1536] {strides = array<i32>} : memref<50x128xf32, #tpu.memory_space<vmem>>, vector<1x16xf32>,
      %swap3A_1538 = vector.shape_cast %swap3A_1537 : vector<1x16xf32> to vector<16xf32>
      %swap3A_1539 = vector.shape_cast %broadcast_in_dim3A_1533 : vector<16xf32> to vector<1x16xf32>
      tpu.vector_store %arg9[%swap3A_1535, %swap3A_1536], %swap3A_1539 {strides = array<i32>} : memref<50x128xf32, #tpu.memory_space<vmem>>, vector<1x16xf32>,
      %broadcast_in_dim3A_1540 = arith.constant 0.000000e+00 : f32
      %broadcast_in_dim3A_1541 = vector.broadcast %broadcast_in_dim3A_1540 : f32 to vector<16xf32>
      %swap3A_1542 = arith.constant 12 : i32
      %swap3A_1543 = arith.index_cast %swap3A_1542 : i32 to index
      %swap3A_1544 = arith.constant 48 : index
      %swap3A_1545 = tpu.vector_load %arg9[%swap3A_1543, %swap3A_1544] {strides = array<i32>} : memref<50x128xf32, #tpu.memory_space<vmem>>, vector<1x16xf32>,
      %swap3A_1546 = vector.shape_cast %swap3A_1545 : vector<1x16xf32> to vector<16xf32>
      %swap3A_1547 = vector.shape_cast %broadcast_in_dim3A_1541 : vector<16xf32> to vector<1x16xf32>
      tpu.vector_store %arg9[%swap3A_1543, %swap3A_1544], %swap3A_1547 {strides = array<i32>} : memref<50x128xf32, #tpu.memory_space<vmem>>, vector<1x16xf32>,
      %broadcast_in_dim3A_1548 = arith.constant 0.000000e+00 : f32
      %broadcast_in_dim3A_1549 = vector.broadcast %broadcast_in_dim3A_1548 : f32 to vector<16xf32>
      %swap3A_1550 = arith.constant 12 : i32
      %swap3A_1551 = arith.index_cast %swap3A_1550 : i32 to index
      %swap3A_1552 = arith.constant 64 : index
      %swap3A_1553 = tpu.vector_load %arg9[%swap3A_1551, %swap3A_1552] {strides = array<i32>} : memref<50x128xf32, #tpu.memory_space<vmem>>, vector<1x16xf32>,
      %swap3A_1554 = vector.shape_cast %swap3A_1553 : vector<1x16xf32> to vector<16xf32>
      %swap3A_1555 = vector.shape_cast %broadcast_in_dim3A_1549 : vector<16xf32> to vector<1x16xf32>
      tpu.vector_store %arg9[%swap3A_1551, %swap3A_1552], %swap3A_1555 {strides = array<i32>} : memref<50x128xf32, #tpu.memory_space<vmem>>, vector<1x16xf32>,
      %broadcast_in_dim3A_1556 = arith.constant 0.000000e+00 : f32
      %broadcast_in_dim3A_1557 = vector.broadcast %broadcast_in_dim3A_1556 : f32 to vector<16xf32>
      %swap3A_1558 = arith.constant 12 : i32
      %swap3A_1559 = arith.index_cast %swap3A_1558 : i32 to index
      %swap3A_1560 = arith.constant 80 : index
      %swap3A_1561 = tpu.vector_load %arg9[%swap3A_1559, %swap3A_1560] {strides = array<i32>} : memref<50x128xf32, #tpu.memory_space<vmem>>, vector<1x16xf32>,
      %swap3A_1562 = vector.shape_cast %swap3A_1561 : vector<1x16xf32> to vector<16xf32>
      %swap3A_1563 = vector.shape_cast %broadcast_in_dim3A_1557 : vector<16xf32> to vector<1x16xf32>
      tpu.vector_store %arg9[%swap3A_1559, %swap3A_1560], %swap3A_1563 {strides = array<i32>} : memref<50x128xf32, #tpu.memory_space<vmem>>, vector<1x16xf32>,
      %broadcast_in_dim3A_1564 = arith.constant 0.000000e+00 : f32
      %broadcast_in_dim3A_1565 = vector.broadcast %broadcast_in_dim3A_1564 : f32 to vector<16xf32>
      %swap3A_1566 = arith.constant 12 : i32
      %swap3A_1567 = arith.index_cast %swap3A_1566 : i32 to index
      %swap3A_1568 = arith.constant 96 : index
      %swap3A_1569 = tpu.vector_load %arg9[%swap3A_1567, %swap3A_1568] {strides = array<i32>} : memref<50x128xf32, #tpu.memory_space<vmem>>, vector<1x16xf32>,
      %swap3A_1570 = vector.shape_cast %swap3A_1569 : vector<1x16xf32> to vector<16xf32>
      %swap3A_1571 = vector.shape_cast %broadcast_in_dim3A_1565 : vector<16xf32> to vector<1x16xf32>
      tpu.vector_store %arg9[%swap3A_1567, %swap3A_1568], %swap3A_1571 {strides = array<i32>} : memref<50x128xf32, #tpu.memory_space<vmem>>, vector<1x16xf32>,
      %broadcast_in_dim3A_1572 = arith.constant 0.000000e+00 : f32
      %broadcast_in_dim3A_1573 = vector.broadcast %broadcast_in_dim3A_1572 : f32 to vector<16xf32>
      %swap3A_1574 = arith.constant 12 : i32
      %swap3A_1575 = arith.index_cast %swap3A_1574 : i32 to index
      %swap3A_1576 = arith.constant 112 : index
      %swap3A_1577 = tpu.vector_load %arg9[%swap3A_1575, %swap3A_1576] {strides = array<i32>} : memref<50x128xf32, #tpu.memory_space<vmem>>, vector<1x16xf32>,
      %swap3A_1578 = vector.shape_cast %swap3A_1577 : vector<1x16xf32> to vector<16xf32>
      %swap3A_1579 = vector.shape_cast %broadcast_in_dim3A_1573 : vector<16xf32> to vector<1x16xf32>
      tpu.vector_store %arg9[%swap3A_1575, %swap3A_1576], %swap3A_1579 {strides = array<i32>} : memref<50x128xf32, #tpu.memory_space<vmem>>, vector<1x16xf32>,
      %broadcast_in_dim3A_1580 = arith.constant 0.000000e+00 : f32
      %broadcast_in_dim3A_1581 = vector.broadcast %broadcast_in_dim3A_1580 : f32 to vector<16xf32>
      %swap3A_1582 = arith.constant 13 : i32
      %swap3A_1583 = arith.index_cast %swap3A_1582 : i32 to index
      %swap3A_1584 = arith.constant 0 : index
      %swap3A_1585 = tpu.vector_load %arg9[%swap3A_1583, %swap3A_1584] {strides = array<i32>} : memref<50x128xf32, #tpu.memory_space<vmem>>, vector<1x16xf32>,
      %swap3A_1586 = vector.shape_cast %swap3A_1585 : vector<1x16xf32> to vector<16xf32>
      %swap3A_1587 = vector.shape_cast %broadcast_in_dim3A_1581 : vector<16xf32> to vector<1x16xf32>
      tpu.vector_store %arg9[%swap3A_1583, %swap3A_1584], %swap3A_1587 {strides = array<i32>} : memref<50x128xf32, #tpu.memory_space<vmem>>, vector<1x16xf32>,
      %broadcast_in_dim3A_1588 = arith.constant 0.000000e+00 : f32
      %broadcast_in_dim3A_1589 = vector.broadcast %broadcast_in_dim3A_1588 : f32 to vector<16xf32>
      %swap3A_1590 = arith.constant 13 : i32
      %swap3A_1591 = arith.index_cast %swap3A_1590 : i32 to index
      %swap3A_1592 = arith.constant 16 : index
      %swap3A_1593 = tpu.vector_load %arg9[%swap3A_1591, %swap3A_1592] {strides = array<i32>} : memref<50x128xf32, #tpu.memory_space<vmem>>, vector<1x16xf32>,
      %swap3A_1594 = vector.shape_cast %swap3A_1593 : vector<1x16xf32> to vector<16xf32>
      %swap3A_1595 = vector.shape_cast %broadcast_in_dim3A_1589 : vector<16xf32> to vector<1x16xf32>
      tpu.vector_store %arg9[%swap3A_1591, %swap3A_1592], %swap3A_1595 {strides = array<i32>} : memref<50x128xf32, #tpu.memory_space<vmem>>, vector<1x16xf32>,
      %broadcast_in_dim3A_1596 = arith.constant 0.000000e+00 : f32
      %broadcast_in_dim3A_1597 = vector.broadcast %broadcast_in_dim3A_1596 : f32 to vector<16xf32>
      %swap3A_1598 = arith.constant 13 : i32
      %swap3A_1599 = arith.index_cast %swap3A_1598 : i32 to index
      %swap3A_1600 = arith.constant 32 : index
      %swap3A_1601 = tpu.vector_load %arg9[%swap3A_1599, %swap3A_1600] {strides = array<i32>} : memref<50x128xf32, #tpu.memory_space<vmem>>, vector<1x16xf32>,
      %swap3A_1602 = vector.shape_cast %swap3A_1601 : vector<1x16xf32> to vector<16xf32>
      %swap3A_1603 = vector.shape_cast %broadcast_in_dim3A_1597 : vector<16xf32> to vector<1x16xf32>
      tpu.vector_store %arg9[%swap3A_1599, %swap3A_1600], %swap3A_1603 {strides = array<i32>} : memref<50x128xf32, #tpu.memory_space<vmem>>, vector<1x16xf32>,
      %broadcast_in_dim3A_1604 = arith.constant 0.000000e+00 : f32
      %broadcast_in_dim3A_1605 = vector.broadcast %broadcast_in_dim3A_1604 : f32 to vector<16xf32>
      %swap3A_1606 = arith.constant 13 : i32
      %swap3A_1607 = arith.index_cast %swap3A_1606 : i32 to index
      %swap3A_1608 = arith.constant 48 : index
      %swap3A_1609 = tpu.vector_load %arg9[%swap3A_1607, %swap3A_1608] {strides = array<i32>} : memref<50x128xf32, #tpu.memory_space<vmem>>, vector<1x16xf32>,
      %swap3A_1610 = vector.shape_cast %swap3A_1609 : vector<1x16xf32> to vector<16xf32>
      %swap3A_1611 = vector.shape_cast %broadcast_in_dim3A_1605 : vector<16xf32> to vector<1x16xf32>
      tpu.vector_store %arg9[%swap3A_1607, %swap3A_1608], %swap3A_1611 {strides = array<i32>} : memref<50x128xf32, #tpu.memory_space<vmem>>, vector<1x16xf32>,
      %broadcast_in_dim3A_1612 = arith.constant 0.000000e+00 : f32
      %broadcast_in_dim3A_1613 = vector.broadcast %broadcast_in_dim3A_1612 : f32 to vector<16xf32>
      %swap3A_1614 = arith.constant 13 : i32
      %swap3A_1615 = arith.index_cast %swap3A_1614 : i32 to index
      %swap3A_1616 = arith.constant 64 : index
      %swap3A_1617 = tpu.vector_load %arg9[%swap3A_1615, %swap3A_1616] {strides = array<i32>} : memref<50x128xf32, #tpu.memory_space<vmem>>, vector<1x16xf32>,
      %swap3A_1618 = vector.shape_cast %swap3A_1617 : vector<1x16xf32> to vector<16xf32>
      %swap3A_1619 = vector.shape_cast %broadcast_in_dim3A_1613 : vector<16xf32> to vector<1x16xf32>
      tpu.vector_store %arg9[%swap3A_1615, %swap3A_1616], %swap3A_1619 {strides = array<i32>} : memref<50x128xf32, #tpu.memory_space<vmem>>, vector<1x16xf32>,
      %broadcast_in_dim3A_1620 = arith.constant 0.000000e+00 : f32
      %broadcast_in_dim3A_1621 = vector.broadcast %broadcast_in_dim3A_1620 : f32 to vector<16xf32>
      %swap3A_1622 = arith.constant 13 : i32
      %swap3A_1623 = arith.index_cast %swap3A_1622 : i32 to index
      %swap3A_1624 = arith.constant 80 : index
      %swap3A_1625 = tpu.vector_load %arg9[%swap3A_1623, %swap3A_1624] {strides = array<i32>} : memref<50x128xf32, #tpu.memory_space<vmem>>, vector<1x16xf32>,
      %swap3A_1626 = vector.shape_cast %swap3A_1625 : vector<1x16xf32> to vector<16xf32>
      %swap3A_1627 = vector.shape_cast %broadcast_in_dim3A_1621 : vector<16xf32> to vector<1x16xf32>
      tpu.vector_store %arg9[%swap3A_1623, %swap3A_1624], %swap3A_1627 {strides = array<i32>} : memref<50x128xf32, #tpu.memory_space<vmem>>, vector<1x16xf32>,
      %broadcast_in_dim3A_1628 = arith.constant 0.000000e+00 : f32
      %broadcast_in_dim3A_1629 = vector.broadcast %broadcast_in_dim3A_1628 : f32 to vector<16xf32>
      %swap3A_1630 = arith.constant 13 : i32
      %swap3A_1631 = arith.index_cast %swap3A_1630 : i32 to index
      %swap3A_1632 = arith.constant 96 : index
      %swap3A_1633 = tpu.vector_load %arg9[%swap3A_1631, %swap3A_1632] {strides = array<i32>} : memref<50x128xf32, #tpu.memory_space<vmem>>, vector<1x16xf32>,
      %swap3A_1634 = vector.shape_cast %swap3A_1633 : vector<1x16xf32> to vector<16xf32>
      %swap3A_1635 = vector.shape_cast %broadcast_in_dim3A_1629 : vector<16xf32> to vector<1x16xf32>
      tpu.vector_store %arg9[%swap3A_1631, %swap3A_1632], %swap3A_1635 {strides = array<i32>} : memref<50x128xf32, #tpu.memory_space<vmem>>, vector<1x16xf32>,
      %broadcast_in_dim3A_1636 = arith.constant 0.000000e+00 : f32
      %broadcast_in_dim3A_1637 = vector.broadcast %broadcast_in_dim3A_1636 : f32 to vector<16xf32>
      %swap3A_1638 = arith.constant 13 : i32
      %swap3A_1639 = arith.index_cast %swap3A_1638 : i32 to index
      %swap3A_1640 = arith.constant 112 : index
      %swap3A_1641 = tpu.vector_load %arg9[%swap3A_1639, %swap3A_1640] {strides = array<i32>} : memref<50x128xf32, #tpu.memory_space<vmem>>, vector<1x16xf32>,
      %swap3A_1642 = vector.shape_cast %swap3A_1641 : vector<1x16xf32> to vector<16xf32>
      %swap3A_1643 = vector.shape_cast %broadcast_in_dim3A_1637 : vector<16xf32> to vector<1x16xf32>
      tpu.vector_store %arg9[%swap3A_1639, %swap3A_1640], %swap3A_1643 {strides = array<i32>} : memref<50x128xf32, #tpu.memory_space<vmem>>, vector<1x16xf32>,
      %broadcast_in_dim3A_1644 = arith.constant 0.000000e+00 : f32
      %broadcast_in_dim3A_1645 = vector.broadcast %broadcast_in_dim3A_1644 : f32 to vector<16xf32>
      %swap3A_1646 = arith.constant 14 : i32
      %swap3A_1647 = arith.index_cast %swap3A_1646 : i32 to index
      %swap3A_1648 = arith.constant 0 : index
      %swap3A_1649 = tpu.vector_load %arg9[%swap3A_1647, %swap3A_1648] {strides = array<i32>} : memref<50x128xf32, #tpu.memory_space<vmem>>, vector<1x16xf32>,
      %swap3A_1650 = vector.shape_cast %swap3A_1649 : vector<1x16xf32> to vector<16xf32>
      %swap3A_1651 = vector.shape_cast %broadcast_in_dim3A_1645 : vector<16xf32> to vector<1x16xf32>
      tpu.vector_store %arg9[%swap3A_1647, %swap3A_1648], %swap3A_1651 {strides = array<i32>} : memref<50x128xf32, #tpu.memory_space<vmem>>, vector<1x16xf32>,
      %broadcast_in_dim3A_1652 = arith.constant 0.000000e+00 : f32
      %broadcast_in_dim3A_1653 = vector.broadcast %broadcast_in_dim3A_1652 : f32 to vector<16xf32>
      %swap3A_1654 = arith.constant 14 : i32
      %swap3A_1655 = arith.index_cast %swap3A_1654 : i32 to index
      %swap3A_1656 = arith.constant 16 : index
      %swap3A_1657 = tpu.vector_load %arg9[%swap3A_1655, %swap3A_1656] {strides = array<i32>} : memref<50x128xf32, #tpu.memory_space<vmem>>, vector<1x16xf32>,
      %swap3A_1658 = vector.shape_cast %swap3A_1657 : vector<1x16xf32> to vector<16xf32>
      %swap3A_1659 = vector.shape_cast %broadcast_in_dim3A_1653 : vector<16xf32> to vector<1x16xf32>
      tpu.vector_store %arg9[%swap3A_1655, %swap3A_1656], %swap3A_1659 {strides = array<i32>} : memref<50x128xf32, #tpu.memory_space<vmem>>, vector<1x16xf32>,
      %broadcast_in_dim3A_1660 = arith.constant 0.000000e+00 : f32
      %broadcast_in_dim3A_1661 = vector.broadcast %broadcast_in_dim3A_1660 : f32 to vector<16xf32>
      %swap3A_1662 = arith.constant 14 : i32
      %swap3A_1663 = arith.index_cast %swap3A_1662 : i32 to index
      %swap3A_1664 = arith.constant 32 : index
      %swap3A_1665 = tpu.vector_load %arg9[%swap3A_1663, %swap3A_1664] {strides = array<i32>} : memref<50x128xf32, #tpu.memory_space<vmem>>, vector<1x16xf32>,
      %swap3A_1666 = vector.shape_cast %swap3A_1665 : vector<1x16xf32> to vector<16xf32>
      %swap3A_1667 = vector.shape_cast %broadcast_in_dim3A_1661 : vector<16xf32> to vector<1x16xf32>
      tpu.vector_store %arg9[%swap3A_1663, %swap3A_1664], %swap3A_1667 {strides = array<i32>} : memref<50x128xf32, #tpu.memory_space<vmem>>, vector<1x16xf32>,
      %broadcast_in_dim3A_1668 = arith.constant 0.000000e+00 : f32
      %broadcast_in_dim3A_1669 = vector.broadcast %broadcast_in_dim3A_1668 : f32 to vector<16xf32>
      %swap3A_1670 = arith.constant 14 : i32
      %swap3A_1671 = arith.index_cast %swap3A_1670 : i32 to index
      %swap3A_1672 = arith.constant 48 : index
      %swap3A_1673 = tpu.vector_load %arg9[%swap3A_1671, %swap3A_1672] {strides = array<i32>} : memref<50x128xf32, #tpu.memory_space<vmem>>, vector<1x16xf32>,
      %swap3A_1674 = vector.shape_cast %swap3A_1673 : vector<1x16xf32> to vector<16xf32>
      %swap3A_1675 = vector.shape_cast %broadcast_in_dim3A_1669 : vector<16xf32> to vector<1x16xf32>
      tpu.vector_store %arg9[%swap3A_1671, %swap3A_1672], %swap3A_1675 {strides = array<i32>} : memref<50x128xf32, #tpu.memory_space<vmem>>, vector<1x16xf32>,
      %broadcast_in_dim3A_1676 = arith.constant 0.000000e+00 : f32
      %broadcast_in_dim3A_1677 = vector.broadcast %broadcast_in_dim3A_1676 : f32 to vector<16xf32>
      %swap3A_1678 = arith.constant 14 : i32
      %swap3A_1679 = arith.index_cast %swap3A_1678 : i32 to index
      %swap3A_1680 = arith.constant 64 : index
      %swap3A_1681 = tpu.vector_load %arg9[%swap3A_1679, %swap3A_1680] {strides = array<i32>} : memref<50x128xf32, #tpu.memory_space<vmem>>, vector<1x16xf32>,
      %swap3A_1682 = vector.shape_cast %swap3A_1681 : vector<1x16xf32> to vector<16xf32>
      %swap3A_1683 = vector.shape_cast %broadcast_in_dim3A_1677 : vector<16xf32> to vector<1x16xf32>
      tpu.vector_store %arg9[%swap3A_1679, %swap3A_1680], %swap3A_1683 {strides = array<i32>} : memref<50x128xf32, #tpu.memory_space<vmem>>, vector<1x16xf32>,
      %broadcast_in_dim3A_1684 = arith.constant 0.000000e+00 : f32
      %broadcast_in_dim3A_1685 = vector.broadcast %broadcast_in_dim3A_1684 : f32 to vector<16xf32>
      %swap3A_1686 = arith.constant 14 : i32
      %swap3A_1687 = arith.index_cast %swap3A_1686 : i32 to index
      %swap3A_1688 = arith.constant 80 : index
      %swap3A_1689 = tpu.vector_load %arg9[%swap3A_1687, %swap3A_1688] {strides = array<i32>} : memref<50x128xf32, #tpu.memory_space<vmem>>, vector<1x16xf32>,
      %swap3A_1690 = vector.shape_cast %swap3A_1689 : vector<1x16xf32> to vector<16xf32>
      %swap3A_1691 = vector.shape_cast %broadcast_in_dim3A_1685 : vector<16xf32> to vector<1x16xf32>
      tpu.vector_store %arg9[%swap3A_1687, %swap3A_1688], %swap3A_1691 {strides = array<i32>} : memref<50x128xf32, #tpu.memory_space<vmem>>, vector<1x16xf32>,
      %broadcast_in_dim3A_1692 = arith.constant 0.000000e+00 : f32
      %broadcast_in_dim3A_1693 = vector.broadcast %broadcast_in_dim3A_1692 : f32 to vector<16xf32>
      %swap3A_1694 = arith.constant 14 : i32
      %swap3A_1695 = arith.index_cast %swap3A_1694 : i32 to index
      %swap3A_1696 = arith.constant 96 : index
      %swap3A_1697 = tpu.vector_load %arg9[%swap3A_1695, %swap3A_1696] {strides = array<i32>} : memref<50x128xf32, #tpu.memory_space<vmem>>, vector<1x16xf32>,
      %swap3A_1698 = vector.shape_cast %swap3A_1697 : vector<1x16xf32> to vector<16xf32>
      %swap3A_1699 = vector.shape_cast %broadcast_in_dim3A_1693 : vector<16xf32> to vector<1x16xf32>
      tpu.vector_store %arg9[%swap3A_1695, %swap3A_1696], %swap3A_1699 {strides = array<i32>} : memref<50x128xf32, #tpu.memory_space<vmem>>, vector<1x16xf32>,
      %broadcast_in_dim3A_1700 = arith.constant 0.000000e+00 : f32
      %broadcast_in_dim3A_1701 = vector.broadcast %broadcast_in_dim3A_1700 : f32 to vector<16xf32>
      %swap3A_1702 = arith.constant 14 : i32
      %swap3A_1703 = arith.index_cast %swap3A_1702 : i32 to index
      %swap3A_1704 = arith.constant 112 : index
      %swap3A_1705 = tpu.vector_load %arg9[%swap3A_1703, %swap3A_1704] {strides = array<i32>} : memref<50x128xf32, #tpu.memory_space<vmem>>, vector<1x16xf32>,
      %swap3A_1706 = vector.shape_cast %swap3A_1705 : vector<1x16xf32> to vector<16xf32>
      %swap3A_1707 = vector.shape_cast %broadcast_in_dim3A_1701 : vector<16xf32> to vector<1x16xf32>
      tpu.vector_store %arg9[%swap3A_1703, %swap3A_1704], %swap3A_1707 {strides = array<i32>} : memref<50x128xf32, #tpu.memory_space<vmem>>, vector<1x16xf32>,
      %broadcast_in_dim3A_1708 = arith.constant 0.000000e+00 : f32
      %broadcast_in_dim3A_1709 = vector.broadcast %broadcast_in_dim3A_1708 : f32 to vector<16xf32>
      %swap3A_1710 = arith.constant 15 : i32
      %swap3A_1711 = arith.index_cast %swap3A_1710 : i32 to index
      %swap3A_1712 = arith.constant 0 : index
      %swap3A_1713 = tpu.vector_load %arg9[%swap3A_1711, %swap3A_1712] {strides = array<i32>} : memref<50x128xf32, #tpu.memory_space<vmem>>, vector<1x16xf32>,
      %swap3A_1714 = vector.shape_cast %swap3A_1713 : vector<1x16xf32> to vector<16xf32>
      %swap3A_1715 = vector.shape_cast %broadcast_in_dim3A_1709 : vector<16xf32> to vector<1x16xf32>
      tpu.vector_store %arg9[%swap3A_1711, %swap3A_1712], %swap3A_1715 {strides = array<i32>} : memref<50x128xf32, #tpu.memory_space<vmem>>, vector<1x16xf32>,
      %broadcast_in_dim3A_1716 = arith.constant 0.000000e+00 : f32
      %broadcast_in_dim3A_1717 = vector.broadcast %broadcast_in_dim3A_1716 : f32 to vector<16xf32>
      %swap3A_1718 = arith.constant 15 : i32
      %swap3A_1719 = arith.index_cast %swap3A_1718 : i32 to index
      %swap3A_1720 = arith.constant 16 : index
      %swap3A_1721 = tpu.vector_load %arg9[%swap3A_1719, %swap3A_1720] {strides = array<i32>} : memref<50x128xf32, #tpu.memory_space<vmem>>, vector<1x16xf32>,
      %swap3A_1722 = vector.shape_cast %swap3A_1721 : vector<1x16xf32> to vector<16xf32>
      %swap3A_1723 = vector.shape_cast %broadcast_in_dim3A_1717 : vector<16xf32> to vector<1x16xf32>
      tpu.vector_store %arg9[%swap3A_1719, %swap3A_1720], %swap3A_1723 {strides = array<i32>} : memref<50x128xf32, #tpu.memory_space<vmem>>, vector<1x16xf32>,
      %broadcast_in_dim3A_1724 = arith.constant 0.000000e+00 : f32
      %broadcast_in_dim3A_1725 = vector.broadcast %broadcast_in_dim3A_1724 : f32 to vector<16xf32>
      %swap3A_1726 = arith.constant 15 : i32
      %swap3A_1727 = arith.index_cast %swap3A_1726 : i32 to index
      %swap3A_1728 = arith.constant 32 : index
      %swap3A_1729 = tpu.vector_load %arg9[%swap3A_1727, %swap3A_1728] {strides = array<i32>} : memref<50x128xf32, #tpu.memory_space<vmem>>, vector<1x16xf32>,
      %swap3A_1730 = vector.shape_cast %swap3A_1729 : vector<1x16xf32> to vector<16xf32>
      %swap3A_1731 = vector.shape_cast %broadcast_in_dim3A_1725 : vector<16xf32> to vector<1x16xf32>
      tpu.vector_store %arg9[%swap3A_1727, %swap3A_1728], %swap3A_1731 {strides = array<i32>} : memref<50x128xf32, #tpu.memory_space<vmem>>, vector<1x16xf32>,
      %broadcast_in_dim3A_1732 = arith.constant 0.000000e+00 : f32
      %broadcast_in_dim3A_1733 = vector.broadcast %broadcast_in_dim3A_1732 : f32 to vector<16xf32>
      %swap3A_1734 = arith.constant 15 : i32
      %swap3A_1735 = arith.index_cast %swap3A_1734 : i32 to index
      %swap3A_1736 = arith.constant 48 : index
      %swap3A_1737 = tpu.vector_load %arg9[%swap3A_1735, %swap3A_1736] {strides = array<i32>} : memref<50x128xf32, #tpu.memory_space<vmem>>, vector<1x16xf32>,
      %swap3A_1738 = vector.shape_cast %swap3A_1737 : vector<1x16xf32> to vector<16xf32>
      %swap3A_1739 = vector.shape_cast %broadcast_in_dim3A_1733 : vector<16xf32> to vector<1x16xf32>
      tpu.vector_store %arg9[%swap3A_1735, %swap3A_1736], %swap3A_1739 {strides = array<i32>} : memref<50x128xf32, #tpu.memory_space<vmem>>, vector<1x16xf32>,
      %broadcast_in_dim3A_1740 = arith.constant 0.000000e+00 : f32
      %broadcast_in_dim3A_1741 = vector.broadcast %broadcast_in_dim3A_1740 : f32 to vector<16xf32>
      %swap3A_1742 = arith.constant 15 : i32
      %swap3A_1743 = arith.index_cast %swap3A_1742 : i32 to index
      %swap3A_1744 = arith.constant 64 : index
      %swap3A_1745 = tpu.vector_load %arg9[%swap3A_1743, %swap3A_1744] {strides = array<i32>} : memref<50x128xf32, #tpu.memory_space<vmem>>, vector<1x16xf32>,
      %swap3A_1746 = vector.shape_cast %swap3A_1745 : vector<1x16xf32> to vector<16xf32>
      %swap3A_1747 = vector.shape_cast %broadcast_in_dim3A_1741 : vector<16xf32> to vector<1x16xf32>
      tpu.vector_store %arg9[%swap3A_1743, %swap3A_1744], %swap3A_1747 {strides = array<i32>} : memref<50x128xf32, #tpu.memory_space<vmem>>, vector<1x16xf32>,
      %broadcast_in_dim3A_1748 = arith.constant 0.000000e+00 : f32
      %broadcast_in_dim3A_1749 = vector.broadcast %broadcast_in_dim3A_1748 : f32 to vector<16xf32>
      %swap3A_1750 = arith.constant 15 : i32
      %swap3A_1751 = arith.index_cast %swap3A_1750 : i32 to index
      %swap3A_1752 = arith.constant 80 : index
      %swap3A_1753 = tpu.vector_load %arg9[%swap3A_1751, %swap3A_1752] {strides = array<i32>} : memref<50x128xf32, #tpu.memory_space<vmem>>, vector<1x16xf32>,
      %swap3A_1754 = vector.shape_cast %swap3A_1753 : vector<1x16xf32> to vector<16xf32>
      %swap3A_1755 = vector.shape_cast %broadcast_in_dim3A_1749 : vector<16xf32> to vector<1x16xf32>
      tpu.vector_store %arg9[%swap3A_1751, %swap3A_1752], %swap3A_1755 {strides = array<i32>} : memref<50x128xf32, #tpu.memory_space<vmem>>, vector<1x16xf32>,
      %broadcast_in_dim3A_1756 = arith.constant 0.000000e+00 : f32
      %broadcast_in_dim3A_1757 = vector.broadcast %broadcast_in_dim3A_1756 : f32 to vector<16xf32>
      %swap3A_1758 = arith.constant 15 : i32
      %swap3A_1759 = arith.index_cast %swap3A_1758 : i32 to index
      %swap3A_1760 = arith.constant 96 : index
      %swap3A_1761 = tpu.vector_load %arg9[%swap3A_1759, %swap3A_1760] {strides = array<i32>} : memref<50x128xf32, #tpu.memory_space<vmem>>, vector<1x16xf32>,
      %swap3A_1762 = vector.shape_cast %swap3A_1761 : vector<1x16xf32> to vector<16xf32>
      %swap3A_1763 = vector.shape_cast %broadcast_in_dim3A_1757 : vector<16xf32> to vector<1x16xf32>
      tpu.vector_store %arg9[%swap3A_1759, %swap3A_1760], %swap3A_1763 {strides = array<i32>} : memref<50x128xf32, #tpu.memory_space<vmem>>, vector<1x16xf32>,
      %broadcast_in_dim3A_1764 = arith.constant 0.000000e+00 : f32
      %broadcast_in_dim3A_1765 = vector.broadcast %broadcast_in_dim3A_1764 : f32 to vector<16xf32>
      %swap3A_1766 = arith.constant 15 : i32
      %swap3A_1767 = arith.index_cast %swap3A_1766 : i32 to index
      %swap3A_1768 = arith.constant 112 : index
      %swap3A_1769 = tpu.vector_load %arg9[%swap3A_1767, %swap3A_1768] {strides = array<i32>} : memref<50x128xf32, #tpu.memory_space<vmem>>, vector<1x16xf32>,
      %swap3A_1770 = vector.shape_cast %swap3A_1769 : vector<1x16xf32> to vector<16xf32>
      %swap3A_1771 = vector.shape_cast %broadcast_in_dim3A_1765 : vector<16xf32> to vector<1x16xf32>
      tpu.vector_store %arg9[%swap3A_1767, %swap3A_1768], %swap3A_1771 {strides = array<i32>} : memref<50x128xf32, #tpu.memory_space<vmem>>, vector<1x16xf32>,
      %broadcast_in_dim3A_1772 = arith.constant 0.000000e+00 : f32
      %broadcast_in_dim3A_1773 = vector.broadcast %broadcast_in_dim3A_1772 : f32 to vector<16xf32>
      %swap3A_1774 = arith.constant 16 : i32
      %swap3A_1775 = arith.index_cast %swap3A_1774 : i32 to index
      %swap3A_1776 = arith.constant 0 : index
      %swap3A_1777 = tpu.vector_load %arg9[%swap3A_1775, %swap3A_1776] {strides = array<i32>} : memref<50x128xf32, #tpu.memory_space<vmem>>, vector<1x16xf32>,
      %swap3A_1778 = vector.shape_cast %swap3A_1777 : vector<1x16xf32> to vector<16xf32>
      %swap3A_1779 = vector.shape_cast %broadcast_in_dim3A_1773 : vector<16xf32> to vector<1x16xf32>
      tpu.vector_store %arg9[%swap3A_1775, %swap3A_1776], %swap3A_1779 {strides = array<i32>} : memref<50x128xf32, #tpu.memory_space<vmem>>, vector<1x16xf32>,
      %broadcast_in_dim3A_1780 = arith.constant 0.000000e+00 : f32
      %broadcast_in_dim3A_1781 = vector.broadcast %broadcast_in_dim3A_1780 : f32 to vector<16xf32>
      %swap3A_1782 = arith.constant 16 : i32
      %swap3A_1783 = arith.index_cast %swap3A_1782 : i32 to index
      %swap3A_1784 = arith.constant 16 : index
      %swap3A_1785 = tpu.vector_load %arg9[%swap3A_1783, %swap3A_1784] {strides = array<i32>} : memref<50x128xf32, #tpu.memory_space<vmem>>, vector<1x16xf32>,
      %swap3A_1786 = vector.shape_cast %swap3A_1785 : vector<1x16xf32> to vector<16xf32>
      %swap3A_1787 = vector.shape_cast %broadcast_in_dim3A_1781 : vector<16xf32> to vector<1x16xf32>
      tpu.vector_store %arg9[%swap3A_1783, %swap3A_1784], %swap3A_1787 {strides = array<i32>} : memref<50x128xf32, #tpu.memory_space<vmem>>, vector<1x16xf32>,
      %broadcast_in_dim3A_1788 = arith.constant 0.000000e+00 : f32
      %broadcast_in_dim3A_1789 = vector.broadcast %broadcast_in_dim3A_1788 : f32 to vector<16xf32>
      %swap3A_1790 = arith.constant 16 : i32
      %swap3A_1791 = arith.index_cast %swap3A_1790 : i32 to index
      %swap3A_1792 = arith.constant 32 : index
      %swap3A_1793 = tpu.vector_load %arg9[%swap3A_1791, %swap3A_1792] {strides = array<i32>} : memref<50x128xf32, #tpu.memory_space<vmem>>, vector<1x16xf32>,
      %swap3A_1794 = vector.shape_cast %swap3A_1793 : vector<1x16xf32> to vector<16xf32>
      %swap3A_1795 = vector.shape_cast %broadcast_in_dim3A_1789 : vector<16xf32> to vector<1x16xf32>
      tpu.vector_store %arg9[%swap3A_1791, %swap3A_1792], %swap3A_1795 {strides = array<i32>} : memref<50x128xf32, #tpu.memory_space<vmem>>, vector<1x16xf32>,
      %broadcast_in_dim3A_1796 = arith.constant 0.000000e+00 : f32
      %broadcast_in_dim3A_1797 = vector.broadcast %broadcast_in_dim3A_1796 : f32 to vector<16xf32>
      %swap3A_1798 = arith.constant 16 : i32
      %swap3A_1799 = arith.index_cast %swap3A_1798 : i32 to index
      %swap3A_1800 = arith.constant 48 : index
      %swap3A_1801 = tpu.vector_load %arg9[%swap3A_1799, %swap3A_1800] {strides = array<i32>} : memref<50x128xf32, #tpu.memory_space<vmem>>, vector<1x16xf32>,
      %swap3A_1802 = vector.shape_cast %swap3A_1801 : vector<1x16xf32> to vector<16xf32>
      %swap3A_1803 = vector.shape_cast %broadcast_in_dim3A_1797 : vector<16xf32> to vector<1x16xf32>
      tpu.vector_store %arg9[%swap3A_1799, %swap3A_1800], %swap3A_1803 {strides = array<i32>} : memref<50x128xf32, #tpu.memory_space<vmem>>, vector<1x16xf32>,
      %broadcast_in_dim3A_1804 = arith.constant 0.000000e+00 : f32
      %broadcast_in_dim3A_1805 = vector.broadcast %broadcast_in_dim3A_1804 : f32 to vector<16xf32>
      %swap3A_1806 = arith.constant 16 : i32
      %swap3A_1807 = arith.index_cast %swap3A_1806 : i32 to index
      %swap3A_1808 = arith.constant 64 : index
      %swap3A_1809 = tpu.vector_load %arg9[%swap3A_1807, %swap3A_1808] {strides = array<i32>} : memref<50x128xf32, #tpu.memory_space<vmem>>, vector<1x16xf32>,
      %swap3A_1810 = vector.shape_cast %swap3A_1809 : vector<1x16xf32> to vector<16xf32>
      %swap3A_1811 = vector.shape_cast %broadcast_in_dim3A_1805 : vector<16xf32> to vector<1x16xf32>
      tpu.vector_store %arg9[%swap3A_1807, %swap3A_1808], %swap3A_1811 {strides = array<i32>} : memref<50x128xf32, #tpu.memory_space<vmem>>, vector<1x16xf32>,
      %broadcast_in_dim3A_1812 = arith.constant 0.000000e+00 : f32
      %broadcast_in_dim3A_1813 = vector.broadcast %broadcast_in_dim3A_1812 : f32 to vector<16xf32>
      %swap3A_1814 = arith.constant 16 : i32
      %swap3A_1815 = arith.index_cast %swap3A_1814 : i32 to index
      %swap3A_1816 = arith.constant 80 : index
      %swap3A_1817 = tpu.vector_load %arg9[%swap3A_1815, %swap3A_1816] {strides = array<i32>} : memref<50x128xf32, #tpu.memory_space<vmem>>, vector<1x16xf32>,
      %swap3A_1818 = vector.shape_cast %swap3A_1817 : vector<1x16xf32> to vector<16xf32>
      %swap3A_1819 = vector.shape_cast %broadcast_in_dim3A_1813 : vector<16xf32> to vector<1x16xf32>
      tpu.vector_store %arg9[%swap3A_1815, %swap3A_1816], %swap3A_1819 {strides = array<i32>} : memref<50x128xf32, #tpu.memory_space<vmem>>, vector<1x16xf32>,
      %broadcast_in_dim3A_1820 = arith.constant 0.000000e+00 : f32
      %broadcast_in_dim3A_1821 = vector.broadcast %broadcast_in_dim3A_1820 : f32 to vector<16xf32>
      %swap3A_1822 = arith.constant 16 : i32
      %swap3A_1823 = arith.index_cast %swap3A_1822 : i32 to index
      %swap3A_1824 = arith.constant 96 : index
      %swap3A_1825 = tpu.vector_load %arg9[%swap3A_1823, %swap3A_1824] {strides = array<i32>} : memref<50x128xf32, #tpu.memory_space<vmem>>, vector<1x16xf32>,
      %swap3A_1826 = vector.shape_cast %swap3A_1825 : vector<1x16xf32> to vector<16xf32>
      %swap3A_1827 = vector.shape_cast %broadcast_in_dim3A_1821 : vector<16xf32> to vector<1x16xf32>
      tpu.vector_store %arg9[%swap3A_1823, %swap3A_1824], %swap3A_1827 {strides = array<i32>} : memref<50x128xf32, #tpu.memory_space<vmem>>, vector<1x16xf32>,
      %broadcast_in_dim3A_1828 = arith.constant 0.000000e+00 : f32
      %broadcast_in_dim3A_1829 = vector.broadcast %broadcast_in_dim3A_1828 : f32 to vector<16xf32>
      %swap3A_1830 = arith.constant 16 : i32
      %swap3A_1831 = arith.index_cast %swap3A_1830 : i32 to index
      %swap3A_1832 = arith.constant 112 : index
      %swap3A_1833 = tpu.vector_load %arg9[%swap3A_1831, %swap3A_1832] {strides = array<i32>} : memref<50x128xf32, #tpu.memory_space<vmem>>, vector<1x16xf32>,
      %swap3A_1834 = vector.shape_cast %swap3A_1833 : vector<1x16xf32> to vector<16xf32>
      %swap3A_1835 = vector.shape_cast %broadcast_in_dim3A_1829 : vector<16xf32> to vector<1x16xf32>
      tpu.vector_store %arg9[%swap3A_1831, %swap3A_1832], %swap3A_1835 {strides = array<i32>} : memref<50x128xf32, #tpu.memory_space<vmem>>, vector<1x16xf32>,
      %broadcast_in_dim3A_1836 = arith.constant 0.000000e+00 : f32
      %broadcast_in_dim3A_1837 = vector.broadcast %broadcast_in_dim3A_1836 : f32 to vector<16xf32>
      %swap3A_1838 = arith.constant 17 : i32
      %swap3A_1839 = arith.index_cast %swap3A_1838 : i32 to index
      %swap3A_1840 = arith.constant 0 : index
      %swap3A_1841 = tpu.vector_load %arg9[%swap3A_1839, %swap3A_1840] {strides = array<i32>} : memref<50x128xf32, #tpu.memory_space<vmem>>, vector<1x16xf32>,
      %swap3A_1842 = vector.shape_cast %swap3A_1841 : vector<1x16xf32> to vector<16xf32>
      %swap3A_1843 = vector.shape_cast %broadcast_in_dim3A_1837 : vector<16xf32> to vector<1x16xf32>
      tpu.vector_store %arg9[%swap3A_1839, %swap3A_1840], %swap3A_1843 {strides = array<i32>} : memref<50x128xf32, #tpu.memory_space<vmem>>, vector<1x16xf32>,
      %broadcast_in_dim3A_1844 = arith.constant 0.000000e+00 : f32
      %broadcast_in_dim3A_1845 = vector.broadcast %broadcast_in_dim3A_1844 : f32 to vector<16xf32>
      %swap3A_1846 = arith.constant 17 : i32
      %swap3A_1847 = arith.index_cast %swap3A_1846 : i32 to index
      %swap3A_1848 = arith.constant 16 : index
      %swap3A_1849 = tpu.vector_load %arg9[%swap3A_1847, %swap3A_1848] {strides = array<i32>} : memref<50x128xf32, #tpu.memory_space<vmem>>, vector<1x16xf32>,
      %swap3A_1850 = vector.shape_cast %swap3A_1849 : vector<1x16xf32> to vector<16xf32>
      %swap3A_1851 = vector.shape_cast %broadcast_in_dim3A_1845 : vector<16xf32> to vector<1x16xf32>
      tpu.vector_store %arg9[%swap3A_1847, %swap3A_1848], %swap3A_1851 {strides = array<i32>} : memref<50x128xf32, #tpu.memory_space<vmem>>, vector<1x16xf32>,
      %broadcast_in_dim3A_1852 = arith.constant 0.000000e+00 : f32
      %broadcast_in_dim3A_1853 = vector.broadcast %broadcast_in_dim3A_1852 : f32 to vector<16xf32>
      %swap3A_1854 = arith.constant 17 : i32
      %swap3A_1855 = arith.index_cast %swap3A_1854 : i32 to index
      %swap3A_1856 = arith.constant 32 : index
      %swap3A_1857 = tpu.vector_load %arg9[%swap3A_1855, %swap3A_1856] {strides = array<i32>} : memref<50x128xf32, #tpu.memory_space<vmem>>, vector<1x16xf32>,
      %swap3A_1858 = vector.shape_cast %swap3A_1857 : vector<1x16xf32> to vector<16xf32>
      %swap3A_1859 = vector.shape_cast %broadcast_in_dim3A_1853 : vector<16xf32> to vector<1x16xf32>
      tpu.vector_store %arg9[%swap3A_1855, %swap3A_1856], %swap3A_1859 {strides = array<i32>} : memref<50x128xf32, #tpu.memory_space<vmem>>, vector<1x16xf32>,
      %broadcast_in_dim3A_1860 = arith.constant 0.000000e+00 : f32
      %broadcast_in_dim3A_1861 = vector.broadcast %broadcast_in_dim3A_1860 : f32 to vector<16xf32>
      %swap3A_1862 = arith.constant 17 : i32
      %swap3A_1863 = arith.index_cast %swap3A_1862 : i32 to index
      %swap3A_1864 = arith.constant 48 : index
      %swap3A_1865 = tpu.vector_load %arg9[%swap3A_1863, %swap3A_1864] {strides = array<i32>} : memref<50x128xf32, #tpu.memory_space<vmem>>, vector<1x16xf32>,
      %swap3A_1866 = vector.shape_cast %swap3A_1865 : vector<1x16xf32> to vector<16xf32>
      %swap3A_1867 = vector.shape_cast %broadcast_in_dim3A_1861 : vector<16xf32> to vector<1x16xf32>
      tpu.vector_store %arg9[%swap3A_1863, %swap3A_1864], %swap3A_1867 {strides = array<i32>} : memref<50x128xf32, #tpu.memory_space<vmem>>, vector<1x16xf32>,
      %broadcast_in_dim3A_1868 = arith.constant 0.000000e+00 : f32
      %broadcast_in_dim3A_1869 = vector.broadcast %broadcast_in_dim3A_1868 : f32 to vector<16xf32>
      %swap3A_1870 = arith.constant 17 : i32
      %swap3A_1871 = arith.index_cast %swap3A_1870 : i32 to index
      %swap3A_1872 = arith.constant 64 : index
      %swap3A_1873 = tpu.vector_load %arg9[%swap3A_1871, %swap3A_1872] {strides = array<i32>} : memref<50x128xf32, #tpu.memory_space<vmem>>, vector<1x16xf32>,
      %swap3A_1874 = vector.shape_cast %swap3A_1873 : vector<1x16xf32> to vector<16xf32>
      %swap3A_1875 = vector.shape_cast %broadcast_in_dim3A_1869 : vector<16xf32> to vector<1x16xf32>
      tpu.vector_store %arg9[%swap3A_1871, %swap3A_1872], %swap3A_1875 {strides = array<i32>} : memref<50x128xf32, #tpu.memory_space<vmem>>, vector<1x16xf32>,
      %broadcast_in_dim3A_1876 = arith.constant 0.000000e+00 : f32
      %broadcast_in_dim3A_1877 = vector.broadcast %broadcast_in_dim3A_1876 : f32 to vector<16xf32>
      %swap3A_1878 = arith.constant 17 : i32
      %swap3A_1879 = arith.index_cast %swap3A_1878 : i32 to index
      %swap3A_1880 = arith.constant 80 : index
      %swap3A_1881 = tpu.vector_load %arg9[%swap3A_1879, %swap3A_1880] {strides = array<i32>} : memref<50x128xf32, #tpu.memory_space<vmem>>, vector<1x16xf32>,
      %swap3A_1882 = vector.shape_cast %swap3A_1881 : vector<1x16xf32> to vector<16xf32>
      %swap3A_1883 = vector.shape_cast %broadcast_in_dim3A_1877 : vector<16xf32> to vector<1x16xf32>
      tpu.vector_store %arg9[%swap3A_1879, %swap3A_1880], %swap3A_1883 {strides = array<i32>} : memref<50x128xf32, #tpu.memory_space<vmem>>, vector<1x16xf32>,
      %broadcast_in_dim3A_1884 = arith.constant 0.000000e+00 : f32
      %broadcast_in_dim3A_1885 = vector.broadcast %broadcast_in_dim3A_1884 : f32 to vector<16xf32>
      %swap3A_1886 = arith.constant 17 : i32
      %swap3A_1887 = arith.index_cast %swap3A_1886 : i32 to index
      %swap3A_1888 = arith.constant 96 : index
      %swap3A_1889 = tpu.vector_load %arg9[%swap3A_1887, %swap3A_1888] {strides = array<i32>} : memref<50x128xf32, #tpu.memory_space<vmem>>, vector<1x16xf32>,
      %swap3A_1890 = vector.shape_cast %swap3A_1889 : vector<1x16xf32> to vector<16xf32>
      %swap3A_1891 = vector.shape_cast %broadcast_in_dim3A_1885 : vector<16xf32> to vector<1x16xf32>
      tpu.vector_store %arg9[%swap3A_1887, %swap3A_1888], %swap3A_1891 {strides = array<i32>} : memref<50x128xf32, #tpu.memory_space<vmem>>, vector<1x16xf32>,
      %broadcast_in_dim3A_1892 = arith.constant 0.000000e+00 : f32
      %broadcast_in_dim3A_1893 = vector.broadcast %broadcast_in_dim3A_1892 : f32 to vector<16xf32>
      %swap3A_1894 = arith.constant 17 : i32
      %swap3A_1895 = arith.index_cast %swap3A_1894 : i32 to index
      %swap3A_1896 = arith.constant 112 : index
      %swap3A_1897 = tpu.vector_load %arg9[%swap3A_1895, %swap3A_1896] {strides = array<i32>} : memref<50x128xf32, #tpu.memory_space<vmem>>, vector<1x16xf32>,
      %swap3A_1898 = vector.shape_cast %swap3A_1897 : vector<1x16xf32> to vector<16xf32>
      %swap3A_1899 = vector.shape_cast %broadcast_in_dim3A_1893 : vector<16xf32> to vector<1x16xf32>
      tpu.vector_store %arg9[%swap3A_1895, %swap3A_1896], %swap3A_1899 {strides = array<i32>} : memref<50x128xf32, #tpu.memory_space<vmem>>, vector<1x16xf32>,
      %broadcast_in_dim3A_1900 = arith.constant 0.000000e+00 : f32
      %broadcast_in_dim3A_1901 = vector.broadcast %broadcast_in_dim3A_1900 : f32 to vector<16xf32>
      %swap3A_1902 = arith.constant 18 : i32
      %swap3A_1903 = arith.index_cast %swap3A_1902 : i32 to index
      %swap3A_1904 = arith.constant 0 : index
      %swap3A_1905 = tpu.vector_load %arg9[%swap3A_1903, %swap3A_1904] {strides = array<i32>} : memref<50x128xf32, #tpu.memory_space<vmem>>, vector<1x16xf32>,
      %swap3A_1906 = vector.shape_cast %swap3A_1905 : vector<1x16xf32> to vector<16xf32>
      %swap3A_1907 = vector.shape_cast %broadcast_in_dim3A_1901 : vector<16xf32> to vector<1x16xf32>
      tpu.vector_store %arg9[%swap3A_1903, %swap3A_1904], %swap3A_1907 {strides = array<i32>} : memref<50x128xf32, #tpu.memory_space<vmem>>, vector<1x16xf32>,
      %broadcast_in_dim3A_1908 = arith.constant 0.000000e+00 : f32
      %broadcast_in_dim3A_1909 = vector.broadcast %broadcast_in_dim3A_1908 : f32 to vector<16xf32>
      %swap3A_1910 = arith.constant 18 : i32
      %swap3A_1911 = arith.index_cast %swap3A_1910 : i32 to index
      %swap3A_1912 = arith.constant 16 : index
      %swap3A_1913 = tpu.vector_load %arg9[%swap3A_1911, %swap3A_1912] {strides = array<i32>} : memref<50x128xf32, #tpu.memory_space<vmem>>, vector<1x16xf32>,
      %swap3A_1914 = vector.shape_cast %swap3A_1913 : vector<1x16xf32> to vector<16xf32>
      %swap3A_1915 = vector.shape_cast %broadcast_in_dim3A_1909 : vector<16xf32> to vector<1x16xf32>
      tpu.vector_store %arg9[%swap3A_1911, %swap3A_1912], %swap3A_1915 {strides = array<i32>} : memref<50x128xf32, #tpu.memory_space<vmem>>, vector<1x16xf32>,
      %broadcast_in_dim3A_1916 = arith.constant 0.000000e+00 : f32
      %broadcast_in_dim3A_1917 = vector.broadcast %broadcast_in_dim3A_1916 : f32 to vector<16xf32>
      %swap3A_1918 = arith.constant 18 : i32
      %swap3A_1919 = arith.index_cast %swap3A_1918 : i32 to index
      %swap3A_1920 = arith.constant 32 : index
      %swap3A_1921 = tpu.vector_load %arg9[%swap3A_1919, %swap3A_1920] {strides = array<i32>} : memref<50x128xf32, #tpu.memory_space<vmem>>, vector<1x16xf32>,
      %swap3A_1922 = vector.shape_cast %swap3A_1921 : vector<1x16xf32> to vector<16xf32>
      %swap3A_1923 = vector.shape_cast %broadcast_in_dim3A_1917 : vector<16xf32> to vector<1x16xf32>
      tpu.vector_store %arg9[%swap3A_1919, %swap3A_1920], %swap3A_1923 {strides = array<i32>} : memref<50x128xf32, #tpu.memory_space<vmem>>, vector<1x16xf32>,
      %broadcast_in_dim3A_1924 = arith.constant 0.000000e+00 : f32
      %broadcast_in_dim3A_1925 = vector.broadcast %broadcast_in_dim3A_1924 : f32 to vector<16xf32>
      %swap3A_1926 = arith.constant 18 : i32
      %swap3A_1927 = arith.index_cast %swap3A_1926 : i32 to index
      %swap3A_1928 = arith.constant 48 : index
      %swap3A_1929 = tpu.vector_load %arg9[%swap3A_1927, %swap3A_1928] {strides = array<i32>} : memref<50x128xf32, #tpu.memory_space<vmem>>, vector<1x16xf32>,
      %swap3A_1930 = vector.shape_cast %swap3A_1929 : vector<1x16xf32> to vector<16xf32>
      %swap3A_1931 = vector.shape_cast %broadcast_in_dim3A_1925 : vector<16xf32> to vector<1x16xf32>
      tpu.vector_store %arg9[%swap3A_1927, %swap3A_1928], %swap3A_1931 {strides = array<i32>} : memref<50x128xf32, #tpu.memory_space<vmem>>, vector<1x16xf32>,
      %broadcast_in_dim3A_1932 = arith.constant 0.000000e+00 : f32
      %broadcast_in_dim3A_1933 = vector.broadcast %broadcast_in_dim3A_1932 : f32 to vector<16xf32>
      %swap3A_1934 = arith.constant 18 : i32
      %swap3A_1935 = arith.index_cast %swap3A_1934 : i32 to index
      %swap3A_1936 = arith.constant 64 : index
      %swap3A_1937 = tpu.vector_load %arg9[%swap3A_1935, %swap3A_1936] {strides = array<i32>} : memref<50x128xf32, #tpu.memory_space<vmem>>, vector<1x16xf32>,
      %swap3A_1938 = vector.shape_cast %swap3A_1937 : vector<1x16xf32> to vector<16xf32>
      %swap3A_1939 = vector.shape_cast %broadcast_in_dim3A_1933 : vector<16xf32> to vector<1x16xf32>
      tpu.vector_store %arg9[%swap3A_1935, %swap3A_1936], %swap3A_1939 {strides = array<i32>} : memref<50x128xf32, #tpu.memory_space<vmem>>, vector<1x16xf32>,
      %broadcast_in_dim3A_1940 = arith.constant 0.000000e+00 : f32
      %broadcast_in_dim3A_1941 = vector.broadcast %broadcast_in_dim3A_1940 : f32 to vector<16xf32>
      %swap3A_1942 = arith.constant 18 : i32
      %swap3A_1943 = arith.index_cast %swap3A_1942 : i32 to index
      %swap3A_1944 = arith.constant 80 : index
      %swap3A_1945 = tpu.vector_load %arg9[%swap3A_1943, %swap3A_1944] {strides = array<i32>} : memref<50x128xf32, #tpu.memory_space<vmem>>, vector<1x16xf32>,
      %swap3A_1946 = vector.shape_cast %swap3A_1945 : vector<1x16xf32> to vector<16xf32>
      %swap3A_1947 = vector.shape_cast %broadcast_in_dim3A_1941 : vector<16xf32> to vector<1x16xf32>
      tpu.vector_store %arg9[%swap3A_1943, %swap3A_1944], %swap3A_1947 {strides = array<i32>} : memref<50x128xf32, #tpu.memory_space<vmem>>, vector<1x16xf32>,
      %broadcast_in_dim3A_1948 = arith.constant 0.000000e+00 : f32
      %broadcast_in_dim3A_1949 = vector.broadcast %broadcast_in_dim3A_1948 : f32 to vector<16xf32>
      %swap3A_1950 = arith.constant 18 : i32
      %swap3A_1951 = arith.index_cast %swap3A_1950 : i32 to index
      %swap3A_1952 = arith.constant 96 : index
      %swap3A_1953 = tpu.vector_load %arg9[%swap3A_1951, %swap3A_1952] {strides = array<i32>} : memref<50x128xf32, #tpu.memory_space<vmem>>, vector<1x16xf32>,
      %swap3A_1954 = vector.shape_cast %swap3A_1953 : vector<1x16xf32> to vector<16xf32>
      %swap3A_1955 = vector.shape_cast %broadcast_in_dim3A_1949 : vector<16xf32> to vector<1x16xf32>
      tpu.vector_store %arg9[%swap3A_1951, %swap3A_1952], %swap3A_1955 {strides = array<i32>} : memref<50x128xf32, #tpu.memory_space<vmem>>, vector<1x16xf32>,
      %broadcast_in_dim3A_1956 = arith.constant 0.000000e+00 : f32
      %broadcast_in_dim3A_1957 = vector.broadcast %broadcast_in_dim3A_1956 : f32 to vector<16xf32>
      %swap3A_1958 = arith.constant 18 : i32
      %swap3A_1959 = arith.index_cast %swap3A_1958 : i32 to index
      %swap3A_1960 = arith.constant 112 : index
      %swap3A_1961 = tpu.vector_load %arg9[%swap3A_1959, %swap3A_1960] {strides = array<i32>} : memref<50x128xf32, #tpu.memory_space<vmem>>, vector<1x16xf32>,
      %swap3A_1962 = vector.shape_cast %swap3A_1961 : vector<1x16xf32> to vector<16xf32>
      %swap3A_1963 = vector.shape_cast %broadcast_in_dim3A_1957 : vector<16xf32> to vector<1x16xf32>
      tpu.vector_store %arg9[%swap3A_1959, %swap3A_1960], %swap3A_1963 {strides = array<i32>} : memref<50x128xf32, #tpu.memory_space<vmem>>, vector<1x16xf32>,
      %broadcast_in_dim3A_1964 = arith.constant 0.000000e+00 : f32
      %broadcast_in_dim3A_1965 = vector.broadcast %broadcast_in_dim3A_1964 : f32 to vector<16xf32>
      %swap3A_1966 = arith.constant 19 : i32
      %swap3A_1967 = arith.index_cast %swap3A_1966 : i32 to index
      %swap3A_1968 = arith.constant 0 : index
      %swap3A_1969 = tpu.vector_load %arg9[%swap3A_1967, %swap3A_1968] {strides = array<i32>} : memref<50x128xf32, #tpu.memory_space<vmem>>, vector<1x16xf32>,
      %swap3A_1970 = vector.shape_cast %swap3A_1969 : vector<1x16xf32> to vector<16xf32>
      %swap3A_1971 = vector.shape_cast %broadcast_in_dim3A_1965 : vector<16xf32> to vector<1x16xf32>
      tpu.vector_store %arg9[%swap3A_1967, %swap3A_1968], %swap3A_1971 {strides = array<i32>} : memref<50x128xf32, #tpu.memory_space<vmem>>, vector<1x16xf32>,
      %broadcast_in_dim3A_1972 = arith.constant 0.000000e+00 : f32
      %broadcast_in_dim3A_1973 = vector.broadcast %broadcast_in_dim3A_1972 : f32 to vector<16xf32>
      %swap3A_1974 = arith.constant 19 : i32
      %swap3A_1975 = arith.index_cast %swap3A_1974 : i32 to index
      %swap3A_1976 = arith.constant 16 : index
      %swap3A_1977 = tpu.vector_load %arg9[%swap3A_1975, %swap3A_1976] {strides = array<i32>} : memref<50x128xf32, #tpu.memory_space<vmem>>, vector<1x16xf32>,
      %swap3A_1978 = vector.shape_cast %swap3A_1977 : vector<1x16xf32> to vector<16xf32>
      %swap3A_1979 = vector.shape_cast %broadcast_in_dim3A_1973 : vector<16xf32> to vector<1x16xf32>
      tpu.vector_store %arg9[%swap3A_1975, %swap3A_1976], %swap3A_1979 {strides = array<i32>} : memref<50x128xf32, #tpu.memory_space<vmem>>, vector<1x16xf32>,
      %broadcast_in_dim3A_1980 = arith.constant 0.000000e+00 : f32
      %broadcast_in_dim3A_1981 = vector.broadcast %broadcast_in_dim3A_1980 : f32 to vector<16xf32>
      %swap3A_1982 = arith.constant 19 : i32
      %swap3A_1983 = arith.index_cast %swap3A_1982 : i32 to index
      %swap3A_1984 = arith.constant 32 : index
      %swap3A_1985 = tpu.vector_load %arg9[%swap3A_1983, %swap3A_1984] {strides = array<i32>} : memref<50x128xf32, #tpu.memory_space<vmem>>, vector<1x16xf32>,
      %swap3A_1986 = vector.shape_cast %swap3A_1985 : vector<1x16xf32> to vector<16xf32>
      %swap3A_1987 = vector.shape_cast %broadcast_in_dim3A_1981 : vector<16xf32> to vector<1x16xf32>
      tpu.vector_store %arg9[%swap3A_1983, %swap3A_1984], %swap3A_1987 {strides = array<i32>} : memref<50x128xf32, #tpu.memory_space<vmem>>, vector<1x16xf32>,
      %broadcast_in_dim3A_1988 = arith.constant 0.000000e+00 : f32
      %broadcast_in_dim3A_1989 = vector.broadcast %broadcast_in_dim3A_1988 : f32 to vector<16xf32>
      %swap3A_1990 = arith.constant 19 : i32
      %swap3A_1991 = arith.index_cast %swap3A_1990 : i32 to index
      %swap3A_1992 = arith.constant 48 : index
      %swap3A_1993 = tpu.vector_load %arg9[%swap3A_1991, %swap3A_1992] {strides = array<i32>} : memref<50x128xf32, #tpu.memory_space<vmem>>, vector<1x16xf32>,
      %swap3A_1994 = vector.shape_cast %swap3A_1993 : vector<1x16xf32> to vector<16xf32>
      %swap3A_1995 = vector.shape_cast %broadcast_in_dim3A_1989 : vector<16xf32> to vector<1x16xf32>
      tpu.vector_store %arg9[%swap3A_1991, %swap3A_1992], %swap3A_1995 {strides = array<i32>} : memref<50x128xf32, #tpu.memory_space<vmem>>, vector<1x16xf32>,
      %broadcast_in_dim3A_1996 = arith.constant 0.000000e+00 : f32
      %broadcast_in_dim3A_1997 = vector.broadcast %broadcast_in_dim3A_1996 : f32 to vector<16xf32>
      %swap3A_1998 = arith.constant 19 : i32
      %swap3A_1999 = arith.index_cast %swap3A_1998 : i32 to index
      %swap3A_2000 = arith.constant 64 : index
      %swap3A_2001 = tpu.vector_load %arg9[%swap3A_1999, %swap3A_2000] {strides = array<i32>} : memref<50x128xf32, #tpu.memory_space<vmem>>, vector<1x16xf32>,
      %swap3A_2002 = vector.shape_cast %swap3A_2001 : vector<1x16xf32> to vector<16xf32>
      %swap3A_2003 = vector.shape_cast %broadcast_in_dim3A_1997 : vector<16xf32> to vector<1x16xf32>
      tpu.vector_store %arg9[%swap3A_1999, %swap3A_2000], %swap3A_2003 {strides = array<i32>} : memref<50x128xf32, #tpu.memory_space<vmem>>, vector<1x16xf32>,
      %broadcast_in_dim3A_2004 = arith.constant 0.000000e+00 : f32
      %broadcast_in_dim3A_2005 = vector.broadcast %broadcast_in_dim3A_2004 : f32 to vector<16xf32>
      %swap3A_2006 = arith.constant 19 : i32
      %swap3A_2007 = arith.index_cast %swap3A_2006 : i32 to index
      %swap3A_2008 = arith.constant 80 : index
      %swap3A_2009 = tpu.vector_load %arg9[%swap3A_2007, %swap3A_2008] {strides = array<i32>} : memref<50x128xf32, #tpu.memory_space<vmem>>, vector<1x16xf32>,
      %swap3A_2010 = vector.shape_cast %swap3A_2009 : vector<1x16xf32> to vector<16xf32>
      %swap3A_2011 = vector.shape_cast %broadcast_in_dim3A_2005 : vector<16xf32> to vector<1x16xf32>
      tpu.vector_store %arg9[%swap3A_2007, %swap3A_2008], %swap3A_2011 {strides = array<i32>} : memref<50x128xf32, #tpu.memory_space<vmem>>, vector<1x16xf32>,
      %broadcast_in_dim3A_2012 = arith.constant 0.000000e+00 : f32
      %broadcast_in_dim3A_2013 = vector.broadcast %broadcast_in_dim3A_2012 : f32 to vector<16xf32>
      %swap3A_2014 = arith.constant 19 : i32
      %swap3A_2015 = arith.index_cast %swap3A_2014 : i32 to index
      %swap3A_2016 = arith.constant 96 : index
      %swap3A_2017 = tpu.vector_load %arg9[%swap3A_2015, %swap3A_2016] {strides = array<i32>} : memref<50x128xf32, #tpu.memory_space<vmem>>, vector<1x16xf32>,
      %swap3A_2018 = vector.shape_cast %swap3A_2017 : vector<1x16xf32> to vector<16xf32>
      %swap3A_2019 = vector.shape_cast %broadcast_in_dim3A_2013 : vector<16xf32> to vector<1x16xf32>
      tpu.vector_store %arg9[%swap3A_2015, %swap3A_2016], %swap3A_2019 {strides = array<i32>} : memref<50x128xf32, #tpu.memory_space<vmem>>, vector<1x16xf32>,
      %broadcast_in_dim3A_2020 = arith.constant 0.000000e+00 : f32
      %broadcast_in_dim3A_2021 = vector.broadcast %broadcast_in_dim3A_2020 : f32 to vector<16xf32>
      %swap3A_2022 = arith.constant 19 : i32
      %swap3A_2023 = arith.index_cast %swap3A_2022 : i32 to index
      %swap3A_2024 = arith.constant 112 : index
      %swap3A_2025 = tpu.vector_load %arg9[%swap3A_2023, %swap3A_2024] {strides = array<i32>} : memref<50x128xf32, #tpu.memory_space<vmem>>, vector<1x16xf32>,
      %swap3A_2026 = vector.shape_cast %swap3A_2025 : vector<1x16xf32> to vector<16xf32>
      %swap3A_2027 = vector.shape_cast %broadcast_in_dim3A_2021 : vector<16xf32> to vector<1x16xf32>
      tpu.vector_store %arg9[%swap3A_2023, %swap3A_2024], %swap3A_2027 {strides = array<i32>} : memref<50x128xf32, #tpu.memory_space<vmem>>, vector<1x16xf32>,
      %broadcast_in_dim3A_2028 = arith.constant 0.000000e+00 : f32
      %broadcast_in_dim3A_2029 = vector.broadcast %broadcast_in_dim3A_2028 : f32 to vector<16xf32>
      %swap3A_2030 = arith.constant 20 : i32
      %swap3A_2031 = arith.index_cast %swap3A_2030 : i32 to index
      %swap3A_2032 = arith.constant 0 : index
      %swap3A_2033 = tpu.vector_load %arg9[%swap3A_2031, %swap3A_2032] {strides = array<i32>} : memref<50x128xf32, #tpu.memory_space<vmem>>, vector<1x16xf32>,
      %swap3A_2034 = vector.shape_cast %swap3A_2033 : vector<1x16xf32> to vector<16xf32>
      %swap3A_2035 = vector.shape_cast %broadcast_in_dim3A_2029 : vector<16xf32> to vector<1x16xf32>
      tpu.vector_store %arg9[%swap3A_2031, %swap3A_2032], %swap3A_2035 {strides = array<i32>} : memref<50x128xf32, #tpu.memory_space<vmem>>, vector<1x16xf32>,
      %broadcast_in_dim3A_2036 = arith.constant 0.000000e+00 : f32
      %broadcast_in_dim3A_2037 = vector.broadcast %broadcast_in_dim3A_2036 : f32 to vector<16xf32>
      %swap3A_2038 = arith.constant 20 : i32
      %swap3A_2039 = arith.index_cast %swap3A_2038 : i32 to index
      %swap3A_2040 = arith.constant 16 : index
      %swap3A_2041 = tpu.vector_load %arg9[%swap3A_2039, %swap3A_2040] {strides = array<i32>} : memref<50x128xf32, #tpu.memory_space<vmem>>, vector<1x16xf32>,
      %swap3A_2042 = vector.shape_cast %swap3A_2041 : vector<1x16xf32> to vector<16xf32>
      %swap3A_2043 = vector.shape_cast %broadcast_in_dim3A_2037 : vector<16xf32> to vector<1x16xf32>
      tpu.vector_store %arg9[%swap3A_2039, %swap3A_2040], %swap3A_2043 {strides = array<i32>} : memref<50x128xf32, #tpu.memory_space<vmem>>, vector<1x16xf32>,
      %broadcast_in_dim3A_2044 = arith.constant 0.000000e+00 : f32
      %broadcast_in_dim3A_2045 = vector.broadcast %broadcast_in_dim3A_2044 : f32 to vector<16xf32>
      %swap3A_2046 = arith.constant 20 : i32
      %swap3A_2047 = arith.index_cast %swap3A_2046 : i32 to index
      %swap3A_2048 = arith.constant 32 : index
      %swap3A_2049 = tpu.vector_load %arg9[%swap3A_2047, %swap3A_2048] {strides = array<i32>} : memref<50x128xf32, #tpu.memory_space<vmem>>, vector<1x16xf32>,
      %swap3A_2050 = vector.shape_cast %swap3A_2049 : vector<1x16xf32> to vector<16xf32>
      %swap3A_2051 = vector.shape_cast %broadcast_in_dim3A_2045 : vector<16xf32> to vector<1x16xf32>
      tpu.vector_store %arg9[%swap3A_2047, %swap3A_2048], %swap3A_2051 {strides = array<i32>} : memref<50x128xf32, #tpu.memory_space<vmem>>, vector<1x16xf32>,
      %broadcast_in_dim3A_2052 = arith.constant 0.000000e+00 : f32
      %broadcast_in_dim3A_2053 = vector.broadcast %broadcast_in_dim3A_2052 : f32 to vector<16xf32>
      %swap3A_2054 = arith.constant 20 : i32
      %swap3A_2055 = arith.index_cast %swap3A_2054 : i32 to index
      %swap3A_2056 = arith.constant 48 : index
      %swap3A_2057 = tpu.vector_load %arg9[%swap3A_2055, %swap3A_2056] {strides = array<i32>} : memref<50x128xf32, #tpu.memory_space<vmem>>, vector<1x16xf32>,
      %swap3A_2058 = vector.shape_cast %swap3A_2057 : vector<1x16xf32> to vector<16xf32>
      %swap3A_2059 = vector.shape_cast %broadcast_in_dim3A_2053 : vector<16xf32> to vector<1x16xf32>
      tpu.vector_store %arg9[%swap3A_2055, %swap3A_2056], %swap3A_2059 {strides = array<i32>} : memref<50x128xf32, #tpu.memory_space<vmem>>, vector<1x16xf32>,
      %broadcast_in_dim3A_2060 = arith.constant 0.000000e+00 : f32
      %broadcast_in_dim3A_2061 = vector.broadcast %broadcast_in_dim3A_2060 : f32 to vector<16xf32>
      %swap3A_2062 = arith.constant 20 : i32
      %swap3A_2063 = arith.index_cast %swap3A_2062 : i32 to index
      %swap3A_2064 = arith.constant 64 : index
      %swap3A_2065 = tpu.vector_load %arg9[%swap3A_2063, %swap3A_2064] {strides = array<i32>} : memref<50x128xf32, #tpu.memory_space<vmem>>, vector<1x16xf32>,
      %swap3A_2066 = vector.shape_cast %swap3A_2065 : vector<1x16xf32> to vector<16xf32>
      %swap3A_2067 = vector.shape_cast %broadcast_in_dim3A_2061 : vector<16xf32> to vector<1x16xf32>
      tpu.vector_store %arg9[%swap3A_2063, %swap3A_2064], %swap3A_2067 {strides = array<i32>} : memref<50x128xf32, #tpu.memory_space<vmem>>, vector<1x16xf32>,
      %broadcast_in_dim3A_2068 = arith.constant 0.000000e+00 : f32
      %broadcast_in_dim3A_2069 = vector.broadcast %broadcast_in_dim3A_2068 : f32 to vector<16xf32>
      %swap3A_2070 = arith.constant 20 : i32
      %swap3A_2071 = arith.index_cast %swap3A_2070 : i32 to index
      %swap3A_2072 = arith.constant 80 : index
      %swap3A_2073 = tpu.vector_load %arg9[%swap3A_2071, %swap3A_2072] {strides = array<i32>} : memref<50x128xf32, #tpu.memory_space<vmem>>, vector<1x16xf32>,
      %swap3A_2074 = vector.shape_cast %swap3A_2073 : vector<1x16xf32> to vector<16xf32>
      %swap3A_2075 = vector.shape_cast %broadcast_in_dim3A_2069 : vector<16xf32> to vector<1x16xf32>
      tpu.vector_store %arg9[%swap3A_2071, %swap3A_2072], %swap3A_2075 {strides = array<i32>} : memref<50x128xf32, #tpu.memory_space<vmem>>, vector<1x16xf32>,
      %broadcast_in_dim3A_2076 = arith.constant 0.000000e+00 : f32
      %broadcast_in_dim3A_2077 = vector.broadcast %broadcast_in_dim3A_2076 : f32 to vector<16xf32>
      %swap3A_2078 = arith.constant 20 : i32
      %swap3A_2079 = arith.index_cast %swap3A_2078 : i32 to index
      %swap3A_2080 = arith.constant 96 : index
      %swap3A_2081 = tpu.vector_load %arg9[%swap3A_2079, %swap3A_2080] {strides = array<i32>} : memref<50x128xf32, #tpu.memory_space<vmem>>, vector<1x16xf32>,
      %swap3A_2082 = vector.shape_cast %swap3A_2081 : vector<1x16xf32> to vector<16xf32>
      %swap3A_2083 = vector.shape_cast %broadcast_in_dim3A_2077 : vector<16xf32> to vector<1x16xf32>
      tpu.vector_store %arg9[%swap3A_2079, %swap3A_2080], %swap3A_2083 {strides = array<i32>} : memref<50x128xf32, #tpu.memory_space<vmem>>, vector<1x16xf32>,
      %broadcast_in_dim3A_2084 = arith.constant 0.000000e+00 : f32
      %broadcast_in_dim3A_2085 = vector.broadcast %broadcast_in_dim3A_2084 : f32 to vector<16xf32>
      %swap3A_2086 = arith.constant 20 : i32
      %swap3A_2087 = arith.index_cast %swap3A_2086 : i32 to index
      %swap3A_2088 = arith.constant 112 : index
      %swap3A_2089 = tpu.vector_load %arg9[%swap3A_2087, %swap3A_2088] {strides = array<i32>} : memref<50x128xf32, #tpu.memory_space<vmem>>, vector<1x16xf32>,
      %swap3A_2090 = vector.shape_cast %swap3A_2089 : vector<1x16xf32> to vector<16xf32>
      %swap3A_2091 = vector.shape_cast %broadcast_in_dim3A_2085 : vector<16xf32> to vector<1x16xf32>
      tpu.vector_store %arg9[%swap3A_2087, %swap3A_2088], %swap3A_2091 {strides = array<i32>} : memref<50x128xf32, #tpu.memory_space<vmem>>, vector<1x16xf32>,
      %broadcast_in_dim3A_2092 = arith.constant 0.000000e+00 : f32
      %broadcast_in_dim3A_2093 = vector.broadcast %broadcast_in_dim3A_2092 : f32 to vector<16xf32>
      %swap3A_2094 = arith.constant 21 : i32
      %swap3A_2095 = arith.index_cast %swap3A_2094 : i32 to index
      %swap3A_2096 = arith.constant 0 : index
      %swap3A_2097 = tpu.vector_load %arg9[%swap3A_2095, %swap3A_2096] {strides = array<i32>} : memref<50x128xf32, #tpu.memory_space<vmem>>, vector<1x16xf32>,
      %swap3A_2098 = vector.shape_cast %swap3A_2097 : vector<1x16xf32> to vector<16xf32>
      %swap3A_2099 = vector.shape_cast %broadcast_in_dim3A_2093 : vector<16xf32> to vector<1x16xf32>
      tpu.vector_store %arg9[%swap3A_2095, %swap3A_2096], %swap3A_2099 {strides = array<i32>} : memref<50x128xf32, #tpu.memory_space<vmem>>, vector<1x16xf32>,
      %broadcast_in_dim3A_2100 = arith.constant 0.000000e+00 : f32
      %broadcast_in_dim3A_2101 = vector.broadcast %broadcast_in_dim3A_2100 : f32 to vector<16xf32>
      %swap3A_2102 = arith.constant 21 : i32
      %swap3A_2103 = arith.index_cast %swap3A_2102 : i32 to index
      %swap3A_2104 = arith.constant 16 : index
      %swap3A_2105 = tpu.vector_load %arg9[%swap3A_2103, %swap3A_2104] {strides = array<i32>} : memref<50x128xf32, #tpu.memory_space<vmem>>, vector<1x16xf32>,
      %swap3A_2106 = vector.shape_cast %swap3A_2105 : vector<1x16xf32> to vector<16xf32>
      %swap3A_2107 = vector.shape_cast %broadcast_in_dim3A_2101 : vector<16xf32> to vector<1x16xf32>
      tpu.vector_store %arg9[%swap3A_2103, %swap3A_2104], %swap3A_2107 {strides = array<i32>} : memref<50x128xf32, #tpu.memory_space<vmem>>, vector<1x16xf32>,
      %broadcast_in_dim3A_2108 = arith.constant 0.000000e+00 : f32
      %broadcast_in_dim3A_2109 = vector.broadcast %broadcast_in_dim3A_2108 : f32 to vector<16xf32>
      %swap3A_2110 = arith.constant 21 : i32
      %swap3A_2111 = arith.index_cast %swap3A_2110 : i32 to index
      %swap3A_2112 = arith.constant 32 : index
      %swap3A_2113 = tpu.vector_load %arg9[%swap3A_2111, %swap3A_2112] {strides = array<i32>} : memref<50x128xf32, #tpu.memory_space<vmem>>, vector<1x16xf32>,
      %swap3A_2114 = vector.shape_cast %swap3A_2113 : vector<1x16xf32> to vector<16xf32>
      %swap3A_2115 = vector.shape_cast %broadcast_in_dim3A_2109 : vector<16xf32> to vector<1x16xf32>
      tpu.vector_store %arg9[%swap3A_2111, %swap3A_2112], %swap3A_2115 {strides = array<i32>} : memref<50x128xf32, #tpu.memory_space<vmem>>, vector<1x16xf32>,
      %broadcast_in_dim3A_2116 = arith.constant 0.000000e+00 : f32
      %broadcast_in_dim3A_2117 = vector.broadcast %broadcast_in_dim3A_2116 : f32 to vector<16xf32>
      %swap3A_2118 = arith.constant 21 : i32
      %swap3A_2119 = arith.index_cast %swap3A_2118 : i32 to index
      %swap3A_2120 = arith.constant 48 : index
      %swap3A_2121 = tpu.vector_load %arg9[%swap3A_2119, %swap3A_2120] {strides = array<i32>} : memref<50x128xf32, #tpu.memory_space<vmem>>, vector<1x16xf32>,
      %swap3A_2122 = vector.shape_cast %swap3A_2121 : vector<1x16xf32> to vector<16xf32>
      %swap3A_2123 = vector.shape_cast %broadcast_in_dim3A_2117 : vector<16xf32> to vector<1x16xf32>
      tpu.vector_store %arg9[%swap3A_2119, %swap3A_2120], %swap3A_2123 {strides = array<i32>} : memref<50x128xf32, #tpu.memory_space<vmem>>, vector<1x16xf32>,
      %broadcast_in_dim3A_2124 = arith.constant 0.000000e+00 : f32
      %broadcast_in_dim3A_2125 = vector.broadcast %broadcast_in_dim3A_2124 : f32 to vector<16xf32>
      %swap3A_2126 = arith.constant 21 : i32
      %swap3A_2127 = arith.index_cast %swap3A_2126 : i32 to index
      %swap3A_2128 = arith.constant 64 : index
      %swap3A_2129 = tpu.vector_load %arg9[%swap3A_2127, %swap3A_2128] {strides = array<i32>} : memref<50x128xf32, #tpu.memory_space<vmem>>, vector<1x16xf32>,
      %swap3A_2130 = vector.shape_cast %swap3A_2129 : vector<1x16xf32> to vector<16xf32>
      %swap3A_2131 = vector.shape_cast %broadcast_in_dim3A_2125 : vector<16xf32> to vector<1x16xf32>
      tpu.vector_store %arg9[%swap3A_2127, %swap3A_2128], %swap3A_2131 {strides = array<i32>} : memref<50x128xf32, #tpu.memory_space<vmem>>, vector<1x16xf32>,
      %broadcast_in_dim3A_2132 = arith.constant 0.000000e+00 : f32
      %broadcast_in_dim3A_2133 = vector.broadcast %broadcast_in_dim3A_2132 : f32 to vector<16xf32>
      %swap3A_2134 = arith.constant 21 : i32
      %swap3A_2135 = arith.index_cast %swap3A_2134 : i32 to index
      %swap3A_2136 = arith.constant 80 : index
      %swap3A_2137 = tpu.vector_load %arg9[%swap3A_2135, %swap3A_2136] {strides = array<i32>} : memref<50x128xf32, #tpu.memory_space<vmem>>, vector<1x16xf32>,
      %swap3A_2138 = vector.shape_cast %swap3A_2137 : vector<1x16xf32> to vector<16xf32>
      %swap3A_2139 = vector.shape_cast %broadcast_in_dim3A_2133 : vector<16xf32> to vector<1x16xf32>
      tpu.vector_store %arg9[%swap3A_2135, %swap3A_2136], %swap3A_2139 {strides = array<i32>} : memref<50x128xf32, #tpu.memory_space<vmem>>, vector<1x16xf32>,
      %broadcast_in_dim3A_2140 = arith.constant 0.000000e+00 : f32
      %broadcast_in_dim3A_2141 = vector.broadcast %broadcast_in_dim3A_2140 : f32 to vector<16xf32>
      %swap3A_2142 = arith.constant 21 : i32
      %swap3A_2143 = arith.index_cast %swap3A_2142 : i32 to index
      %swap3A_2144 = arith.constant 96 : index
      %swap3A_2145 = tpu.vector_load %arg9[%swap3A_2143, %swap3A_2144] {strides = array<i32>} : memref<50x128xf32, #tpu.memory_space<vmem>>, vector<1x16xf32>,
      %swap3A_2146 = vector.shape_cast %swap3A_2145 : vector<1x16xf32> to vector<16xf32>
      %swap3A_2147 = vector.shape_cast %broadcast_in_dim3A_2141 : vector<16xf32> to vector<1x16xf32>
      tpu.vector_store %arg9[%swap3A_2143, %swap3A_2144], %swap3A_2147 {strides = array<i32>} : memref<50x128xf32, #tpu.memory_space<vmem>>, vector<1x16xf32>,
      %broadcast_in_dim3A_2148 = arith.constant 0.000000e+00 : f32
      %broadcast_in_dim3A_2149 = vector.broadcast %broadcast_in_dim3A_2148 : f32 to vector<16xf32>
      %swap3A_2150 = arith.constant 21 : i32
      %swap3A_2151 = arith.index_cast %swap3A_2150 : i32 to index
      %swap3A_2152 = arith.constant 112 : index
      %swap3A_2153 = tpu.vector_load %arg9[%swap3A_2151, %swap3A_2152] {strides = array<i32>} : memref<50x128xf32, #tpu.memory_space<vmem>>, vector<1x16xf32>,
      %swap3A_2154 = vector.shape_cast %swap3A_2153 : vector<1x16xf32> to vector<16xf32>
      %swap3A_2155 = vector.shape_cast %broadcast_in_dim3A_2149 : vector<16xf32> to vector<1x16xf32>
      tpu.vector_store %arg9[%swap3A_2151, %swap3A_2152], %swap3A_2155 {strides = array<i32>} : memref<50x128xf32, #tpu.memory_space<vmem>>, vector<1x16xf32>,
      %broadcast_in_dim3A_2156 = arith.constant 0.000000e+00 : f32
      %broadcast_in_dim3A_2157 = vector.broadcast %broadcast_in_dim3A_2156 : f32 to vector<16xf32>
      %swap3A_2158 = arith.constant 22 : i32
      %swap3A_2159 = arith.index_cast %swap3A_2158 : i32 to index
      %swap3A_2160 = arith.constant 0 : index
      %swap3A_2161 = tpu.vector_load %arg9[%swap3A_2159, %swap3A_2160] {strides = array<i32>} : memref<50x128xf32, #tpu.memory_space<vmem>>, vector<1x16xf32>,
      %swap3A_2162 = vector.shape_cast %swap3A_2161 : vector<1x16xf32> to vector<16xf32>
      %swap3A_2163 = vector.shape_cast %broadcast_in_dim3A_2157 : vector<16xf32> to vector<1x16xf32>
      tpu.vector_store %arg9[%swap3A_2159, %swap3A_2160], %swap3A_2163 {strides = array<i32>} : memref<50x128xf32, #tpu.memory_space<vmem>>, vector<1x16xf32>,
      %broadcast_in_dim3A_2164 = arith.constant 0.000000e+00 : f32
      %broadcast_in_dim3A_2165 = vector.broadcast %broadcast_in_dim3A_2164 : f32 to vector<16xf32>
      %swap3A_2166 = arith.constant 22 : i32
      %swap3A_2167 = arith.index_cast %swap3A_2166 : i32 to index
      %swap3A_2168 = arith.constant 16 : index
      %swap3A_2169 = tpu.vector_load %arg9[%swap3A_2167, %swap3A_2168] {strides = array<i32>} : memref<50x128xf32, #tpu.memory_space<vmem>>, vector<1x16xf32>,
      %swap3A_2170 = vector.shape_cast %swap3A_2169 : vector<1x16xf32> to vector<16xf32>
      %swap3A_2171 = vector.shape_cast %broadcast_in_dim3A_2165 : vector<16xf32> to vector<1x16xf32>
      tpu.vector_store %arg9[%swap3A_2167, %swap3A_2168], %swap3A_2171 {strides = array<i32>} : memref<50x128xf32, #tpu.memory_space<vmem>>, vector<1x16xf32>,
      %broadcast_in_dim3A_2172 = arith.constant 0.000000e+00 : f32
      %broadcast_in_dim3A_2173 = vector.broadcast %broadcast_in_dim3A_2172 : f32 to vector<16xf32>
      %swap3A_2174 = arith.constant 22 : i32
      %swap3A_2175 = arith.index_cast %swap3A_2174 : i32 to index
      %swap3A_2176 = arith.constant 32 : index
      %swap3A_2177 = tpu.vector_load %arg9[%swap3A_2175, %swap3A_2176] {strides = array<i32>} : memref<50x128xf32, #tpu.memory_space<vmem>>, vector<1x16xf32>,
      %swap3A_2178 = vector.shape_cast %swap3A_2177 : vector<1x16xf32> to vector<16xf32>
      %swap3A_2179 = vector.shape_cast %broadcast_in_dim3A_2173 : vector<16xf32> to vector<1x16xf32>
      tpu.vector_store %arg9[%swap3A_2175, %swap3A_2176], %swap3A_2179 {strides = array<i32>} : memref<50x128xf32, #tpu.memory_space<vmem>>, vector<1x16xf32>,
      %broadcast_in_dim3A_2180 = arith.constant 0.000000e+00 : f32
      %broadcast_in_dim3A_2181 = vector.broadcast %broadcast_in_dim3A_2180 : f32 to vector<16xf32>
      %swap3A_2182 = arith.constant 22 : i32
      %swap3A_2183 = arith.index_cast %swap3A_2182 : i32 to index
      %swap3A_2184 = arith.constant 48 : index
      %swap3A_2185 = tpu.vector_load %arg9[%swap3A_2183, %swap3A_2184] {strides = array<i32>} : memref<50x128xf32, #tpu.memory_space<vmem>>, vector<1x16xf32>,
      %swap3A_2186 = vector.shape_cast %swap3A_2185 : vector<1x16xf32> to vector<16xf32>
      %swap3A_2187 = vector.shape_cast %broadcast_in_dim3A_2181 : vector<16xf32> to vector<1x16xf32>
      tpu.vector_store %arg9[%swap3A_2183, %swap3A_2184], %swap3A_2187 {strides = array<i32>} : memref<50x128xf32, #tpu.memory_space<vmem>>, vector<1x16xf32>,
      %broadcast_in_dim3A_2188 = arith.constant 0.000000e+00 : f32
      %broadcast_in_dim3A_2189 = vector.broadcast %broadcast_in_dim3A_2188 : f32 to vector<16xf32>
      %swap3A_2190 = arith.constant 22 : i32
      %swap3A_2191 = arith.index_cast %swap3A_2190 : i32 to index
      %swap3A_2192 = arith.constant 64 : index
      %swap3A_2193 = tpu.vector_load %arg9[%swap3A_2191, %swap3A_2192] {strides = array<i32>} : memref<50x128xf32, #tpu.memory_space<vmem>>, vector<1x16xf32>,
      %swap3A_2194 = vector.shape_cast %swap3A_2193 : vector<1x16xf32> to vector<16xf32>
      %swap3A_2195 = vector.shape_cast %broadcast_in_dim3A_2189 : vector<16xf32> to vector<1x16xf32>
      tpu.vector_store %arg9[%swap3A_2191, %swap3A_2192], %swap3A_2195 {strides = array<i32>} : memref<50x128xf32, #tpu.memory_space<vmem>>, vector<1x16xf32>,
      %broadcast_in_dim3A_2196 = arith.constant 0.000000e+00 : f32
      %broadcast_in_dim3A_2197 = vector.broadcast %broadcast_in_dim3A_2196 : f32 to vector<16xf32>
      %swap3A_2198 = arith.constant 22 : i32
      %swap3A_2199 = arith.index_cast %swap3A_2198 : i32 to index
      %swap3A_2200 = arith.constant 80 : index
      %swap3A_2201 = tpu.vector_load %arg9[%swap3A_2199, %swap3A_2200] {strides = array<i32>} : memref<50x128xf32, #tpu.memory_space<vmem>>, vector<1x16xf32>,
      %swap3A_2202 = vector.shape_cast %swap3A_2201 : vector<1x16xf32> to vector<16xf32>
      %swap3A_2203 = vector.shape_cast %broadcast_in_dim3A_2197 : vector<16xf32> to vector<1x16xf32>
      tpu.vector_store %arg9[%swap3A_2199, %swap3A_2200], %swap3A_2203 {strides = array<i32>} : memref<50x128xf32, #tpu.memory_space<vmem>>, vector<1x16xf32>,
      %broadcast_in_dim3A_2204 = arith.constant 0.000000e+00 : f32
      %broadcast_in_dim3A_2205 = vector.broadcast %broadcast_in_dim3A_2204 : f32 to vector<16xf32>
      %swap3A_2206 = arith.constant 22 : i32
      %swap3A_2207 = arith.index_cast %swap3A_2206 : i32 to index
      %swap3A_2208 = arith.constant 96 : index
      %swap3A_2209 = tpu.vector_load %arg9[%swap3A_2207, %swap3A_2208] {strides = array<i32>} : memref<50x128xf32, #tpu.memory_space<vmem>>, vector<1x16xf32>,
      %swap3A_2210 = vector.shape_cast %swap3A_2209 : vector<1x16xf32> to vector<16xf32>
      %swap3A_2211 = vector.shape_cast %broadcast_in_dim3A_2205 : vector<16xf32> to vector<1x16xf32>
      tpu.vector_store %arg9[%swap3A_2207, %swap3A_2208], %swap3A_2211 {strides = array<i32>} : memref<50x128xf32, #tpu.memory_space<vmem>>, vector<1x16xf32>,
      %broadcast_in_dim3A_2212 = arith.constant 0.000000e+00 : f32
      %broadcast_in_dim3A_2213 = vector.broadcast %broadcast_in_dim3A_2212 : f32 to vector<16xf32>
      %swap3A_2214 = arith.constant 22 : i32
      %swap3A_2215 = arith.index_cast %swap3A_2214 : i32 to index
      %swap3A_2216 = arith.constant 112 : index
      %swap3A_2217 = tpu.vector_load %arg9[%swap3A_2215, %swap3A_2216] {strides = array<i32>} : memref<50x128xf32, #tpu.memory_space<vmem>>, vector<1x16xf32>,
      %swap3A_2218 = vector.shape_cast %swap3A_2217 : vector<1x16xf32> to vector<16xf32>
      %swap3A_2219 = vector.shape_cast %broadcast_in_dim3A_2213 : vector<16xf32> to vector<1x16xf32>
      tpu.vector_store %arg9[%swap3A_2215, %swap3A_2216], %swap3A_2219 {strides = array<i32>} : memref<50x128xf32, #tpu.memory_space<vmem>>, vector<1x16xf32>,
      %broadcast_in_dim3A_2220 = arith.constant 0.000000e+00 : f32
      %broadcast_in_dim3A_2221 = vector.broadcast %broadcast_in_dim3A_2220 : f32 to vector<16xf32>
      %swap3A_2222 = arith.constant 23 : i32
      %swap3A_2223 = arith.index_cast %swap3A_2222 : i32 to index
      %swap3A_2224 = arith.constant 0 : index
      %swap3A_2225 = tpu.vector_load %arg9[%swap3A_2223, %swap3A_2224] {strides = array<i32>} : memref<50x128xf32, #tpu.memory_space<vmem>>, vector<1x16xf32>,
      %swap3A_2226 = vector.shape_cast %swap3A_2225 : vector<1x16xf32> to vector<16xf32>
      %swap3A_2227 = vector.shape_cast %broadcast_in_dim3A_2221 : vector<16xf32> to vector<1x16xf32>
      tpu.vector_store %arg9[%swap3A_2223, %swap3A_2224], %swap3A_2227 {strides = array<i32>} : memref<50x128xf32, #tpu.memory_space<vmem>>, vector<1x16xf32>,
      %broadcast_in_dim3A_2228 = arith.constant 0.000000e+00 : f32
      %broadcast_in_dim3A_2229 = vector.broadcast %broadcast_in_dim3A_2228 : f32 to vector<16xf32>
      %swap3A_2230 = arith.constant 23 : i32
      %swap3A_2231 = arith.index_cast %swap3A_2230 : i32 to index
      %swap3A_2232 = arith.constant 16 : index
      %swap3A_2233 = tpu.vector_load %arg9[%swap3A_2231, %swap3A_2232] {strides = array<i32>} : memref<50x128xf32, #tpu.memory_space<vmem>>, vector<1x16xf32>,
      %swap3A_2234 = vector.shape_cast %swap3A_2233 : vector<1x16xf32> to vector<16xf32>
      %swap3A_2235 = vector.shape_cast %broadcast_in_dim3A_2229 : vector<16xf32> to vector<1x16xf32>
      tpu.vector_store %arg9[%swap3A_2231, %swap3A_2232], %swap3A_2235 {strides = array<i32>} : memref<50x128xf32, #tpu.memory_space<vmem>>, vector<1x16xf32>,
      %broadcast_in_dim3A_2236 = arith.constant 0.000000e+00 : f32
      %broadcast_in_dim3A_2237 = vector.broadcast %broadcast_in_dim3A_2236 : f32 to vector<16xf32>
      %swap3A_2238 = arith.constant 23 : i32
      %swap3A_2239 = arith.index_cast %swap3A_2238 : i32 to index
      %swap3A_2240 = arith.constant 32 : index
      %swap3A_2241 = tpu.vector_load %arg9[%swap3A_2239, %swap3A_2240] {strides = array<i32>} : memref<50x128xf32, #tpu.memory_space<vmem>>, vector<1x16xf32>,
      %swap3A_2242 = vector.shape_cast %swap3A_2241 : vector<1x16xf32> to vector<16xf32>
      %swap3A_2243 = vector.shape_cast %broadcast_in_dim3A_2237 : vector<16xf32> to vector<1x16xf32>
      tpu.vector_store %arg9[%swap3A_2239, %swap3A_2240], %swap3A_2243 {strides = array<i32>} : memref<50x128xf32, #tpu.memory_space<vmem>>, vector<1x16xf32>,
      %broadcast_in_dim3A_2244 = arith.constant 0.000000e+00 : f32
      %broadcast_in_dim3A_2245 = vector.broadcast %broadcast_in_dim3A_2244 : f32 to vector<16xf32>
      %swap3A_2246 = arith.constant 23 : i32
      %swap3A_2247 = arith.index_cast %swap3A_2246 : i32 to index
      %swap3A_2248 = arith.constant 48 : index
      %swap3A_2249 = tpu.vector_load %arg9[%swap3A_2247, %swap3A_2248] {strides = array<i32>} : memref<50x128xf32, #tpu.memory_space<vmem>>, vector<1x16xf32>,
      %swap3A_2250 = vector.shape_cast %swap3A_2249 : vector<1x16xf32> to vector<16xf32>
      %swap3A_2251 = vector.shape_cast %broadcast_in_dim3A_2245 : vector<16xf32> to vector<1x16xf32>
      tpu.vector_store %arg9[%swap3A_2247, %swap3A_2248], %swap3A_2251 {strides = array<i32>} : memref<50x128xf32, #tpu.memory_space<vmem>>, vector<1x16xf32>,
      %broadcast_in_dim3A_2252 = arith.constant 0.000000e+00 : f32
      %broadcast_in_dim3A_2253 = vector.broadcast %broadcast_in_dim3A_2252 : f32 to vector<16xf32>
      %swap3A_2254 = arith.constant 23 : i32
      %swap3A_2255 = arith.index_cast %swap3A_2254 : i32 to index
      %swap3A_2256 = arith.constant 64 : index
      %swap3A_2257 = tpu.vector_load %arg9[%swap3A_2255, %swap3A_2256] {strides = array<i32>} : memref<50x128xf32, #tpu.memory_space<vmem>>, vector<1x16xf32>,
      %swap3A_2258 = vector.shape_cast %swap3A_2257 : vector<1x16xf32> to vector<16xf32>
      %swap3A_2259 = vector.shape_cast %broadcast_in_dim3A_2253 : vector<16xf32> to vector<1x16xf32>
      tpu.vector_store %arg9[%swap3A_2255, %swap3A_2256], %swap3A_2259 {strides = array<i32>} : memref<50x128xf32, #tpu.memory_space<vmem>>, vector<1x16xf32>,
      %broadcast_in_dim3A_2260 = arith.constant 0.000000e+00 : f32
      %broadcast_in_dim3A_2261 = vector.broadcast %broadcast_in_dim3A_2260 : f32 to vector<16xf32>
      %swap3A_2262 = arith.constant 23 : i32
      %swap3A_2263 = arith.index_cast %swap3A_2262 : i32 to index
      %swap3A_2264 = arith.constant 80 : index
      %swap3A_2265 = tpu.vector_load %arg9[%swap3A_2263, %swap3A_2264] {strides = array<i32>} : memref<50x128xf32, #tpu.memory_space<vmem>>, vector<1x16xf32>,
      %swap3A_2266 = vector.shape_cast %swap3A_2265 : vector<1x16xf32> to vector<16xf32>
      %swap3A_2267 = vector.shape_cast %broadcast_in_dim3A_2261 : vector<16xf32> to vector<1x16xf32>
      tpu.vector_store %arg9[%swap3A_2263, %swap3A_2264], %swap3A_2267 {strides = array<i32>} : memref<50x128xf32, #tpu.memory_space<vmem>>, vector<1x16xf32>,
      %broadcast_in_dim3A_2268 = arith.constant 0.000000e+00 : f32
      %broadcast_in_dim3A_2269 = vector.broadcast %broadcast_in_dim3A_2268 : f32 to vector<16xf32>
      %swap3A_2270 = arith.constant 23 : i32
      %swap3A_2271 = arith.index_cast %swap3A_2270 : i32 to index
      %swap3A_2272 = arith.constant 96 : index
      %swap3A_2273 = tpu.vector_load %arg9[%swap3A_2271, %swap3A_2272] {strides = array<i32>} : memref<50x128xf32, #tpu.memory_space<vmem>>, vector<1x16xf32>,
      %swap3A_2274 = vector.shape_cast %swap3A_2273 : vector<1x16xf32> to vector<16xf32>
      %swap3A_2275 = vector.shape_cast %broadcast_in_dim3A_2269 : vector<16xf32> to vector<1x16xf32>
      tpu.vector_store %arg9[%swap3A_2271, %swap3A_2272], %swap3A_2275 {strides = array<i32>} : memref<50x128xf32, #tpu.memory_space<vmem>>, vector<1x16xf32>,
      %broadcast_in_dim3A_2276 = arith.constant 0.000000e+00 : f32
      %broadcast_in_dim3A_2277 = vector.broadcast %broadcast_in_dim3A_2276 : f32 to vector<16xf32>
      %swap3A_2278 = arith.constant 23 : i32
      %swap3A_2279 = arith.index_cast %swap3A_2278 : i32 to index
      %swap3A_2280 = arith.constant 112 : index
      %swap3A_2281 = tpu.vector_load %arg9[%swap3A_2279, %swap3A_2280] {strides = array<i32>} : memref<50x128xf32, #tpu.memory_space<vmem>>, vector<1x16xf32>,
      %swap3A_2282 = vector.shape_cast %swap3A_2281 : vector<1x16xf32> to vector<16xf32>
      %swap3A_2283 = vector.shape_cast %broadcast_in_dim3A_2277 : vector<16xf32> to vector<1x16xf32>
      tpu.vector_store %arg9[%swap3A_2279, %swap3A_2280], %swap3A_2283 {strides = array<i32>} : memref<50x128xf32, #tpu.memory_space<vmem>>, vector<1x16xf32>,
      %broadcast_in_dim3A_2284 = arith.constant 0.000000e+00 : f32
      %broadcast_in_dim3A_2285 = vector.broadcast %broadcast_in_dim3A_2284 : f32 to vector<16xf32>
      %swap3A_2286 = arith.constant 24 : i32
      %swap3A_2287 = arith.index_cast %swap3A_2286 : i32 to index
      %swap3A_2288 = arith.constant 0 : index
      %swap3A_2289 = tpu.vector_load %arg9[%swap3A_2287, %swap3A_2288] {strides = array<i32>} : memref<50x128xf32, #tpu.memory_space<vmem>>, vector<1x16xf32>,
      %swap3A_2290 = vector.shape_cast %swap3A_2289 : vector<1x16xf32> to vector<16xf32>
      %swap3A_2291 = vector.shape_cast %broadcast_in_dim3A_2285 : vector<16xf32> to vector<1x16xf32>
      tpu.vector_store %arg9[%swap3A_2287, %swap3A_2288], %swap3A_2291 {strides = array<i32>} : memref<50x128xf32, #tpu.memory_space<vmem>>, vector<1x16xf32>,
      %broadcast_in_dim3A_2292 = arith.constant 0.000000e+00 : f32
      %broadcast_in_dim3A_2293 = vector.broadcast %broadcast_in_dim3A_2292 : f32 to vector<16xf32>
      %swap3A_2294 = arith.constant 24 : i32
      %swap3A_2295 = arith.index_cast %swap3A_2294 : i32 to index
      %swap3A_2296 = arith.constant 16 : index
      %swap3A_2297 = tpu.vector_load %arg9[%swap3A_2295, %swap3A_2296] {strides = array<i32>} : memref<50x128xf32, #tpu.memory_space<vmem>>, vector<1x16xf32>,
      %swap3A_2298 = vector.shape_cast %swap3A_2297 : vector<1x16xf32> to vector<16xf32>
      %swap3A_2299 = vector.shape_cast %broadcast_in_dim3A_2293 : vector<16xf32> to vector<1x16xf32>
      tpu.vector_store %arg9[%swap3A_2295, %swap3A_2296], %swap3A_2299 {strides = array<i32>} : memref<50x128xf32, #tpu.memory_space<vmem>>, vector<1x16xf32>,
      %broadcast_in_dim3A_2300 = arith.constant 0.000000e+00 : f32
      %broadcast_in_dim3A_2301 = vector.broadcast %broadcast_in_dim3A_2300 : f32 to vector<16xf32>
      %swap3A_2302 = arith.constant 24 : i32
      %swap3A_2303 = arith.index_cast %swap3A_2302 : i32 to index
      %swap3A_2304 = arith.constant 32 : index
      %swap3A_2305 = tpu.vector_load %arg9[%swap3A_2303, %swap3A_2304] {strides = array<i32>} : memref<50x128xf32, #tpu.memory_space<vmem>>, vector<1x16xf32>,
      %swap3A_2306 = vector.shape_cast %swap3A_2305 : vector<1x16xf32> to vector<16xf32>
      %swap3A_2307 = vector.shape_cast %broadcast_in_dim3A_2301 : vector<16xf32> to vector<1x16xf32>
      tpu.vector_store %arg9[%swap3A_2303, %swap3A_2304], %swap3A_2307 {strides = array<i32>} : memref<50x128xf32, #tpu.memory_space<vmem>>, vector<1x16xf32>,
      %broadcast_in_dim3A_2308 = arith.constant 0.000000e+00 : f32
      %broadcast_in_dim3A_2309 = vector.broadcast %broadcast_in_dim3A_2308 : f32 to vector<16xf32>
      %swap3A_2310 = arith.constant 24 : i32
      %swap3A_2311 = arith.index_cast %swap3A_2310 : i32 to index
      %swap3A_2312 = arith.constant 48 : index
      %swap3A_2313 = tpu.vector_load %arg9[%swap3A_2311, %swap3A_2312] {strides = array<i32>} : memref<50x128xf32, #tpu.memory_space<vmem>>, vector<1x16xf32>,
      %swap3A_2314 = vector.shape_cast %swap3A_2313 : vector<1x16xf32> to vector<16xf32>
      %swap3A_2315 = vector.shape_cast %broadcast_in_dim3A_2309 : vector<16xf32> to vector<1x16xf32>
      tpu.vector_store %arg9[%swap3A_2311, %swap3A_2312], %swap3A_2315 {strides = array<i32>} : memref<50x128xf32, #tpu.memory_space<vmem>>, vector<1x16xf32>,
      %broadcast_in_dim3A_2316 = arith.constant 0.000000e+00 : f32
      %broadcast_in_dim3A_2317 = vector.broadcast %broadcast_in_dim3A_2316 : f32 to vector<16xf32>
      %swap3A_2318 = arith.constant 24 : i32
      %swap3A_2319 = arith.index_cast %swap3A_2318 : i32 to index
      %swap3A_2320 = arith.constant 64 : index
      %swap3A_2321 = tpu.vector_load %arg9[%swap3A_2319, %swap3A_2320] {strides = array<i32>} : memref<50x128xf32, #tpu.memory_space<vmem>>, vector<1x16xf32>,
      %swap3A_2322 = vector.shape_cast %swap3A_2321 : vector<1x16xf32> to vector<16xf32>
      %swap3A_2323 = vector.shape_cast %broadcast_in_dim3A_2317 : vector<16xf32> to vector<1x16xf32>
      tpu.vector_store %arg9[%swap3A_2319, %swap3A_2320], %swap3A_2323 {strides = array<i32>} : memref<50x128xf32, #tpu.memory_space<vmem>>, vector<1x16xf32>,
      %broadcast_in_dim3A_2324 = arith.constant 0.000000e+00 : f32
      %broadcast_in_dim3A_2325 = vector.broadcast %broadcast_in_dim3A_2324 : f32 to vector<16xf32>
      %swap3A_2326 = arith.constant 24 : i32
      %swap3A_2327 = arith.index_cast %swap3A_2326 : i32 to index
      %swap3A_2328 = arith.constant 80 : index
      %swap3A_2329 = tpu.vector_load %arg9[%swap3A_2327, %swap3A_2328] {strides = array<i32>} : memref<50x128xf32, #tpu.memory_space<vmem>>, vector<1x16xf32>,
      %swap3A_2330 = vector.shape_cast %swap3A_2329 : vector<1x16xf32> to vector<16xf32>
      %swap3A_2331 = vector.shape_cast %broadcast_in_dim3A_2325 : vector<16xf32> to vector<1x16xf32>
      tpu.vector_store %arg9[%swap3A_2327, %swap3A_2328], %swap3A_2331 {strides = array<i32>} : memref<50x128xf32, #tpu.memory_space<vmem>>, vector<1x16xf32>,
      %broadcast_in_dim3A_2332 = arith.constant 0.000000e+00 : f32
      %broadcast_in_dim3A_2333 = vector.broadcast %broadcast_in_dim3A_2332 : f32 to vector<16xf32>
      %swap3A_2334 = arith.constant 24 : i32
      %swap3A_2335 = arith.index_cast %swap3A_2334 : i32 to index
      %swap3A_2336 = arith.constant 96 : index
      %swap3A_2337 = tpu.vector_load %arg9[%swap3A_2335, %swap3A_2336] {strides = array<i32>} : memref<50x128xf32, #tpu.memory_space<vmem>>, vector<1x16xf32>,
      %swap3A_2338 = vector.shape_cast %swap3A_2337 : vector<1x16xf32> to vector<16xf32>
      %swap3A_2339 = vector.shape_cast %broadcast_in_dim3A_2333 : vector<16xf32> to vector<1x16xf32>
      tpu.vector_store %arg9[%swap3A_2335, %swap3A_2336], %swap3A_2339 {strides = array<i32>} : memref<50x128xf32, #tpu.memory_space<vmem>>, vector<1x16xf32>,
      %broadcast_in_dim3A_2340 = arith.constant 0.000000e+00 : f32
      %broadcast_in_dim3A_2341 = vector.broadcast %broadcast_in_dim3A_2340 : f32 to vector<16xf32>
      %swap3A_2342 = arith.constant 24 : i32
      %swap3A_2343 = arith.index_cast %swap3A_2342 : i32 to index
      %swap3A_2344 = arith.constant 112 : index
      %swap3A_2345 = tpu.vector_load %arg9[%swap3A_2343, %swap3A_2344] {strides = array<i32>} : memref<50x128xf32, #tpu.memory_space<vmem>>, vector<1x16xf32>,
      %swap3A_2346 = vector.shape_cast %swap3A_2345 : vector<1x16xf32> to vector<16xf32>
      %swap3A_2347 = vector.shape_cast %broadcast_in_dim3A_2341 : vector<16xf32> to vector<1x16xf32>
      tpu.vector_store %arg9[%swap3A_2343, %swap3A_2344], %swap3A_2347 {strides = array<i32>} : memref<50x128xf32, #tpu.memory_space<vmem>>, vector<1x16xf32>,
      %broadcast_in_dim3A_2348 = arith.constant 0.000000e+00 : f32
      %broadcast_in_dim3A_2349 = vector.broadcast %broadcast_in_dim3A_2348 : f32 to vector<16xf32>
      %swap3A_2350 = arith.constant 25 : i32
      %swap3A_2351 = arith.index_cast %swap3A_2350 : i32 to index
      %swap3A_2352 = arith.constant 0 : index
      %swap3A_2353 = tpu.vector_load %arg9[%swap3A_2351, %swap3A_2352] {strides = array<i32>} : memref<50x128xf32, #tpu.memory_space<vmem>>, vector<1x16xf32>,
      %swap3A_2354 = vector.shape_cast %swap3A_2353 : vector<1x16xf32> to vector<16xf32>
      %swap3A_2355 = vector.shape_cast %broadcast_in_dim3A_2349 : vector<16xf32> to vector<1x16xf32>
      tpu.vector_store %arg9[%swap3A_2351, %swap3A_2352], %swap3A_2355 {strides = array<i32>} : memref<50x128xf32, #tpu.memory_space<vmem>>, vector<1x16xf32>,
      %broadcast_in_dim3A_2356 = arith.constant 0.000000e+00 : f32
      %broadcast_in_dim3A_2357 = vector.broadcast %broadcast_in_dim3A_2356 : f32 to vector<16xf32>
      %swap3A_2358 = arith.constant 25 : i32
      %swap3A_2359 = arith.index_cast %swap3A_2358 : i32 to index
      %swap3A_2360 = arith.constant 16 : index
      %swap3A_2361 = tpu.vector_load %arg9[%swap3A_2359, %swap3A_2360] {strides = array<i32>} : memref<50x128xf32, #tpu.memory_space<vmem>>, vector<1x16xf32>,
      %swap3A_2362 = vector.shape_cast %swap3A_2361 : vector<1x16xf32> to vector<16xf32>
      %swap3A_2363 = vector.shape_cast %broadcast_in_dim3A_2357 : vector<16xf32> to vector<1x16xf32>
      tpu.vector_store %arg9[%swap3A_2359, %swap3A_2360], %swap3A_2363 {strides = array<i32>} : memref<50x128xf32, #tpu.memory_space<vmem>>, vector<1x16xf32>,
      %broadcast_in_dim3A_2364 = arith.constant 0.000000e+00 : f32
      %broadcast_in_dim3A_2365 = vector.broadcast %broadcast_in_dim3A_2364 : f32 to vector<16xf32>
      %swap3A_2366 = arith.constant 25 : i32
      %swap3A_2367 = arith.index_cast %swap3A_2366 : i32 to index
      %swap3A_2368 = arith.constant 32 : index
      %swap3A_2369 = tpu.vector_load %arg9[%swap3A_2367, %swap3A_2368] {strides = array<i32>} : memref<50x128xf32, #tpu.memory_space<vmem>>, vector<1x16xf32>,
      %swap3A_2370 = vector.shape_cast %swap3A_2369 : vector<1x16xf32> to vector<16xf32>
      %swap3A_2371 = vector.shape_cast %broadcast_in_dim3A_2365 : vector<16xf32> to vector<1x16xf32>
      tpu.vector_store %arg9[%swap3A_2367, %swap3A_2368], %swap3A_2371 {strides = array<i32>} : memref<50x128xf32, #tpu.memory_space<vmem>>, vector<1x16xf32>,
      %broadcast_in_dim3A_2372 = arith.constant 0.000000e+00 : f32
      %broadcast_in_dim3A_2373 = vector.broadcast %broadcast_in_dim3A_2372 : f32 to vector<16xf32>
      %swap3A_2374 = arith.constant 25 : i32
      %swap3A_2375 = arith.index_cast %swap3A_2374 : i32 to index
      %swap3A_2376 = arith.constant 48 : index
      %swap3A_2377 = tpu.vector_load %arg9[%swap3A_2375, %swap3A_2376] {strides = array<i32>} : memref<50x128xf32, #tpu.memory_space<vmem>>, vector<1x16xf32>,
      %swap3A_2378 = vector.shape_cast %swap3A_2377 : vector<1x16xf32> to vector<16xf32>
      %swap3A_2379 = vector.shape_cast %broadcast_in_dim3A_2373 : vector<16xf32> to vector<1x16xf32>
      tpu.vector_store %arg9[%swap3A_2375, %swap3A_2376], %swap3A_2379 {strides = array<i32>} : memref<50x128xf32, #tpu.memory_space<vmem>>, vector<1x16xf32>,
      %broadcast_in_dim3A_2380 = arith.constant 0.000000e+00 : f32
      %broadcast_in_dim3A_2381 = vector.broadcast %broadcast_in_dim3A_2380 : f32 to vector<16xf32>
      %swap3A_2382 = arith.constant 25 : i32
      %swap3A_2383 = arith.index_cast %swap3A_2382 : i32 to index
      %swap3A_2384 = arith.constant 64 : index
      %swap3A_2385 = tpu.vector_load %arg9[%swap3A_2383, %swap3A_2384] {strides = array<i32>} : memref<50x128xf32, #tpu.memory_space<vmem>>, vector<1x16xf32>,
      %swap3A_2386 = vector.shape_cast %swap3A_2385 : vector<1x16xf32> to vector<16xf32>
      %swap3A_2387 = vector.shape_cast %broadcast_in_dim3A_2381 : vector<16xf32> to vector<1x16xf32>
      tpu.vector_store %arg9[%swap3A_2383, %swap3A_2384], %swap3A_2387 {strides = array<i32>} : memref<50x128xf32, #tpu.memory_space<vmem>>, vector<1x16xf32>,
      %broadcast_in_dim3A_2388 = arith.constant 0.000000e+00 : f32
      %broadcast_in_dim3A_2389 = vector.broadcast %broadcast_in_dim3A_2388 : f32 to vector<16xf32>
      %swap3A_2390 = arith.constant 25 : i32
      %swap3A_2391 = arith.index_cast %swap3A_2390 : i32 to index
      %swap3A_2392 = arith.constant 80 : index
      %swap3A_2393 = tpu.vector_load %arg9[%swap3A_2391, %swap3A_2392] {strides = array<i32>} : memref<50x128xf32, #tpu.memory_space<vmem>>, vector<1x16xf32>,
      %swap3A_2394 = vector.shape_cast %swap3A_2393 : vector<1x16xf32> to vector<16xf32>
      %swap3A_2395 = vector.shape_cast %broadcast_in_dim3A_2389 : vector<16xf32> to vector<1x16xf32>
      tpu.vector_store %arg9[%swap3A_2391, %swap3A_2392], %swap3A_2395 {strides = array<i32>} : memref<50x128xf32, #tpu.memory_space<vmem>>, vector<1x16xf32>,
      %broadcast_in_dim3A_2396 = arith.constant 0.000000e+00 : f32
      %broadcast_in_dim3A_2397 = vector.broadcast %broadcast_in_dim3A_2396 : f32 to vector<16xf32>
      %swap3A_2398 = arith.constant 25 : i32
      %swap3A_2399 = arith.index_cast %swap3A_2398 : i32 to index
      %swap3A_2400 = arith.constant 96 : index
      %swap3A_2401 = tpu.vector_load %arg9[%swap3A_2399, %swap3A_2400] {strides = array<i32>} : memref<50x128xf32, #tpu.memory_space<vmem>>, vector<1x16xf32>,
      %swap3A_2402 = vector.shape_cast %swap3A_2401 : vector<1x16xf32> to vector<16xf32>
      %swap3A_2403 = vector.shape_cast %broadcast_in_dim3A_2397 : vector<16xf32> to vector<1x16xf32>
      tpu.vector_store %arg9[%swap3A_2399, %swap3A_2400], %swap3A_2403 {strides = array<i32>} : memref<50x128xf32, #tpu.memory_space<vmem>>, vector<1x16xf32>,
      %broadcast_in_dim3A_2404 = arith.constant 0.000000e+00 : f32
      %broadcast_in_dim3A_2405 = vector.broadcast %broadcast_in_dim3A_2404 : f32 to vector<16xf32>
      %swap3A_2406 = arith.constant 25 : i32
      %swap3A_2407 = arith.index_cast %swap3A_2406 : i32 to index
      %swap3A_2408 = arith.constant 112 : index
      %swap3A_2409 = tpu.vector_load %arg9[%swap3A_2407, %swap3A_2408] {strides = array<i32>} : memref<50x128xf32, #tpu.memory_space<vmem>>, vector<1x16xf32>,
      %swap3A_2410 = vector.shape_cast %swap3A_2409 : vector<1x16xf32> to vector<16xf32>
      %swap3A_2411 = vector.shape_cast %broadcast_in_dim3A_2405 : vector<16xf32> to vector<1x16xf32>
      tpu.vector_store %arg9[%swap3A_2407, %swap3A_2408], %swap3A_2411 {strides = array<i32>} : memref<50x128xf32, #tpu.memory_space<vmem>>, vector<1x16xf32>,
      %broadcast_in_dim3A_2412 = arith.constant 0.000000e+00 : f32
      %broadcast_in_dim3A_2413 = vector.broadcast %broadcast_in_dim3A_2412 : f32 to vector<16xf32>
      %swap3A_2414 = arith.constant 26 : i32
      %swap3A_2415 = arith.index_cast %swap3A_2414 : i32 to index
      %swap3A_2416 = arith.constant 0 : index
      %swap3A_2417 = tpu.vector_load %arg9[%swap3A_2415, %swap3A_2416] {strides = array<i32>} : memref<50x128xf32, #tpu.memory_space<vmem>>, vector<1x16xf32>,
      %swap3A_2418 = vector.shape_cast %swap3A_2417 : vector<1x16xf32> to vector<16xf32>
      %swap3A_2419 = vector.shape_cast %broadcast_in_dim3A_2413 : vector<16xf32> to vector<1x16xf32>
      tpu.vector_store %arg9[%swap3A_2415, %swap3A_2416], %swap3A_2419 {strides = array<i32>} : memref<50x128xf32, #tpu.memory_space<vmem>>, vector<1x16xf32>,
      %broadcast_in_dim3A_2420 = arith.constant 0.000000e+00 : f32
      %broadcast_in_dim3A_2421 = vector.broadcast %broadcast_in_dim3A_2420 : f32 to vector<16xf32>
      %swap3A_2422 = arith.constant 26 : i32
      %swap3A_2423 = arith.index_cast %swap3A_2422 : i32 to index
      %swap3A_2424 = arith.constant 16 : index
      %swap3A_2425 = tpu.vector_load %arg9[%swap3A_2423, %swap3A_2424] {strides = array<i32>} : memref<50x128xf32, #tpu.memory_space<vmem>>, vector<1x16xf32>,
      %swap3A_2426 = vector.shape_cast %swap3A_2425 : vector<1x16xf32> to vector<16xf32>
      %swap3A_2427 = vector.shape_cast %broadcast_in_dim3A_2421 : vector<16xf32> to vector<1x16xf32>
      tpu.vector_store %arg9[%swap3A_2423, %swap3A_2424], %swap3A_2427 {strides = array<i32>} : memref<50x128xf32, #tpu.memory_space<vmem>>, vector<1x16xf32>,
      %broadcast_in_dim3A_2428 = arith.constant 0.000000e+00 : f32
      %broadcast_in_dim3A_2429 = vector.broadcast %broadcast_in_dim3A_2428 : f32 to vector<16xf32>
      %swap3A_2430 = arith.constant 26 : i32
      %swap3A_2431 = arith.index_cast %swap3A_2430 : i32 to index
      %swap3A_2432 = arith.constant 32 : index
      %swap3A_2433 = tpu.vector_load %arg9[%swap3A_2431, %swap3A_2432] {strides = array<i32>} : memref<50x128xf32, #tpu.memory_space<vmem>>, vector<1x16xf32>,
      %swap3A_2434 = vector.shape_cast %swap3A_2433 : vector<1x16xf32> to vector<16xf32>
      %swap3A_2435 = vector.shape_cast %broadcast_in_dim3A_2429 : vector<16xf32> to vector<1x16xf32>
      tpu.vector_store %arg9[%swap3A_2431, %swap3A_2432], %swap3A_2435 {strides = array<i32>} : memref<50x128xf32, #tpu.memory_space<vmem>>, vector<1x16xf32>,
      %broadcast_in_dim3A_2436 = arith.constant 0.000000e+00 : f32
      %broadcast_in_dim3A_2437 = vector.broadcast %broadcast_in_dim3A_2436 : f32 to vector<16xf32>
      %swap3A_2438 = arith.constant 26 : i32
      %swap3A_2439 = arith.index_cast %swap3A_2438 : i32 to index
      %swap3A_2440 = arith.constant 48 : index
      %swap3A_2441 = tpu.vector_load %arg9[%swap3A_2439, %swap3A_2440] {strides = array<i32>} : memref<50x128xf32, #tpu.memory_space<vmem>>, vector<1x16xf32>,
      %swap3A_2442 = vector.shape_cast %swap3A_2441 : vector<1x16xf32> to vector<16xf32>
      %swap3A_2443 = vector.shape_cast %broadcast_in_dim3A_2437 : vector<16xf32> to vector<1x16xf32>
      tpu.vector_store %arg9[%swap3A_2439, %swap3A_2440], %swap3A_2443 {strides = array<i32>} : memref<50x128xf32, #tpu.memory_space<vmem>>, vector<1x16xf32>,
      %broadcast_in_dim3A_2444 = arith.constant 0.000000e+00 : f32
      %broadcast_in_dim3A_2445 = vector.broadcast %broadcast_in_dim3A_2444 : f32 to vector<16xf32>
      %swap3A_2446 = arith.constant 26 : i32
      %swap3A_2447 = arith.index_cast %swap3A_2446 : i32 to index
      %swap3A_2448 = arith.constant 64 : index
      %swap3A_2449 = tpu.vector_load %arg9[%swap3A_2447, %swap3A_2448] {strides = array<i32>} : memref<50x128xf32, #tpu.memory_space<vmem>>, vector<1x16xf32>,
      %swap3A_2450 = vector.shape_cast %swap3A_2449 : vector<1x16xf32> to vector<16xf32>
      %swap3A_2451 = vector.shape_cast %broadcast_in_dim3A_2445 : vector<16xf32> to vector<1x16xf32>
      tpu.vector_store %arg9[%swap3A_2447, %swap3A_2448], %swap3A_2451 {strides = array<i32>} : memref<50x128xf32, #tpu.memory_space<vmem>>, vector<1x16xf32>,
      %broadcast_in_dim3A_2452 = arith.constant 0.000000e+00 : f32
      %broadcast_in_dim3A_2453 = vector.broadcast %broadcast_in_dim3A_2452 : f32 to vector<16xf32>
      %swap3A_2454 = arith.constant 26 : i32
      %swap3A_2455 = arith.index_cast %swap3A_2454 : i32 to index
      %swap3A_2456 = arith.constant 80 : index
      %swap3A_2457 = tpu.vector_load %arg9[%swap3A_2455, %swap3A_2456] {strides = array<i32>} : memref<50x128xf32, #tpu.memory_space<vmem>>, vector<1x16xf32>,
      %swap3A_2458 = vector.shape_cast %swap3A_2457 : vector<1x16xf32> to vector<16xf32>
      %swap3A_2459 = vector.shape_cast %broadcast_in_dim3A_2453 : vector<16xf32> to vector<1x16xf32>
      tpu.vector_store %arg9[%swap3A_2455, %swap3A_2456], %swap3A_2459 {strides = array<i32>} : memref<50x128xf32, #tpu.memory_space<vmem>>, vector<1x16xf32>,
      %broadcast_in_dim3A_2460 = arith.constant 0.000000e+00 : f32
      %broadcast_in_dim3A_2461 = vector.broadcast %broadcast_in_dim3A_2460 : f32 to vector<16xf32>
      %swap3A_2462 = arith.constant 26 : i32
      %swap3A_2463 = arith.index_cast %swap3A_2462 : i32 to index
      %swap3A_2464 = arith.constant 96 : index
      %swap3A_2465 = tpu.vector_load %arg9[%swap3A_2463, %swap3A_2464] {strides = array<i32>} : memref<50x128xf32, #tpu.memory_space<vmem>>, vector<1x16xf32>,
      %swap3A_2466 = vector.shape_cast %swap3A_2465 : vector<1x16xf32> to vector<16xf32>
      %swap3A_2467 = vector.shape_cast %broadcast_in_dim3A_2461 : vector<16xf32> to vector<1x16xf32>
      tpu.vector_store %arg9[%swap3A_2463, %swap3A_2464], %swap3A_2467 {strides = array<i32>} : memref<50x128xf32, #tpu.memory_space<vmem>>, vector<1x16xf32>,
      %broadcast_in_dim3A_2468 = arith.constant 0.000000e+00 : f32
      %broadcast_in_dim3A_2469 = vector.broadcast %broadcast_in_dim3A_2468 : f32 to vector<16xf32>
      %swap3A_2470 = arith.constant 26 : i32
      %swap3A_2471 = arith.index_cast %swap3A_2470 : i32 to index
      %swap3A_2472 = arith.constant 112 : index
      %swap3A_2473 = tpu.vector_load %arg9[%swap3A_2471, %swap3A_2472] {strides = array<i32>} : memref<50x128xf32, #tpu.memory_space<vmem>>, vector<1x16xf32>,
      %swap3A_2474 = vector.shape_cast %swap3A_2473 : vector<1x16xf32> to vector<16xf32>
      %swap3A_2475 = vector.shape_cast %broadcast_in_dim3A_2469 : vector<16xf32> to vector<1x16xf32>
      tpu.vector_store %arg9[%swap3A_2471, %swap3A_2472], %swap3A_2475 {strides = array<i32>} : memref<50x128xf32, #tpu.memory_space<vmem>>, vector<1x16xf32>,
      %broadcast_in_dim3A_2476 = arith.constant 0.000000e+00 : f32
      %broadcast_in_dim3A_2477 = vector.broadcast %broadcast_in_dim3A_2476 : f32 to vector<16xf32>
      %swap3A_2478 = arith.constant 27 : i32
      %swap3A_2479 = arith.index_cast %swap3A_2478 : i32 to index
      %swap3A_2480 = arith.constant 0 : index
      %swap3A_2481 = tpu.vector_load %arg9[%swap3A_2479, %swap3A_2480] {strides = array<i32>} : memref<50x128xf32, #tpu.memory_space<vmem>>, vector<1x16xf32>,
      %swap3A_2482 = vector.shape_cast %swap3A_2481 : vector<1x16xf32> to vector<16xf32>
      %swap3A_2483 = vector.shape_cast %broadcast_in_dim3A_2477 : vector<16xf32> to vector<1x16xf32>
      tpu.vector_store %arg9[%swap3A_2479, %swap3A_2480], %swap3A_2483 {strides = array<i32>} : memref<50x128xf32, #tpu.memory_space<vmem>>, vector<1x16xf32>,
      %broadcast_in_dim3A_2484 = arith.constant 0.000000e+00 : f32
      %broadcast_in_dim3A_2485 = vector.broadcast %broadcast_in_dim3A_2484 : f32 to vector<16xf32>
      %swap3A_2486 = arith.constant 27 : i32
      %swap3A_2487 = arith.index_cast %swap3A_2486 : i32 to index
      %swap3A_2488 = arith.constant 16 : index
      %swap3A_2489 = tpu.vector_load %arg9[%swap3A_2487, %swap3A_2488] {strides = array<i32>} : memref<50x128xf32, #tpu.memory_space<vmem>>, vector<1x16xf32>,
      %swap3A_2490 = vector.shape_cast %swap3A_2489 : vector<1x16xf32> to vector<16xf32>
      %swap3A_2491 = vector.shape_cast %broadcast_in_dim3A_2485 : vector<16xf32> to vector<1x16xf32>
      tpu.vector_store %arg9[%swap3A_2487, %swap3A_2488], %swap3A_2491 {strides = array<i32>} : memref<50x128xf32, #tpu.memory_space<vmem>>, vector<1x16xf32>,
      %broadcast_in_dim3A_2492 = arith.constant 0.000000e+00 : f32
      %broadcast_in_dim3A_2493 = vector.broadcast %broadcast_in_dim3A_2492 : f32 to vector<16xf32>
      %swap3A_2494 = arith.constant 27 : i32
      %swap3A_2495 = arith.index_cast %swap3A_2494 : i32 to index
      %swap3A_2496 = arith.constant 32 : index
      %swap3A_2497 = tpu.vector_load %arg9[%swap3A_2495, %swap3A_2496] {strides = array<i32>} : memref<50x128xf32, #tpu.memory_space<vmem>>, vector<1x16xf32>,
      %swap3A_2498 = vector.shape_cast %swap3A_2497 : vector<1x16xf32> to vector<16xf32>
      %swap3A_2499 = vector.shape_cast %broadcast_in_dim3A_2493 : vector<16xf32> to vector<1x16xf32>
      tpu.vector_store %arg9[%swap3A_2495, %swap3A_2496], %swap3A_2499 {strides = array<i32>} : memref<50x128xf32, #tpu.memory_space<vmem>>, vector<1x16xf32>,
      %broadcast_in_dim3A_2500 = arith.constant 0.000000e+00 : f32
      %broadcast_in_dim3A_2501 = vector.broadcast %broadcast_in_dim3A_2500 : f32 to vector<16xf32>
      %swap3A_2502 = arith.constant 27 : i32
      %swap3A_2503 = arith.index_cast %swap3A_2502 : i32 to index
      %swap3A_2504 = arith.constant 48 : index
      %swap3A_2505 = tpu.vector_load %arg9[%swap3A_2503, %swap3A_2504] {strides = array<i32>} : memref<50x128xf32, #tpu.memory_space<vmem>>, vector<1x16xf32>,
      %swap3A_2506 = vector.shape_cast %swap3A_2505 : vector<1x16xf32> to vector<16xf32>
      %swap3A_2507 = vector.shape_cast %broadcast_in_dim3A_2501 : vector<16xf32> to vector<1x16xf32>
      tpu.vector_store %arg9[%swap3A_2503, %swap3A_2504], %swap3A_2507 {strides = array<i32>} : memref<50x128xf32, #tpu.memory_space<vmem>>, vector<1x16xf32>,
      %broadcast_in_dim3A_2508 = arith.constant 0.000000e+00 : f32
      %broadcast_in_dim3A_2509 = vector.broadcast %broadcast_in_dim3A_2508 : f32 to vector<16xf32>
      %swap3A_2510 = arith.constant 27 : i32
      %swap3A_2511 = arith.index_cast %swap3A_2510 : i32 to index
      %swap3A_2512 = arith.constant 64 : index
      %swap3A_2513 = tpu.vector_load %arg9[%swap3A_2511, %swap3A_2512] {strides = array<i32>} : memref<50x128xf32, #tpu.memory_space<vmem>>, vector<1x16xf32>,
      %swap3A_2514 = vector.shape_cast %swap3A_2513 : vector<1x16xf32> to vector<16xf32>
      %swap3A_2515 = vector.shape_cast %broadcast_in_dim3A_2509 : vector<16xf32> to vector<1x16xf32>
      tpu.vector_store %arg9[%swap3A_2511, %swap3A_2512], %swap3A_2515 {strides = array<i32>} : memref<50x128xf32, #tpu.memory_space<vmem>>, vector<1x16xf32>,
      %broadcast_in_dim3A_2516 = arith.constant 0.000000e+00 : f32
      %broadcast_in_dim3A_2517 = vector.broadcast %broadcast_in_dim3A_2516 : f32 to vector<16xf32>
      %swap3A_2518 = arith.constant 27 : i32
      %swap3A_2519 = arith.index_cast %swap3A_2518 : i32 to index
      %swap3A_2520 = arith.constant 80 : index
      %swap3A_2521 = tpu.vector_load %arg9[%swap3A_2519, %swap3A_2520] {strides = array<i32>} : memref<50x128xf32, #tpu.memory_space<vmem>>, vector<1x16xf32>,
      %swap3A_2522 = vector.shape_cast %swap3A_2521 : vector<1x16xf32> to vector<16xf32>
      %swap3A_2523 = vector.shape_cast %broadcast_in_dim3A_2517 : vector<16xf32> to vector<1x16xf32>
      tpu.vector_store %arg9[%swap3A_2519, %swap3A_2520], %swap3A_2523 {strides = array<i32>} : memref<50x128xf32, #tpu.memory_space<vmem>>, vector<1x16xf32>,
      %broadcast_in_dim3A_2524 = arith.constant 0.000000e+00 : f32
      %broadcast_in_dim3A_2525 = vector.broadcast %broadcast_in_dim3A_2524 : f32 to vector<16xf32>
      %swap3A_2526 = arith.constant 27 : i32
      %swap3A_2527 = arith.index_cast %swap3A_2526 : i32 to index
      %swap3A_2528 = arith.constant 96 : index
      %swap3A_2529 = tpu.vector_load %arg9[%swap3A_2527, %swap3A_2528] {strides = array<i32>} : memref<50x128xf32, #tpu.memory_space<vmem>>, vector<1x16xf32>,
      %swap3A_2530 = vector.shape_cast %swap3A_2529 : vector<1x16xf32> to vector<16xf32>
      %swap3A_2531 = vector.shape_cast %broadcast_in_dim3A_2525 : vector<16xf32> to vector<1x16xf32>
      tpu.vector_store %arg9[%swap3A_2527, %swap3A_2528], %swap3A_2531 {strides = array<i32>} : memref<50x128xf32, #tpu.memory_space<vmem>>, vector<1x16xf32>,
      %broadcast_in_dim3A_2532 = arith.constant 0.000000e+00 : f32
      %broadcast_in_dim3A_2533 = vector.broadcast %broadcast_in_dim3A_2532 : f32 to vector<16xf32>
      %swap3A_2534 = arith.constant 27 : i32
      %swap3A_2535 = arith.index_cast %swap3A_2534 : i32 to index
      %swap3A_2536 = arith.constant 112 : index
      %swap3A_2537 = tpu.vector_load %arg9[%swap3A_2535, %swap3A_2536] {strides = array<i32>} : memref<50x128xf32, #tpu.memory_space<vmem>>, vector<1x16xf32>,
      %swap3A_2538 = vector.shape_cast %swap3A_2537 : vector<1x16xf32> to vector<16xf32>
      %swap3A_2539 = vector.shape_cast %broadcast_in_dim3A_2533 : vector<16xf32> to vector<1x16xf32>
      tpu.vector_store %arg9[%swap3A_2535, %swap3A_2536], %swap3A_2539 {strides = array<i32>} : memref<50x128xf32, #tpu.memory_space<vmem>>, vector<1x16xf32>,
      %broadcast_in_dim3A_2540 = arith.constant 0.000000e+00 : f32
      %broadcast_in_dim3A_2541 = vector.broadcast %broadcast_in_dim3A_2540 : f32 to vector<16xf32>
      %swap3A_2542 = arith.constant 28 : i32
      %swap3A_2543 = arith.index_cast %swap3A_2542 : i32 to index
      %swap3A_2544 = arith.constant 0 : index
      %swap3A_2545 = tpu.vector_load %arg9[%swap3A_2543, %swap3A_2544] {strides = array<i32>} : memref<50x128xf32, #tpu.memory_space<vmem>>, vector<1x16xf32>,
      %swap3A_2546 = vector.shape_cast %swap3A_2545 : vector<1x16xf32> to vector<16xf32>
      %swap3A_2547 = vector.shape_cast %broadcast_in_dim3A_2541 : vector<16xf32> to vector<1x16xf32>
      tpu.vector_store %arg9[%swap3A_2543, %swap3A_2544], %swap3A_2547 {strides = array<i32>} : memref<50x128xf32, #tpu.memory_space<vmem>>, vector<1x16xf32>,
      %broadcast_in_dim3A_2548 = arith.constant 0.000000e+00 : f32
      %broadcast_in_dim3A_2549 = vector.broadcast %broadcast_in_dim3A_2548 : f32 to vector<16xf32>
      %swap3A_2550 = arith.constant 28 : i32
      %swap3A_2551 = arith.index_cast %swap3A_2550 : i32 to index
      %swap3A_2552 = arith.constant 16 : index
      %swap3A_2553 = tpu.vector_load %arg9[%swap3A_2551, %swap3A_2552] {strides = array<i32>} : memref<50x128xf32, #tpu.memory_space<vmem>>, vector<1x16xf32>,
      %swap3A_2554 = vector.shape_cast %swap3A_2553 : vector<1x16xf32> to vector<16xf32>
      %swap3A_2555 = vector.shape_cast %broadcast_in_dim3A_2549 : vector<16xf32> to vector<1x16xf32>
      tpu.vector_store %arg9[%swap3A_2551, %swap3A_2552], %swap3A_2555 {strides = array<i32>} : memref<50x128xf32, #tpu.memory_space<vmem>>, vector<1x16xf32>,
      %broadcast_in_dim3A_2556 = arith.constant 0.000000e+00 : f32
      %broadcast_in_dim3A_2557 = vector.broadcast %broadcast_in_dim3A_2556 : f32 to vector<16xf32>
      %swap3A_2558 = arith.constant 28 : i32
      %swap3A_2559 = arith.index_cast %swap3A_2558 : i32 to index
      %swap3A_2560 = arith.constant 32 : index
      %swap3A_2561 = tpu.vector_load %arg9[%swap3A_2559, %swap3A_2560] {strides = array<i32>} : memref<50x128xf32, #tpu.memory_space<vmem>>, vector<1x16xf32>,
      %swap3A_2562 = vector.shape_cast %swap3A_2561 : vector<1x16xf32> to vector<16xf32>
      %swap3A_2563 = vector.shape_cast %broadcast_in_dim3A_2557 : vector<16xf32> to vector<1x16xf32>
      tpu.vector_store %arg9[%swap3A_2559, %swap3A_2560], %swap3A_2563 {strides = array<i32>} : memref<50x128xf32, #tpu.memory_space<vmem>>, vector<1x16xf32>,
      %broadcast_in_dim3A_2564 = arith.constant 0.000000e+00 : f32
      %broadcast_in_dim3A_2565 = vector.broadcast %broadcast_in_dim3A_2564 : f32 to vector<16xf32>
      %swap3A_2566 = arith.constant 28 : i32
      %swap3A_2567 = arith.index_cast %swap3A_2566 : i32 to index
      %swap3A_2568 = arith.constant 48 : index
      %swap3A_2569 = tpu.vector_load %arg9[%swap3A_2567, %swap3A_2568] {strides = array<i32>} : memref<50x128xf32, #tpu.memory_space<vmem>>, vector<1x16xf32>,
      %swap3A_2570 = vector.shape_cast %swap3A_2569 : vector<1x16xf32> to vector<16xf32>
      %swap3A_2571 = vector.shape_cast %broadcast_in_dim3A_2565 : vector<16xf32> to vector<1x16xf32>
      tpu.vector_store %arg9[%swap3A_2567, %swap3A_2568], %swap3A_2571 {strides = array<i32>} : memref<50x128xf32, #tpu.memory_space<vmem>>, vector<1x16xf32>,
      %broadcast_in_dim3A_2572 = arith.constant 0.000000e+00 : f32
      %broadcast_in_dim3A_2573 = vector.broadcast %broadcast_in_dim3A_2572 : f32 to vector<16xf32>
      %swap3A_2574 = arith.constant 28 : i32
      %swap3A_2575 = arith.index_cast %swap3A_2574 : i32 to index
      %swap3A_2576 = arith.constant 64 : index
      %swap3A_2577 = tpu.vector_load %arg9[%swap3A_2575, %swap3A_2576] {strides = array<i32>} : memref<50x128xf32, #tpu.memory_space<vmem>>, vector<1x16xf32>,
      %swap3A_2578 = vector.shape_cast %swap3A_2577 : vector<1x16xf32> to vector<16xf32>
      %swap3A_2579 = vector.shape_cast %broadcast_in_dim3A_2573 : vector<16xf32> to vector<1x16xf32>
      tpu.vector_store %arg9[%swap3A_2575, %swap3A_2576], %swap3A_2579 {strides = array<i32>} : memref<50x128xf32, #tpu.memory_space<vmem>>, vector<1x16xf32>,
      %broadcast_in_dim3A_2580 = arith.constant 0.000000e+00 : f32
      %broadcast_in_dim3A_2581 = vector.broadcast %broadcast_in_dim3A_2580 : f32 to vector<16xf32>
      %swap3A_2582 = arith.constant 28 : i32
      %swap3A_2583 = arith.index_cast %swap3A_2582 : i32 to index
      %swap3A_2584 = arith.constant 80 : index
      %swap3A_2585 = tpu.vector_load %arg9[%swap3A_2583, %swap3A_2584] {strides = array<i32>} : memref<50x128xf32, #tpu.memory_space<vmem>>, vector<1x16xf32>,
      %swap3A_2586 = vector.shape_cast %swap3A_2585 : vector<1x16xf32> to vector<16xf32>
      %swap3A_2587 = vector.shape_cast %broadcast_in_dim3A_2581 : vector<16xf32> to vector<1x16xf32>
      tpu.vector_store %arg9[%swap3A_2583, %swap3A_2584], %swap3A_2587 {strides = array<i32>} : memref<50x128xf32, #tpu.memory_space<vmem>>, vector<1x16xf32>,
      %broadcast_in_dim3A_2588 = arith.constant 0.000000e+00 : f32
      %broadcast_in_dim3A_2589 = vector.broadcast %broadcast_in_dim3A_2588 : f32 to vector<16xf32>
      %swap3A_2590 = arith.constant 28 : i32
      %swap3A_2591 = arith.index_cast %swap3A_2590 : i32 to index
      %swap3A_2592 = arith.constant 96 : index
      %swap3A_2593 = tpu.vector_load %arg9[%swap3A_2591, %swap3A_2592] {strides = array<i32>} : memref<50x128xf32, #tpu.memory_space<vmem>>, vector<1x16xf32>,
      %swap3A_2594 = vector.shape_cast %swap3A_2593 : vector<1x16xf32> to vector<16xf32>
      %swap3A_2595 = vector.shape_cast %broadcast_in_dim3A_2589 : vector<16xf32> to vector<1x16xf32>
      tpu.vector_store %arg9[%swap3A_2591, %swap3A_2592], %swap3A_2595 {strides = array<i32>} : memref<50x128xf32, #tpu.memory_space<vmem>>, vector<1x16xf32>,
      %broadcast_in_dim3A_2596 = arith.constant 0.000000e+00 : f32
      %broadcast_in_dim3A_2597 = vector.broadcast %broadcast_in_dim3A_2596 : f32 to vector<16xf32>
      %swap3A_2598 = arith.constant 28 : i32
      %swap3A_2599 = arith.index_cast %swap3A_2598 : i32 to index
      %swap3A_2600 = arith.constant 112 : index
      %swap3A_2601 = tpu.vector_load %arg9[%swap3A_2599, %swap3A_2600] {strides = array<i32>} : memref<50x128xf32, #tpu.memory_space<vmem>>, vector<1x16xf32>,
      %swap3A_2602 = vector.shape_cast %swap3A_2601 : vector<1x16xf32> to vector<16xf32>
      %swap3A_2603 = vector.shape_cast %broadcast_in_dim3A_2597 : vector<16xf32> to vector<1x16xf32>
      tpu.vector_store %arg9[%swap3A_2599, %swap3A_2600], %swap3A_2603 {strides = array<i32>} : memref<50x128xf32, #tpu.memory_space<vmem>>, vector<1x16xf32>,
      %broadcast_in_dim3A_2604 = arith.constant 0.000000e+00 : f32
      %broadcast_in_dim3A_2605 = vector.broadcast %broadcast_in_dim3A_2604 : f32 to vector<16xf32>
      %swap3A_2606 = arith.constant 29 : i32
      %swap3A_2607 = arith.index_cast %swap3A_2606 : i32 to index
      %swap3A_2608 = arith.constant 0 : index
      %swap3A_2609 = tpu.vector_load %arg9[%swap3A_2607, %swap3A_2608] {strides = array<i32>} : memref<50x128xf32, #tpu.memory_space<vmem>>, vector<1x16xf32>,
      %swap3A_2610 = vector.shape_cast %swap3A_2609 : vector<1x16xf32> to vector<16xf32>
      %swap3A_2611 = vector.shape_cast %broadcast_in_dim3A_2605 : vector<16xf32> to vector<1x16xf32>
      tpu.vector_store %arg9[%swap3A_2607, %swap3A_2608], %swap3A_2611 {strides = array<i32>} : memref<50x128xf32, #tpu.memory_space<vmem>>, vector<1x16xf32>,
      %broadcast_in_dim3A_2612 = arith.constant 0.000000e+00 : f32
      %broadcast_in_dim3A_2613 = vector.broadcast %broadcast_in_dim3A_2612 : f32 to vector<16xf32>
      %swap3A_2614 = arith.constant 29 : i32
      %swap3A_2615 = arith.index_cast %swap3A_2614 : i32 to index
      %swap3A_2616 = arith.constant 16 : index
      %swap3A_2617 = tpu.vector_load %arg9[%swap3A_2615, %swap3A_2616] {strides = array<i32>} : memref<50x128xf32, #tpu.memory_space<vmem>>, vector<1x16xf32>,
      %swap3A_2618 = vector.shape_cast %swap3A_2617 : vector<1x16xf32> to vector<16xf32>
      %swap3A_2619 = vector.shape_cast %broadcast_in_dim3A_2613 : vector<16xf32> to vector<1x16xf32>
      tpu.vector_store %arg9[%swap3A_2615, %swap3A_2616], %swap3A_2619 {strides = array<i32>} : memref<50x128xf32, #tpu.memory_space<vmem>>, vector<1x16xf32>,
      %broadcast_in_dim3A_2620 = arith.constant 0.000000e+00 : f32
      %broadcast_in_dim3A_2621 = vector.broadcast %broadcast_in_dim3A_2620 : f32 to vector<16xf32>
      %swap3A_2622 = arith.constant 29 : i32
      %swap3A_2623 = arith.index_cast %swap3A_2622 : i32 to index
      %swap3A_2624 = arith.constant 32 : index
      %swap3A_2625 = tpu.vector_load %arg9[%swap3A_2623, %swap3A_2624] {strides = array<i32>} : memref<50x128xf32, #tpu.memory_space<vmem>>, vector<1x16xf32>,
      %swap3A_2626 = vector.shape_cast %swap3A_2625 : vector<1x16xf32> to vector<16xf32>
      %swap3A_2627 = vector.shape_cast %broadcast_in_dim3A_2621 : vector<16xf32> to vector<1x16xf32>
      tpu.vector_store %arg9[%swap3A_2623, %swap3A_2624], %swap3A_2627 {strides = array<i32>} : memref<50x128xf32, #tpu.memory_space<vmem>>, vector<1x16xf32>,
      %broadcast_in_dim3A_2628 = arith.constant 0.000000e+00 : f32
      %broadcast_in_dim3A_2629 = vector.broadcast %broadcast_in_dim3A_2628 : f32 to vector<16xf32>
      %swap3A_2630 = arith.constant 29 : i32
      %swap3A_2631 = arith.index_cast %swap3A_2630 : i32 to index
      %swap3A_2632 = arith.constant 48 : index
      %swap3A_2633 = tpu.vector_load %arg9[%swap3A_2631, %swap3A_2632] {strides = array<i32>} : memref<50x128xf32, #tpu.memory_space<vmem>>, vector<1x16xf32>,
      %swap3A_2634 = vector.shape_cast %swap3A_2633 : vector<1x16xf32> to vector<16xf32>
      %swap3A_2635 = vector.shape_cast %broadcast_in_dim3A_2629 : vector<16xf32> to vector<1x16xf32>
      tpu.vector_store %arg9[%swap3A_2631, %swap3A_2632], %swap3A_2635 {strides = array<i32>} : memref<50x128xf32, #tpu.memory_space<vmem>>, vector<1x16xf32>,
      %broadcast_in_dim3A_2636 = arith.constant 0.000000e+00 : f32
      %broadcast_in_dim3A_2637 = vector.broadcast %broadcast_in_dim3A_2636 : f32 to vector<16xf32>
      %swap3A_2638 = arith.constant 29 : i32
      %swap3A_2639 = arith.index_cast %swap3A_2638 : i32 to index
      %swap3A_2640 = arith.constant 64 : index
      %swap3A_2641 = tpu.vector_load %arg9[%swap3A_2639, %swap3A_2640] {strides = array<i32>} : memref<50x128xf32, #tpu.memory_space<vmem>>, vector<1x16xf32>,
      %swap3A_2642 = vector.shape_cast %swap3A_2641 : vector<1x16xf32> to vector<16xf32>
      %swap3A_2643 = vector.shape_cast %broadcast_in_dim3A_2637 : vector<16xf32> to vector<1x16xf32>
      tpu.vector_store %arg9[%swap3A_2639, %swap3A_2640], %swap3A_2643 {strides = array<i32>} : memref<50x128xf32, #tpu.memory_space<vmem>>, vector<1x16xf32>,
      %broadcast_in_dim3A_2644 = arith.constant 0.000000e+00 : f32
      %broadcast_in_dim3A_2645 = vector.broadcast %broadcast_in_dim3A_2644 : f32 to vector<16xf32>
      %swap3A_2646 = arith.constant 29 : i32
      %swap3A_2647 = arith.index_cast %swap3A_2646 : i32 to index
      %swap3A_2648 = arith.constant 80 : index
      %swap3A_2649 = tpu.vector_load %arg9[%swap3A_2647, %swap3A_2648] {strides = array<i32>} : memref<50x128xf32, #tpu.memory_space<vmem>>, vector<1x16xf32>,
      %swap3A_2650 = vector.shape_cast %swap3A_2649 : vector<1x16xf32> to vector<16xf32>
      %swap3A_2651 = vector.shape_cast %broadcast_in_dim3A_2645 : vector<16xf32> to vector<1x16xf32>
      tpu.vector_store %arg9[%swap3A_2647, %swap3A_2648], %swap3A_2651 {strides = array<i32>} : memref<50x128xf32, #tpu.memory_space<vmem>>, vector<1x16xf32>,
      %broadcast_in_dim3A_2652 = arith.constant 0.000000e+00 : f32
      %broadcast_in_dim3A_2653 = vector.broadcast %broadcast_in_dim3A_2652 : f32 to vector<16xf32>
      %swap3A_2654 = arith.constant 29 : i32
      %swap3A_2655 = arith.index_cast %swap3A_2654 : i32 to index
      %swap3A_2656 = arith.constant 96 : index
      %swap3A_2657 = tpu.vector_load %arg9[%swap3A_2655, %swap3A_2656] {strides = array<i32>} : memref<50x128xf32, #tpu.memory_space<vmem>>, vector<1x16xf32>,
      %swap3A_2658 = vector.shape_cast %swap3A_2657 : vector<1x16xf32> to vector<16xf32>
      %swap3A_2659 = vector.shape_cast %broadcast_in_dim3A_2653 : vector<16xf32> to vector<1x16xf32>
      tpu.vector_store %arg9[%swap3A_2655, %swap3A_2656], %swap3A_2659 {strides = array<i32>} : memref<50x128xf32, #tpu.memory_space<vmem>>, vector<1x16xf32>,
      %broadcast_in_dim3A_2660 = arith.constant 0.000000e+00 : f32
      %broadcast_in_dim3A_2661 = vector.broadcast %broadcast_in_dim3A_2660 : f32 to vector<16xf32>
      %swap3A_2662 = arith.constant 29 : i32
      %swap3A_2663 = arith.index_cast %swap3A_2662 : i32 to index
      %swap3A_2664 = arith.constant 112 : index
      %swap3A_2665 = tpu.vector_load %arg9[%swap3A_2663, %swap3A_2664] {strides = array<i32>} : memref<50x128xf32, #tpu.memory_space<vmem>>, vector<1x16xf32>,
      %swap3A_2666 = vector.shape_cast %swap3A_2665 : vector<1x16xf32> to vector<16xf32>
      %swap3A_2667 = vector.shape_cast %broadcast_in_dim3A_2661 : vector<16xf32> to vector<1x16xf32>
      tpu.vector_store %arg9[%swap3A_2663, %swap3A_2664], %swap3A_2667 {strides = array<i32>} : memref<50x128xf32, #tpu.memory_space<vmem>>, vector<1x16xf32>,
      %broadcast_in_dim3A_2668 = arith.constant 0.000000e+00 : f32
      %broadcast_in_dim3A_2669 = vector.broadcast %broadcast_in_dim3A_2668 : f32 to vector<16xf32>
      %swap3A_2670 = arith.constant 30 : i32
      %swap3A_2671 = arith.index_cast %swap3A_2670 : i32 to index
      %swap3A_2672 = arith.constant 0 : index
      %swap3A_2673 = tpu.vector_load %arg9[%swap3A_2671, %swap3A_2672] {strides = array<i32>} : memref<50x128xf32, #tpu.memory_space<vmem>>, vector<1x16xf32>,
      %swap3A_2674 = vector.shape_cast %swap3A_2673 : vector<1x16xf32> to vector<16xf32>
      %swap3A_2675 = vector.shape_cast %broadcast_in_dim3A_2669 : vector<16xf32> to vector<1x16xf32>
      tpu.vector_store %arg9[%swap3A_2671, %swap3A_2672], %swap3A_2675 {strides = array<i32>} : memref<50x128xf32, #tpu.memory_space<vmem>>, vector<1x16xf32>,
      %broadcast_in_dim3A_2676 = arith.constant 0.000000e+00 : f32
      %broadcast_in_dim3A_2677 = vector.broadcast %broadcast_in_dim3A_2676 : f32 to vector<16xf32>
      %swap3A_2678 = arith.constant 30 : i32
      %swap3A_2679 = arith.index_cast %swap3A_2678 : i32 to index
      %swap3A_2680 = arith.constant 16 : index
      %swap3A_2681 = tpu.vector_load %arg9[%swap3A_2679, %swap3A_2680] {strides = array<i32>} : memref<50x128xf32, #tpu.memory_space<vmem>>, vector<1x16xf32>,
      %swap3A_2682 = vector.shape_cast %swap3A_2681 : vector<1x16xf32> to vector<16xf32>
      %swap3A_2683 = vector.shape_cast %broadcast_in_dim3A_2677 : vector<16xf32> to vector<1x16xf32>
      tpu.vector_store %arg9[%swap3A_2679, %swap3A_2680], %swap3A_2683 {strides = array<i32>} : memref<50x128xf32, #tpu.memory_space<vmem>>, vector<1x16xf32>,
      %broadcast_in_dim3A_2684 = arith.constant 0.000000e+00 : f32
      %broadcast_in_dim3A_2685 = vector.broadcast %broadcast_in_dim3A_2684 : f32 to vector<16xf32>
      %swap3A_2686 = arith.constant 30 : i32
      %swap3A_2687 = arith.index_cast %swap3A_2686 : i32 to index
      %swap3A_2688 = arith.constant 32 : index
      %swap3A_2689 = tpu.vector_load %arg9[%swap3A_2687, %swap3A_2688] {strides = array<i32>} : memref<50x128xf32, #tpu.memory_space<vmem>>, vector<1x16xf32>,
      %swap3A_2690 = vector.shape_cast %swap3A_2689 : vector<1x16xf32> to vector<16xf32>
      %swap3A_2691 = vector.shape_cast %broadcast_in_dim3A_2685 : vector<16xf32> to vector<1x16xf32>
      tpu.vector_store %arg9[%swap3A_2687, %swap3A_2688], %swap3A_2691 {strides = array<i32>} : memref<50x128xf32, #tpu.memory_space<vmem>>, vector<1x16xf32>,
      %broadcast_in_dim3A_2692 = arith.constant 0.000000e+00 : f32
      %broadcast_in_dim3A_2693 = vector.broadcast %broadcast_in_dim3A_2692 : f32 to vector<16xf32>
      %swap3A_2694 = arith.constant 30 : i32
      %swap3A_2695 = arith.index_cast %swap3A_2694 : i32 to index
      %swap3A_2696 = arith.constant 48 : index
      %swap3A_2697 = tpu.vector_load %arg9[%swap3A_2695, %swap3A_2696] {strides = array<i32>} : memref<50x128xf32, #tpu.memory_space<vmem>>, vector<1x16xf32>,
      %swap3A_2698 = vector.shape_cast %swap3A_2697 : vector<1x16xf32> to vector<16xf32>
      %swap3A_2699 = vector.shape_cast %broadcast_in_dim3A_2693 : vector<16xf32> to vector<1x16xf32>
      tpu.vector_store %arg9[%swap3A_2695, %swap3A_2696], %swap3A_2699 {strides = array<i32>} : memref<50x128xf32, #tpu.memory_space<vmem>>, vector<1x16xf32>,
      %broadcast_in_dim3A_2700 = arith.constant 0.000000e+00 : f32
      %broadcast_in_dim3A_2701 = vector.broadcast %broadcast_in_dim3A_2700 : f32 to vector<16xf32>
      %swap3A_2702 = arith.constant 30 : i32
      %swap3A_2703 = arith.index_cast %swap3A_2702 : i32 to index
      %swap3A_2704 = arith.constant 64 : index
      %swap3A_2705 = tpu.vector_load %arg9[%swap3A_2703, %swap3A_2704] {strides = array<i32>} : memref<50x128xf32, #tpu.memory_space<vmem>>, vector<1x16xf32>,
      %swap3A_2706 = vector.shape_cast %swap3A_2705 : vector<1x16xf32> to vector<16xf32>
      %swap3A_2707 = vector.shape_cast %broadcast_in_dim3A_2701 : vector<16xf32> to vector<1x16xf32>
      tpu.vector_store %arg9[%swap3A_2703, %swap3A_2704], %swap3A_2707 {strides = array<i32>} : memref<50x128xf32, #tpu.memory_space<vmem>>, vector<1x16xf32>,
      %broadcast_in_dim3A_2708 = arith.constant 0.000000e+00 : f32
      %broadcast_in_dim3A_2709 = vector.broadcast %broadcast_in_dim3A_2708 : f32 to vector<16xf32>
      %swap3A_2710 = arith.constant 30 : i32
      %swap3A_2711 = arith.index_cast %swap3A_2710 : i32 to index
      %swap3A_2712 = arith.constant 80 : index
      %swap3A_2713 = tpu.vector_load %arg9[%swap3A_2711, %swap3A_2712] {strides = array<i32>} : memref<50x128xf32, #tpu.memory_space<vmem>>, vector<1x16xf32>,
      %swap3A_2714 = vector.shape_cast %swap3A_2713 : vector<1x16xf32> to vector<16xf32>
      %swap3A_2715 = vector.shape_cast %broadcast_in_dim3A_2709 : vector<16xf32> to vector<1x16xf32>
      tpu.vector_store %arg9[%swap3A_2711, %swap3A_2712], %swap3A_2715 {strides = array<i32>} : memref<50x128xf32, #tpu.memory_space<vmem>>, vector<1x16xf32>,
      %broadcast_in_dim3A_2716 = arith.constant 0.000000e+00 : f32
      %broadcast_in_dim3A_2717 = vector.broadcast %broadcast_in_dim3A_2716 : f32 to vector<16xf32>
      %swap3A_2718 = arith.constant 30 : i32
      %swap3A_2719 = arith.index_cast %swap3A_2718 : i32 to index
      %swap3A_2720 = arith.constant 96 : index
      %swap3A_2721 = tpu.vector_load %arg9[%swap3A_2719, %swap3A_2720] {strides = array<i32>} : memref<50x128xf32, #tpu.memory_space<vmem>>, vector<1x16xf32>,
      %swap3A_2722 = vector.shape_cast %swap3A_2721 : vector<1x16xf32> to vector<16xf32>
      %swap3A_2723 = vector.shape_cast %broadcast_in_dim3A_2717 : vector<16xf32> to vector<1x16xf32>
      tpu.vector_store %arg9[%swap3A_2719, %swap3A_2720], %swap3A_2723 {strides = array<i32>} : memref<50x128xf32, #tpu.memory_space<vmem>>, vector<1x16xf32>,
      %broadcast_in_dim3A_2724 = arith.constant 0.000000e+00 : f32
      %broadcast_in_dim3A_2725 = vector.broadcast %broadcast_in_dim3A_2724 : f32 to vector<16xf32>
      %swap3A_2726 = arith.constant 30 : i32
      %swap3A_2727 = arith.index_cast %swap3A_2726 : i32 to index
      %swap3A_2728 = arith.constant 112 : index
      %swap3A_2729 = tpu.vector_load %arg9[%swap3A_2727, %swap3A_2728] {strides = array<i32>} : memref<50x128xf32, #tpu.memory_space<vmem>>, vector<1x16xf32>,
      %swap3A_2730 = vector.shape_cast %swap3A_2729 : vector<1x16xf32> to vector<16xf32>
      %swap3A_2731 = vector.shape_cast %broadcast_in_dim3A_2725 : vector<16xf32> to vector<1x16xf32>
      tpu.vector_store %arg9[%swap3A_2727, %swap3A_2728], %swap3A_2731 {strides = array<i32>} : memref<50x128xf32, #tpu.memory_space<vmem>>, vector<1x16xf32>,
      %broadcast_in_dim3A_2732 = arith.constant 0.000000e+00 : f32
      %broadcast_in_dim3A_2733 = vector.broadcast %broadcast_in_dim3A_2732 : f32 to vector<16xf32>
      %swap3A_2734 = arith.constant 31 : i32
      %swap3A_2735 = arith.index_cast %swap3A_2734 : i32 to index
      %swap3A_2736 = arith.constant 0 : index
      %swap3A_2737 = tpu.vector_load %arg9[%swap3A_2735, %swap3A_2736] {strides = array<i32>} : memref<50x128xf32, #tpu.memory_space<vmem>>, vector<1x16xf32>,
      %swap3A_2738 = vector.shape_cast %swap3A_2737 : vector<1x16xf32> to vector<16xf32>
      %swap3A_2739 = vector.shape_cast %broadcast_in_dim3A_2733 : vector<16xf32> to vector<1x16xf32>
      tpu.vector_store %arg9[%swap3A_2735, %swap3A_2736], %swap3A_2739 {strides = array<i32>} : memref<50x128xf32, #tpu.memory_space<vmem>>, vector<1x16xf32>,
      %broadcast_in_dim3A_2740 = arith.constant 0.000000e+00 : f32
      %broadcast_in_dim3A_2741 = vector.broadcast %broadcast_in_dim3A_2740 : f32 to vector<16xf32>
      %swap3A_2742 = arith.constant 31 : i32
      %swap3A_2743 = arith.index_cast %swap3A_2742 : i32 to index
      %swap3A_2744 = arith.constant 16 : index
      %swap3A_2745 = tpu.vector_load %arg9[%swap3A_2743, %swap3A_2744] {strides = array<i32>} : memref<50x128xf32, #tpu.memory_space<vmem>>, vector<1x16xf32>,
      %swap3A_2746 = vector.shape_cast %swap3A_2745 : vector<1x16xf32> to vector<16xf32>
      %swap3A_2747 = vector.shape_cast %broadcast_in_dim3A_2741 : vector<16xf32> to vector<1x16xf32>
      tpu.vector_store %arg9[%swap3A_2743, %swap3A_2744], %swap3A_2747 {strides = array<i32>} : memref<50x128xf32, #tpu.memory_space<vmem>>, vector<1x16xf32>,
      %broadcast_in_dim3A_2748 = arith.constant 0.000000e+00 : f32
      %broadcast_in_dim3A_2749 = vector.broadcast %broadcast_in_dim3A_2748 : f32 to vector<16xf32>
      %swap3A_2750 = arith.constant 31 : i32
      %swap3A_2751 = arith.index_cast %swap3A_2750 : i32 to index
      %swap3A_2752 = arith.constant 32 : index
      %swap3A_2753 = tpu.vector_load %arg9[%swap3A_2751, %swap3A_2752] {strides = array<i32>} : memref<50x128xf32, #tpu.memory_space<vmem>>, vector<1x16xf32>,
      %swap3A_2754 = vector.shape_cast %swap3A_2753 : vector<1x16xf32> to vector<16xf32>
      %swap3A_2755 = vector.shape_cast %broadcast_in_dim3A_2749 : vector<16xf32> to vector<1x16xf32>
      tpu.vector_store %arg9[%swap3A_2751, %swap3A_2752], %swap3A_2755 {strides = array<i32>} : memref<50x128xf32, #tpu.memory_space<vmem>>, vector<1x16xf32>,
      %broadcast_in_dim3A_2756 = arith.constant 0.000000e+00 : f32
      %broadcast_in_dim3A_2757 = vector.broadcast %broadcast_in_dim3A_2756 : f32 to vector<16xf32>
      %swap3A_2758 = arith.constant 31 : i32
      %swap3A_2759 = arith.index_cast %swap3A_2758 : i32 to index
      %swap3A_2760 = arith.constant 48 : index
      %swap3A_2761 = tpu.vector_load %arg9[%swap3A_2759, %swap3A_2760] {strides = array<i32>} : memref<50x128xf32, #tpu.memory_space<vmem>>, vector<1x16xf32>,
      %swap3A_2762 = vector.shape_cast %swap3A_2761 : vector<1x16xf32> to vector<16xf32>
      %swap3A_2763 = vector.shape_cast %broadcast_in_dim3A_2757 : vector<16xf32> to vector<1x16xf32>
      tpu.vector_store %arg9[%swap3A_2759, %swap3A_2760], %swap3A_2763 {strides = array<i32>} : memref<50x128xf32, #tpu.memory_space<vmem>>, vector<1x16xf32>,
      %broadcast_in_dim3A_2764 = arith.constant 0.000000e+00 : f32
      %broadcast_in_dim3A_2765 = vector.broadcast %broadcast_in_dim3A_2764 : f32 to vector<16xf32>
      %swap3A_2766 = arith.constant 31 : i32
      %swap3A_2767 = arith.index_cast %swap3A_2766 : i32 to index
      %swap3A_2768 = arith.constant 64 : index
      %swap3A_2769 = tpu.vector_load %arg9[%swap3A_2767, %swap3A_2768] {strides = array<i32>} : memref<50x128xf32, #tpu.memory_space<vmem>>, vector<1x16xf32>,
      %swap3A_2770 = vector.shape_cast %swap3A_2769 : vector<1x16xf32> to vector<16xf32>
      %swap3A_2771 = vector.shape_cast %broadcast_in_dim3A_2765 : vector<16xf32> to vector<1x16xf32>
      tpu.vector_store %arg9[%swap3A_2767, %swap3A_2768], %swap3A_2771 {strides = array<i32>} : memref<50x128xf32, #tpu.memory_space<vmem>>, vector<1x16xf32>,
      %broadcast_in_dim3A_2772 = arith.constant 0.000000e+00 : f32
      %broadcast_in_dim3A_2773 = vector.broadcast %broadcast_in_dim3A_2772 : f32 to vector<16xf32>
      %swap3A_2774 = arith.constant 31 : i32
      %swap3A_2775 = arith.index_cast %swap3A_2774 : i32 to index
      %swap3A_2776 = arith.constant 80 : index
      %swap3A_2777 = tpu.vector_load %arg9[%swap3A_2775, %swap3A_2776] {strides = array<i32>} : memref<50x128xf32, #tpu.memory_space<vmem>>, vector<1x16xf32>,
      %swap3A_2778 = vector.shape_cast %swap3A_2777 : vector<1x16xf32> to vector<16xf32>
      %swap3A_2779 = vector.shape_cast %broadcast_in_dim3A_2773 : vector<16xf32> to vector<1x16xf32>
      tpu.vector_store %arg9[%swap3A_2775, %swap3A_2776], %swap3A_2779 {strides = array<i32>} : memref<50x128xf32, #tpu.memory_space<vmem>>, vector<1x16xf32>,
      %broadcast_in_dim3A_2780 = arith.constant 0.000000e+00 : f32
      %broadcast_in_dim3A_2781 = vector.broadcast %broadcast_in_dim3A_2780 : f32 to vector<16xf32>
      %swap3A_2782 = arith.constant 31 : i32
      %swap3A_2783 = arith.index_cast %swap3A_2782 : i32 to index
      %swap3A_2784 = arith.constant 96 : index
      %swap3A_2785 = tpu.vector_load %arg9[%swap3A_2783, %swap3A_2784] {strides = array<i32>} : memref<50x128xf32, #tpu.memory_space<vmem>>, vector<1x16xf32>,
      %swap3A_2786 = vector.shape_cast %swap3A_2785 : vector<1x16xf32> to vector<16xf32>
      %swap3A_2787 = vector.shape_cast %broadcast_in_dim3A_2781 : vector<16xf32> to vector<1x16xf32>
      tpu.vector_store %arg9[%swap3A_2783, %swap3A_2784], %swap3A_2787 {strides = array<i32>} : memref<50x128xf32, #tpu.memory_space<vmem>>, vector<1x16xf32>,
      %broadcast_in_dim3A_2788 = arith.constant 0.000000e+00 : f32
      %broadcast_in_dim3A_2789 = vector.broadcast %broadcast_in_dim3A_2788 : f32 to vector<16xf32>
      %swap3A_2790 = arith.constant 31 : i32
      %swap3A_2791 = arith.index_cast %swap3A_2790 : i32 to index
      %swap3A_2792 = arith.constant 112 : index
      %swap3A_2793 = tpu.vector_load %arg9[%swap3A_2791, %swap3A_2792] {strides = array<i32>} : memref<50x128xf32, #tpu.memory_space<vmem>>, vector<1x16xf32>,
      %swap3A_2794 = vector.shape_cast %swap3A_2793 : vector<1x16xf32> to vector<16xf32>
      %swap3A_2795 = vector.shape_cast %broadcast_in_dim3A_2789 : vector<16xf32> to vector<1x16xf32>
      tpu.vector_store %arg9[%swap3A_2791, %swap3A_2792], %swap3A_2795 {strides = array<i32>} : memref<50x128xf32, #tpu.memory_space<vmem>>, vector<1x16xf32>,
      %broadcast_in_dim3A_2796 = arith.constant 0.000000e+00 : f32
      %broadcast_in_dim3A_2797 = vector.broadcast %broadcast_in_dim3A_2796 : f32 to vector<16xf32>
      %swap3A_2798 = arith.constant 32 : i32
      %swap3A_2799 = arith.index_cast %swap3A_2798 : i32 to index
      %swap3A_2800 = arith.constant 0 : index
      %swap3A_2801 = tpu.vector_load %arg9[%swap3A_2799, %swap3A_2800] {strides = array<i32>} : memref<50x128xf32, #tpu.memory_space<vmem>>, vector<1x16xf32>,
      %swap3A_2802 = vector.shape_cast %swap3A_2801 : vector<1x16xf32> to vector<16xf32>
      %swap3A_2803 = vector.shape_cast %broadcast_in_dim3A_2797 : vector<16xf32> to vector<1x16xf32>
      tpu.vector_store %arg9[%swap3A_2799, %swap3A_2800], %swap3A_2803 {strides = array<i32>} : memref<50x128xf32, #tpu.memory_space<vmem>>, vector<1x16xf32>,
      %broadcast_in_dim3A_2804 = arith.constant 0.000000e+00 : f32
      %broadcast_in_dim3A_2805 = vector.broadcast %broadcast_in_dim3A_2804 : f32 to vector<16xf32>
      %swap3A_2806 = arith.constant 32 : i32
      %swap3A_2807 = arith.index_cast %swap3A_2806 : i32 to index
      %swap3A_2808 = arith.constant 16 : index
      %swap3A_2809 = tpu.vector_load %arg9[%swap3A_2807, %swap3A_2808] {strides = array<i32>} : memref<50x128xf32, #tpu.memory_space<vmem>>, vector<1x16xf32>,
      %swap3A_2810 = vector.shape_cast %swap3A_2809 : vector<1x16xf32> to vector<16xf32>
      %swap3A_2811 = vector.shape_cast %broadcast_in_dim3A_2805 : vector<16xf32> to vector<1x16xf32>
      tpu.vector_store %arg9[%swap3A_2807, %swap3A_2808], %swap3A_2811 {strides = array<i32>} : memref<50x128xf32, #tpu.memory_space<vmem>>, vector<1x16xf32>,
      %broadcast_in_dim3A_2812 = arith.constant 0.000000e+00 : f32
      %broadcast_in_dim3A_2813 = vector.broadcast %broadcast_in_dim3A_2812 : f32 to vector<16xf32>
      %swap3A_2814 = arith.constant 32 : i32
      %swap3A_2815 = arith.index_cast %swap3A_2814 : i32 to index
      %swap3A_2816 = arith.constant 32 : index
      %swap3A_2817 = tpu.vector_load %arg9[%swap3A_2815, %swap3A_2816] {strides = array<i32>} : memref<50x128xf32, #tpu.memory_space<vmem>>, vector<1x16xf32>,
      %swap3A_2818 = vector.shape_cast %swap3A_2817 : vector<1x16xf32> to vector<16xf32>
      %swap3A_2819 = vector.shape_cast %broadcast_in_dim3A_2813 : vector<16xf32> to vector<1x16xf32>
      tpu.vector_store %arg9[%swap3A_2815, %swap3A_2816], %swap3A_2819 {strides = array<i32>} : memref<50x128xf32, #tpu.memory_space<vmem>>, vector<1x16xf32>,
      %broadcast_in_dim3A_2820 = arith.constant 0.000000e+00 : f32
      %broadcast_in_dim3A_2821 = vector.broadcast %broadcast_in_dim3A_2820 : f32 to vector<16xf32>
      %swap3A_2822 = arith.constant 32 : i32
      %swap3A_2823 = arith.index_cast %swap3A_2822 : i32 to index
      %swap3A_2824 = arith.constant 48 : index
      %swap3A_2825 = tpu.vector_load %arg9[%swap3A_2823, %swap3A_2824] {strides = array<i32>} : memref<50x128xf32, #tpu.memory_space<vmem>>, vector<1x16xf32>,
      %swap3A_2826 = vector.shape_cast %swap3A_2825 : vector<1x16xf32> to vector<16xf32>
      %swap3A_2827 = vector.shape_cast %broadcast_in_dim3A_2821 : vector<16xf32> to vector<1x16xf32>
      tpu.vector_store %arg9[%swap3A_2823, %swap3A_2824], %swap3A_2827 {strides = array<i32>} : memref<50x128xf32, #tpu.memory_space<vmem>>, vector<1x16xf32>,
      %broadcast_in_dim3A_2828 = arith.constant 0.000000e+00 : f32
      %broadcast_in_dim3A_2829 = vector.broadcast %broadcast_in_dim3A_2828 : f32 to vector<16xf32>
      %swap3A_2830 = arith.constant 32 : i32
      %swap3A_2831 = arith.index_cast %swap3A_2830 : i32 to index
      %swap3A_2832 = arith.constant 64 : index
      %swap3A_2833 = tpu.vector_load %arg9[%swap3A_2831, %swap3A_2832] {strides = array<i32>} : memref<50x128xf32, #tpu.memory_space<vmem>>, vector<1x16xf32>,
      %swap3A_2834 = vector.shape_cast %swap3A_2833 : vector<1x16xf32> to vector<16xf32>
      %swap3A_2835 = vector.shape_cast %broadcast_in_dim3A_2829 : vector<16xf32> to vector<1x16xf32>
      tpu.vector_store %arg9[%swap3A_2831, %swap3A_2832], %swap3A_2835 {strides = array<i32>} : memref<50x128xf32, #tpu.memory_space<vmem>>, vector<1x16xf32>,
      %broadcast_in_dim3A_2836 = arith.constant 0.000000e+00 : f32
      %broadcast_in_dim3A_2837 = vector.broadcast %broadcast_in_dim3A_2836 : f32 to vector<16xf32>
      %swap3A_2838 = arith.constant 32 : i32
      %swap3A_2839 = arith.index_cast %swap3A_2838 : i32 to index
      %swap3A_2840 = arith.constant 80 : index
      %swap3A_2841 = tpu.vector_load %arg9[%swap3A_2839, %swap3A_2840] {strides = array<i32>} : memref<50x128xf32, #tpu.memory_space<vmem>>, vector<1x16xf32>,
      %swap3A_2842 = vector.shape_cast %swap3A_2841 : vector<1x16xf32> to vector<16xf32>
      %swap3A_2843 = vector.shape_cast %broadcast_in_dim3A_2837 : vector<16xf32> to vector<1x16xf32>
      tpu.vector_store %arg9[%swap3A_2839, %swap3A_2840], %swap3A_2843 {strides = array<i32>} : memref<50x128xf32, #tpu.memory_space<vmem>>, vector<1x16xf32>,
      %broadcast_in_dim3A_2844 = arith.constant 0.000000e+00 : f32
      %broadcast_in_dim3A_2845 = vector.broadcast %broadcast_in_dim3A_2844 : f32 to vector<16xf32>
      %swap3A_2846 = arith.constant 32 : i32
      %swap3A_2847 = arith.index_cast %swap3A_2846 : i32 to index
      %swap3A_2848 = arith.constant 96 : index
      %swap3A_2849 = tpu.vector_load %arg9[%swap3A_2847, %swap3A_2848] {strides = array<i32>} : memref<50x128xf32, #tpu.memory_space<vmem>>, vector<1x16xf32>,
      %swap3A_2850 = vector.shape_cast %swap3A_2849 : vector<1x16xf32> to vector<16xf32>
      %swap3A_2851 = vector.shape_cast %broadcast_in_dim3A_2845 : vector<16xf32> to vector<1x16xf32>
      tpu.vector_store %arg9[%swap3A_2847, %swap3A_2848], %swap3A_2851 {strides = array<i32>} : memref<50x128xf32, #tpu.memory_space<vmem>>, vector<1x16xf32>,
      %broadcast_in_dim3A_2852 = arith.constant 0.000000e+00 : f32
      %broadcast_in_dim3A_2853 = vector.broadcast %broadcast_in_dim3A_2852 : f32 to vector<16xf32>
      %swap3A_2854 = arith.constant 32 : i32
      %swap3A_2855 = arith.index_cast %swap3A_2854 : i32 to index
      %swap3A_2856 = arith.constant 112 : index
      %swap3A_2857 = tpu.vector_load %arg9[%swap3A_2855, %swap3A_2856] {strides = array<i32>} : memref<50x128xf32, #tpu.memory_space<vmem>>, vector<1x16xf32>,
      %swap3A_2858 = vector.shape_cast %swap3A_2857 : vector<1x16xf32> to vector<16xf32>
      %swap3A_2859 = vector.shape_cast %broadcast_in_dim3A_2853 : vector<16xf32> to vector<1x16xf32>
      tpu.vector_store %arg9[%swap3A_2855, %swap3A_2856], %swap3A_2859 {strides = array<i32>} : memref<50x128xf32, #tpu.memory_space<vmem>>, vector<1x16xf32>,
      %broadcast_in_dim3A_2860 = arith.constant 0.000000e+00 : f32
      %broadcast_in_dim3A_2861 = vector.broadcast %broadcast_in_dim3A_2860 : f32 to vector<16xf32>
      %swap3A_2862 = arith.constant 33 : i32
      %swap3A_2863 = arith.index_cast %swap3A_2862 : i32 to index
      %swap3A_2864 = arith.constant 0 : index
      %swap3A_2865 = tpu.vector_load %arg9[%swap3A_2863, %swap3A_2864] {strides = array<i32>} : memref<50x128xf32, #tpu.memory_space<vmem>>, vector<1x16xf32>,
      %swap3A_2866 = vector.shape_cast %swap3A_2865 : vector<1x16xf32> to vector<16xf32>
      %swap3A_2867 = vector.shape_cast %broadcast_in_dim3A_2861 : vector<16xf32> to vector<1x16xf32>
      tpu.vector_store %arg9[%swap3A_2863, %swap3A_2864], %swap3A_2867 {strides = array<i32>} : memref<50x128xf32, #tpu.memory_space<vmem>>, vector<1x16xf32>,
      %broadcast_in_dim3A_2868 = arith.constant 0.000000e+00 : f32
      %broadcast_in_dim3A_2869 = vector.broadcast %broadcast_in_dim3A_2868 : f32 to vector<16xf32>
      %swap3A_2870 = arith.constant 33 : i32
      %swap3A_2871 = arith.index_cast %swap3A_2870 : i32 to index
      %swap3A_2872 = arith.constant 16 : index
      %swap3A_2873 = tpu.vector_load %arg9[%swap3A_2871, %swap3A_2872] {strides = array<i32>} : memref<50x128xf32, #tpu.memory_space<vmem>>, vector<1x16xf32>,
      %swap3A_2874 = vector.shape_cast %swap3A_2873 : vector<1x16xf32> to vector<16xf32>
      %swap3A_2875 = vector.shape_cast %broadcast_in_dim3A_2869 : vector<16xf32> to vector<1x16xf32>
      tpu.vector_store %arg9[%swap3A_2871, %swap3A_2872], %swap3A_2875 {strides = array<i32>} : memref<50x128xf32, #tpu.memory_space<vmem>>, vector<1x16xf32>,
      %broadcast_in_dim3A_2876 = arith.constant 0.000000e+00 : f32
      %broadcast_in_dim3A_2877 = vector.broadcast %broadcast_in_dim3A_2876 : f32 to vector<16xf32>
      %swap3A_2878 = arith.constant 33 : i32
      %swap3A_2879 = arith.index_cast %swap3A_2878 : i32 to index
      %swap3A_2880 = arith.constant 32 : index
      %swap3A_2881 = tpu.vector_load %arg9[%swap3A_2879, %swap3A_2880] {strides = array<i32>} : memref<50x128xf32, #tpu.memory_space<vmem>>, vector<1x16xf32>,
      %swap3A_2882 = vector.shape_cast %swap3A_2881 : vector<1x16xf32> to vector<16xf32>
      %swap3A_2883 = vector.shape_cast %broadcast_in_dim3A_2877 : vector<16xf32> to vector<1x16xf32>
      tpu.vector_store %arg9[%swap3A_2879, %swap3A_2880], %swap3A_2883 {strides = array<i32>} : memref<50x128xf32, #tpu.memory_space<vmem>>, vector<1x16xf32>,
      %broadcast_in_dim3A_2884 = arith.constant 0.000000e+00 : f32
      %broadcast_in_dim3A_2885 = vector.broadcast %broadcast_in_dim3A_2884 : f32 to vector<16xf32>
      %swap3A_2886 = arith.constant 33 : i32
      %swap3A_2887 = arith.index_cast %swap3A_2886 : i32 to index
      %swap3A_2888 = arith.constant 48 : index
      %swap3A_2889 = tpu.vector_load %arg9[%swap3A_2887, %swap3A_2888] {strides = array<i32>} : memref<50x128xf32, #tpu.memory_space<vmem>>, vector<1x16xf32>,
      %swap3A_2890 = vector.shape_cast %swap3A_2889 : vector<1x16xf32> to vector<16xf32>
      %swap3A_2891 = vector.shape_cast %broadcast_in_dim3A_2885 : vector<16xf32> to vector<1x16xf32>
      tpu.vector_store %arg9[%swap3A_2887, %swap3A_2888], %swap3A_2891 {strides = array<i32>} : memref<50x128xf32, #tpu.memory_space<vmem>>, vector<1x16xf32>,
      %broadcast_in_dim3A_2892 = arith.constant 0.000000e+00 : f32
      %broadcast_in_dim3A_2893 = vector.broadcast %broadcast_in_dim3A_2892 : f32 to vector<16xf32>
      %swap3A_2894 = arith.constant 33 : i32
      %swap3A_2895 = arith.index_cast %swap3A_2894 : i32 to index
      %swap3A_2896 = arith.constant 64 : index
      %swap3A_2897 = tpu.vector_load %arg9[%swap3A_2895, %swap3A_2896] {strides = array<i32>} : memref<50x128xf32, #tpu.memory_space<vmem>>, vector<1x16xf32>,
      %swap3A_2898 = vector.shape_cast %swap3A_2897 : vector<1x16xf32> to vector<16xf32>
      %swap3A_2899 = vector.shape_cast %broadcast_in_dim3A_2893 : vector<16xf32> to vector<1x16xf32>
      tpu.vector_store %arg9[%swap3A_2895, %swap3A_2896], %swap3A_2899 {strides = array<i32>} : memref<50x128xf32, #tpu.memory_space<vmem>>, vector<1x16xf32>,
      %broadcast_in_dim3A_2900 = arith.constant 0.000000e+00 : f32
      %broadcast_in_dim3A_2901 = vector.broadcast %broadcast_in_dim3A_2900 : f32 to vector<16xf32>
      %swap3A_2902 = arith.constant 33 : i32
      %swap3A_2903 = arith.index_cast %swap3A_2902 : i32 to index
      %swap3A_2904 = arith.constant 80 : index
      %swap3A_2905 = tpu.vector_load %arg9[%swap3A_2903, %swap3A_2904] {strides = array<i32>} : memref<50x128xf32, #tpu.memory_space<vmem>>, vector<1x16xf32>,
      %swap3A_2906 = vector.shape_cast %swap3A_2905 : vector<1x16xf32> to vector<16xf32>
      %swap3A_2907 = vector.shape_cast %broadcast_in_dim3A_2901 : vector<16xf32> to vector<1x16xf32>
      tpu.vector_store %arg9[%swap3A_2903, %swap3A_2904], %swap3A_2907 {strides = array<i32>} : memref<50x128xf32, #tpu.memory_space<vmem>>, vector<1x16xf32>,
      %broadcast_in_dim3A_2908 = arith.constant 0.000000e+00 : f32
      %broadcast_in_dim3A_2909 = vector.broadcast %broadcast_in_dim3A_2908 : f32 to vector<16xf32>
      %swap3A_2910 = arith.constant 33 : i32
      %swap3A_2911 = arith.index_cast %swap3A_2910 : i32 to index
      %swap3A_2912 = arith.constant 96 : index
      %swap3A_2913 = tpu.vector_load %arg9[%swap3A_2911, %swap3A_2912] {strides = array<i32>} : memref<50x128xf32, #tpu.memory_space<vmem>>, vector<1x16xf32>,
      %swap3A_2914 = vector.shape_cast %swap3A_2913 : vector<1x16xf32> to vector<16xf32>
      %swap3A_2915 = vector.shape_cast %broadcast_in_dim3A_2909 : vector<16xf32> to vector<1x16xf32>
      tpu.vector_store %arg9[%swap3A_2911, %swap3A_2912], %swap3A_2915 {strides = array<i32>} : memref<50x128xf32, #tpu.memory_space<vmem>>, vector<1x16xf32>,
      %broadcast_in_dim3A_2916 = arith.constant 0.000000e+00 : f32
      %broadcast_in_dim3A_2917 = vector.broadcast %broadcast_in_dim3A_2916 : f32 to vector<16xf32>
      %swap3A_2918 = arith.constant 33 : i32
      %swap3A_2919 = arith.index_cast %swap3A_2918 : i32 to index
      %swap3A_2920 = arith.constant 112 : index
      %swap3A_2921 = tpu.vector_load %arg9[%swap3A_2919, %swap3A_2920] {strides = array<i32>} : memref<50x128xf32, #tpu.memory_space<vmem>>, vector<1x16xf32>,
      %swap3A_2922 = vector.shape_cast %swap3A_2921 : vector<1x16xf32> to vector<16xf32>
      %swap3A_2923 = vector.shape_cast %broadcast_in_dim3A_2917 : vector<16xf32> to vector<1x16xf32>
      tpu.vector_store %arg9[%swap3A_2919, %swap3A_2920], %swap3A_2923 {strides = array<i32>} : memref<50x128xf32, #tpu.memory_space<vmem>>, vector<1x16xf32>,
      %broadcast_in_dim3A_2924 = arith.constant 0.000000e+00 : f32
      %broadcast_in_dim3A_2925 = vector.broadcast %broadcast_in_dim3A_2924 : f32 to vector<16xf32>
      %swap3A_2926 = arith.constant 34 : i32
      %swap3A_2927 = arith.index_cast %swap3A_2926 : i32 to index
      %swap3A_2928 = arith.constant 0 : index
      %swap3A_2929 = tpu.vector_load %arg9[%swap3A_2927, %swap3A_2928] {strides = array<i32>} : memref<50x128xf32, #tpu.memory_space<vmem>>, vector<1x16xf32>,
      %swap3A_2930 = vector.shape_cast %swap3A_2929 : vector<1x16xf32> to vector<16xf32>
      %swap3A_2931 = vector.shape_cast %broadcast_in_dim3A_2925 : vector<16xf32> to vector<1x16xf32>
      tpu.vector_store %arg9[%swap3A_2927, %swap3A_2928], %swap3A_2931 {strides = array<i32>} : memref<50x128xf32, #tpu.memory_space<vmem>>, vector<1x16xf32>,
      %broadcast_in_dim3A_2932 = arith.constant 0.000000e+00 : f32
      %broadcast_in_dim3A_2933 = vector.broadcast %broadcast_in_dim3A_2932 : f32 to vector<16xf32>
      %swap3A_2934 = arith.constant 34 : i32
      %swap3A_2935 = arith.index_cast %swap3A_2934 : i32 to index
      %swap3A_2936 = arith.constant 16 : index
      %swap3A_2937 = tpu.vector_load %arg9[%swap3A_2935, %swap3A_2936] {strides = array<i32>} : memref<50x128xf32, #tpu.memory_space<vmem>>, vector<1x16xf32>,
      %swap3A_2938 = vector.shape_cast %swap3A_2937 : vector<1x16xf32> to vector<16xf32>
      %swap3A_2939 = vector.shape_cast %broadcast_in_dim3A_2933 : vector<16xf32> to vector<1x16xf32>
      tpu.vector_store %arg9[%swap3A_2935, %swap3A_2936], %swap3A_2939 {strides = array<i32>} : memref<50x128xf32, #tpu.memory_space<vmem>>, vector<1x16xf32>,
      %broadcast_in_dim3A_2940 = arith.constant 0.000000e+00 : f32
      %broadcast_in_dim3A_2941 = vector.broadcast %broadcast_in_dim3A_2940 : f32 to vector<16xf32>
      %swap3A_2942 = arith.constant 34 : i32
      %swap3A_2943 = arith.index_cast %swap3A_2942 : i32 to index
      %swap3A_2944 = arith.constant 32 : index
      %swap3A_2945 = tpu.vector_load %arg9[%swap3A_2943, %swap3A_2944] {strides = array<i32>} : memref<50x128xf32, #tpu.memory_space<vmem>>, vector<1x16xf32>,
      %swap3A_2946 = vector.shape_cast %swap3A_2945 : vector<1x16xf32> to vector<16xf32>
      %swap3A_2947 = vector.shape_cast %broadcast_in_dim3A_2941 : vector<16xf32> to vector<1x16xf32>
      tpu.vector_store %arg9[%swap3A_2943, %swap3A_2944], %swap3A_2947 {strides = array<i32>} : memref<50x128xf32, #tpu.memory_space<vmem>>, vector<1x16xf32>,
      %broadcast_in_dim3A_2948 = arith.constant 0.000000e+00 : f32
      %broadcast_in_dim3A_2949 = vector.broadcast %broadcast_in_dim3A_2948 : f32 to vector<16xf32>
      %swap3A_2950 = arith.constant 34 : i32
      %swap3A_2951 = arith.index_cast %swap3A_2950 : i32 to index
      %swap3A_2952 = arith.constant 48 : index
      %swap3A_2953 = tpu.vector_load %arg9[%swap3A_2951, %swap3A_2952] {strides = array<i32>} : memref<50x128xf32, #tpu.memory_space<vmem>>, vector<1x16xf32>,
      %swap3A_2954 = vector.shape_cast %swap3A_2953 : vector<1x16xf32> to vector<16xf32>
      %swap3A_2955 = vector.shape_cast %broadcast_in_dim3A_2949 : vector<16xf32> to vector<1x16xf32>
      tpu.vector_store %arg9[%swap3A_2951, %swap3A_2952], %swap3A_2955 {strides = array<i32>} : memref<50x128xf32, #tpu.memory_space<vmem>>, vector<1x16xf32>,
      %broadcast_in_dim3A_2956 = arith.constant 0.000000e+00 : f32
      %broadcast_in_dim3A_2957 = vector.broadcast %broadcast_in_dim3A_2956 : f32 to vector<16xf32>
      %swap3A_2958 = arith.constant 34 : i32
      %swap3A_2959 = arith.index_cast %swap3A_2958 : i32 to index
      %swap3A_2960 = arith.constant 64 : index
      %swap3A_2961 = tpu.vector_load %arg9[%swap3A_2959, %swap3A_2960] {strides = array<i32>} : memref<50x128xf32, #tpu.memory_space<vmem>>, vector<1x16xf32>,
      %swap3A_2962 = vector.shape_cast %swap3A_2961 : vector<1x16xf32> to vector<16xf32>
      %swap3A_2963 = vector.shape_cast %broadcast_in_dim3A_2957 : vector<16xf32> to vector<1x16xf32>
      tpu.vector_store %arg9[%swap3A_2959, %swap3A_2960], %swap3A_2963 {strides = array<i32>} : memref<50x128xf32, #tpu.memory_space<vmem>>, vector<1x16xf32>,
      %broadcast_in_dim3A_2964 = arith.constant 0.000000e+00 : f32
      %broadcast_in_dim3A_2965 = vector.broadcast %broadcast_in_dim3A_2964 : f32 to vector<16xf32>
      %swap3A_2966 = arith.constant 34 : i32
      %swap3A_2967 = arith.index_cast %swap3A_2966 : i32 to index
      %swap3A_2968 = arith.constant 80 : index
      %swap3A_2969 = tpu.vector_load %arg9[%swap3A_2967, %swap3A_2968] {strides = array<i32>} : memref<50x128xf32, #tpu.memory_space<vmem>>, vector<1x16xf32>,
      %swap3A_2970 = vector.shape_cast %swap3A_2969 : vector<1x16xf32> to vector<16xf32>
      %swap3A_2971 = vector.shape_cast %broadcast_in_dim3A_2965 : vector<16xf32> to vector<1x16xf32>
      tpu.vector_store %arg9[%swap3A_2967, %swap3A_2968], %swap3A_2971 {strides = array<i32>} : memref<50x128xf32, #tpu.memory_space<vmem>>, vector<1x16xf32>,
      %broadcast_in_dim3A_2972 = arith.constant 0.000000e+00 : f32
      %broadcast_in_dim3A_2973 = vector.broadcast %broadcast_in_dim3A_2972 : f32 to vector<16xf32>
      %swap3A_2974 = arith.constant 34 : i32
      %swap3A_2975 = arith.index_cast %swap3A_2974 : i32 to index
      %swap3A_2976 = arith.constant 96 : index
      %swap3A_2977 = tpu.vector_load %arg9[%swap3A_2975, %swap3A_2976] {strides = array<i32>} : memref<50x128xf32, #tpu.memory_space<vmem>>, vector<1x16xf32>,
      %swap3A_2978 = vector.shape_cast %swap3A_2977 : vector<1x16xf32> to vector<16xf32>
      %swap3A_2979 = vector.shape_cast %broadcast_in_dim3A_2973 : vector<16xf32> to vector<1x16xf32>
      tpu.vector_store %arg9[%swap3A_2975, %swap3A_2976], %swap3A_2979 {strides = array<i32>} : memref<50x128xf32, #tpu.memory_space<vmem>>, vector<1x16xf32>,
      %broadcast_in_dim3A_2980 = arith.constant 0.000000e+00 : f32
      %broadcast_in_dim3A_2981 = vector.broadcast %broadcast_in_dim3A_2980 : f32 to vector<16xf32>
      %swap3A_2982 = arith.constant 34 : i32
      %swap3A_2983 = arith.index_cast %swap3A_2982 : i32 to index
      %swap3A_2984 = arith.constant 112 : index
      %swap3A_2985 = tpu.vector_load %arg9[%swap3A_2983, %swap3A_2984] {strides = array<i32>} : memref<50x128xf32, #tpu.memory_space<vmem>>, vector<1x16xf32>,
      %swap3A_2986 = vector.shape_cast %swap3A_2985 : vector<1x16xf32> to vector<16xf32>
      %swap3A_2987 = vector.shape_cast %broadcast_in_dim3A_2981 : vector<16xf32> to vector<1x16xf32>
      tpu.vector_store %arg9[%swap3A_2983, %swap3A_2984], %swap3A_2987 {strides = array<i32>} : memref<50x128xf32, #tpu.memory_space<vmem>>, vector<1x16xf32>,
      %broadcast_in_dim3A_2988 = arith.constant 0.000000e+00 : f32
      %broadcast_in_dim3A_2989 = vector.broadcast %broadcast_in_dim3A_2988 : f32 to vector<16xf32>
      %swap3A_2990 = arith.constant 35 : i32
      %swap3A_2991 = arith.index_cast %swap3A_2990 : i32 to index
      %swap3A_2992 = arith.constant 0 : index
      %swap3A_2993 = tpu.vector_load %arg9[%swap3A_2991, %swap3A_2992] {strides = array<i32>} : memref<50x128xf32, #tpu.memory_space<vmem>>, vector<1x16xf32>,
      %swap3A_2994 = vector.shape_cast %swap3A_2993 : vector<1x16xf32> to vector<16xf32>
      %swap3A_2995 = vector.shape_cast %broadcast_in_dim3A_2989 : vector<16xf32> to vector<1x16xf32>
      tpu.vector_store %arg9[%swap3A_2991, %swap3A_2992], %swap3A_2995 {strides = array<i32>} : memref<50x128xf32, #tpu.memory_space<vmem>>, vector<1x16xf32>,
      %broadcast_in_dim3A_2996 = arith.constant 0.000000e+00 : f32
      %broadcast_in_dim3A_2997 = vector.broadcast %broadcast_in_dim3A_2996 : f32 to vector<16xf32>
      %swap3A_2998 = arith.constant 35 : i32
      %swap3A_2999 = arith.index_cast %swap3A_2998 : i32 to index
      %swap3A_3000 = arith.constant 16 : index
      %swap3A_3001 = tpu.vector_load %arg9[%swap3A_2999, %swap3A_3000] {strides = array<i32>} : memref<50x128xf32, #tpu.memory_space<vmem>>, vector<1x16xf32>,
      %swap3A_3002 = vector.shape_cast %swap3A_3001 : vector<1x16xf32> to vector<16xf32>
      %swap3A_3003 = vector.shape_cast %broadcast_in_dim3A_2997 : vector<16xf32> to vector<1x16xf32>
      tpu.vector_store %arg9[%swap3A_2999, %swap3A_3000], %swap3A_3003 {strides = array<i32>} : memref<50x128xf32, #tpu.memory_space<vmem>>, vector<1x16xf32>,
      %broadcast_in_dim3A_3004 = arith.constant 0.000000e+00 : f32
      %broadcast_in_dim3A_3005 = vector.broadcast %broadcast_in_dim3A_3004 : f32 to vector<16xf32>
      %swap3A_3006 = arith.constant 35 : i32
      %swap3A_3007 = arith.index_cast %swap3A_3006 : i32 to index
      %swap3A_3008 = arith.constant 32 : index
      %swap3A_3009 = tpu.vector_load %arg9[%swap3A_3007, %swap3A_3008] {strides = array<i32>} : memref<50x128xf32, #tpu.memory_space<vmem>>, vector<1x16xf32>,
      %swap3A_3010 = vector.shape_cast %swap3A_3009 : vector<1x16xf32> to vector<16xf32>
      %swap3A_3011 = vector.shape_cast %broadcast_in_dim3A_3005 : vector<16xf32> to vector<1x16xf32>
      tpu.vector_store %arg9[%swap3A_3007, %swap3A_3008], %swap3A_3011 {strides = array<i32>} : memref<50x128xf32, #tpu.memory_space<vmem>>, vector<1x16xf32>,
      %broadcast_in_dim3A_3012 = arith.constant 0.000000e+00 : f32
      %broadcast_in_dim3A_3013 = vector.broadcast %broadcast_in_dim3A_3012 : f32 to vector<16xf32>
      %swap3A_3014 = arith.constant 35 : i32
      %swap3A_3015 = arith.index_cast %swap3A_3014 : i32 to index
      %swap3A_3016 = arith.constant 48 : index
      %swap3A_3017 = tpu.vector_load %arg9[%swap3A_3015, %swap3A_3016] {strides = array<i32>} : memref<50x128xf32, #tpu.memory_space<vmem>>, vector<1x16xf32>,
      %swap3A_3018 = vector.shape_cast %swap3A_3017 : vector<1x16xf32> to vector<16xf32>
      %swap3A_3019 = vector.shape_cast %broadcast_in_dim3A_3013 : vector<16xf32> to vector<1x16xf32>
      tpu.vector_store %arg9[%swap3A_3015, %swap3A_3016], %swap3A_3019 {strides = array<i32>} : memref<50x128xf32, #tpu.memory_space<vmem>>, vector<1x16xf32>,
      %broadcast_in_dim3A_3020 = arith.constant 0.000000e+00 : f32
      %broadcast_in_dim3A_3021 = vector.broadcast %broadcast_in_dim3A_3020 : f32 to vector<16xf32>
      %swap3A_3022 = arith.constant 35 : i32
      %swap3A_3023 = arith.index_cast %swap3A_3022 : i32 to index
      %swap3A_3024 = arith.constant 64 : index
      %swap3A_3025 = tpu.vector_load %arg9[%swap3A_3023, %swap3A_3024] {strides = array<i32>} : memref<50x128xf32, #tpu.memory_space<vmem>>, vector<1x16xf32>,
      %swap3A_3026 = vector.shape_cast %swap3A_3025 : vector<1x16xf32> to vector<16xf32>
      %swap3A_3027 = vector.shape_cast %broadcast_in_dim3A_3021 : vector<16xf32> to vector<1x16xf32>
      tpu.vector_store %arg9[%swap3A_3023, %swap3A_3024], %swap3A_3027 {strides = array<i32>} : memref<50x128xf32, #tpu.memory_space<vmem>>, vector<1x16xf32>,
      %broadcast_in_dim3A_3028 = arith.constant 0.000000e+00 : f32
      %broadcast_in_dim3A_3029 = vector.broadcast %broadcast_in_dim3A_3028 : f32 to vector<16xf32>
      %swap3A_3030 = arith.constant 35 : i32
      %swap3A_3031 = arith.index_cast %swap3A_3030 : i32 to index
      %swap3A_3032 = arith.constant 80 : index
      %swap3A_3033 = tpu.vector_load %arg9[%swap3A_3031, %swap3A_3032] {strides = array<i32>} : memref<50x128xf32, #tpu.memory_space<vmem>>, vector<1x16xf32>,
      %swap3A_3034 = vector.shape_cast %swap3A_3033 : vector<1x16xf32> to vector<16xf32>
      %swap3A_3035 = vector.shape_cast %broadcast_in_dim3A_3029 : vector<16xf32> to vector<1x16xf32>
      tpu.vector_store %arg9[%swap3A_3031, %swap3A_3032], %swap3A_3035 {strides = array<i32>} : memref<50x128xf32, #tpu.memory_space<vmem>>, vector<1x16xf32>,
      %broadcast_in_dim3A_3036 = arith.constant 0.000000e+00 : f32
      %broadcast_in_dim3A_3037 = vector.broadcast %broadcast_in_dim3A_3036 : f32 to vector<16xf32>
      %swap3A_3038 = arith.constant 35 : i32
      %swap3A_3039 = arith.index_cast %swap3A_3038 : i32 to index
      %swap3A_3040 = arith.constant 96 : index
      %swap3A_3041 = tpu.vector_load %arg9[%swap3A_3039, %swap3A_3040] {strides = array<i32>} : memref<50x128xf32, #tpu.memory_space<vmem>>, vector<1x16xf32>,
      %swap3A_3042 = vector.shape_cast %swap3A_3041 : vector<1x16xf32> to vector<16xf32>
      %swap3A_3043 = vector.shape_cast %broadcast_in_dim3A_3037 : vector<16xf32> to vector<1x16xf32>
      tpu.vector_store %arg9[%swap3A_3039, %swap3A_3040], %swap3A_3043 {strides = array<i32>} : memref<50x128xf32, #tpu.memory_space<vmem>>, vector<1x16xf32>,
      %broadcast_in_dim3A_3044 = arith.constant 0.000000e+00 : f32
      %broadcast_in_dim3A_3045 = vector.broadcast %broadcast_in_dim3A_3044 : f32 to vector<16xf32>
      %swap3A_3046 = arith.constant 35 : i32
      %swap3A_3047 = arith.index_cast %swap3A_3046 : i32 to index
      %swap3A_3048 = arith.constant 112 : index
      %swap3A_3049 = tpu.vector_load %arg9[%swap3A_3047, %swap3A_3048] {strides = array<i32>} : memref<50x128xf32, #tpu.memory_space<vmem>>, vector<1x16xf32>,
      %swap3A_3050 = vector.shape_cast %swap3A_3049 : vector<1x16xf32> to vector<16xf32>
      %swap3A_3051 = vector.shape_cast %broadcast_in_dim3A_3045 : vector<16xf32> to vector<1x16xf32>
      tpu.vector_store %arg9[%swap3A_3047, %swap3A_3048], %swap3A_3051 {strides = array<i32>} : memref<50x128xf32, #tpu.memory_space<vmem>>, vector<1x16xf32>,
      %broadcast_in_dim3A_3052 = arith.constant 0.000000e+00 : f32
      %broadcast_in_dim3A_3053 = vector.broadcast %broadcast_in_dim3A_3052 : f32 to vector<16xf32>
      %swap3A_3054 = arith.constant 36 : i32
      %swap3A_3055 = arith.index_cast %swap3A_3054 : i32 to index
      %swap3A_3056 = arith.constant 0 : index
      %swap3A_3057 = tpu.vector_load %arg9[%swap3A_3055, %swap3A_3056] {strides = array<i32>} : memref<50x128xf32, #tpu.memory_space<vmem>>, vector<1x16xf32>,
      %swap3A_3058 = vector.shape_cast %swap3A_3057 : vector<1x16xf32> to vector<16xf32>
      %swap3A_3059 = vector.shape_cast %broadcast_in_dim3A_3053 : vector<16xf32> to vector<1x16xf32>
      tpu.vector_store %arg9[%swap3A_3055, %swap3A_3056], %swap3A_3059 {strides = array<i32>} : memref<50x128xf32, #tpu.memory_space<vmem>>, vector<1x16xf32>,
      %broadcast_in_dim3A_3060 = arith.constant 0.000000e+00 : f32
      %broadcast_in_dim3A_3061 = vector.broadcast %broadcast_in_dim3A_3060 : f32 to vector<16xf32>
      %swap3A_3062 = arith.constant 36 : i32
      %swap3A_3063 = arith.index_cast %swap3A_3062 : i32 to index
      %swap3A_3064 = arith.constant 16 : index
      %swap3A_3065 = tpu.vector_load %arg9[%swap3A_3063, %swap3A_3064] {strides = array<i32>} : memref<50x128xf32, #tpu.memory_space<vmem>>, vector<1x16xf32>,
      %swap3A_3066 = vector.shape_cast %swap3A_3065 : vector<1x16xf32> to vector<16xf32>
      %swap3A_3067 = vector.shape_cast %broadcast_in_dim3A_3061 : vector<16xf32> to vector<1x16xf32>
      tpu.vector_store %arg9[%swap3A_3063, %swap3A_3064], %swap3A_3067 {strides = array<i32>} : memref<50x128xf32, #tpu.memory_space<vmem>>, vector<1x16xf32>,
      %broadcast_in_dim3A_3068 = arith.constant 0.000000e+00 : f32
      %broadcast_in_dim3A_3069 = vector.broadcast %broadcast_in_dim3A_3068 : f32 to vector<16xf32>
      %swap3A_3070 = arith.constant 36 : i32
      %swap3A_3071 = arith.index_cast %swap3A_3070 : i32 to index
      %swap3A_3072 = arith.constant 32 : index
      %swap3A_3073 = tpu.vector_load %arg9[%swap3A_3071, %swap3A_3072] {strides = array<i32>} : memref<50x128xf32, #tpu.memory_space<vmem>>, vector<1x16xf32>,
      %swap3A_3074 = vector.shape_cast %swap3A_3073 : vector<1x16xf32> to vector<16xf32>
      %swap3A_3075 = vector.shape_cast %broadcast_in_dim3A_3069 : vector<16xf32> to vector<1x16xf32>
      tpu.vector_store %arg9[%swap3A_3071, %swap3A_3072], %swap3A_3075 {strides = array<i32>} : memref<50x128xf32, #tpu.memory_space<vmem>>, vector<1x16xf32>,
      %broadcast_in_dim3A_3076 = arith.constant 0.000000e+00 : f32
      %broadcast_in_dim3A_3077 = vector.broadcast %broadcast_in_dim3A_3076 : f32 to vector<16xf32>
      %swap3A_3078 = arith.constant 36 : i32
      %swap3A_3079 = arith.index_cast %swap3A_3078 : i32 to index
      %swap3A_3080 = arith.constant 48 : index
      %swap3A_3081 = tpu.vector_load %arg9[%swap3A_3079, %swap3A_3080] {strides = array<i32>} : memref<50x128xf32, #tpu.memory_space<vmem>>, vector<1x16xf32>,
      %swap3A_3082 = vector.shape_cast %swap3A_3081 : vector<1x16xf32> to vector<16xf32>
      %swap3A_3083 = vector.shape_cast %broadcast_in_dim3A_3077 : vector<16xf32> to vector<1x16xf32>
      tpu.vector_store %arg9[%swap3A_3079, %swap3A_3080], %swap3A_3083 {strides = array<i32>} : memref<50x128xf32, #tpu.memory_space<vmem>>, vector<1x16xf32>,
      %broadcast_in_dim3A_3084 = arith.constant 0.000000e+00 : f32
      %broadcast_in_dim3A_3085 = vector.broadcast %broadcast_in_dim3A_3084 : f32 to vector<16xf32>
      %swap3A_3086 = arith.constant 36 : i32
      %swap3A_3087 = arith.index_cast %swap3A_3086 : i32 to index
      %swap3A_3088 = arith.constant 64 : index
      %swap3A_3089 = tpu.vector_load %arg9[%swap3A_3087, %swap3A_3088] {strides = array<i32>} : memref<50x128xf32, #tpu.memory_space<vmem>>, vector<1x16xf32>,
      %swap3A_3090 = vector.shape_cast %swap3A_3089 : vector<1x16xf32> to vector<16xf32>
      %swap3A_3091 = vector.shape_cast %broadcast_in_dim3A_3085 : vector<16xf32> to vector<1x16xf32>
      tpu.vector_store %arg9[%swap3A_3087, %swap3A_3088], %swap3A_3091 {strides = array<i32>} : memref<50x128xf32, #tpu.memory_space<vmem>>, vector<1x16xf32>,
      %broadcast_in_dim3A_3092 = arith.constant 0.000000e+00 : f32
      %broadcast_in_dim3A_3093 = vector.broadcast %broadcast_in_dim3A_3092 : f32 to vector<16xf32>
      %swap3A_3094 = arith.constant 36 : i32
      %swap3A_3095 = arith.index_cast %swap3A_3094 : i32 to index
      %swap3A_3096 = arith.constant 80 : index
      %swap3A_3097 = tpu.vector_load %arg9[%swap3A_3095, %swap3A_3096] {strides = array<i32>} : memref<50x128xf32, #tpu.memory_space<vmem>>, vector<1x16xf32>,
      %swap3A_3098 = vector.shape_cast %swap3A_3097 : vector<1x16xf32> to vector<16xf32>
      %swap3A_3099 = vector.shape_cast %broadcast_in_dim3A_3093 : vector<16xf32> to vector<1x16xf32>
      tpu.vector_store %arg9[%swap3A_3095, %swap3A_3096], %swap3A_3099 {strides = array<i32>} : memref<50x128xf32, #tpu.memory_space<vmem>>, vector<1x16xf32>,
      %broadcast_in_dim3A_3100 = arith.constant 0.000000e+00 : f32
      %broadcast_in_dim3A_3101 = vector.broadcast %broadcast_in_dim3A_3100 : f32 to vector<16xf32>
      %swap3A_3102 = arith.constant 36 : i32
      %swap3A_3103 = arith.index_cast %swap3A_3102 : i32 to index
      %swap3A_3104 = arith.constant 96 : index
      %swap3A_3105 = tpu.vector_load %arg9[%swap3A_3103, %swap3A_3104] {strides = array<i32>} : memref<50x128xf32, #tpu.memory_space<vmem>>, vector<1x16xf32>,
      %swap3A_3106 = vector.shape_cast %swap3A_3105 : vector<1x16xf32> to vector<16xf32>
      %swap3A_3107 = vector.shape_cast %broadcast_in_dim3A_3101 : vector<16xf32> to vector<1x16xf32>
      tpu.vector_store %arg9[%swap3A_3103, %swap3A_3104], %swap3A_3107 {strides = array<i32>} : memref<50x128xf32, #tpu.memory_space<vmem>>, vector<1x16xf32>,
      %broadcast_in_dim3A_3108 = arith.constant 0.000000e+00 : f32
      %broadcast_in_dim3A_3109 = vector.broadcast %broadcast_in_dim3A_3108 : f32 to vector<16xf32>
      %swap3A_3110 = arith.constant 36 : i32
      %swap3A_3111 = arith.index_cast %swap3A_3110 : i32 to index
      %swap3A_3112 = arith.constant 112 : index
      %swap3A_3113 = tpu.vector_load %arg9[%swap3A_3111, %swap3A_3112] {strides = array<i32>} : memref<50x128xf32, #tpu.memory_space<vmem>>, vector<1x16xf32>,
      %swap3A_3114 = vector.shape_cast %swap3A_3113 : vector<1x16xf32> to vector<16xf32>
      %swap3A_3115 = vector.shape_cast %broadcast_in_dim3A_3109 : vector<16xf32> to vector<1x16xf32>
      tpu.vector_store %arg9[%swap3A_3111, %swap3A_3112], %swap3A_3115 {strides = array<i32>} : memref<50x128xf32, #tpu.memory_space<vmem>>, vector<1x16xf32>,
      %broadcast_in_dim3A_3116 = arith.constant 0.000000e+00 : f32
      %broadcast_in_dim3A_3117 = vector.broadcast %broadcast_in_dim3A_3116 : f32 to vector<16xf32>
      %swap3A_3118 = arith.constant 37 : i32
      %swap3A_3119 = arith.index_cast %swap3A_3118 : i32 to index
      %swap3A_3120 = arith.constant 0 : index
      %swap3A_3121 = tpu.vector_load %arg9[%swap3A_3119, %swap3A_3120] {strides = array<i32>} : memref<50x128xf32, #tpu.memory_space<vmem>>, vector<1x16xf32>,
      %swap3A_3122 = vector.shape_cast %swap3A_3121 : vector<1x16xf32> to vector<16xf32>
      %swap3A_3123 = vector.shape_cast %broadcast_in_dim3A_3117 : vector<16xf32> to vector<1x16xf32>
      tpu.vector_store %arg9[%swap3A_3119, %swap3A_3120], %swap3A_3123 {strides = array<i32>} : memref<50x128xf32, #tpu.memory_space<vmem>>, vector<1x16xf32>,
      %broadcast_in_dim3A_3124 = arith.constant 0.000000e+00 : f32
      %broadcast_in_dim3A_3125 = vector.broadcast %broadcast_in_dim3A_3124 : f32 to vector<16xf32>
      %swap3A_3126 = arith.constant 37 : i32
      %swap3A_3127 = arith.index_cast %swap3A_3126 : i32 to index
      %swap3A_3128 = arith.constant 16 : index
      %swap3A_3129 = tpu.vector_load %arg9[%swap3A_3127, %swap3A_3128] {strides = array<i32>} : memref<50x128xf32, #tpu.memory_space<vmem>>, vector<1x16xf32>,
      %swap3A_3130 = vector.shape_cast %swap3A_3129 : vector<1x16xf32> to vector<16xf32>
      %swap3A_3131 = vector.shape_cast %broadcast_in_dim3A_3125 : vector<16xf32> to vector<1x16xf32>
      tpu.vector_store %arg9[%swap3A_3127, %swap3A_3128], %swap3A_3131 {strides = array<i32>} : memref<50x128xf32, #tpu.memory_space<vmem>>, vector<1x16xf32>,
      %broadcast_in_dim3A_3132 = arith.constant 0.000000e+00 : f32
      %broadcast_in_dim3A_3133 = vector.broadcast %broadcast_in_dim3A_3132 : f32 to vector<16xf32>
      %swap3A_3134 = arith.constant 37 : i32
      %swap3A_3135 = arith.index_cast %swap3A_3134 : i32 to index
      %swap3A_3136 = arith.constant 32 : index
      %swap3A_3137 = tpu.vector_load %arg9[%swap3A_3135, %swap3A_3136] {strides = array<i32>} : memref<50x128xf32, #tpu.memory_space<vmem>>, vector<1x16xf32>,
      %swap3A_3138 = vector.shape_cast %swap3A_3137 : vector<1x16xf32> to vector<16xf32>
      %swap3A_3139 = vector.shape_cast %broadcast_in_dim3A_3133 : vector<16xf32> to vector<1x16xf32>
      tpu.vector_store %arg9[%swap3A_3135, %swap3A_3136], %swap3A_3139 {strides = array<i32>} : memref<50x128xf32, #tpu.memory_space<vmem>>, vector<1x16xf32>,
      %broadcast_in_dim3A_3140 = arith.constant 0.000000e+00 : f32
      %broadcast_in_dim3A_3141 = vector.broadcast %broadcast_in_dim3A_3140 : f32 to vector<16xf32>
      %swap3A_3142 = arith.constant 37 : i32
      %swap3A_3143 = arith.index_cast %swap3A_3142 : i32 to index
      %swap3A_3144 = arith.constant 48 : index
      %swap3A_3145 = tpu.vector_load %arg9[%swap3A_3143, %swap3A_3144] {strides = array<i32>} : memref<50x128xf32, #tpu.memory_space<vmem>>, vector<1x16xf32>,
      %swap3A_3146 = vector.shape_cast %swap3A_3145 : vector<1x16xf32> to vector<16xf32>
      %swap3A_3147 = vector.shape_cast %broadcast_in_dim3A_3141 : vector<16xf32> to vector<1x16xf32>
      tpu.vector_store %arg9[%swap3A_3143, %swap3A_3144], %swap3A_3147 {strides = array<i32>} : memref<50x128xf32, #tpu.memory_space<vmem>>, vector<1x16xf32>,
      %broadcast_in_dim3A_3148 = arith.constant 0.000000e+00 : f32
      %broadcast_in_dim3A_3149 = vector.broadcast %broadcast_in_dim3A_3148 : f32 to vector<16xf32>
      %swap3A_3150 = arith.constant 37 : i32
      %swap3A_3151 = arith.index_cast %swap3A_3150 : i32 to index
      %swap3A_3152 = arith.constant 64 : index
      %swap3A_3153 = tpu.vector_load %arg9[%swap3A_3151, %swap3A_3152] {strides = array<i32>} : memref<50x128xf32, #tpu.memory_space<vmem>>, vector<1x16xf32>,
      %swap3A_3154 = vector.shape_cast %swap3A_3153 : vector<1x16xf32> to vector<16xf32>
      %swap3A_3155 = vector.shape_cast %broadcast_in_dim3A_3149 : vector<16xf32> to vector<1x16xf32>
      tpu.vector_store %arg9[%swap3A_3151, %swap3A_3152], %swap3A_3155 {strides = array<i32>} : memref<50x128xf32, #tpu.memory_space<vmem>>, vector<1x16xf32>,
      %broadcast_in_dim3A_3156 = arith.constant 0.000000e+00 : f32
      %broadcast_in_dim3A_3157 = vector.broadcast %broadcast_in_dim3A_3156 : f32 to vector<16xf32>
      %swap3A_3158 = arith.constant 37 : i32
      %swap3A_3159 = arith.index_cast %swap3A_3158 : i32 to index
      %swap3A_3160 = arith.constant 80 : index
      %swap3A_3161 = tpu.vector_load %arg9[%swap3A_3159, %swap3A_3160] {strides = array<i32>} : memref<50x128xf32, #tpu.memory_space<vmem>>, vector<1x16xf32>,
      %swap3A_3162 = vector.shape_cast %swap3A_3161 : vector<1x16xf32> to vector<16xf32>
      %swap3A_3163 = vector.shape_cast %broadcast_in_dim3A_3157 : vector<16xf32> to vector<1x16xf32>
      tpu.vector_store %arg9[%swap3A_3159, %swap3A_3160], %swap3A_3163 {strides = array<i32>} : memref<50x128xf32, #tpu.memory_space<vmem>>, vector<1x16xf32>,
      %broadcast_in_dim3A_3164 = arith.constant 0.000000e+00 : f32
      %broadcast_in_dim3A_3165 = vector.broadcast %broadcast_in_dim3A_3164 : f32 to vector<16xf32>
      %swap3A_3166 = arith.constant 37 : i32
      %swap3A_3167 = arith.index_cast %swap3A_3166 : i32 to index
      %swap3A_3168 = arith.constant 96 : index
      %swap3A_3169 = tpu.vector_load %arg9[%swap3A_3167, %swap3A_3168] {strides = array<i32>} : memref<50x128xf32, #tpu.memory_space<vmem>>, vector<1x16xf32>,
      %swap3A_3170 = vector.shape_cast %swap3A_3169 : vector<1x16xf32> to vector<16xf32>
      %swap3A_3171 = vector.shape_cast %broadcast_in_dim3A_3165 : vector<16xf32> to vector<1x16xf32>
      tpu.vector_store %arg9[%swap3A_3167, %swap3A_3168], %swap3A_3171 {strides = array<i32>} : memref<50x128xf32, #tpu.memory_space<vmem>>, vector<1x16xf32>,
      %broadcast_in_dim3A_3172 = arith.constant 0.000000e+00 : f32
      %broadcast_in_dim3A_3173 = vector.broadcast %broadcast_in_dim3A_3172 : f32 to vector<16xf32>
      %swap3A_3174 = arith.constant 37 : i32
      %swap3A_3175 = arith.index_cast %swap3A_3174 : i32 to index
      %swap3A_3176 = arith.constant 112 : index
      %swap3A_3177 = tpu.vector_load %arg9[%swap3A_3175, %swap3A_3176] {strides = array<i32>} : memref<50x128xf32, #tpu.memory_space<vmem>>, vector<1x16xf32>,
      %swap3A_3178 = vector.shape_cast %swap3A_3177 : vector<1x16xf32> to vector<16xf32>
      %swap3A_3179 = vector.shape_cast %broadcast_in_dim3A_3173 : vector<16xf32> to vector<1x16xf32>
      tpu.vector_store %arg9[%swap3A_3175, %swap3A_3176], %swap3A_3179 {strides = array<i32>} : memref<50x128xf32, #tpu.memory_space<vmem>>, vector<1x16xf32>,
      %broadcast_in_dim3A_3180 = arith.constant 0.000000e+00 : f32
      %broadcast_in_dim3A_3181 = vector.broadcast %broadcast_in_dim3A_3180 : f32 to vector<16xf32>
      %swap3A_3182 = arith.constant 38 : i32
      %swap3A_3183 = arith.index_cast %swap3A_3182 : i32 to index
      %swap3A_3184 = arith.constant 0 : index
      %swap3A_3185 = tpu.vector_load %arg9[%swap3A_3183, %swap3A_3184] {strides = array<i32>} : memref<50x128xf32, #tpu.memory_space<vmem>>, vector<1x16xf32>,
      %swap3A_3186 = vector.shape_cast %swap3A_3185 : vector<1x16xf32> to vector<16xf32>
      %swap3A_3187 = vector.shape_cast %broadcast_in_dim3A_3181 : vector<16xf32> to vector<1x16xf32>
      tpu.vector_store %arg9[%swap3A_3183, %swap3A_3184], %swap3A_3187 {strides = array<i32>} : memref<50x128xf32, #tpu.memory_space<vmem>>, vector<1x16xf32>,
      %broadcast_in_dim3A_3188 = arith.constant 0.000000e+00 : f32
      %broadcast_in_dim3A_3189 = vector.broadcast %broadcast_in_dim3A_3188 : f32 to vector<16xf32>
      %swap3A_3190 = arith.constant 38 : i32
      %swap3A_3191 = arith.index_cast %swap3A_3190 : i32 to index
      %swap3A_3192 = arith.constant 16 : index
      %swap3A_3193 = tpu.vector_load %arg9[%swap3A_3191, %swap3A_3192] {strides = array<i32>} : memref<50x128xf32, #tpu.memory_space<vmem>>, vector<1x16xf32>,
      %swap3A_3194 = vector.shape_cast %swap3A_3193 : vector<1x16xf32> to vector<16xf32>
      %swap3A_3195 = vector.shape_cast %broadcast_in_dim3A_3189 : vector<16xf32> to vector<1x16xf32>
      tpu.vector_store %arg9[%swap3A_3191, %swap3A_3192], %swap3A_3195 {strides = array<i32>} : memref<50x128xf32, #tpu.memory_space<vmem>>, vector<1x16xf32>,
      %broadcast_in_dim3A_3196 = arith.constant 0.000000e+00 : f32
      %broadcast_in_dim3A_3197 = vector.broadcast %broadcast_in_dim3A_3196 : f32 to vector<16xf32>
      %swap3A_3198 = arith.constant 38 : i32
      %swap3A_3199 = arith.index_cast %swap3A_3198 : i32 to index
      %swap3A_3200 = arith.constant 32 : index
      %swap3A_3201 = tpu.vector_load %arg9[%swap3A_3199, %swap3A_3200] {strides = array<i32>} : memref<50x128xf32, #tpu.memory_space<vmem>>, vector<1x16xf32>,
      %swap3A_3202 = vector.shape_cast %swap3A_3201 : vector<1x16xf32> to vector<16xf32>
      %swap3A_3203 = vector.shape_cast %broadcast_in_dim3A_3197 : vector<16xf32> to vector<1x16xf32>
      tpu.vector_store %arg9[%swap3A_3199, %swap3A_3200], %swap3A_3203 {strides = array<i32>} : memref<50x128xf32, #tpu.memory_space<vmem>>, vector<1x16xf32>,
      %broadcast_in_dim3A_3204 = arith.constant 0.000000e+00 : f32
      %broadcast_in_dim3A_3205 = vector.broadcast %broadcast_in_dim3A_3204 : f32 to vector<16xf32>
      %swap3A_3206 = arith.constant 38 : i32
      %swap3A_3207 = arith.index_cast %swap3A_3206 : i32 to index
      %swap3A_3208 = arith.constant 48 : index
      %swap3A_3209 = tpu.vector_load %arg9[%swap3A_3207, %swap3A_3208] {strides = array<i32>} : memref<50x128xf32, #tpu.memory_space<vmem>>, vector<1x16xf32>,
      %swap3A_3210 = vector.shape_cast %swap3A_3209 : vector<1x16xf32> to vector<16xf32>
      %swap3A_3211 = vector.shape_cast %broadcast_in_dim3A_3205 : vector<16xf32> to vector<1x16xf32>
      tpu.vector_store %arg9[%swap3A_3207, %swap3A_3208], %swap3A_3211 {strides = array<i32>} : memref<50x128xf32, #tpu.memory_space<vmem>>, vector<1x16xf32>,
      %broadcast_in_dim3A_3212 = arith.constant 0.000000e+00 : f32
      %broadcast_in_dim3A_3213 = vector.broadcast %broadcast_in_dim3A_3212 : f32 to vector<16xf32>
      %swap3A_3214 = arith.constant 38 : i32
      %swap3A_3215 = arith.index_cast %swap3A_3214 : i32 to index
      %swap3A_3216 = arith.constant 64 : index
      %swap3A_3217 = tpu.vector_load %arg9[%swap3A_3215, %swap3A_3216] {strides = array<i32>} : memref<50x128xf32, #tpu.memory_space<vmem>>, vector<1x16xf32>,
      %swap3A_3218 = vector.shape_cast %swap3A_3217 : vector<1x16xf32> to vector<16xf32>
      %swap3A_3219 = vector.shape_cast %broadcast_in_dim3A_3213 : vector<16xf32> to vector<1x16xf32>
      tpu.vector_store %arg9[%swap3A_3215, %swap3A_3216], %swap3A_3219 {strides = array<i32>} : memref<50x128xf32, #tpu.memory_space<vmem>>, vector<1x16xf32>,
      %broadcast_in_dim3A_3220 = arith.constant 0.000000e+00 : f32
      %broadcast_in_dim3A_3221 = vector.broadcast %broadcast_in_dim3A_3220 : f32 to vector<16xf32>
      %swap3A_3222 = arith.constant 38 : i32
      %swap3A_3223 = arith.index_cast %swap3A_3222 : i32 to index
      %swap3A_3224 = arith.constant 80 : index
      %swap3A_3225 = tpu.vector_load %arg9[%swap3A_3223, %swap3A_3224] {strides = array<i32>} : memref<50x128xf32, #tpu.memory_space<vmem>>, vector<1x16xf32>,
      %swap3A_3226 = vector.shape_cast %swap3A_3225 : vector<1x16xf32> to vector<16xf32>
      %swap3A_3227 = vector.shape_cast %broadcast_in_dim3A_3221 : vector<16xf32> to vector<1x16xf32>
      tpu.vector_store %arg9[%swap3A_3223, %swap3A_3224], %swap3A_3227 {strides = array<i32>} : memref<50x128xf32, #tpu.memory_space<vmem>>, vector<1x16xf32>,
      %broadcast_in_dim3A_3228 = arith.constant 0.000000e+00 : f32
      %broadcast_in_dim3A_3229 = vector.broadcast %broadcast_in_dim3A_3228 : f32 to vector<16xf32>
      %swap3A_3230 = arith.constant 38 : i32
      %swap3A_3231 = arith.index_cast %swap3A_3230 : i32 to index
      %swap3A_3232 = arith.constant 96 : index
      %swap3A_3233 = tpu.vector_load %arg9[%swap3A_3231, %swap3A_3232] {strides = array<i32>} : memref<50x128xf32, #tpu.memory_space<vmem>>, vector<1x16xf32>,
      %swap3A_3234 = vector.shape_cast %swap3A_3233 : vector<1x16xf32> to vector<16xf32>
      %swap3A_3235 = vector.shape_cast %broadcast_in_dim3A_3229 : vector<16xf32> to vector<1x16xf32>
      tpu.vector_store %arg9[%swap3A_3231, %swap3A_3232], %swap3A_3235 {strides = array<i32>} : memref<50x128xf32, #tpu.memory_space<vmem>>, vector<1x16xf32>,
      %broadcast_in_dim3A_3236 = arith.constant 0.000000e+00 : f32
      %broadcast_in_dim3A_3237 = vector.broadcast %broadcast_in_dim3A_3236 : f32 to vector<16xf32>
      %swap3A_3238 = arith.constant 38 : i32
      %swap3A_3239 = arith.index_cast %swap3A_3238 : i32 to index
      %swap3A_3240 = arith.constant 112 : index
      %swap3A_3241 = tpu.vector_load %arg9[%swap3A_3239, %swap3A_3240] {strides = array<i32>} : memref<50x128xf32, #tpu.memory_space<vmem>>, vector<1x16xf32>,
      %swap3A_3242 = vector.shape_cast %swap3A_3241 : vector<1x16xf32> to vector<16xf32>
      %swap3A_3243 = vector.shape_cast %broadcast_in_dim3A_3237 : vector<16xf32> to vector<1x16xf32>
      tpu.vector_store %arg9[%swap3A_3239, %swap3A_3240], %swap3A_3243 {strides = array<i32>} : memref<50x128xf32, #tpu.memory_space<vmem>>, vector<1x16xf32>,
      %broadcast_in_dim3A_3244 = arith.constant 0.000000e+00 : f32
      %broadcast_in_dim3A_3245 = vector.broadcast %broadcast_in_dim3A_3244 : f32 to vector<16xf32>
      %swap3A_3246 = arith.constant 39 : i32
      %swap3A_3247 = arith.index_cast %swap3A_3246 : i32 to index
      %swap3A_3248 = arith.constant 0 : index
      %swap3A_3249 = tpu.vector_load %arg9[%swap3A_3247, %swap3A_3248] {strides = array<i32>} : memref<50x128xf32, #tpu.memory_space<vmem>>, vector<1x16xf32>,
      %swap3A_3250 = vector.shape_cast %swap3A_3249 : vector<1x16xf32> to vector<16xf32>
      %swap3A_3251 = vector.shape_cast %broadcast_in_dim3A_3245 : vector<16xf32> to vector<1x16xf32>
      tpu.vector_store %arg9[%swap3A_3247, %swap3A_3248], %swap3A_3251 {strides = array<i32>} : memref<50x128xf32, #tpu.memory_space<vmem>>, vector<1x16xf32>,
      %broadcast_in_dim3A_3252 = arith.constant 0.000000e+00 : f32
      %broadcast_in_dim3A_3253 = vector.broadcast %broadcast_in_dim3A_3252 : f32 to vector<16xf32>
      %swap3A_3254 = arith.constant 39 : i32
      %swap3A_3255 = arith.index_cast %swap3A_3254 : i32 to index
      %swap3A_3256 = arith.constant 16 : index
      %swap3A_3257 = tpu.vector_load %arg9[%swap3A_3255, %swap3A_3256] {strides = array<i32>} : memref<50x128xf32, #tpu.memory_space<vmem>>, vector<1x16xf32>,
      %swap3A_3258 = vector.shape_cast %swap3A_3257 : vector<1x16xf32> to vector<16xf32>
      %swap3A_3259 = vector.shape_cast %broadcast_in_dim3A_3253 : vector<16xf32> to vector<1x16xf32>
      tpu.vector_store %arg9[%swap3A_3255, %swap3A_3256], %swap3A_3259 {strides = array<i32>} : memref<50x128xf32, #tpu.memory_space<vmem>>, vector<1x16xf32>,
      %broadcast_in_dim3A_3260 = arith.constant 0.000000e+00 : f32
      %broadcast_in_dim3A_3261 = vector.broadcast %broadcast_in_dim3A_3260 : f32 to vector<16xf32>
      %swap3A_3262 = arith.constant 39 : i32
      %swap3A_3263 = arith.index_cast %swap3A_3262 : i32 to index
      %swap3A_3264 = arith.constant 32 : index
      %swap3A_3265 = tpu.vector_load %arg9[%swap3A_3263, %swap3A_3264] {strides = array<i32>} : memref<50x128xf32, #tpu.memory_space<vmem>>, vector<1x16xf32>,
      %swap3A_3266 = vector.shape_cast %swap3A_3265 : vector<1x16xf32> to vector<16xf32>
      %swap3A_3267 = vector.shape_cast %broadcast_in_dim3A_3261 : vector<16xf32> to vector<1x16xf32>
      tpu.vector_store %arg9[%swap3A_3263, %swap3A_3264], %swap3A_3267 {strides = array<i32>} : memref<50x128xf32, #tpu.memory_space<vmem>>, vector<1x16xf32>,
      %broadcast_in_dim3A_3268 = arith.constant 0.000000e+00 : f32
      %broadcast_in_dim3A_3269 = vector.broadcast %broadcast_in_dim3A_3268 : f32 to vector<16xf32>
      %swap3A_3270 = arith.constant 39 : i32
      %swap3A_3271 = arith.index_cast %swap3A_3270 : i32 to index
      %swap3A_3272 = arith.constant 48 : index
      %swap3A_3273 = tpu.vector_load %arg9[%swap3A_3271, %swap3A_3272] {strides = array<i32>} : memref<50x128xf32, #tpu.memory_space<vmem>>, vector<1x16xf32>,
      %swap3A_3274 = vector.shape_cast %swap3A_3273 : vector<1x16xf32> to vector<16xf32>
      %swap3A_3275 = vector.shape_cast %broadcast_in_dim3A_3269 : vector<16xf32> to vector<1x16xf32>
      tpu.vector_store %arg9[%swap3A_3271, %swap3A_3272], %swap3A_3275 {strides = array<i32>} : memref<50x128xf32, #tpu.memory_space<vmem>>, vector<1x16xf32>,
      %broadcast_in_dim3A_3276 = arith.constant 0.000000e+00 : f32
      %broadcast_in_dim3A_3277 = vector.broadcast %broadcast_in_dim3A_3276 : f32 to vector<16xf32>
      %swap3A_3278 = arith.constant 39 : i32
      %swap3A_3279 = arith.index_cast %swap3A_3278 : i32 to index
      %swap3A_3280 = arith.constant 64 : index
      %swap3A_3281 = tpu.vector_load %arg9[%swap3A_3279, %swap3A_3280] {strides = array<i32>} : memref<50x128xf32, #tpu.memory_space<vmem>>, vector<1x16xf32>,
      %swap3A_3282 = vector.shape_cast %swap3A_3281 : vector<1x16xf32> to vector<16xf32>
      %swap3A_3283 = vector.shape_cast %broadcast_in_dim3A_3277 : vector<16xf32> to vector<1x16xf32>
      tpu.vector_store %arg9[%swap3A_3279, %swap3A_3280], %swap3A_3283 {strides = array<i32>} : memref<50x128xf32, #tpu.memory_space<vmem>>, vector<1x16xf32>,
      %broadcast_in_dim3A_3284 = arith.constant 0.000000e+00 : f32
      %broadcast_in_dim3A_3285 = vector.broadcast %broadcast_in_dim3A_3284 : f32 to vector<16xf32>
      %swap3A_3286 = arith.constant 39 : i32
      %swap3A_3287 = arith.index_cast %swap3A_3286 : i32 to index
      %swap3A_3288 = arith.constant 80 : index
      %swap3A_3289 = tpu.vector_load %arg9[%swap3A_3287, %swap3A_3288] {strides = array<i32>} : memref<50x128xf32, #tpu.memory_space<vmem>>, vector<1x16xf32>,
      %swap3A_3290 = vector.shape_cast %swap3A_3289 : vector<1x16xf32> to vector<16xf32>
      %swap3A_3291 = vector.shape_cast %broadcast_in_dim3A_3285 : vector<16xf32> to vector<1x16xf32>
      tpu.vector_store %arg9[%swap3A_3287, %swap3A_3288], %swap3A_3291 {strides = array<i32>} : memref<50x128xf32, #tpu.memory_space<vmem>>, vector<1x16xf32>,
      %broadcast_in_dim3A_3292 = arith.constant 0.000000e+00 : f32
      %broadcast_in_dim3A_3293 = vector.broadcast %broadcast_in_dim3A_3292 : f32 to vector<16xf32>
      %swap3A_3294 = arith.constant 39 : i32
      %swap3A_3295 = arith.index_cast %swap3A_3294 : i32 to index
      %swap3A_3296 = arith.constant 96 : index
      %swap3A_3297 = tpu.vector_load %arg9[%swap3A_3295, %swap3A_3296] {strides = array<i32>} : memref<50x128xf32, #tpu.memory_space<vmem>>, vector<1x16xf32>,
      %swap3A_3298 = vector.shape_cast %swap3A_3297 : vector<1x16xf32> to vector<16xf32>
      %swap3A_3299 = vector.shape_cast %broadcast_in_dim3A_3293 : vector<16xf32> to vector<1x16xf32>
      tpu.vector_store %arg9[%swap3A_3295, %swap3A_3296], %swap3A_3299 {strides = array<i32>} : memref<50x128xf32, #tpu.memory_space<vmem>>, vector<1x16xf32>,
      %broadcast_in_dim3A_3300 = arith.constant 0.000000e+00 : f32
      %broadcast_in_dim3A_3301 = vector.broadcast %broadcast_in_dim3A_3300 : f32 to vector<16xf32>
      %swap3A_3302 = arith.constant 39 : i32
      %swap3A_3303 = arith.index_cast %swap3A_3302 : i32 to index
      %swap3A_3304 = arith.constant 112 : index
      %swap3A_3305 = tpu.vector_load %arg9[%swap3A_3303, %swap3A_3304] {strides = array<i32>} : memref<50x128xf32, #tpu.memory_space<vmem>>, vector<1x16xf32>,
      %swap3A_3306 = vector.shape_cast %swap3A_3305 : vector<1x16xf32> to vector<16xf32>
      %swap3A_3307 = vector.shape_cast %broadcast_in_dim3A_3301 : vector<16xf32> to vector<1x16xf32>
      tpu.vector_store %arg9[%swap3A_3303, %swap3A_3304], %swap3A_3307 {strides = array<i32>} : memref<50x128xf32, #tpu.memory_space<vmem>>, vector<1x16xf32>,
      %broadcast_in_dim3A_3308 = arith.constant 0.000000e+00 : f32
      %broadcast_in_dim3A_3309 = vector.broadcast %broadcast_in_dim3A_3308 : f32 to vector<16xf32>
      %swap3A_3310 = arith.constant 40 : i32
      %swap3A_3311 = arith.index_cast %swap3A_3310 : i32 to index
      %swap3A_3312 = arith.constant 0 : index
      %swap3A_3313 = tpu.vector_load %arg9[%swap3A_3311, %swap3A_3312] {strides = array<i32>} : memref<50x128xf32, #tpu.memory_space<vmem>>, vector<1x16xf32>,
      %swap3A_3314 = vector.shape_cast %swap3A_3313 : vector<1x16xf32> to vector<16xf32>
      %swap3A_3315 = vector.shape_cast %broadcast_in_dim3A_3309 : vector<16xf32> to vector<1x16xf32>
      tpu.vector_store %arg9[%swap3A_3311, %swap3A_3312], %swap3A_3315 {strides = array<i32>} : memref<50x128xf32, #tpu.memory_space<vmem>>, vector<1x16xf32>,
      %broadcast_in_dim3A_3316 = arith.constant 0.000000e+00 : f32
      %broadcast_in_dim3A_3317 = vector.broadcast %broadcast_in_dim3A_3316 : f32 to vector<16xf32>
      %swap3A_3318 = arith.constant 40 : i32
      %swap3A_3319 = arith.index_cast %swap3A_3318 : i32 to index
      %swap3A_3320 = arith.constant 16 : index
      %swap3A_3321 = tpu.vector_load %arg9[%swap3A_3319, %swap3A_3320] {strides = array<i32>} : memref<50x128xf32, #tpu.memory_space<vmem>>, vector<1x16xf32>,
      %swap3A_3322 = vector.shape_cast %swap3A_3321 : vector<1x16xf32> to vector<16xf32>
      %swap3A_3323 = vector.shape_cast %broadcast_in_dim3A_3317 : vector<16xf32> to vector<1x16xf32>
      tpu.vector_store %arg9[%swap3A_3319, %swap3A_3320], %swap3A_3323 {strides = array<i32>} : memref<50x128xf32, #tpu.memory_space<vmem>>, vector<1x16xf32>,
      %broadcast_in_dim3A_3324 = arith.constant 0.000000e+00 : f32
      %broadcast_in_dim3A_3325 = vector.broadcast %broadcast_in_dim3A_3324 : f32 to vector<16xf32>
      %swap3A_3326 = arith.constant 40 : i32
      %swap3A_3327 = arith.index_cast %swap3A_3326 : i32 to index
      %swap3A_3328 = arith.constant 32 : index
      %swap3A_3329 = tpu.vector_load %arg9[%swap3A_3327, %swap3A_3328] {strides = array<i32>} : memref<50x128xf32, #tpu.memory_space<vmem>>, vector<1x16xf32>,
      %swap3A_3330 = vector.shape_cast %swap3A_3329 : vector<1x16xf32> to vector<16xf32>
      %swap3A_3331 = vector.shape_cast %broadcast_in_dim3A_3325 : vector<16xf32> to vector<1x16xf32>
      tpu.vector_store %arg9[%swap3A_3327, %swap3A_3328], %swap3A_3331 {strides = array<i32>} : memref<50x128xf32, #tpu.memory_space<vmem>>, vector<1x16xf32>,
      %broadcast_in_dim3A_3332 = arith.constant 0.000000e+00 : f32
      %broadcast_in_dim3A_3333 = vector.broadcast %broadcast_in_dim3A_3332 : f32 to vector<16xf32>
      %swap3A_3334 = arith.constant 40 : i32
      %swap3A_3335 = arith.index_cast %swap3A_3334 : i32 to index
      %swap3A_3336 = arith.constant 48 : index
      %swap3A_3337 = tpu.vector_load %arg9[%swap3A_3335, %swap3A_3336] {strides = array<i32>} : memref<50x128xf32, #tpu.memory_space<vmem>>, vector<1x16xf32>,
      %swap3A_3338 = vector.shape_cast %swap3A_3337 : vector<1x16xf32> to vector<16xf32>
      %swap3A_3339 = vector.shape_cast %broadcast_in_dim3A_3333 : vector<16xf32> to vector<1x16xf32>
      tpu.vector_store %arg9[%swap3A_3335, %swap3A_3336], %swap3A_3339 {strides = array<i32>} : memref<50x128xf32, #tpu.memory_space<vmem>>, vector<1x16xf32>,
      %broadcast_in_dim3A_3340 = arith.constant 0.000000e+00 : f32
      %broadcast_in_dim3A_3341 = vector.broadcast %broadcast_in_dim3A_3340 : f32 to vector<16xf32>
      %swap3A_3342 = arith.constant 40 : i32
      %swap3A_3343 = arith.index_cast %swap3A_3342 : i32 to index
      %swap3A_3344 = arith.constant 64 : index
      %swap3A_3345 = tpu.vector_load %arg9[%swap3A_3343, %swap3A_3344] {strides = array<i32>} : memref<50x128xf32, #tpu.memory_space<vmem>>, vector<1x16xf32>,
      %swap3A_3346 = vector.shape_cast %swap3A_3345 : vector<1x16xf32> to vector<16xf32>
      %swap3A_3347 = vector.shape_cast %broadcast_in_dim3A_3341 : vector<16xf32> to vector<1x16xf32>
      tpu.vector_store %arg9[%swap3A_3343, %swap3A_3344], %swap3A_3347 {strides = array<i32>} : memref<50x128xf32, #tpu.memory_space<vmem>>, vector<1x16xf32>,
      %broadcast_in_dim3A_3348 = arith.constant 0.000000e+00 : f32
      %broadcast_in_dim3A_3349 = vector.broadcast %broadcast_in_dim3A_3348 : f32 to vector<16xf32>
      %swap3A_3350 = arith.constant 40 : i32
      %swap3A_3351 = arith.index_cast %swap3A_3350 : i32 to index
      %swap3A_3352 = arith.constant 80 : index
      %swap3A_3353 = tpu.vector_load %arg9[%swap3A_3351, %swap3A_3352] {strides = array<i32>} : memref<50x128xf32, #tpu.memory_space<vmem>>, vector<1x16xf32>,
      %swap3A_3354 = vector.shape_cast %swap3A_3353 : vector<1x16xf32> to vector<16xf32>
      %swap3A_3355 = vector.shape_cast %broadcast_in_dim3A_3349 : vector<16xf32> to vector<1x16xf32>
      tpu.vector_store %arg9[%swap3A_3351, %swap3A_3352], %swap3A_3355 {strides = array<i32>} : memref<50x128xf32, #tpu.memory_space<vmem>>, vector<1x16xf32>,
      %broadcast_in_dim3A_3356 = arith.constant 0.000000e+00 : f32
      %broadcast_in_dim3A_3357 = vector.broadcast %broadcast_in_dim3A_3356 : f32 to vector<16xf32>
      %swap3A_3358 = arith.constant 40 : i32
      %swap3A_3359 = arith.index_cast %swap3A_3358 : i32 to index
      %swap3A_3360 = arith.constant 96 : index
      %swap3A_3361 = tpu.vector_load %arg9[%swap3A_3359, %swap3A_3360] {strides = array<i32>} : memref<50x128xf32, #tpu.memory_space<vmem>>, vector<1x16xf32>,
      %swap3A_3362 = vector.shape_cast %swap3A_3361 : vector<1x16xf32> to vector<16xf32>
      %swap3A_3363 = vector.shape_cast %broadcast_in_dim3A_3357 : vector<16xf32> to vector<1x16xf32>
      tpu.vector_store %arg9[%swap3A_3359, %swap3A_3360], %swap3A_3363 {strides = array<i32>} : memref<50x128xf32, #tpu.memory_space<vmem>>, vector<1x16xf32>,
      %broadcast_in_dim3A_3364 = arith.constant 0.000000e+00 : f32
      %broadcast_in_dim3A_3365 = vector.broadcast %broadcast_in_dim3A_3364 : f32 to vector<16xf32>
      %swap3A_3366 = arith.constant 40 : i32
      %swap3A_3367 = arith.index_cast %swap3A_3366 : i32 to index
      %swap3A_3368 = arith.constant 112 : index
      %swap3A_3369 = tpu.vector_load %arg9[%swap3A_3367, %swap3A_3368] {strides = array<i32>} : memref<50x128xf32, #tpu.memory_space<vmem>>, vector<1x16xf32>,
      %swap3A_3370 = vector.shape_cast %swap3A_3369 : vector<1x16xf32> to vector<16xf32>
      %swap3A_3371 = vector.shape_cast %broadcast_in_dim3A_3365 : vector<16xf32> to vector<1x16xf32>
      tpu.vector_store %arg9[%swap3A_3367, %swap3A_3368], %swap3A_3371 {strides = array<i32>} : memref<50x128xf32, #tpu.memory_space<vmem>>, vector<1x16xf32>,
      %broadcast_in_dim3A_3372 = arith.constant 0.000000e+00 : f32
      %broadcast_in_dim3A_3373 = vector.broadcast %broadcast_in_dim3A_3372 : f32 to vector<16xf32>
      %swap3A_3374 = arith.constant 41 : i32
      %swap3A_3375 = arith.index_cast %swap3A_3374 : i32 to index
      %swap3A_3376 = arith.constant 0 : index
      %swap3A_3377 = tpu.vector_load %arg9[%swap3A_3375, %swap3A_3376] {strides = array<i32>} : memref<50x128xf32, #tpu.memory_space<vmem>>, vector<1x16xf32>,
      %swap3A_3378 = vector.shape_cast %swap3A_3377 : vector<1x16xf32> to vector<16xf32>
      %swap3A_3379 = vector.shape_cast %broadcast_in_dim3A_3373 : vector<16xf32> to vector<1x16xf32>
      tpu.vector_store %arg9[%swap3A_3375, %swap3A_3376], %swap3A_3379 {strides = array<i32>} : memref<50x128xf32, #tpu.memory_space<vmem>>, vector<1x16xf32>,
      %broadcast_in_dim3A_3380 = arith.constant 0.000000e+00 : f32
      %broadcast_in_dim3A_3381 = vector.broadcast %broadcast_in_dim3A_3380 : f32 to vector<16xf32>
      %swap3A_3382 = arith.constant 41 : i32
      %swap3A_3383 = arith.index_cast %swap3A_3382 : i32 to index
      %swap3A_3384 = arith.constant 16 : index
      %swap3A_3385 = tpu.vector_load %arg9[%swap3A_3383, %swap3A_3384] {strides = array<i32>} : memref<50x128xf32, #tpu.memory_space<vmem>>, vector<1x16xf32>,
      %swap3A_3386 = vector.shape_cast %swap3A_3385 : vector<1x16xf32> to vector<16xf32>
      %swap3A_3387 = vector.shape_cast %broadcast_in_dim3A_3381 : vector<16xf32> to vector<1x16xf32>
      tpu.vector_store %arg9[%swap3A_3383, %swap3A_3384], %swap3A_3387 {strides = array<i32>} : memref<50x128xf32, #tpu.memory_space<vmem>>, vector<1x16xf32>,
      %broadcast_in_dim3A_3388 = arith.constant 0.000000e+00 : f32
      %broadcast_in_dim3A_3389 = vector.broadcast %broadcast_in_dim3A_3388 : f32 to vector<16xf32>
      %swap3A_3390 = arith.constant 41 : i32
      %swap3A_3391 = arith.index_cast %swap3A_3390 : i32 to index
      %swap3A_3392 = arith.constant 32 : index
      %swap3A_3393 = tpu.vector_load %arg9[%swap3A_3391, %swap3A_3392] {strides = array<i32>} : memref<50x128xf32, #tpu.memory_space<vmem>>, vector<1x16xf32>,
      %swap3A_3394 = vector.shape_cast %swap3A_3393 : vector<1x16xf32> to vector<16xf32>
      %swap3A_3395 = vector.shape_cast %broadcast_in_dim3A_3389 : vector<16xf32> to vector<1x16xf32>
      tpu.vector_store %arg9[%swap3A_3391, %swap3A_3392], %swap3A_3395 {strides = array<i32>} : memref<50x128xf32, #tpu.memory_space<vmem>>, vector<1x16xf32>,
      %broadcast_in_dim3A_3396 = arith.constant 0.000000e+00 : f32
      %broadcast_in_dim3A_3397 = vector.broadcast %broadcast_in_dim3A_3396 : f32 to vector<16xf32>
      %swap3A_3398 = arith.constant 41 : i32
      %swap3A_3399 = arith.index_cast %swap3A_3398 : i32 to index
      %swap3A_3400 = arith.constant 48 : index
      %swap3A_3401 = tpu.vector_load %arg9[%swap3A_3399, %swap3A_3400] {strides = array<i32>} : memref<50x128xf32, #tpu.memory_space<vmem>>, vector<1x16xf32>,
      %swap3A_3402 = vector.shape_cast %swap3A_3401 : vector<1x16xf32> to vector<16xf32>
      %swap3A_3403 = vector.shape_cast %broadcast_in_dim3A_3397 : vector<16xf32> to vector<1x16xf32>
      tpu.vector_store %arg9[%swap3A_3399, %swap3A_3400], %swap3A_3403 {strides = array<i32>} : memref<50x128xf32, #tpu.memory_space<vmem>>, vector<1x16xf32>,
      %broadcast_in_dim3A_3404 = arith.constant 0.000000e+00 : f32
      %broadcast_in_dim3A_3405 = vector.broadcast %broadcast_in_dim3A_3404 : f32 to vector<16xf32>
      %swap3A_3406 = arith.constant 41 : i32
      %swap3A_3407 = arith.index_cast %swap3A_3406 : i32 to index
      %swap3A_3408 = arith.constant 64 : index
      %swap3A_3409 = tpu.vector_load %arg9[%swap3A_3407, %swap3A_3408] {strides = array<i32>} : memref<50x128xf32, #tpu.memory_space<vmem>>, vector<1x16xf32>,
      %swap3A_3410 = vector.shape_cast %swap3A_3409 : vector<1x16xf32> to vector<16xf32>
      %swap3A_3411 = vector.shape_cast %broadcast_in_dim3A_3405 : vector<16xf32> to vector<1x16xf32>
      tpu.vector_store %arg9[%swap3A_3407, %swap3A_3408], %swap3A_3411 {strides = array<i32>} : memref<50x128xf32, #tpu.memory_space<vmem>>, vector<1x16xf32>,
      %broadcast_in_dim3A_3412 = arith.constant 0.000000e+00 : f32
      %broadcast_in_dim3A_3413 = vector.broadcast %broadcast_in_dim3A_3412 : f32 to vector<16xf32>
      %swap3A_3414 = arith.constant 41 : i32
      %swap3A_3415 = arith.index_cast %swap3A_3414 : i32 to index
      %swap3A_3416 = arith.constant 80 : index
      %swap3A_3417 = tpu.vector_load %arg9[%swap3A_3415, %swap3A_3416] {strides = array<i32>} : memref<50x128xf32, #tpu.memory_space<vmem>>, vector<1x16xf32>,
      %swap3A_3418 = vector.shape_cast %swap3A_3417 : vector<1x16xf32> to vector<16xf32>
      %swap3A_3419 = vector.shape_cast %broadcast_in_dim3A_3413 : vector<16xf32> to vector<1x16xf32>
      tpu.vector_store %arg9[%swap3A_3415, %swap3A_3416], %swap3A_3419 {strides = array<i32>} : memref<50x128xf32, #tpu.memory_space<vmem>>, vector<1x16xf32>,
      %broadcast_in_dim3A_3420 = arith.constant 0.000000e+00 : f32
      %broadcast_in_dim3A_3421 = vector.broadcast %broadcast_in_dim3A_3420 : f32 to vector<16xf32>
      %swap3A_3422 = arith.constant 41 : i32
      %swap3A_3423 = arith.index_cast %swap3A_3422 : i32 to index
      %swap3A_3424 = arith.constant 96 : index
      %swap3A_3425 = tpu.vector_load %arg9[%swap3A_3423, %swap3A_3424] {strides = array<i32>} : memref<50x128xf32, #tpu.memory_space<vmem>>, vector<1x16xf32>,
      %swap3A_3426 = vector.shape_cast %swap3A_3425 : vector<1x16xf32> to vector<16xf32>
      %swap3A_3427 = vector.shape_cast %broadcast_in_dim3A_3421 : vector<16xf32> to vector<1x16xf32>
      tpu.vector_store %arg9[%swap3A_3423, %swap3A_3424], %swap3A_3427 {strides = array<i32>} : memref<50x128xf32, #tpu.memory_space<vmem>>, vector<1x16xf32>,
      %broadcast_in_dim3A_3428 = arith.constant 0.000000e+00 : f32
      %broadcast_in_dim3A_3429 = vector.broadcast %broadcast_in_dim3A_3428 : f32 to vector<16xf32>
      %swap3A_3430 = arith.constant 41 : i32
      %swap3A_3431 = arith.index_cast %swap3A_3430 : i32 to index
      %swap3A_3432 = arith.constant 112 : index
      %swap3A_3433 = tpu.vector_load %arg9[%swap3A_3431, %swap3A_3432] {strides = array<i32>} : memref<50x128xf32, #tpu.memory_space<vmem>>, vector<1x16xf32>,
      %swap3A_3434 = vector.shape_cast %swap3A_3433 : vector<1x16xf32> to vector<16xf32>
      %swap3A_3435 = vector.shape_cast %broadcast_in_dim3A_3429 : vector<16xf32> to vector<1x16xf32>
      tpu.vector_store %arg9[%swap3A_3431, %swap3A_3432], %swap3A_3435 {strides = array<i32>} : memref<50x128xf32, #tpu.memory_space<vmem>>, vector<1x16xf32>,
      %broadcast_in_dim3A_3436 = arith.constant 0.000000e+00 : f32
      %broadcast_in_dim3A_3437 = vector.broadcast %broadcast_in_dim3A_3436 : f32 to vector<16xf32>
      %swap3A_3438 = arith.constant 42 : i32
      %swap3A_3439 = arith.index_cast %swap3A_3438 : i32 to index
      %swap3A_3440 = arith.constant 0 : index
      %swap3A_3441 = tpu.vector_load %arg9[%swap3A_3439, %swap3A_3440] {strides = array<i32>} : memref<50x128xf32, #tpu.memory_space<vmem>>, vector<1x16xf32>,
      %swap3A_3442 = vector.shape_cast %swap3A_3441 : vector<1x16xf32> to vector<16xf32>
      %swap3A_3443 = vector.shape_cast %broadcast_in_dim3A_3437 : vector<16xf32> to vector<1x16xf32>
      tpu.vector_store %arg9[%swap3A_3439, %swap3A_3440], %swap3A_3443 {strides = array<i32>} : memref<50x128xf32, #tpu.memory_space<vmem>>, vector<1x16xf32>,
      %broadcast_in_dim3A_3444 = arith.constant 0.000000e+00 : f32
      %broadcast_in_dim3A_3445 = vector.broadcast %broadcast_in_dim3A_3444 : f32 to vector<16xf32>
      %swap3A_3446 = arith.constant 42 : i32
      %swap3A_3447 = arith.index_cast %swap3A_3446 : i32 to index
      %swap3A_3448 = arith.constant 16 : index
      %swap3A_3449 = tpu.vector_load %arg9[%swap3A_3447, %swap3A_3448] {strides = array<i32>} : memref<50x128xf32, #tpu.memory_space<vmem>>, vector<1x16xf32>,
      %swap3A_3450 = vector.shape_cast %swap3A_3449 : vector<1x16xf32> to vector<16xf32>
      %swap3A_3451 = vector.shape_cast %broadcast_in_dim3A_3445 : vector<16xf32> to vector<1x16xf32>
      tpu.vector_store %arg9[%swap3A_3447, %swap3A_3448], %swap3A_3451 {strides = array<i32>} : memref<50x128xf32, #tpu.memory_space<vmem>>, vector<1x16xf32>,
      %broadcast_in_dim3A_3452 = arith.constant 0.000000e+00 : f32
      %broadcast_in_dim3A_3453 = vector.broadcast %broadcast_in_dim3A_3452 : f32 to vector<16xf32>
      %swap3A_3454 = arith.constant 42 : i32
      %swap3A_3455 = arith.index_cast %swap3A_3454 : i32 to index
      %swap3A_3456 = arith.constant 32 : index
      %swap3A_3457 = tpu.vector_load %arg9[%swap3A_3455, %swap3A_3456] {strides = array<i32>} : memref<50x128xf32, #tpu.memory_space<vmem>>, vector<1x16xf32>,
      %swap3A_3458 = vector.shape_cast %swap3A_3457 : vector<1x16xf32> to vector<16xf32>
      %swap3A_3459 = vector.shape_cast %broadcast_in_dim3A_3453 : vector<16xf32> to vector<1x16xf32>
      tpu.vector_store %arg9[%swap3A_3455, %swap3A_3456], %swap3A_3459 {strides = array<i32>} : memref<50x128xf32, #tpu.memory_space<vmem>>, vector<1x16xf32>,
      %broadcast_in_dim3A_3460 = arith.constant 0.000000e+00 : f32
      %broadcast_in_dim3A_3461 = vector.broadcast %broadcast_in_dim3A_3460 : f32 to vector<16xf32>
      %swap3A_3462 = arith.constant 42 : i32
      %swap3A_3463 = arith.index_cast %swap3A_3462 : i32 to index
      %swap3A_3464 = arith.constant 48 : index
      %swap3A_3465 = tpu.vector_load %arg9[%swap3A_3463, %swap3A_3464] {strides = array<i32>} : memref<50x128xf32, #tpu.memory_space<vmem>>, vector<1x16xf32>,
      %swap3A_3466 = vector.shape_cast %swap3A_3465 : vector<1x16xf32> to vector<16xf32>
      %swap3A_3467 = vector.shape_cast %broadcast_in_dim3A_3461 : vector<16xf32> to vector<1x16xf32>
      tpu.vector_store %arg9[%swap3A_3463, %swap3A_3464], %swap3A_3467 {strides = array<i32>} : memref<50x128xf32, #tpu.memory_space<vmem>>, vector<1x16xf32>,
      %broadcast_in_dim3A_3468 = arith.constant 0.000000e+00 : f32
      %broadcast_in_dim3A_3469 = vector.broadcast %broadcast_in_dim3A_3468 : f32 to vector<16xf32>
      %swap3A_3470 = arith.constant 42 : i32
      %swap3A_3471 = arith.index_cast %swap3A_3470 : i32 to index
      %swap3A_3472 = arith.constant 64 : index
      %swap3A_3473 = tpu.vector_load %arg9[%swap3A_3471, %swap3A_3472] {strides = array<i32>} : memref<50x128xf32, #tpu.memory_space<vmem>>, vector<1x16xf32>,
      %swap3A_3474 = vector.shape_cast %swap3A_3473 : vector<1x16xf32> to vector<16xf32>
      %swap3A_3475 = vector.shape_cast %broadcast_in_dim3A_3469 : vector<16xf32> to vector<1x16xf32>
      tpu.vector_store %arg9[%swap3A_3471, %swap3A_3472], %swap3A_3475 {strides = array<i32>} : memref<50x128xf32, #tpu.memory_space<vmem>>, vector<1x16xf32>,
      %broadcast_in_dim3A_3476 = arith.constant 0.000000e+00 : f32
      %broadcast_in_dim3A_3477 = vector.broadcast %broadcast_in_dim3A_3476 : f32 to vector<16xf32>
      %swap3A_3478 = arith.constant 42 : i32
      %swap3A_3479 = arith.index_cast %swap3A_3478 : i32 to index
      %swap3A_3480 = arith.constant 80 : index
      %swap3A_3481 = tpu.vector_load %arg9[%swap3A_3479, %swap3A_3480] {strides = array<i32>} : memref<50x128xf32, #tpu.memory_space<vmem>>, vector<1x16xf32>,
      %swap3A_3482 = vector.shape_cast %swap3A_3481 : vector<1x16xf32> to vector<16xf32>
      %swap3A_3483 = vector.shape_cast %broadcast_in_dim3A_3477 : vector<16xf32> to vector<1x16xf32>
      tpu.vector_store %arg9[%swap3A_3479, %swap3A_3480], %swap3A_3483 {strides = array<i32>} : memref<50x128xf32, #tpu.memory_space<vmem>>, vector<1x16xf32>,
      %broadcast_in_dim3A_3484 = arith.constant 0.000000e+00 : f32
      %broadcast_in_dim3A_3485 = vector.broadcast %broadcast_in_dim3A_3484 : f32 to vector<16xf32>
      %swap3A_3486 = arith.constant 42 : i32
      %swap3A_3487 = arith.index_cast %swap3A_3486 : i32 to index
      %swap3A_3488 = arith.constant 96 : index
      %swap3A_3489 = tpu.vector_load %arg9[%swap3A_3487, %swap3A_3488] {strides = array<i32>} : memref<50x128xf32, #tpu.memory_space<vmem>>, vector<1x16xf32>,
      %swap3A_3490 = vector.shape_cast %swap3A_3489 : vector<1x16xf32> to vector<16xf32>
      %swap3A_3491 = vector.shape_cast %broadcast_in_dim3A_3485 : vector<16xf32> to vector<1x16xf32>
      tpu.vector_store %arg9[%swap3A_3487, %swap3A_3488], %swap3A_3491 {strides = array<i32>} : memref<50x128xf32, #tpu.memory_space<vmem>>, vector<1x16xf32>,
      %broadcast_in_dim3A_3492 = arith.constant 0.000000e+00 : f32
      %broadcast_in_dim3A_3493 = vector.broadcast %broadcast_in_dim3A_3492 : f32 to vector<16xf32>
      %swap3A_3494 = arith.constant 42 : i32
      %swap3A_3495 = arith.index_cast %swap3A_3494 : i32 to index
      %swap3A_3496 = arith.constant 112 : index
      %swap3A_3497 = tpu.vector_load %arg9[%swap3A_3495, %swap3A_3496] {strides = array<i32>} : memref<50x128xf32, #tpu.memory_space<vmem>>, vector<1x16xf32>,
      %swap3A_3498 = vector.shape_cast %swap3A_3497 : vector<1x16xf32> to vector<16xf32>
      %swap3A_3499 = vector.shape_cast %broadcast_in_dim3A_3493 : vector<16xf32> to vector<1x16xf32>
      tpu.vector_store %arg9[%swap3A_3495, %swap3A_3496], %swap3A_3499 {strides = array<i32>} : memref<50x128xf32, #tpu.memory_space<vmem>>, vector<1x16xf32>,
      %broadcast_in_dim3A_3500 = arith.constant 0.000000e+00 : f32
      %broadcast_in_dim3A_3501 = vector.broadcast %broadcast_in_dim3A_3500 : f32 to vector<16xf32>
      %swap3A_3502 = arith.constant 43 : i32
      %swap3A_3503 = arith.index_cast %swap3A_3502 : i32 to index
      %swap3A_3504 = arith.constant 0 : index
      %swap3A_3505 = tpu.vector_load %arg9[%swap3A_3503, %swap3A_3504] {strides = array<i32>} : memref<50x128xf32, #tpu.memory_space<vmem>>, vector<1x16xf32>,
      %swap3A_3506 = vector.shape_cast %swap3A_3505 : vector<1x16xf32> to vector<16xf32>
      %swap3A_3507 = vector.shape_cast %broadcast_in_dim3A_3501 : vector<16xf32> to vector<1x16xf32>
      tpu.vector_store %arg9[%swap3A_3503, %swap3A_3504], %swap3A_3507 {strides = array<i32>} : memref<50x128xf32, #tpu.memory_space<vmem>>, vector<1x16xf32>,
      %broadcast_in_dim3A_3508 = arith.constant 0.000000e+00 : f32
      %broadcast_in_dim3A_3509 = vector.broadcast %broadcast_in_dim3A_3508 : f32 to vector<16xf32>
      %swap3A_3510 = arith.constant 43 : i32
      %swap3A_3511 = arith.index_cast %swap3A_3510 : i32 to index
      %swap3A_3512 = arith.constant 16 : index
      %swap3A_3513 = tpu.vector_load %arg9[%swap3A_3511, %swap3A_3512] {strides = array<i32>} : memref<50x128xf32, #tpu.memory_space<vmem>>, vector<1x16xf32>,
      %swap3A_3514 = vector.shape_cast %swap3A_3513 : vector<1x16xf32> to vector<16xf32>
      %swap3A_3515 = vector.shape_cast %broadcast_in_dim3A_3509 : vector<16xf32> to vector<1x16xf32>
      tpu.vector_store %arg9[%swap3A_3511, %swap3A_3512], %swap3A_3515 {strides = array<i32>} : memref<50x128xf32, #tpu.memory_space<vmem>>, vector<1x16xf32>,
      %broadcast_in_dim3A_3516 = arith.constant 0.000000e+00 : f32
      %broadcast_in_dim3A_3517 = vector.broadcast %broadcast_in_dim3A_3516 : f32 to vector<16xf32>
      %swap3A_3518 = arith.constant 43 : i32
      %swap3A_3519 = arith.index_cast %swap3A_3518 : i32 to index
      %swap3A_3520 = arith.constant 32 : index
      %swap3A_3521 = tpu.vector_load %arg9[%swap3A_3519, %swap3A_3520] {strides = array<i32>} : memref<50x128xf32, #tpu.memory_space<vmem>>, vector<1x16xf32>,
      %swap3A_3522 = vector.shape_cast %swap3A_3521 : vector<1x16xf32> to vector<16xf32>
      %swap3A_3523 = vector.shape_cast %broadcast_in_dim3A_3517 : vector<16xf32> to vector<1x16xf32>
      tpu.vector_store %arg9[%swap3A_3519, %swap3A_3520], %swap3A_3523 {strides = array<i32>} : memref<50x128xf32, #tpu.memory_space<vmem>>, vector<1x16xf32>,
      %broadcast_in_dim3A_3524 = arith.constant 0.000000e+00 : f32
      %broadcast_in_dim3A_3525 = vector.broadcast %broadcast_in_dim3A_3524 : f32 to vector<16xf32>
      %swap3A_3526 = arith.constant 43 : i32
      %swap3A_3527 = arith.index_cast %swap3A_3526 : i32 to index
      %swap3A_3528 = arith.constant 48 : index
      %swap3A_3529 = tpu.vector_load %arg9[%swap3A_3527, %swap3A_3528] {strides = array<i32>} : memref<50x128xf32, #tpu.memory_space<vmem>>, vector<1x16xf32>,
      %swap3A_3530 = vector.shape_cast %swap3A_3529 : vector<1x16xf32> to vector<16xf32>
      %swap3A_3531 = vector.shape_cast %broadcast_in_dim3A_3525 : vector<16xf32> to vector<1x16xf32>
      tpu.vector_store %arg9[%swap3A_3527, %swap3A_3528], %swap3A_3531 {strides = array<i32>} : memref<50x128xf32, #tpu.memory_space<vmem>>, vector<1x16xf32>,
      %broadcast_in_dim3A_3532 = arith.constant 0.000000e+00 : f32
      %broadcast_in_dim3A_3533 = vector.broadcast %broadcast_in_dim3A_3532 : f32 to vector<16xf32>
      %swap3A_3534 = arith.constant 43 : i32
      %swap3A_3535 = arith.index_cast %swap3A_3534 : i32 to index
      %swap3A_3536 = arith.constant 64 : index
      %swap3A_3537 = tpu.vector_load %arg9[%swap3A_3535, %swap3A_3536] {strides = array<i32>} : memref<50x128xf32, #tpu.memory_space<vmem>>, vector<1x16xf32>,
      %swap3A_3538 = vector.shape_cast %swap3A_3537 : vector<1x16xf32> to vector<16xf32>
      %swap3A_3539 = vector.shape_cast %broadcast_in_dim3A_3533 : vector<16xf32> to vector<1x16xf32>
      tpu.vector_store %arg9[%swap3A_3535, %swap3A_3536], %swap3A_3539 {strides = array<i32>} : memref<50x128xf32, #tpu.memory_space<vmem>>, vector<1x16xf32>,
      %broadcast_in_dim3A_3540 = arith.constant 0.000000e+00 : f32
      %broadcast_in_dim3A_3541 = vector.broadcast %broadcast_in_dim3A_3540 : f32 to vector<16xf32>
      %swap3A_3542 = arith.constant 43 : i32
      %swap3A_3543 = arith.index_cast %swap3A_3542 : i32 to index
      %swap3A_3544 = arith.constant 80 : index
      %swap3A_3545 = tpu.vector_load %arg9[%swap3A_3543, %swap3A_3544] {strides = array<i32>} : memref<50x128xf32, #tpu.memory_space<vmem>>, vector<1x16xf32>,
      %swap3A_3546 = vector.shape_cast %swap3A_3545 : vector<1x16xf32> to vector<16xf32>
      %swap3A_3547 = vector.shape_cast %broadcast_in_dim3A_3541 : vector<16xf32> to vector<1x16xf32>
      tpu.vector_store %arg9[%swap3A_3543, %swap3A_3544], %swap3A_3547 {strides = array<i32>} : memref<50x128xf32, #tpu.memory_space<vmem>>, vector<1x16xf32>,
      %broadcast_in_dim3A_3548 = arith.constant 0.000000e+00 : f32
      %broadcast_in_dim3A_3549 = vector.broadcast %broadcast_in_dim3A_3548 : f32 to vector<16xf32>
      %swap3A_3550 = arith.constant 43 : i32
      %swap3A_3551 = arith.index_cast %swap3A_3550 : i32 to index
      %swap3A_3552 = arith.constant 96 : index
      %swap3A_3553 = tpu.vector_load %arg9[%swap3A_3551, %swap3A_3552] {strides = array<i32>} : memref<50x128xf32, #tpu.memory_space<vmem>>, vector<1x16xf32>,
      %swap3A_3554 = vector.shape_cast %swap3A_3553 : vector<1x16xf32> to vector<16xf32>
      %swap3A_3555 = vector.shape_cast %broadcast_in_dim3A_3549 : vector<16xf32> to vector<1x16xf32>
      tpu.vector_store %arg9[%swap3A_3551, %swap3A_3552], %swap3A_3555 {strides = array<i32>} : memref<50x128xf32, #tpu.memory_space<vmem>>, vector<1x16xf32>,
      %broadcast_in_dim3A_3556 = arith.constant 0.000000e+00 : f32
      %broadcast_in_dim3A_3557 = vector.broadcast %broadcast_in_dim3A_3556 : f32 to vector<16xf32>
      %swap3A_3558 = arith.constant 43 : i32
      %swap3A_3559 = arith.index_cast %swap3A_3558 : i32 to index
      %swap3A_3560 = arith.constant 112 : index
      %swap3A_3561 = tpu.vector_load %arg9[%swap3A_3559, %swap3A_3560] {strides = array<i32>} : memref<50x128xf32, #tpu.memory_space<vmem>>, vector<1x16xf32>,
      %swap3A_3562 = vector.shape_cast %swap3A_3561 : vector<1x16xf32> to vector<16xf32>
      %swap3A_3563 = vector.shape_cast %broadcast_in_dim3A_3557 : vector<16xf32> to vector<1x16xf32>
      tpu.vector_store %arg9[%swap3A_3559, %swap3A_3560], %swap3A_3563 {strides = array<i32>} : memref<50x128xf32, #tpu.memory_space<vmem>>, vector<1x16xf32>,
      %broadcast_in_dim3A_3564 = arith.constant 0.000000e+00 : f32
      %broadcast_in_dim3A_3565 = vector.broadcast %broadcast_in_dim3A_3564 : f32 to vector<16xf32>
      %swap3A_3566 = arith.constant 44 : i32
      %swap3A_3567 = arith.index_cast %swap3A_3566 : i32 to index
      %swap3A_3568 = arith.constant 0 : index
      %swap3A_3569 = tpu.vector_load %arg9[%swap3A_3567, %swap3A_3568] {strides = array<i32>} : memref<50x128xf32, #tpu.memory_space<vmem>>, vector<1x16xf32>,
      %swap3A_3570 = vector.shape_cast %swap3A_3569 : vector<1x16xf32> to vector<16xf32>
      %swap3A_3571 = vector.shape_cast %broadcast_in_dim3A_3565 : vector<16xf32> to vector<1x16xf32>
      tpu.vector_store %arg9[%swap3A_3567, %swap3A_3568], %swap3A_3571 {strides = array<i32>} : memref<50x128xf32, #tpu.memory_space<vmem>>, vector<1x16xf32>,
      %broadcast_in_dim3A_3572 = arith.constant 0.000000e+00 : f32
      %broadcast_in_dim3A_3573 = vector.broadcast %broadcast_in_dim3A_3572 : f32 to vector<16xf32>
      %swap3A_3574 = arith.constant 44 : i32
      %swap3A_3575 = arith.index_cast %swap3A_3574 : i32 to index
      %swap3A_3576 = arith.constant 16 : index
      %swap3A_3577 = tpu.vector_load %arg9[%swap3A_3575, %swap3A_3576] {strides = array<i32>} : memref<50x128xf32, #tpu.memory_space<vmem>>, vector<1x16xf32>,
      %swap3A_3578 = vector.shape_cast %swap3A_3577 : vector<1x16xf32> to vector<16xf32>
      %swap3A_3579 = vector.shape_cast %broadcast_in_dim3A_3573 : vector<16xf32> to vector<1x16xf32>
      tpu.vector_store %arg9[%swap3A_3575, %swap3A_3576], %swap3A_3579 {strides = array<i32>} : memref<50x128xf32, #tpu.memory_space<vmem>>, vector<1x16xf32>,
      %broadcast_in_dim3A_3580 = arith.constant 0.000000e+00 : f32
      %broadcast_in_dim3A_3581 = vector.broadcast %broadcast_in_dim3A_3580 : f32 to vector<16xf32>
      %swap3A_3582 = arith.constant 44 : i32
      %swap3A_3583 = arith.index_cast %swap3A_3582 : i32 to index
      %swap3A_3584 = arith.constant 32 : index
      %swap3A_3585 = tpu.vector_load %arg9[%swap3A_3583, %swap3A_3584] {strides = array<i32>} : memref<50x128xf32, #tpu.memory_space<vmem>>, vector<1x16xf32>,
      %swap3A_3586 = vector.shape_cast %swap3A_3585 : vector<1x16xf32> to vector<16xf32>
      %swap3A_3587 = vector.shape_cast %broadcast_in_dim3A_3581 : vector<16xf32> to vector<1x16xf32>
      tpu.vector_store %arg9[%swap3A_3583, %swap3A_3584], %swap3A_3587 {strides = array<i32>} : memref<50x128xf32, #tpu.memory_space<vmem>>, vector<1x16xf32>,
      %broadcast_in_dim3A_3588 = arith.constant 0.000000e+00 : f32
      %broadcast_in_dim3A_3589 = vector.broadcast %broadcast_in_dim3A_3588 : f32 to vector<16xf32>
      %swap3A_3590 = arith.constant 44 : i32
      %swap3A_3591 = arith.index_cast %swap3A_3590 : i32 to index
      %swap3A_3592 = arith.constant 48 : index
      %swap3A_3593 = tpu.vector_load %arg9[%swap3A_3591, %swap3A_3592] {strides = array<i32>} : memref<50x128xf32, #tpu.memory_space<vmem>>, vector<1x16xf32>,
      %swap3A_3594 = vector.shape_cast %swap3A_3593 : vector<1x16xf32> to vector<16xf32>
      %swap3A_3595 = vector.shape_cast %broadcast_in_dim3A_3589 : vector<16xf32> to vector<1x16xf32>
      tpu.vector_store %arg9[%swap3A_3591, %swap3A_3592], %swap3A_3595 {strides = array<i32>} : memref<50x128xf32, #tpu.memory_space<vmem>>, vector<1x16xf32>,
      %broadcast_in_dim3A_3596 = arith.constant 0.000000e+00 : f32
      %broadcast_in_dim3A_3597 = vector.broadcast %broadcast_in_dim3A_3596 : f32 to vector<16xf32>
      %swap3A_3598 = arith.constant 44 : i32
      %swap3A_3599 = arith.index_cast %swap3A_3598 : i32 to index
      %swap3A_3600 = arith.constant 64 : index
      %swap3A_3601 = tpu.vector_load %arg9[%swap3A_3599, %swap3A_3600] {strides = array<i32>} : memref<50x128xf32, #tpu.memory_space<vmem>>, vector<1x16xf32>,
      %swap3A_3602 = vector.shape_cast %swap3A_3601 : vector<1x16xf32> to vector<16xf32>
      %swap3A_3603 = vector.shape_cast %broadcast_in_dim3A_3597 : vector<16xf32> to vector<1x16xf32>
      tpu.vector_store %arg9[%swap3A_3599, %swap3A_3600], %swap3A_3603 {strides = array<i32>} : memref<50x128xf32, #tpu.memory_space<vmem>>, vector<1x16xf32>,
      %broadcast_in_dim3A_3604 = arith.constant 0.000000e+00 : f32
      %broadcast_in_dim3A_3605 = vector.broadcast %broadcast_in_dim3A_3604 : f32 to vector<16xf32>
      %swap3A_3606 = arith.constant 44 : i32
      %swap3A_3607 = arith.index_cast %swap3A_3606 : i32 to index
      %swap3A_3608 = arith.constant 80 : index
      %swap3A_3609 = tpu.vector_load %arg9[%swap3A_3607, %swap3A_3608] {strides = array<i32>} : memref<50x128xf32, #tpu.memory_space<vmem>>, vector<1x16xf32>,
      %swap3A_3610 = vector.shape_cast %swap3A_3609 : vector<1x16xf32> to vector<16xf32>
      %swap3A_3611 = vector.shape_cast %broadcast_in_dim3A_3605 : vector<16xf32> to vector<1x16xf32>
      tpu.vector_store %arg9[%swap3A_3607, %swap3A_3608], %swap3A_3611 {strides = array<i32>} : memref<50x128xf32, #tpu.memory_space<vmem>>, vector<1x16xf32>,
      %broadcast_in_dim3A_3612 = arith.constant 0.000000e+00 : f32
      %broadcast_in_dim3A_3613 = vector.broadcast %broadcast_in_dim3A_3612 : f32 to vector<16xf32>
      %swap3A_3614 = arith.constant 44 : i32
      %swap3A_3615 = arith.index_cast %swap3A_3614 : i32 to index
      %swap3A_3616 = arith.constant 96 : index
      %swap3A_3617 = tpu.vector_load %arg9[%swap3A_3615, %swap3A_3616] {strides = array<i32>} : memref<50x128xf32, #tpu.memory_space<vmem>>, vector<1x16xf32>,
      %swap3A_3618 = vector.shape_cast %swap3A_3617 : vector<1x16xf32> to vector<16xf32>
      %swap3A_3619 = vector.shape_cast %broadcast_in_dim3A_3613 : vector<16xf32> to vector<1x16xf32>
      tpu.vector_store %arg9[%swap3A_3615, %swap3A_3616], %swap3A_3619 {strides = array<i32>} : memref<50x128xf32, #tpu.memory_space<vmem>>, vector<1x16xf32>,
      %broadcast_in_dim3A_3620 = arith.constant 0.000000e+00 : f32
      %broadcast_in_dim3A_3621 = vector.broadcast %broadcast_in_dim3A_3620 : f32 to vector<16xf32>
      %swap3A_3622 = arith.constant 44 : i32
      %swap3A_3623 = arith.index_cast %swap3A_3622 : i32 to index
      %swap3A_3624 = arith.constant 112 : index
      %swap3A_3625 = tpu.vector_load %arg9[%swap3A_3623, %swap3A_3624] {strides = array<i32>} : memref<50x128xf32, #tpu.memory_space<vmem>>, vector<1x16xf32>,
      %swap3A_3626 = vector.shape_cast %swap3A_3625 : vector<1x16xf32> to vector<16xf32>
      %swap3A_3627 = vector.shape_cast %broadcast_in_dim3A_3621 : vector<16xf32> to vector<1x16xf32>
      tpu.vector_store %arg9[%swap3A_3623, %swap3A_3624], %swap3A_3627 {strides = array<i32>} : memref<50x128xf32, #tpu.memory_space<vmem>>, vector<1x16xf32>,
      %broadcast_in_dim3A_3628 = arith.constant 0.000000e+00 : f32
      %broadcast_in_dim3A_3629 = vector.broadcast %broadcast_in_dim3A_3628 : f32 to vector<16xf32>
      %swap3A_3630 = arith.constant 45 : i32
      %swap3A_3631 = arith.index_cast %swap3A_3630 : i32 to index
      %swap3A_3632 = arith.constant 0 : index
      %swap3A_3633 = tpu.vector_load %arg9[%swap3A_3631, %swap3A_3632] {strides = array<i32>} : memref<50x128xf32, #tpu.memory_space<vmem>>, vector<1x16xf32>,
      %swap3A_3634 = vector.shape_cast %swap3A_3633 : vector<1x16xf32> to vector<16xf32>
      %swap3A_3635 = vector.shape_cast %broadcast_in_dim3A_3629 : vector<16xf32> to vector<1x16xf32>
      tpu.vector_store %arg9[%swap3A_3631, %swap3A_3632], %swap3A_3635 {strides = array<i32>} : memref<50x128xf32, #tpu.memory_space<vmem>>, vector<1x16xf32>,
      %broadcast_in_dim3A_3636 = arith.constant 0.000000e+00 : f32
      %broadcast_in_dim3A_3637 = vector.broadcast %broadcast_in_dim3A_3636 : f32 to vector<16xf32>
      %swap3A_3638 = arith.constant 45 : i32
      %swap3A_3639 = arith.index_cast %swap3A_3638 : i32 to index
      %swap3A_3640 = arith.constant 16 : index
      %swap3A_3641 = tpu.vector_load %arg9[%swap3A_3639, %swap3A_3640] {strides = array<i32>} : memref<50x128xf32, #tpu.memory_space<vmem>>, vector<1x16xf32>,
      %swap3A_3642 = vector.shape_cast %swap3A_3641 : vector<1x16xf32> to vector<16xf32>
      %swap3A_3643 = vector.shape_cast %broadcast_in_dim3A_3637 : vector<16xf32> to vector<1x16xf32>
      tpu.vector_store %arg9[%swap3A_3639, %swap3A_3640], %swap3A_3643 {strides = array<i32>} : memref<50x128xf32, #tpu.memory_space<vmem>>, vector<1x16xf32>,
      %broadcast_in_dim3A_3644 = arith.constant 0.000000e+00 : f32
      %broadcast_in_dim3A_3645 = vector.broadcast %broadcast_in_dim3A_3644 : f32 to vector<16xf32>
      %swap3A_3646 = arith.constant 45 : i32
      %swap3A_3647 = arith.index_cast %swap3A_3646 : i32 to index
      %swap3A_3648 = arith.constant 32 : index
      %swap3A_3649 = tpu.vector_load %arg9[%swap3A_3647, %swap3A_3648] {strides = array<i32>} : memref<50x128xf32, #tpu.memory_space<vmem>>, vector<1x16xf32>,
      %swap3A_3650 = vector.shape_cast %swap3A_3649 : vector<1x16xf32> to vector<16xf32>
      %swap3A_3651 = vector.shape_cast %broadcast_in_dim3A_3645 : vector<16xf32> to vector<1x16xf32>
      tpu.vector_store %arg9[%swap3A_3647, %swap3A_3648], %swap3A_3651 {strides = array<i32>} : memref<50x128xf32, #tpu.memory_space<vmem>>, vector<1x16xf32>,
      %broadcast_in_dim3A_3652 = arith.constant 0.000000e+00 : f32
      %broadcast_in_dim3A_3653 = vector.broadcast %broadcast_in_dim3A_3652 : f32 to vector<16xf32>
      %swap3A_3654 = arith.constant 45 : i32
      %swap3A_3655 = arith.index_cast %swap3A_3654 : i32 to index
      %swap3A_3656 = arith.constant 48 : index
      %swap3A_3657 = tpu.vector_load %arg9[%swap3A_3655, %swap3A_3656] {strides = array<i32>} : memref<50x128xf32, #tpu.memory_space<vmem>>, vector<1x16xf32>,
      %swap3A_3658 = vector.shape_cast %swap3A_3657 : vector<1x16xf32> to vector<16xf32>
      %swap3A_3659 = vector.shape_cast %broadcast_in_dim3A_3653 : vector<16xf32> to vector<1x16xf32>
      tpu.vector_store %arg9[%swap3A_3655, %swap3A_3656], %swap3A_3659 {strides = array<i32>} : memref<50x128xf32, #tpu.memory_space<vmem>>, vector<1x16xf32>,
      %broadcast_in_dim3A_3660 = arith.constant 0.000000e+00 : f32
      %broadcast_in_dim3A_3661 = vector.broadcast %broadcast_in_dim3A_3660 : f32 to vector<16xf32>
      %swap3A_3662 = arith.constant 45 : i32
      %swap3A_3663 = arith.index_cast %swap3A_3662 : i32 to index
      %swap3A_3664 = arith.constant 64 : index
      %swap3A_3665 = tpu.vector_load %arg9[%swap3A_3663, %swap3A_3664] {strides = array<i32>} : memref<50x128xf32, #tpu.memory_space<vmem>>, vector<1x16xf32>,
      %swap3A_3666 = vector.shape_cast %swap3A_3665 : vector<1x16xf32> to vector<16xf32>
      %swap3A_3667 = vector.shape_cast %broadcast_in_dim3A_3661 : vector<16xf32> to vector<1x16xf32>
      tpu.vector_store %arg9[%swap3A_3663, %swap3A_3664], %swap3A_3667 {strides = array<i32>} : memref<50x128xf32, #tpu.memory_space<vmem>>, vector<1x16xf32>,
      %broadcast_in_dim3A_3668 = arith.constant 0.000000e+00 : f32
      %broadcast_in_dim3A_3669 = vector.broadcast %broadcast_in_dim3A_3668 : f32 to vector<16xf32>
      %swap3A_3670 = arith.constant 45 : i32
      %swap3A_3671 = arith.index_cast %swap3A_3670 : i32 to index
      %swap3A_3672 = arith.constant 80 : index
      %swap3A_3673 = tpu.vector_load %arg9[%swap3A_3671, %swap3A_3672] {strides = array<i32>} : memref<50x128xf32, #tpu.memory_space<vmem>>, vector<1x16xf32>,
      %swap3A_3674 = vector.shape_cast %swap3A_3673 : vector<1x16xf32> to vector<16xf32>
      %swap3A_3675 = vector.shape_cast %broadcast_in_dim3A_3669 : vector<16xf32> to vector<1x16xf32>
      tpu.vector_store %arg9[%swap3A_3671, %swap3A_3672], %swap3A_3675 {strides = array<i32>} : memref<50x128xf32, #tpu.memory_space<vmem>>, vector<1x16xf32>,
      %broadcast_in_dim3A_3676 = arith.constant 0.000000e+00 : f32
      %broadcast_in_dim3A_3677 = vector.broadcast %broadcast_in_dim3A_3676 : f32 to vector<16xf32>
      %swap3A_3678 = arith.constant 45 : i32
      %swap3A_3679 = arith.index_cast %swap3A_3678 : i32 to index
      %swap3A_3680 = arith.constant 96 : index
      %swap3A_3681 = tpu.vector_load %arg9[%swap3A_3679, %swap3A_3680] {strides = array<i32>} : memref<50x128xf32, #tpu.memory_space<vmem>>, vector<1x16xf32>,
      %swap3A_3682 = vector.shape_cast %swap3A_3681 : vector<1x16xf32> to vector<16xf32>
      %swap3A_3683 = vector.shape_cast %broadcast_in_dim3A_3677 : vector<16xf32> to vector<1x16xf32>
      tpu.vector_store %arg9[%swap3A_3679, %swap3A_3680], %swap3A_3683 {strides = array<i32>} : memref<50x128xf32, #tpu.memory_space<vmem>>, vector<1x16xf32>,
      %broadcast_in_dim3A_3684 = arith.constant 0.000000e+00 : f32
      %broadcast_in_dim3A_3685 = vector.broadcast %broadcast_in_dim3A_3684 : f32 to vector<16xf32>
      %swap3A_3686 = arith.constant 45 : i32
      %swap3A_3687 = arith.index_cast %swap3A_3686 : i32 to index
      %swap3A_3688 = arith.constant 112 : index
      %swap3A_3689 = tpu.vector_load %arg9[%swap3A_3687, %swap3A_3688] {strides = array<i32>} : memref<50x128xf32, #tpu.memory_space<vmem>>, vector<1x16xf32>,
      %swap3A_3690 = vector.shape_cast %swap3A_3689 : vector<1x16xf32> to vector<16xf32>
      %swap3A_3691 = vector.shape_cast %broadcast_in_dim3A_3685 : vector<16xf32> to vector<1x16xf32>
      tpu.vector_store %arg9[%swap3A_3687, %swap3A_3688], %swap3A_3691 {strides = array<i32>} : memref<50x128xf32, #tpu.memory_space<vmem>>, vector<1x16xf32>,
      %broadcast_in_dim3A_3692 = arith.constant 0.000000e+00 : f32
      %broadcast_in_dim3A_3693 = vector.broadcast %broadcast_in_dim3A_3692 : f32 to vector<16xf32>
      %swap3A_3694 = arith.constant 46 : i32
      %swap3A_3695 = arith.index_cast %swap3A_3694 : i32 to index
      %swap3A_3696 = arith.constant 0 : index
      %swap3A_3697 = tpu.vector_load %arg9[%swap3A_3695, %swap3A_3696] {strides = array<i32>} : memref<50x128xf32, #tpu.memory_space<vmem>>, vector<1x16xf32>,
      %swap3A_3698 = vector.shape_cast %swap3A_3697 : vector<1x16xf32> to vector<16xf32>
      %swap3A_3699 = vector.shape_cast %broadcast_in_dim3A_3693 : vector<16xf32> to vector<1x16xf32>
      tpu.vector_store %arg9[%swap3A_3695, %swap3A_3696], %swap3A_3699 {strides = array<i32>} : memref<50x128xf32, #tpu.memory_space<vmem>>, vector<1x16xf32>,
      %broadcast_in_dim3A_3700 = arith.constant 0.000000e+00 : f32
      %broadcast_in_dim3A_3701 = vector.broadcast %broadcast_in_dim3A_3700 : f32 to vector<16xf32>
      %swap3A_3702 = arith.constant 46 : i32
      %swap3A_3703 = arith.index_cast %swap3A_3702 : i32 to index
      %swap3A_3704 = arith.constant 16 : index
      %swap3A_3705 = tpu.vector_load %arg9[%swap3A_3703, %swap3A_3704] {strides = array<i32>} : memref<50x128xf32, #tpu.memory_space<vmem>>, vector<1x16xf32>,
      %swap3A_3706 = vector.shape_cast %swap3A_3705 : vector<1x16xf32> to vector<16xf32>
      %swap3A_3707 = vector.shape_cast %broadcast_in_dim3A_3701 : vector<16xf32> to vector<1x16xf32>
      tpu.vector_store %arg9[%swap3A_3703, %swap3A_3704], %swap3A_3707 {strides = array<i32>} : memref<50x128xf32, #tpu.memory_space<vmem>>, vector<1x16xf32>,
      %broadcast_in_dim3A_3708 = arith.constant 0.000000e+00 : f32
      %broadcast_in_dim3A_3709 = vector.broadcast %broadcast_in_dim3A_3708 : f32 to vector<16xf32>
      %swap3A_3710 = arith.constant 46 : i32
      %swap3A_3711 = arith.index_cast %swap3A_3710 : i32 to index
      %swap3A_3712 = arith.constant 32 : index
      %swap3A_3713 = tpu.vector_load %arg9[%swap3A_3711, %swap3A_3712] {strides = array<i32>} : memref<50x128xf32, #tpu.memory_space<vmem>>, vector<1x16xf32>,
      %swap3A_3714 = vector.shape_cast %swap3A_3713 : vector<1x16xf32> to vector<16xf32>
      %swap3A_3715 = vector.shape_cast %broadcast_in_dim3A_3709 : vector<16xf32> to vector<1x16xf32>
      tpu.vector_store %arg9[%swap3A_3711, %swap3A_3712], %swap3A_3715 {strides = array<i32>} : memref<50x128xf32, #tpu.memory_space<vmem>>, vector<1x16xf32>,
      %broadcast_in_dim3A_3716 = arith.constant 0.000000e+00 : f32
      %broadcast_in_dim3A_3717 = vector.broadcast %broadcast_in_dim3A_3716 : f32 to vector<16xf32>
      %swap3A_3718 = arith.constant 46 : i32
      %swap3A_3719 = arith.index_cast %swap3A_3718 : i32 to index
      %swap3A_3720 = arith.constant 48 : index
      %swap3A_3721 = tpu.vector_load %arg9[%swap3A_3719, %swap3A_3720] {strides = array<i32>} : memref<50x128xf32, #tpu.memory_space<vmem>>, vector<1x16xf32>,
      %swap3A_3722 = vector.shape_cast %swap3A_3721 : vector<1x16xf32> to vector<16xf32>
      %swap3A_3723 = vector.shape_cast %broadcast_in_dim3A_3717 : vector<16xf32> to vector<1x16xf32>
      tpu.vector_store %arg9[%swap3A_3719, %swap3A_3720], %swap3A_3723 {strides = array<i32>} : memref<50x128xf32, #tpu.memory_space<vmem>>, vector<1x16xf32>,
      %broadcast_in_dim3A_3724 = arith.constant 0.000000e+00 : f32
      %broadcast_in_dim3A_3725 = vector.broadcast %broadcast_in_dim3A_3724 : f32 to vector<16xf32>
      %swap3A_3726 = arith.constant 46 : i32
      %swap3A_3727 = arith.index_cast %swap3A_3726 : i32 to index
      %swap3A_3728 = arith.constant 64 : index
      %swap3A_3729 = tpu.vector_load %arg9[%swap3A_3727, %swap3A_3728] {strides = array<i32>} : memref<50x128xf32, #tpu.memory_space<vmem>>, vector<1x16xf32>,
      %swap3A_3730 = vector.shape_cast %swap3A_3729 : vector<1x16xf32> to vector<16xf32>
      %swap3A_3731 = vector.shape_cast %broadcast_in_dim3A_3725 : vector<16xf32> to vector<1x16xf32>
      tpu.vector_store %arg9[%swap3A_3727, %swap3A_3728], %swap3A_3731 {strides = array<i32>} : memref<50x128xf32, #tpu.memory_space<vmem>>, vector<1x16xf32>,
      %broadcast_in_dim3A_3732 = arith.constant 0.000000e+00 : f32
      %broadcast_in_dim3A_3733 = vector.broadcast %broadcast_in_dim3A_3732 : f32 to vector<16xf32>
      %swap3A_3734 = arith.constant 46 : i32
      %swap3A_3735 = arith.index_cast %swap3A_3734 : i32 to index
      %swap3A_3736 = arith.constant 80 : index
      %swap3A_3737 = tpu.vector_load %arg9[%swap3A_3735, %swap3A_3736] {strides = array<i32>} : memref<50x128xf32, #tpu.memory_space<vmem>>, vector<1x16xf32>,
      %swap3A_3738 = vector.shape_cast %swap3A_3737 : vector<1x16xf32> to vector<16xf32>
      %swap3A_3739 = vector.shape_cast %broadcast_in_dim3A_3733 : vector<16xf32> to vector<1x16xf32>
      tpu.vector_store %arg9[%swap3A_3735, %swap3A_3736], %swap3A_3739 {strides = array<i32>} : memref<50x128xf32, #tpu.memory_space<vmem>>, vector<1x16xf32>,
      %broadcast_in_dim3A_3740 = arith.constant 0.000000e+00 : f32
      %broadcast_in_dim3A_3741 = vector.broadcast %broadcast_in_dim3A_3740 : f32 to vector<16xf32>
      %swap3A_3742 = arith.constant 46 : i32
      %swap3A_3743 = arith.index_cast %swap3A_3742 : i32 to index
      %swap3A_3744 = arith.constant 96 : index
      %swap3A_3745 = tpu.vector_load %arg9[%swap3A_3743, %swap3A_3744] {strides = array<i32>} : memref<50x128xf32, #tpu.memory_space<vmem>>, vector<1x16xf32>,
      %swap3A_3746 = vector.shape_cast %swap3A_3745 : vector<1x16xf32> to vector<16xf32>
      %swap3A_3747 = vector.shape_cast %broadcast_in_dim3A_3741 : vector<16xf32> to vector<1x16xf32>
      tpu.vector_store %arg9[%swap3A_3743, %swap3A_3744], %swap3A_3747 {strides = array<i32>} : memref<50x128xf32, #tpu.memory_space<vmem>>, vector<1x16xf32>,
      %broadcast_in_dim3A_3748 = arith.constant 0.000000e+00 : f32
      %broadcast_in_dim3A_3749 = vector.broadcast %broadcast_in_dim3A_3748 : f32 to vector<16xf32>
      %swap3A_3750 = arith.constant 46 : i32
      %swap3A_3751 = arith.index_cast %swap3A_3750 : i32 to index
      %swap3A_3752 = arith.constant 112 : index
      %swap3A_3753 = tpu.vector_load %arg9[%swap3A_3751, %swap3A_3752] {strides = array<i32>} : memref<50x128xf32, #tpu.memory_space<vmem>>, vector<1x16xf32>,
      %swap3A_3754 = vector.shape_cast %swap3A_3753 : vector<1x16xf32> to vector<16xf32>
      %swap3A_3755 = vector.shape_cast %broadcast_in_dim3A_3749 : vector<16xf32> to vector<1x16xf32>
      tpu.vector_store %arg9[%swap3A_3751, %swap3A_3752], %swap3A_3755 {strides = array<i32>} : memref<50x128xf32, #tpu.memory_space<vmem>>, vector<1x16xf32>,
      %broadcast_in_dim3A_3756 = arith.constant 0.000000e+00 : f32
      %broadcast_in_dim3A_3757 = vector.broadcast %broadcast_in_dim3A_3756 : f32 to vector<16xf32>
      %swap3A_3758 = arith.constant 47 : i32
      %swap3A_3759 = arith.index_cast %swap3A_3758 : i32 to index
      %swap3A_3760 = arith.constant 0 : index
      %swap3A_3761 = tpu.vector_load %arg9[%swap3A_3759, %swap3A_3760] {strides = array<i32>} : memref<50x128xf32, #tpu.memory_space<vmem>>, vector<1x16xf32>,
      %swap3A_3762 = vector.shape_cast %swap3A_3761 : vector<1x16xf32> to vector<16xf32>
      %swap3A_3763 = vector.shape_cast %broadcast_in_dim3A_3757 : vector<16xf32> to vector<1x16xf32>
      tpu.vector_store %arg9[%swap3A_3759, %swap3A_3760], %swap3A_3763 {strides = array<i32>} : memref<50x128xf32, #tpu.memory_space<vmem>>, vector<1x16xf32>,
      %broadcast_in_dim3A_3764 = arith.constant 0.000000e+00 : f32
      %broadcast_in_dim3A_3765 = vector.broadcast %broadcast_in_dim3A_3764 : f32 to vector<16xf32>
      %swap3A_3766 = arith.constant 47 : i32
      %swap3A_3767 = arith.index_cast %swap3A_3766 : i32 to index
      %swap3A_3768 = arith.constant 16 : index
      %swap3A_3769 = tpu.vector_load %arg9[%swap3A_3767, %swap3A_3768] {strides = array<i32>} : memref<50x128xf32, #tpu.memory_space<vmem>>, vector<1x16xf32>,
      %swap3A_3770 = vector.shape_cast %swap3A_3769 : vector<1x16xf32> to vector<16xf32>
      %swap3A_3771 = vector.shape_cast %broadcast_in_dim3A_3765 : vector<16xf32> to vector<1x16xf32>
      tpu.vector_store %arg9[%swap3A_3767, %swap3A_3768], %swap3A_3771 {strides = array<i32>} : memref<50x128xf32, #tpu.memory_space<vmem>>, vector<1x16xf32>,
      %broadcast_in_dim3A_3772 = arith.constant 0.000000e+00 : f32
      %broadcast_in_dim3A_3773 = vector.broadcast %broadcast_in_dim3A_3772 : f32 to vector<16xf32>
      %swap3A_3774 = arith.constant 47 : i32
      %swap3A_3775 = arith.index_cast %swap3A_3774 : i32 to index
      %swap3A_3776 = arith.constant 32 : index
      %swap3A_3777 = tpu.vector_load %arg9[%swap3A_3775, %swap3A_3776] {strides = array<i32>} : memref<50x128xf32, #tpu.memory_space<vmem>>, vector<1x16xf32>,
      %swap3A_3778 = vector.shape_cast %swap3A_3777 : vector<1x16xf32> to vector<16xf32>
      %swap3A_3779 = vector.shape_cast %broadcast_in_dim3A_3773 : vector<16xf32> to vector<1x16xf32>
      tpu.vector_store %arg9[%swap3A_3775, %swap3A_3776], %swap3A_3779 {strides = array<i32>} : memref<50x128xf32, #tpu.memory_space<vmem>>, vector<1x16xf32>,
      %broadcast_in_dim3A_3780 = arith.constant 0.000000e+00 : f32
      %broadcast_in_dim3A_3781 = vector.broadcast %broadcast_in_dim3A_3780 : f32 to vector<16xf32>
      %swap3A_3782 = arith.constant 47 : i32
      %swap3A_3783 = arith.index_cast %swap3A_3782 : i32 to index
      %swap3A_3784 = arith.constant 48 : index
      %swap3A_3785 = tpu.vector_load %arg9[%swap3A_3783, %swap3A_3784] {strides = array<i32>} : memref<50x128xf32, #tpu.memory_space<vmem>>, vector<1x16xf32>,
      %swap3A_3786 = vector.shape_cast %swap3A_3785 : vector<1x16xf32> to vector<16xf32>
      %swap3A_3787 = vector.shape_cast %broadcast_in_dim3A_3781 : vector<16xf32> to vector<1x16xf32>
      tpu.vector_store %arg9[%swap3A_3783, %swap3A_3784], %swap3A_3787 {strides = array<i32>} : memref<50x128xf32, #tpu.memory_space<vmem>>, vector<1x16xf32>,
      %broadcast_in_dim3A_3788 = arith.constant 0.000000e+00 : f32
      %broadcast_in_dim3A_3789 = vector.broadcast %broadcast_in_dim3A_3788 : f32 to vector<16xf32>
      %swap3A_3790 = arith.constant 47 : i32
      %swap3A_3791 = arith.index_cast %swap3A_3790 : i32 to index
      %swap3A_3792 = arith.constant 64 : index
      %swap3A_3793 = tpu.vector_load %arg9[%swap3A_3791, %swap3A_3792] {strides = array<i32>} : memref<50x128xf32, #tpu.memory_space<vmem>>, vector<1x16xf32>,
      %swap3A_3794 = vector.shape_cast %swap3A_3793 : vector<1x16xf32> to vector<16xf32>
      %swap3A_3795 = vector.shape_cast %broadcast_in_dim3A_3789 : vector<16xf32> to vector<1x16xf32>
      tpu.vector_store %arg9[%swap3A_3791, %swap3A_3792], %swap3A_3795 {strides = array<i32>} : memref<50x128xf32, #tpu.memory_space<vmem>>, vector<1x16xf32>,
      %broadcast_in_dim3A_3796 = arith.constant 0.000000e+00 : f32
      %broadcast_in_dim3A_3797 = vector.broadcast %broadcast_in_dim3A_3796 : f32 to vector<16xf32>
      %swap3A_3798 = arith.constant 47 : i32
      %swap3A_3799 = arith.index_cast %swap3A_3798 : i32 to index
      %swap3A_3800 = arith.constant 80 : index
      %swap3A_3801 = tpu.vector_load %arg9[%swap3A_3799, %swap3A_3800] {strides = array<i32>} : memref<50x128xf32, #tpu.memory_space<vmem>>, vector<1x16xf32>,
      %swap3A_3802 = vector.shape_cast %swap3A_3801 : vector<1x16xf32> to vector<16xf32>
      %swap3A_3803 = vector.shape_cast %broadcast_in_dim3A_3797 : vector<16xf32> to vector<1x16xf32>
      tpu.vector_store %arg9[%swap3A_3799, %swap3A_3800], %swap3A_3803 {strides = array<i32>} : memref<50x128xf32, #tpu.memory_space<vmem>>, vector<1x16xf32>,
      %broadcast_in_dim3A_3804 = arith.constant 0.000000e+00 : f32
      %broadcast_in_dim3A_3805 = vector.broadcast %broadcast_in_dim3A_3804 : f32 to vector<16xf32>
      %swap3A_3806 = arith.constant 47 : i32
      %swap3A_3807 = arith.index_cast %swap3A_3806 : i32 to index
      %swap3A_3808 = arith.constant 96 : index
      %swap3A_3809 = tpu.vector_load %arg9[%swap3A_3807, %swap3A_3808] {strides = array<i32>} : memref<50x128xf32, #tpu.memory_space<vmem>>, vector<1x16xf32>,
      %swap3A_3810 = vector.shape_cast %swap3A_3809 : vector<1x16xf32> to vector<16xf32>
      %swap3A_3811 = vector.shape_cast %broadcast_in_dim3A_3805 : vector<16xf32> to vector<1x16xf32>
      tpu.vector_store %arg9[%swap3A_3807, %swap3A_3808], %swap3A_3811 {strides = array<i32>} : memref<50x128xf32, #tpu.memory_space<vmem>>, vector<1x16xf32>,
      %broadcast_in_dim3A_3812 = arith.constant 0.000000e+00 : f32
      %broadcast_in_dim3A_3813 = vector.broadcast %broadcast_in_dim3A_3812 : f32 to vector<16xf32>
      %swap3A_3814 = arith.constant 47 : i32
      %swap3A_3815 = arith.index_cast %swap3A_3814 : i32 to index
      %swap3A_3816 = arith.constant 112 : index
      %swap3A_3817 = tpu.vector_load %arg9[%swap3A_3815, %swap3A_3816] {strides = array<i32>} : memref<50x128xf32, #tpu.memory_space<vmem>>, vector<1x16xf32>,
      %swap3A_3818 = vector.shape_cast %swap3A_3817 : vector<1x16xf32> to vector<16xf32>
      %swap3A_3819 = vector.shape_cast %broadcast_in_dim3A_3813 : vector<16xf32> to vector<1x16xf32>
      tpu.vector_store %arg9[%swap3A_3815, %swap3A_3816], %swap3A_3819 {strides = array<i32>} : memref<50x128xf32, #tpu.memory_space<vmem>>, vector<1x16xf32>,
      %broadcast_in_dim3A_3820 = arith.constant 0.000000e+00 : f32
      %broadcast_in_dim3A_3821 = vector.broadcast %broadcast_in_dim3A_3820 : f32 to vector<16xf32>
      %swap3A_3822 = arith.constant 48 : i32
      %swap3A_3823 = arith.index_cast %swap3A_3822 : i32 to index
      %swap3A_3824 = arith.constant 0 : index
      %swap3A_3825 = tpu.vector_load %arg9[%swap3A_3823, %swap3A_3824] {strides = array<i32>} : memref<50x128xf32, #tpu.memory_space<vmem>>, vector<1x16xf32>,
      %swap3A_3826 = vector.shape_cast %swap3A_3825 : vector<1x16xf32> to vector<16xf32>
      %swap3A_3827 = vector.shape_cast %broadcast_in_dim3A_3821 : vector<16xf32> to vector<1x16xf32>
      tpu.vector_store %arg9[%swap3A_3823, %swap3A_3824], %swap3A_3827 {strides = array<i32>} : memref<50x128xf32, #tpu.memory_space<vmem>>, vector<1x16xf32>,
      %broadcast_in_dim3A_3828 = arith.constant 0.000000e+00 : f32
      %broadcast_in_dim3A_3829 = vector.broadcast %broadcast_in_dim3A_3828 : f32 to vector<16xf32>
      %swap3A_3830 = arith.constant 48 : i32
      %swap3A_3831 = arith.index_cast %swap3A_3830 : i32 to index
      %swap3A_3832 = arith.constant 16 : index
      %swap3A_3833 = tpu.vector_load %arg9[%swap3A_3831, %swap3A_3832] {strides = array<i32>} : memref<50x128xf32, #tpu.memory_space<vmem>>, vector<1x16xf32>,
      %swap3A_3834 = vector.shape_cast %swap3A_3833 : vector<1x16xf32> to vector<16xf32>
      %swap3A_3835 = vector.shape_cast %broadcast_in_dim3A_3829 : vector<16xf32> to vector<1x16xf32>
      tpu.vector_store %arg9[%swap3A_3831, %swap3A_3832], %swap3A_3835 {strides = array<i32>} : memref<50x128xf32, #tpu.memory_space<vmem>>, vector<1x16xf32>,
      %broadcast_in_dim3A_3836 = arith.constant 0.000000e+00 : f32
      %broadcast_in_dim3A_3837 = vector.broadcast %broadcast_in_dim3A_3836 : f32 to vector<16xf32>
      %swap3A_3838 = arith.constant 48 : i32
      %swap3A_3839 = arith.index_cast %swap3A_3838 : i32 to index
      %swap3A_3840 = arith.constant 32 : index
      %swap3A_3841 = tpu.vector_load %arg9[%swap3A_3839, %swap3A_3840] {strides = array<i32>} : memref<50x128xf32, #tpu.memory_space<vmem>>, vector<1x16xf32>,
      %swap3A_3842 = vector.shape_cast %swap3A_3841 : vector<1x16xf32> to vector<16xf32>
      %swap3A_3843 = vector.shape_cast %broadcast_in_dim3A_3837 : vector<16xf32> to vector<1x16xf32>
      tpu.vector_store %arg9[%swap3A_3839, %swap3A_3840], %swap3A_3843 {strides = array<i32>} : memref<50x128xf32, #tpu.memory_space<vmem>>, vector<1x16xf32>,
      %broadcast_in_dim3A_3844 = arith.constant 0.000000e+00 : f32
      %broadcast_in_dim3A_3845 = vector.broadcast %broadcast_in_dim3A_3844 : f32 to vector<16xf32>
      %swap3A_3846 = arith.constant 48 : i32
      %swap3A_3847 = arith.index_cast %swap3A_3846 : i32 to index
      %swap3A_3848 = arith.constant 48 : index
      %swap3A_3849 = tpu.vector_load %arg9[%swap3A_3847, %swap3A_3848] {strides = array<i32>} : memref<50x128xf32, #tpu.memory_space<vmem>>, vector<1x16xf32>,
      %swap3A_3850 = vector.shape_cast %swap3A_3849 : vector<1x16xf32> to vector<16xf32>
      %swap3A_3851 = vector.shape_cast %broadcast_in_dim3A_3845 : vector<16xf32> to vector<1x16xf32>
      tpu.vector_store %arg9[%swap3A_3847, %swap3A_3848], %swap3A_3851 {strides = array<i32>} : memref<50x128xf32, #tpu.memory_space<vmem>>, vector<1x16xf32>,
      %broadcast_in_dim3A_3852 = arith.constant 0.000000e+00 : f32
      %broadcast_in_dim3A_3853 = vector.broadcast %broadcast_in_dim3A_3852 : f32 to vector<16xf32>
      %swap3A_3854 = arith.constant 48 : i32
      %swap3A_3855 = arith.index_cast %swap3A_3854 : i32 to index
      %swap3A_3856 = arith.constant 64 : index
      %swap3A_3857 = tpu.vector_load %arg9[%swap3A_3855, %swap3A_3856] {strides = array<i32>} : memref<50x128xf32, #tpu.memory_space<vmem>>, vector<1x16xf32>,
      %swap3A_3858 = vector.shape_cast %swap3A_3857 : vector<1x16xf32> to vector<16xf32>
      %swap3A_3859 = vector.shape_cast %broadcast_in_dim3A_3853 : vector<16xf32> to vector<1x16xf32>
      tpu.vector_store %arg9[%swap3A_3855, %swap3A_3856], %swap3A_3859 {strides = array<i32>} : memref<50x128xf32, #tpu.memory_space<vmem>>, vector<1x16xf32>,
      %broadcast_in_dim3A_3860 = arith.constant 0.000000e+00 : f32
      %broadcast_in_dim3A_3861 = vector.broadcast %broadcast_in_dim3A_3860 : f32 to vector<16xf32>
      %swap3A_3862 = arith.constant 48 : i32
      %swap3A_3863 = arith.index_cast %swap3A_3862 : i32 to index
      %swap3A_3864 = arith.constant 80 : index
      %swap3A_3865 = tpu.vector_load %arg9[%swap3A_3863, %swap3A_3864] {strides = array<i32>} : memref<50x128xf32, #tpu.memory_space<vmem>>, vector<1x16xf32>,
      %swap3A_3866 = vector.shape_cast %swap3A_3865 : vector<1x16xf32> to vector<16xf32>
      %swap3A_3867 = vector.shape_cast %broadcast_in_dim3A_3861 : vector<16xf32> to vector<1x16xf32>
      tpu.vector_store %arg9[%swap3A_3863, %swap3A_3864], %swap3A_3867 {strides = array<i32>} : memref<50x128xf32, #tpu.memory_space<vmem>>, vector<1x16xf32>,
      %broadcast_in_dim3A_3868 = arith.constant 0.000000e+00 : f32
      %broadcast_in_dim3A_3869 = vector.broadcast %broadcast_in_dim3A_3868 : f32 to vector<16xf32>
      %swap3A_3870 = arith.constant 48 : i32
      %swap3A_3871 = arith.index_cast %swap3A_3870 : i32 to index
      %swap3A_3872 = arith.constant 96 : index
      %swap3A_3873 = tpu.vector_load %arg9[%swap3A_3871, %swap3A_3872] {strides = array<i32>} : memref<50x128xf32, #tpu.memory_space<vmem>>, vector<1x16xf32>,
      %swap3A_3874 = vector.shape_cast %swap3A_3873 : vector<1x16xf32> to vector<16xf32>
      %swap3A_3875 = vector.shape_cast %broadcast_in_dim3A_3869 : vector<16xf32> to vector<1x16xf32>
      tpu.vector_store %arg9[%swap3A_3871, %swap3A_3872], %swap3A_3875 {strides = array<i32>} : memref<50x128xf32, #tpu.memory_space<vmem>>, vector<1x16xf32>,
      %broadcast_in_dim3A_3876 = arith.constant 0.000000e+00 : f32
      %broadcast_in_dim3A_3877 = vector.broadcast %broadcast_in_dim3A_3876 : f32 to vector<16xf32>
      %swap3A_3878 = arith.constant 48 : i32
      %swap3A_3879 = arith.index_cast %swap3A_3878 : i32 to index
      %swap3A_3880 = arith.constant 112 : index
      %swap3A_3881 = tpu.vector_load %arg9[%swap3A_3879, %swap3A_3880] {strides = array<i32>} : memref<50x128xf32, #tpu.memory_space<vmem>>, vector<1x16xf32>,
      %swap3A_3882 = vector.shape_cast %swap3A_3881 : vector<1x16xf32> to vector<16xf32>
      %swap3A_3883 = vector.shape_cast %broadcast_in_dim3A_3877 : vector<16xf32> to vector<1x16xf32>
      tpu.vector_store %arg9[%swap3A_3879, %swap3A_3880], %swap3A_3883 {strides = array<i32>} : memref<50x128xf32, #tpu.memory_space<vmem>>, vector<1x16xf32>,
      %broadcast_in_dim3A_3884 = arith.constant 0.000000e+00 : f32
      %broadcast_in_dim3A_3885 = vector.broadcast %broadcast_in_dim3A_3884 : f32 to vector<16xf32>
      %swap3A_3886 = arith.constant 49 : i32
      %swap3A_3887 = arith.index_cast %swap3A_3886 : i32 to index
      %swap3A_3888 = arith.constant 0 : index
      %swap3A_3889 = tpu.vector_load %arg9[%swap3A_3887, %swap3A_3888] {strides = array<i32>} : memref<50x128xf32, #tpu.memory_space<vmem>>, vector<1x16xf32>,
      %swap3A_3890 = vector.shape_cast %swap3A_3889 : vector<1x16xf32> to vector<16xf32>
      %swap3A_3891 = vector.shape_cast %broadcast_in_dim3A_3885 : vector<16xf32> to vector<1x16xf32>
      tpu.vector_store %arg9[%swap3A_3887, %swap3A_3888], %swap3A_3891 {strides = array<i32>} : memref<50x128xf32, #tpu.memory_space<vmem>>, vector<1x16xf32>,
      %broadcast_in_dim3A_3892 = arith.constant 0.000000e+00 : f32
      %broadcast_in_dim3A_3893 = vector.broadcast %broadcast_in_dim3A_3892 : f32 to vector<16xf32>
      %swap3A_3894 = arith.constant 49 : i32
      %swap3A_3895 = arith.index_cast %swap3A_3894 : i32 to index
      %swap3A_3896 = arith.constant 16 : index
      %swap3A_3897 = tpu.vector_load %arg9[%swap3A_3895, %swap3A_3896] {strides = array<i32>} : memref<50x128xf32, #tpu.memory_space<vmem>>, vector<1x16xf32>,
      %swap3A_3898 = vector.shape_cast %swap3A_3897 : vector<1x16xf32> to vector<16xf32>
      %swap3A_3899 = vector.shape_cast %broadcast_in_dim3A_3893 : vector<16xf32> to vector<1x16xf32>
      tpu.vector_store %arg9[%swap3A_3895, %swap3A_3896], %swap3A_3899 {strides = array<i32>} : memref<50x128xf32, #tpu.memory_space<vmem>>, vector<1x16xf32>,
      %broadcast_in_dim3A_3900 = arith.constant 0.000000e+00 : f32
      %broadcast_in_dim3A_3901 = vector.broadcast %broadcast_in_dim3A_3900 : f32 to vector<16xf32>
      %swap3A_3902 = arith.constant 49 : i32
      %swap3A_3903 = arith.index_cast %swap3A_3902 : i32 to index
      %swap3A_3904 = arith.constant 32 : index
      %swap3A_3905 = tpu.vector_load %arg9[%swap3A_3903, %swap3A_3904] {strides = array<i32>} : memref<50x128xf32, #tpu.memory_space<vmem>>, vector<1x16xf32>,
      %swap3A_3906 = vector.shape_cast %swap3A_3905 : vector<1x16xf32> to vector<16xf32>
      %swap3A_3907 = vector.shape_cast %broadcast_in_dim3A_3901 : vector<16xf32> to vector<1x16xf32>
      tpu.vector_store %arg9[%swap3A_3903, %swap3A_3904], %swap3A_3907 {strides = array<i32>} : memref<50x128xf32, #tpu.memory_space<vmem>>, vector<1x16xf32>,
      %broadcast_in_dim3A_3908 = arith.constant 0.000000e+00 : f32
      %broadcast_in_dim3A_3909 = vector.broadcast %broadcast_in_dim3A_3908 : f32 to vector<16xf32>
      %swap3A_3910 = arith.constant 49 : i32
      %swap3A_3911 = arith.index_cast %swap3A_3910 : i32 to index
      %swap3A_3912 = arith.constant 48 : index
      %swap3A_3913 = tpu.vector_load %arg9[%swap3A_3911, %swap3A_3912] {strides = array<i32>} : memref<50x128xf32, #tpu.memory_space<vmem>>, vector<1x16xf32>,
      %swap3A_3914 = vector.shape_cast %swap3A_3913 : vector<1x16xf32> to vector<16xf32>
      %swap3A_3915 = vector.shape_cast %broadcast_in_dim3A_3909 : vector<16xf32> to vector<1x16xf32>
      tpu.vector_store %arg9[%swap3A_3911, %swap3A_3912], %swap3A_3915 {strides = array<i32>} : memref<50x128xf32, #tpu.memory_space<vmem>>, vector<1x16xf32>,
      %broadcast_in_dim3A_3916 = arith.constant 0.000000e+00 : f32
      %broadcast_in_dim3A_3917 = vector.broadcast %broadcast_in_dim3A_3916 : f32 to vector<16xf32>
      %swap3A_3918 = arith.constant 49 : i32
      %swap3A_3919 = arith.index_cast %swap3A_3918 : i32 to index
      %swap3A_3920 = arith.constant 64 : index
      %swap3A_3921 = tpu.vector_load %arg9[%swap3A_3919, %swap3A_3920] {strides = array<i32>} : memref<50x128xf32, #tpu.memory_space<vmem>>, vector<1x16xf32>,
      %swap3A_3922 = vector.shape_cast %swap3A_3921 : vector<1x16xf32> to vector<16xf32>
      %swap3A_3923 = vector.shape_cast %broadcast_in_dim3A_3917 : vector<16xf32> to vector<1x16xf32>
      tpu.vector_store %arg9[%swap3A_3919, %swap3A_3920], %swap3A_3923 {strides = array<i32>} : memref<50x128xf32, #tpu.memory_space<vmem>>, vector<1x16xf32>,
      %broadcast_in_dim3A_3924 = arith.constant 0.000000e+00 : f32
      %broadcast_in_dim3A_3925 = vector.broadcast %broadcast_in_dim3A_3924 : f32 to vector<16xf32>
      %swap3A_3926 = arith.constant 49 : i32
      %swap3A_3927 = arith.index_cast %swap3A_3926 : i32 to index
      %swap3A_3928 = arith.constant 80 : index
      %swap3A_3929 = tpu.vector_load %arg9[%swap3A_3927, %swap3A_3928] {strides = array<i32>} : memref<50x128xf32, #tpu.memory_space<vmem>>, vector<1x16xf32>,
      %swap3A_3930 = vector.shape_cast %swap3A_3929 : vector<1x16xf32> to vector<16xf32>
      %swap3A_3931 = vector.shape_cast %broadcast_in_dim3A_3925 : vector<16xf32> to vector<1x16xf32>
      tpu.vector_store %arg9[%swap3A_3927, %swap3A_3928], %swap3A_3931 {strides = array<i32>} : memref<50x128xf32, #tpu.memory_space<vmem>>, vector<1x16xf32>,
      %broadcast_in_dim3A_3932 = arith.constant 0.000000e+00 : f32
      %broadcast_in_dim3A_3933 = vector.broadcast %broadcast_in_dim3A_3932 : f32 to vector<16xf32>
      %swap3A_3934 = arith.constant 49 : i32
      %swap3A_3935 = arith.index_cast %swap3A_3934 : i32 to index
      %swap3A_3936 = arith.constant 96 : index
      %swap3A_3937 = tpu.vector_load %arg9[%swap3A_3935, %swap3A_3936] {strides = array<i32>} : memref<50x128xf32, #tpu.memory_space<vmem>>, vector<1x16xf32>,
      %swap3A_3938 = vector.shape_cast %swap3A_3937 : vector<1x16xf32> to vector<16xf32>
      %swap3A_3939 = vector.shape_cast %broadcast_in_dim3A_3933 : vector<16xf32> to vector<1x16xf32>
      tpu.vector_store %arg9[%swap3A_3935, %swap3A_3936], %swap3A_3939 {strides = array<i32>} : memref<50x128xf32, #tpu.memory_space<vmem>>, vector<1x16xf32>,
      %broadcast_in_dim3A_3940 = arith.constant 0.000000e+00 : f32
      %broadcast_in_dim3A_3941 = vector.broadcast %broadcast_in_dim3A_3940 : f32 to vector<16xf32>
      %swap3A_3942 = arith.constant 49 : i32
      %swap3A_3943 = arith.index_cast %swap3A_3942 : i32 to index
      %swap3A_3944 = arith.constant 112 : index
      %swap3A_3945 = tpu.vector_load %arg9[%swap3A_3943, %swap3A_3944] {strides = array<i32>} : memref<50x128xf32, #tpu.memory_space<vmem>>, vector<1x16xf32>,
      %swap3A_3946 = vector.shape_cast %swap3A_3945 : vector<1x16xf32> to vector<16xf32>
      %swap3A_3947 = vector.shape_cast %broadcast_in_dim3A_3941 : vector<16xf32> to vector<1x16xf32>
      tpu.vector_store %arg9[%swap3A_3943, %swap3A_3944], %swap3A_3947 {strides = array<i32>} : memref<50x128xf32, #tpu.memory_space<vmem>>, vector<1x16xf32>,
      "tpu.region"() ({
        %run_scoped3A = tpu.sem_alloc : memref<!tpu.dma_semaphore, #tpu.memory_space<semaphore_mem>>
        tpu.enqueue_dma source(%arg9 : memref<50x128xf32, #tpu.memory_space<vmem>>) target(%arg10 : memref<50x128xf32, #tpu.memory_space<vmem_shared>>) target_semaphore(%run_scoped3A : memref<!tpu.dma_semaphore, #tpu.memory_space<semaphore_mem>>)
        tpu.wait_dma2 semaphore(%run_scoped3A : memref<!tpu.dma_semaphore, #tpu.memory_space<semaphore_mem>>) src(%arg9 : memref<50x128xf32, #tpu.memory_space<vmem>>) dst(%arg10 : memref<50x128xf32, #tpu.memory_space<vmem_shared>>)
        tpu.yield
      }) : () -> ()
    } else {
    }
    %barrier3A = arith.constant 0 : index
    tpu.barrier barrier_id(%barrier3A)
    %add3A_64 = arith.constant 64 : i32
    %add3A_65 = arith.addi %add3A, %add3A_64 : i32
    %mul3A_66 = arith.constant 128 : i32
    %mul3A_67 = arith.muli %add3A_65, %mul3A_66 : i32
    %add3A_68 = arith.constant 61440 : i32
    %add3A_69 = arith.addi %add3A_68, %mul3A_67 : i32
    %multiple_of3A_70 = tpu.assume_multiple %add3A_69, 128 : i32
    %dma_start3A_71 = arith.constant 2 : i32
    %dma_start3A_72 = arith.constant 0 : i32
    %dma_start3A_73 = tpu.memref_slice %arg6[%dma_start3A_71, %dma_start3A_72] : memref<4x128xi32, #tpu.memory_space<vmem>> -> memref<1x128xi32, #tpu.memory_space<vmem>>
    %dma_start3A_74 = tpu.memref_squeeze %dma_start3A_73 : memref<1x128xi32, #tpu.memory_space<vmem>> -> memref<128xi32, #tpu.memory_space<vmem>>
    %dma_start3A_75 = tpu.memref_slice %arg3[%multiple_of3A_70] : memref<100000xi32, #tpu.memory_space<hbm>> -> memref<128xi32, #tpu.memory_space<hbm>>
    %dma_start3A_76 = arith.constant 0 : i32
    %dma_start3A_77 = tpu.memref_slice %arg6[%dma_start3A_71, %dma_start3A_76] : memref<4x128xi32, #tpu.memory_space<vmem>> -> memref<1x128xi32, #tpu.memory_space<vmem>>
    %dma_start3A_78 = tpu.memref_squeeze %dma_start3A_77 : memref<1x128xi32, #tpu.memory_space<vmem>> -> memref<128xi32, #tpu.memory_space<vmem>>
    %dma_start3A_79 = tpu.memref_slice %arg3[%multiple_of3A_70] : memref<100000xi32, #tpu.memory_space<hbm>> -> memref<128xi32, #tpu.memory_space<hbm>>
    tpu.enqueue_dma source(%dma_start3A_79 : memref<128xi32, #tpu.memory_space<hbm>>) target(%dma_start3A_78 : memref<128xi32, #tpu.memory_space<vmem>>) target_semaphore(%arg17 : memref<!tpu.dma_semaphore, #tpu.memory_space<semaphore_mem>>)
    %dma_start3A_80 = arith.constant 2 : i32
    %dma_start3A_81 = arith.constant 0 : i32
    %dma_start3A_82 = arith.constant 0 : i32
    %dma_start3A_83 = tpu.memref_slice %arg5[%dma_start3A_80, %dma_start3A_81, %dma_start3A_82] : memref<4x128x128xf32, #tpu.memory_space<vmem>> -> memref<1x128x128xf32, #tpu.memory_space<vmem>>
    %dma_start3A_84 = tpu.memref_squeeze %dma_start3A_83 : memref<1x128x128xf32, #tpu.memory_space<vmem>> -> memref<128x128xf32, #tpu.memory_space<vmem>>
    %dma_start3A_85 = arith.constant 0 : i32
    %dma_start3A_86 = tpu.memref_slice %arg2[%multiple_of3A_70, %dma_start3A_85] : memref<100000x128xf32, #tpu.memory_space<hbm>> -> memref<128x128xf32, #tpu.memory_space<hbm>>
    %dma_start3A_87 = arith.constant 0 : i32
    %dma_start3A_88 = arith.constant 0 : i32
    %dma_start3A_89 = tpu.memref_slice %arg5[%dma_start3A_80, %dma_start3A_87, %dma_start3A_88] : memref<4x128x128xf32, #tpu.memory_space<vmem>> -> memref<1x128x128xf32, #tpu.memory_space<vmem>>
    %dma_start3A_90 = tpu.memref_squeeze %dma_start3A_89 : memref<1x128x128xf32, #tpu.memory_space<vmem>> -> memref<128x128xf32, #tpu.memory_space<vmem>>
    %dma_start3A_91 = arith.constant 0 : i32
    %dma_start3A_92 = tpu.memref_slice %arg2[%multiple_of3A_70, %dma_start3A_91] : memref<100000x128xf32, #tpu.memory_space<hbm>> -> memref<128x128xf32, #tpu.memory_space<hbm>>
    tpu.enqueue_dma source(%dma_start3A_92 : memref<128x128xf32, #tpu.memory_space<hbm>>) target(%dma_start3A_90 : memref<128x128xf32, #tpu.memory_space<vmem>>) target_semaphore(%arg13 : memref<!tpu.dma_semaphore, #tpu.memory_space<semaphore_mem>>)
    %add3A_93 = arith.constant 0 : i32
    %add3A_94 = arith.addi %add3A, %add3A_93 : i32
    %mul3A_95 = arith.constant 128 : i32
    %mul3A_96 = arith.muli %add3A_94, %mul3A_95 : i32
    %add3A_97 = arith.constant 61440 : i32
    %add3A_98 = arith.addi %add3A_97, %mul3A_96 : i32
    %multiple_of3A_99 = tpu.assume_multiple %add3A_98, 128 : i32
    %dma_wait3A = arith.constant 0 : i32
    %dma_wait3A_100 = arith.constant 0 : i32
    %dma_wait3A_101 = tpu.memref_slice %arg6[%dma_wait3A, %dma_wait3A_100] : memref<4x128xi32, #tpu.memory_space<vmem>> -> memref<1x128xi32, #tpu.memory_space<vmem>>
    %dma_wait3A_102 = tpu.memref_squeeze %dma_wait3A_101 : memref<1x128xi32, #tpu.memory_space<vmem>> -> memref<128xi32, #tpu.memory_space<vmem>>
    %dma_wait3A_103 = tpu.memref_slice %arg3[%multiple_of3A_99] : memref<100000xi32, #tpu.memory_space<hbm>> -> memref<128xi32, #tpu.memory_space<hbm>>
    %dma_wait3A_104 = arith.constant 0 : i32
    %dma_wait3A_105 = tpu.memref_slice %arg6[%dma_wait3A, %dma_wait3A_104] : memref<4x128xi32, #tpu.memory_space<vmem>> -> memref<1x128xi32, #tpu.memory_space<vmem>>
    %dma_wait3A_106 = tpu.memref_squeeze %dma_wait3A_105 : memref<1x128xi32, #tpu.memory_space<vmem>> -> memref<128xi32, #tpu.memory_space<vmem>>
    %dma_wait3A_107 = tpu.memref_slice %arg3[%multiple_of3A_99] : memref<100000xi32, #tpu.memory_space<hbm>> -> memref<128xi32, #tpu.memory_space<hbm>>
    tpu.wait_dma2 semaphore(%arg15 : memref<!tpu.dma_semaphore, #tpu.memory_space<semaphore_mem>>) src(%dma_wait3A_107 : memref<128xi32, #tpu.memory_space<hbm>>) dst(%dma_wait3A_106 : memref<128xi32, #tpu.memory_space<vmem>>)
    %dma_wait3A_108 = arith.constant 0 : i32
    %dma_wait3A_109 = arith.constant 0 : i32
    %dma_wait3A_110 = arith.constant 0 : i32
    %dma_wait3A_111 = tpu.memref_slice %arg5[%dma_wait3A_108, %dma_wait3A_109, %dma_wait3A_110] : memref<4x128x128xf32, #tpu.memory_space<vmem>> -> memref<1x128x128xf32, #tpu.memory_space<vmem>>
    %dma_wait3A_112 = tpu.memref_squeeze %dma_wait3A_111 : memref<1x128x128xf32, #tpu.memory_space<vmem>> -> memref<128x128xf32, #tpu.memory_space<vmem>>
    %dma_wait3A_113 = arith.constant 0 : i32
    %dma_wait3A_114 = tpu.memref_slice %arg2[%multiple_of3A_99, %dma_wait3A_113] : memref<100000x128xf32, #tpu.memory_space<hbm>> -> memref<128x128xf32, #tpu.memory_space<hbm>>
    %dma_wait3A_115 = arith.constant 0 : i32
    %dma_wait3A_116 = arith.constant 0 : i32
    %dma_wait3A_117 = tpu.memref_slice %arg5[%dma_wait3A_108, %dma_wait3A_115, %dma_wait3A_116] : memref<4x128x128xf32, #tpu.memory_space<vmem>> -> memref<1x128x128xf32, #tpu.memory_space<vmem>>
    %dma_wait3A_118 = tpu.memref_squeeze %dma_wait3A_117 : memref<1x128x128xf32, #tpu.memory_space<vmem>> -> memref<128x128xf32, #tpu.memory_space<vmem>>
    %dma_wait3A_119 = arith.constant 0 : i32
    %dma_wait3A_120 = tpu.memref_slice %arg2[%multiple_of3A_99, %dma_wait3A_119] : memref<100000x128xf32, #tpu.memory_space<hbm>> -> memref<128x128xf32, #tpu.memory_space<hbm>>
    tpu.wait_dma2 semaphore(%arg11 : memref<!tpu.dma_semaphore, #tpu.memory_space<semaphore_mem>>) src(%dma_wait3A_120 : memref<128x128xf32, #tpu.memory_space<hbm>>) dst(%dma_wait3A_118 : memref<128x128xf32, #tpu.memory_space<vmem>>)
    %dma_start3A_121 = arith.constant 0 : i32
    %dma_start3A_122 = arith.constant 0 : i32
    %dma_start3A_123 = arith.constant 0 : i32
    %dma_start3A_124 = arith.constant 0 : i32
    %dma_start3A_125 = tpu.memref_slice %arg5[%dma_start3A_121, %dma_start3A_123, %dma_start3A_124] : memref<4x128x128xf32, #tpu.memory_space<vmem>> -> memref<1x128x128xf32, #tpu.memory_space<vmem>>
    %dma_start3A_126 = tpu.memref_squeeze %dma_start3A_125 : memref<1x128x128xf32, #tpu.memory_space<vmem>> -> memref<128x128xf32, #tpu.memory_space<vmem>>
    %dma_start3A_127 = arith.constant 0 : i32
    %dma_start3A_128 = tpu.memref_slice %arg6[%dma_start3A_122, %dma_start3A_127] : memref<4x128xi32, #tpu.memory_space<vmem>> -> memref<1x128xi32, #tpu.memory_space<vmem>>
    %dma_start3A_129 = tpu.memref_squeeze %dma_start3A_128 : memref<1x128xi32, #tpu.memory_space<vmem>> -> memref<128xi32, #tpu.memory_space<vmem>>
    %dma_start3A_130 = arith.constant 0 : i32
    %dma_start3A_131 = arith.constant 0 : i32
    %dma_start3A_132 = tpu.memref_slice %arg10[%dma_start3A_130, %dma_start3A_131] : memref<50x128xf32, #tpu.memory_space<vmem_shared>> -> memref<50x128xf32, #tpu.memory_space<vmem_shared>>
    tpu.enqueue_indirect_dma source(%dma_start3A_126 : memref<128x128xf32, #tpu.memory_space<vmem>>) target(%dma_start3A_132 : memref<50x128xf32, #tpu.memory_space<vmem_shared>>) offsets(%dma_start3A_129 : memref<128xi32, #tpu.memory_space<vmem>>) semaphore(%arg19 : memref<!tpu.dma_semaphore, #tpu.memory_space<semaphore_mem>>) {add = true}
    %add3A_133 = arith.constant 96 : i32
    %add3A_134 = arith.addi %add3A, %add3A_133 : i32
    %mul3A_135 = arith.constant 128 : i32
    %mul3A_136 = arith.muli %add3A_134, %mul3A_135 : i32
    %add3A_137 = arith.constant 61440 : i32
    %add3A_138 = arith.addi %add3A_137, %mul3A_136 : i32
    %multiple_of3A_139 = tpu.assume_multiple %add3A_138, 128 : i32
    %dma_start3A_140 = arith.constant 3 : i32
    %dma_start3A_141 = arith.constant 0 : i32
    %dma_start3A_142 = tpu.memref_slice %arg6[%dma_start3A_140, %dma_start3A_141] : memref<4x128xi32, #tpu.memory_space<vmem>> -> memref<1x128xi32, #tpu.memory_space<vmem>>
    %dma_start3A_143 = tpu.memref_squeeze %dma_start3A_142 : memref<1x128xi32, #tpu.memory_space<vmem>> -> memref<128xi32, #tpu.memory_space<vmem>>
    %dma_start3A_144 = tpu.memref_slice %arg3[%multiple_of3A_139] : memref<100000xi32, #tpu.memory_space<hbm>> -> memref<128xi32, #tpu.memory_space<hbm>>
    %dma_start3A_145 = arith.constant 0 : i32
    %dma_start3A_146 = tpu.memref_slice %arg6[%dma_start3A_140, %dma_start3A_145] : memref<4x128xi32, #tpu.memory_space<vmem>> -> memref<1x128xi32, #tpu.memory_space<vmem>>
    %dma_start3A_147 = tpu.memref_squeeze %dma_start3A_146 : memref<1x128xi32, #tpu.memory_space<vmem>> -> memref<128xi32, #tpu.memory_space<vmem>>
    %dma_start3A_148 = tpu.memref_slice %arg3[%multiple_of3A_139] : memref<100000xi32, #tpu.memory_space<hbm>> -> memref<128xi32, #tpu.memory_space<hbm>>
    tpu.enqueue_dma source(%dma_start3A_148 : memref<128xi32, #tpu.memory_space<hbm>>) target(%dma_start3A_147 : memref<128xi32, #tpu.memory_space<vmem>>) target_semaphore(%arg18 : memref<!tpu.dma_semaphore, #tpu.memory_space<semaphore_mem>>)
    %dma_start3A_149 = arith.constant 3 : i32
    %dma_start3A_150 = arith.constant 0 : i32
    %dma_start3A_151 = arith.constant 0 : i32
    %dma_start3A_152 = tpu.memref_slice %arg5[%dma_start3A_149, %dma_start3A_150, %dma_start3A_151] : memref<4x128x128xf32, #tpu.memory_space<vmem>> -> memref<1x128x128xf32, #tpu.memory_space<vmem>>
    %dma_start3A_153 = tpu.memref_squeeze %dma_start3A_152 : memref<1x128x128xf32, #tpu.memory_space<vmem>> -> memref<128x128xf32, #tpu.memory_space<vmem>>
    %dma_start3A_154 = arith.constant 0 : i32
    %dma_start3A_155 = tpu.memref_slice %arg2[%multiple_of3A_139, %dma_start3A_154] : memref<100000x128xf32, #tpu.memory_space<hbm>> -> memref<128x128xf32, #tpu.memory_space<hbm>>
    %dma_start3A_156 = arith.constant 0 : i32
    %dma_start3A_157 = arith.constant 0 : i32
    %dma_start3A_158 = tpu.memref_slice %arg5[%dma_start3A_149, %dma_start3A_156, %dma_start3A_157] : memref<4x128x128xf32, #tpu.memory_space<vmem>> -> memref<1x128x128xf32, #tpu.memory_space<vmem>>
    %dma_start3A_159 = tpu.memref_squeeze %dma_start3A_158 : memref<1x128x128xf32, #tpu.memory_space<vmem>> -> memref<128x128xf32, #tpu.memory_space<vmem>>
    %dma_start3A_160 = arith.constant 0 : i32
    %dma_start3A_161 = tpu.memref_slice %arg2[%multiple_of3A_139, %dma_start3A_160] : memref<100000x128xf32, #tpu.memory_space<hbm>> -> memref<128x128xf32, #tpu.memory_space<hbm>>
    tpu.enqueue_dma source(%dma_start3A_161 : memref<128x128xf32, #tpu.memory_space<hbm>>) target(%dma_start3A_159 : memref<128x128xf32, #tpu.memory_space<vmem>>) target_semaphore(%arg14 : memref<!tpu.dma_semaphore, #tpu.memory_space<semaphore_mem>>)
    %add3A_162 = arith.constant 32 : i32
    %add3A_163 = arith.addi %add3A, %add3A_162 : i32
    %mul3A_164 = arith.constant 128 : i32
    %mul3A_165 = arith.muli %add3A_163, %mul3A_164 : i32
    %add3A_166 = arith.constant 61440 : i32
    %add3A_167 = arith.addi %add3A_166, %mul3A_165 : i32
    %multiple_of3A_168 = tpu.assume_multiple %add3A_167, 128 : i32
    %dma_wait3A_169 = arith.constant 1 : i32
    %dma_wait3A_170 = arith.constant 0 : i32
    %dma_wait3A_171 = tpu.memref_slice %arg6[%dma_wait3A_169, %dma_wait3A_170] : memref<4x128xi32, #tpu.memory_space<vmem>> -> memref<1x128xi32, #tpu.memory_space<vmem>>
    %dma_wait3A_172 = tpu.memref_squeeze %dma_wait3A_171 : memref<1x128xi32, #tpu.memory_space<vmem>> -> memref<128xi32, #tpu.memory_space<vmem>>
    %dma_wait3A_173 = tpu.memref_slice %arg3[%multiple_of3A_168] : memref<100000xi32, #tpu.memory_space<hbm>> -> memref<128xi32, #tpu.memory_space<hbm>>
    %dma_wait3A_174 = arith.constant 0 : i32
    %dma_wait3A_175 = tpu.memref_slice %arg6[%dma_wait3A_169, %dma_wait3A_174] : memref<4x128xi32, #tpu.memory_space<vmem>> -> memref<1x128xi32, #tpu.memory_space<vmem>>
    %dma_wait3A_176 = tpu.memref_squeeze %dma_wait3A_175 : memref<1x128xi32, #tpu.memory_space<vmem>> -> memref<128xi32, #tpu.memory_space<vmem>>
    %dma_wait3A_177 = tpu.memref_slice %arg3[%multiple_of3A_168] : memref<100000xi32, #tpu.memory_space<hbm>> -> memref<128xi32, #tpu.memory_space<hbm>>
    tpu.wait_dma2 semaphore(%arg16 : memref<!tpu.dma_semaphore, #tpu.memory_space<semaphore_mem>>) src(%dma_wait3A_177 : memref<128xi32, #tpu.memory_space<hbm>>) dst(%dma_wait3A_176 : memref<128xi32, #tpu.memory_space<vmem>>)
    %dma_wait3A_178 = arith.constant 1 : i32
    %dma_wait3A_179 = arith.constant 0 : i32
    %dma_wait3A_180 = arith.constant 0 : i32
    %dma_wait3A_181 = tpu.memref_slice %arg5[%dma_wait3A_178, %dma_wait3A_179, %dma_wait3A_180] : memref<4x128x128xf32, #tpu.memory_space<vmem>> -> memref<1x128x128xf32, #tpu.memory_space<vmem>>
    %dma_wait3A_182 = tpu.memref_squeeze %dma_wait3A_181 : memref<1x128x128xf32, #tpu.memory_space<vmem>> -> memref<128x128xf32, #tpu.memory_space<vmem>>
    %dma_wait3A_183 = arith.constant 0 : i32
    %dma_wait3A_184 = tpu.memref_slice %arg2[%multiple_of3A_168, %dma_wait3A_183] : memref<100000x128xf32, #tpu.memory_space<hbm>> -> memref<128x128xf32, #tpu.memory_space<hbm>>
    %dma_wait3A_185 = arith.constant 0 : i32
    %dma_wait3A_186 = arith.constant 0 : i32
    %dma_wait3A_187 = tpu.memref_slice %arg5[%dma_wait3A_178, %dma_wait3A_185, %dma_wait3A_186] : memref<4x128x128xf32, #tpu.memory_space<vmem>> -> memref<1x128x128xf32, #tpu.memory_space<vmem>>
    %dma_wait3A_188 = tpu.memref_squeeze %dma_wait3A_187 : memref<1x128x128xf32, #tpu.memory_space<vmem>> -> memref<128x128xf32, #tpu.memory_space<vmem>>
    %dma_wait3A_189 = arith.constant 0 : i32
    %dma_wait3A_190 = tpu.memref_slice %arg2[%multiple_of3A_168, %dma_wait3A_189] : memref<100000x128xf32, #tpu.memory_space<hbm>> -> memref<128x128xf32, #tpu.memory_space<hbm>>
    tpu.wait_dma2 semaphore(%arg12 : memref<!tpu.dma_semaphore, #tpu.memory_space<semaphore_mem>>) src(%dma_wait3A_190 : memref<128x128xf32, #tpu.memory_space<hbm>>) dst(%dma_wait3A_188 : memref<128x128xf32, #tpu.memory_space<vmem>>)
    %dma_start3A_191 = arith.constant 1 : i32
    %dma_start3A_192 = arith.constant 1 : i32
    %dma_start3A_193 = arith.constant 0 : i32
    %dma_start3A_194 = arith.constant 0 : i32
    %dma_start3A_195 = tpu.memref_slice %arg5[%dma_start3A_191, %dma_start3A_193, %dma_start3A_194] : memref<4x128x128xf32, #tpu.memory_space<vmem>> -> memref<1x128x128xf32, #tpu.memory_space<vmem>>
    %dma_start3A_196 = tpu.memref_squeeze %dma_start3A_195 : memref<1x128x128xf32, #tpu.memory_space<vmem>> -> memref<128x128xf32, #tpu.memory_space<vmem>>
    %dma_start3A_197 = arith.constant 0 : i32
    %dma_start3A_198 = tpu.memref_slice %arg6[%dma_start3A_192, %dma_start3A_197] : memref<4x128xi32, #tpu.memory_space<vmem>> -> memref<1x128xi32, #tpu.memory_space<vmem>>
    %dma_start3A_199 = tpu.memref_squeeze %dma_start3A_198 : memref<1x128xi32, #tpu.memory_space<vmem>> -> memref<128xi32, #tpu.memory_space<vmem>>
    %dma_start3A_200 = arith.constant 0 : i32
    %dma_start3A_201 = arith.constant 0 : i32
    %dma_start3A_202 = tpu.memref_slice %arg10[%dma_start3A_200, %dma_start3A_201] : memref<50x128xf32, #tpu.memory_space<vmem_shared>> -> memref<50x128xf32, #tpu.memory_space<vmem_shared>>
    tpu.enqueue_indirect_dma source(%dma_start3A_196 : memref<128x128xf32, #tpu.memory_space<vmem>>) target(%dma_start3A_202 : memref<50x128xf32, #tpu.memory_space<vmem_shared>>) offsets(%dma_start3A_199 : memref<128xi32, #tpu.memory_space<vmem>>) semaphore(%arg20 : memref<!tpu.dma_semaphore, #tpu.memory_space<semaphore_mem>>) {add = true}
    %dma_wait3A_203 = arith.constant 0 : i32
    %dma_wait3A_204 = arith.constant 0 : i32
    %dma_wait3A_205 = arith.constant 0 : i32
    %dma_wait3A_206 = arith.constant 0 : i32
    %dma_wait3A_207 = tpu.memref_slice %arg5[%dma_wait3A_203, %dma_wait3A_205, %dma_wait3A_206] : memref<4x128x128xf32, #tpu.memory_space<vmem>> -> memref<1x128x128xf32, #tpu.memory_space<vmem>>
    %dma_wait3A_208 = tpu.memref_squeeze %dma_wait3A_207 : memref<1x128x128xf32, #tpu.memory_space<vmem>> -> memref<128x128xf32, #tpu.memory_space<vmem>>
    %dma_wait3A_209 = arith.constant 0 : i32
    %dma_wait3A_210 = tpu.memref_slice %arg6[%dma_wait3A_204, %dma_wait3A_209] : memref<4x128xi32, #tpu.memory_space<vmem>> -> memref<1x128xi32, #tpu.memory_space<vmem>>
    %dma_wait3A_211 = tpu.memref_squeeze %dma_wait3A_210 : memref<1x128xi32, #tpu.memory_space<vmem>> -> memref<128xi32, #tpu.memory_space<vmem>>
    %dma_wait3A_212 = arith.constant 0 : i32
    %dma_wait3A_213 = arith.constant 0 : i32
    %dma_wait3A_214 = tpu.memref_slice %arg10[%dma_wait3A_212, %dma_wait3A_213] : memref<50x128xf32, #tpu.memory_space<vmem_shared>> -> memref<50x128xf32, #tpu.memory_space<vmem_shared>>
    tpu.wait_indirect_dma semaphore(%arg19 : memref<!tpu.dma_semaphore, #tpu.memory_space<semaphore_mem>>) src(%dma_wait3A_208 : memref<128x128xf32, #tpu.memory_space<vmem>>) dst(%dma_wait3A_214 : memref<50x128xf32, #tpu.memory_space<vmem_shared>>)
    %add3A_215 = arith.constant 128 : i32
    %add3A_216 = arith.addi %add3A, %add3A_215 : i32
    %mul3A_217 = arith.constant 128 : i32
    %mul3A_218 = arith.muli %add3A_216, %mul3A_217 : i32
    %add3A_219 = arith.constant 61440 : i32
    %add3A_220 = arith.addi %add3A_219, %mul3A_218 : i32
    %multiple_of3A_221 = tpu.assume_multiple %add3A_220, 128 : i32
    %dma_start3A_222 = arith.constant 0 : i32
    %dma_start3A_223 = arith.constant 0 : i32
    %dma_start3A_224 = tpu.memref_slice %arg6[%dma_start3A_222, %dma_start3A_223] : memref<4x128xi32, #tpu.memory_space<vmem>> -> memref<1x128xi32, #tpu.memory_space<vmem>>
    %dma_start3A_225 = tpu.memref_squeeze %dma_start3A_224 : memref<1x128xi32, #tpu.memory_space<vmem>> -> memref<128xi32, #tpu.memory_space<vmem>>
    %dma_start3A_226 = tpu.memref_slice %arg3[%multiple_of3A_221] : memref<100000xi32, #tpu.memory_space<hbm>> -> memref<128xi32, #tpu.memory_space<hbm>>
    %dma_start3A_227 = arith.constant 0 : i32
    %dma_start3A_228 = tpu.memref_slice %arg6[%dma_start3A_222, %dma_start3A_227] : memref<4x128xi32, #tpu.memory_space<vmem>> -> memref<1x128xi32, #tpu.memory_space<vmem>>
    %dma_start3A_229 = tpu.memref_squeeze %dma_start3A_228 : memref<1x128xi32, #tpu.memory_space<vmem>> -> memref<128xi32, #tpu.memory_space<vmem>>
    %dma_start3A_230 = tpu.memref_slice %arg3[%multiple_of3A_221] : memref<100000xi32, #tpu.memory_space<hbm>> -> memref<128xi32, #tpu.memory_space<hbm>>
    tpu.enqueue_dma source(%dma_start3A_230 : memref<128xi32, #tpu.memory_space<hbm>>) target(%dma_start3A_229 : memref<128xi32, #tpu.memory_space<vmem>>) target_semaphore(%arg15 : memref<!tpu.dma_semaphore, #tpu.memory_space<semaphore_mem>>)
    %dma_start3A_231 = arith.constant 0 : i32
    %dma_start3A_232 = arith.constant 0 : i32
    %dma_start3A_233 = arith.constant 0 : i32
    %dma_start3A_234 = tpu.memref_slice %arg5[%dma_start3A_231, %dma_start3A_232, %dma_start3A_233] : memref<4x128x128xf32, #tpu.memory_space<vmem>> -> memref<1x128x128xf32, #tpu.memory_space<vmem>>
    %dma_start3A_235 = tpu.memref_squeeze %dma_start3A_234 : memref<1x128x128xf32, #tpu.memory_space<vmem>> -> memref<128x128xf32, #tpu.memory_space<vmem>>
    %dma_start3A_236 = arith.constant 0 : i32
    %dma_start3A_237 = tpu.memref_slice %arg2[%multiple_of3A_221, %dma_start3A_236] : memref<100000x128xf32, #tpu.memory_space<hbm>> -> memref<128x128xf32, #tpu.memory_space<hbm>>
    %dma_start3A_238 = arith.constant 0 : i32
    %dma_start3A_239 = arith.constant 0 : i32
    %dma_start3A_240 = tpu.memref_slice %arg5[%dma_start3A_231, %dma_start3A_238, %dma_start3A_239] : memref<4x128x128xf32, #tpu.memory_space<vmem>> -> memref<1x128x128xf32, #tpu.memory_space<vmem>>
    %dma_start3A_241 = tpu.memref_squeeze %dma_start3A_240 : memref<1x128x128xf32, #tpu.memory_space<vmem>> -> memref<128x128xf32, #tpu.memory_space<vmem>>
    %dma_start3A_242 = arith.constant 0 : i32
    %dma_start3A_243 = tpu.memref_slice %arg2[%multiple_of3A_221, %dma_start3A_242] : memref<100000x128xf32, #tpu.memory_space<hbm>> -> memref<128x128xf32, #tpu.memory_space<hbm>>
    tpu.enqueue_dma source(%dma_start3A_243 : memref<128x128xf32, #tpu.memory_space<hbm>>) target(%dma_start3A_241 : memref<128x128xf32, #tpu.memory_space<vmem>>) target_semaphore(%arg11 : memref<!tpu.dma_semaphore, #tpu.memory_space<semaphore_mem>>)
    %add3A_244 = arith.constant 64 : i32
    %add3A_245 = arith.addi %add3A, %add3A_244 : i32
    %mul3A_246 = arith.constant 128 : i32
    %mul3A_247 = arith.muli %add3A_245, %mul3A_246 : i32
    %add3A_248 = arith.constant 61440 : i32
    %add3A_249 = arith.addi %add3A_248, %mul3A_247 : i32
    %multiple_of3A_250 = tpu.assume_multiple %add3A_249, 128 : i32
    %dma_wait3A_251 = arith.constant 2 : i32
    %dma_wait3A_252 = arith.constant 0 : i32
    %dma_wait3A_253 = tpu.memref_slice %arg6[%dma_wait3A_251, %dma_wait3A_252] : memref<4x128xi32, #tpu.memory_space<vmem>> -> memref<1x128xi32, #tpu.memory_space<vmem>>
    %dma_wait3A_254 = tpu.memref_squeeze %dma_wait3A_253 : memref<1x128xi32, #tpu.memory_space<vmem>> -> memref<128xi32, #tpu.memory_space<vmem>>
    %dma_wait3A_255 = tpu.memref_slice %arg3[%multiple_of3A_250] : memref<100000xi32, #tpu.memory_space<hbm>> -> memref<128xi32, #tpu.memory_space<hbm>>
    %dma_wait3A_256 = arith.constant 0 : i32
    %dma_wait3A_257 = tpu.memref_slice %arg6[%dma_wait3A_251, %dma_wait3A_256] : memref<4x128xi32, #tpu.memory_space<vmem>> -> memref<1x128xi32, #tpu.memory_space<vmem>>
    %dma_wait3A_258 = tpu.memref_squeeze %dma_wait3A_257 : memref<1x128xi32, #tpu.memory_space<vmem>> -> memref<128xi32, #tpu.memory_space<vmem>>
    %dma_wait3A_259 = tpu.memref_slice %arg3[%multiple_of3A_250] : memref<100000xi32, #tpu.memory_space<hbm>> -> memref<128xi32, #tpu.memory_space<hbm>>
    tpu.wait_dma2 semaphore(%arg17 : memref<!tpu.dma_semaphore, #tpu.memory_space<semaphore_mem>>) src(%dma_wait3A_259 : memref<128xi32, #tpu.memory_space<hbm>>) dst(%dma_wait3A_258 : memref<128xi32, #tpu.memory_space<vmem>>)
    %dma_wait3A_260 = arith.constant 2 : i32
    %dma_wait3A_261 = arith.constant 0 : i32
    %dma_wait3A_262 = arith.constant 0 : i32
    %dma_wait3A_263 = tpu.memref_slice %arg5[%dma_wait3A_260, %dma_wait3A_261, %dma_wait3A_262] : memref<4x128x128xf32, #tpu.memory_space<vmem>> -> memref<1x128x128xf32, #tpu.memory_space<vmem>>
    %dma_wait3A_264 = tpu.memref_squeeze %dma_wait3A_263 : memref<1x128x128xf32, #tpu.memory_space<vmem>> -> memref<128x128xf32, #tpu.memory_space<vmem>>
    %dma_wait3A_265 = arith.constant 0 : i32
    %dma_wait3A_266 = tpu.memref_slice %arg2[%multiple_of3A_250, %dma_wait3A_265] : memref<100000x128xf32, #tpu.memory_space<hbm>> -> memref<128x128xf32, #tpu.memory_space<hbm>>
    %dma_wait3A_267 = arith.constant 0 : i32
    %dma_wait3A_268 = arith.constant 0 : i32
    %dma_wait3A_269 = tpu.memref_slice %arg5[%dma_wait3A_260, %dma_wait3A_267, %dma_wait3A_268] : memref<4x128x128xf32, #tpu.memory_space<vmem>> -> memref<1x128x128xf32, #tpu.memory_space<vmem>>
    %dma_wait3A_270 = tpu.memref_squeeze %dma_wait3A_269 : memref<1x128x128xf32, #tpu.memory_space<vmem>> -> memref<128x128xf32, #tpu.memory_space<vmem>>
    %dma_wait3A_271 = arith.constant 0 : i32
    %dma_wait3A_272 = tpu.memref_slice %arg2[%multiple_of3A_250, %dma_wait3A_271] : memref<100000x128xf32, #tpu.memory_space<hbm>> -> memref<128x128xf32, #tpu.memory_space<hbm>>
    tpu.wait_dma2 semaphore(%arg13 : memref<!tpu.dma_semaphore, #tpu.memory_space<semaphore_mem>>) src(%dma_wait3A_272 : memref<128x128xf32, #tpu.memory_space<hbm>>) dst(%dma_wait3A_270 : memref<128x128xf32, #tpu.memory_space<vmem>>)
    %dma_start3A_273 = arith.constant 2 : i32
    %dma_start3A_274 = arith.constant 2 : i32
    %dma_start3A_275 = arith.constant 0 : i32
    %dma_start3A_276 = arith.constant 0 : i32
    %dma_start3A_277 = tpu.memref_slice %arg5[%dma_start3A_273, %dma_start3A_275, %dma_start3A_276] : memref<4x128x128xf32, #tpu.memory_space<vmem>> -> memref<1x128x128xf32, #tpu.memory_space<vmem>>
    %dma_start3A_278 = tpu.memref_squeeze %dma_start3A_277 : memref<1x128x128xf32, #tpu.memory_space<vmem>> -> memref<128x128xf32, #tpu.memory_space<vmem>>
    %dma_start3A_279 = arith.constant 0 : i32
    %dma_start3A_280 = tpu.memref_slice %arg6[%dma_start3A_274, %dma_start3A_279] : memref<4x128xi32, #tpu.memory_space<vmem>> -> memref<1x128xi32, #tpu.memory_space<vmem>>
    %dma_start3A_281 = tpu.memref_squeeze %dma_start3A_280 : memref<1x128xi32, #tpu.memory_space<vmem>> -> memref<128xi32, #tpu.memory_space<vmem>>
    %dma_start3A_282 = arith.constant 0 : i32
    %dma_start3A_283 = arith.constant 0 : i32
    %dma_start3A_284 = tpu.memref_slice %arg10[%dma_start3A_282, %dma_start3A_283] : memref<50x128xf32, #tpu.memory_space<vmem_shared>> -> memref<50x128xf32, #tpu.memory_space<vmem_shared>>
    tpu.enqueue_indirect_dma source(%dma_start3A_278 : memref<128x128xf32, #tpu.memory_space<vmem>>) target(%dma_start3A_284 : memref<50x128xf32, #tpu.memory_space<vmem_shared>>) offsets(%dma_start3A_281 : memref<128xi32, #tpu.memory_space<vmem>>) semaphore(%arg21 : memref<!tpu.dma_semaphore, #tpu.memory_space<semaphore_mem>>) {add = true}
    %dma_wait3A_285 = arith.constant 1 : i32
    %dma_wait3A_286 = arith.constant 1 : i32
    %dma_wait3A_287 = arith.constant 0 : i32
    %dma_wait3A_288 = arith.constant 0 : i32
    %dma_wait3A_289 = tpu.memref_slice %arg5[%dma_wait3A_285, %dma_wait3A_287, %dma_wait3A_288] : memref<4x128x128xf32, #tpu.memory_space<vmem>> -> memref<1x128x128xf32, #tpu.memory_space<vmem>>
    %dma_wait3A_290 = tpu.memref_squeeze %dma_wait3A_289 : memref<1x128x128xf32, #tpu.memory_space<vmem>> -> memref<128x128xf32, #tpu.memory_space<vmem>>
    %dma_wait3A_291 = arith.constant 0 : i32
    %dma_wait3A_292 = tpu.memref_slice %arg6[%dma_wait3A_286, %dma_wait3A_291] : memref<4x128xi32, #tpu.memory_space<vmem>> -> memref<1x128xi32, #tpu.memory_space<vmem>>
    %dma_wait3A_293 = tpu.memref_squeeze %dma_wait3A_292 : memref<1x128xi32, #tpu.memory_space<vmem>> -> memref<128xi32, #tpu.memory_space<vmem>>
    %dma_wait3A_294 = arith.constant 0 : i32
    %dma_wait3A_295 = arith.constant 0 : i32
    %dma_wait3A_296 = tpu.memref_slice %arg10[%dma_wait3A_294, %dma_wait3A_295] : memref<50x128xf32, #tpu.memory_space<vmem_shared>> -> memref<50x128xf32, #tpu.memory_space<vmem_shared>>
    tpu.wait_indirect_dma semaphore(%arg20 : memref<!tpu.dma_semaphore, #tpu.memory_space<semaphore_mem>>) src(%dma_wait3A_290 : memref<128x128xf32, #tpu.memory_space<vmem>>) dst(%dma_wait3A_296 : memref<50x128xf32, #tpu.memory_space<vmem_shared>>)
    %add3A_297 = arith.constant 160 : i32
    %add3A_298 = arith.addi %add3A, %add3A_297 : i32
    %mul3A_299 = arith.constant 128 : i32
    %mul3A_300 = arith.muli %add3A_298, %mul3A_299 : i32
    %add3A_301 = arith.constant 61440 : i32
    %add3A_302 = arith.addi %add3A_301, %mul3A_300 : i32
    %multiple_of3A_303 = tpu.assume_multiple %add3A_302, 128 : i32
    %dma_start3A_304 = arith.constant 1 : i32
    %dma_start3A_305 = arith.constant 0 : i32
    %dma_start3A_306 = tpu.memref_slice %arg6[%dma_start3A_304, %dma_start3A_305] : memref<4x128xi32, #tpu.memory_space<vmem>> -> memref<1x128xi32, #tpu.memory_space<vmem>>
    %dma_start3A_307 = tpu.memref_squeeze %dma_start3A_306 : memref<1x128xi32, #tpu.memory_space<vmem>> -> memref<128xi32, #tpu.memory_space<vmem>>
    %dma_start3A_308 = tpu.memref_slice %arg3[%multiple_of3A_303] : memref<100000xi32, #tpu.memory_space<hbm>> -> memref<128xi32, #tpu.memory_space<hbm>>
    %dma_start3A_309 = arith.constant 0 : i32
    %dma_start3A_310 = tpu.memref_slice %arg6[%dma_start3A_304, %dma_start3A_309] : memref<4x128xi32, #tpu.memory_space<vmem>> -> memref<1x128xi32, #tpu.memory_space<vmem>>
    %dma_start3A_311 = tpu.memref_squeeze %dma_start3A_310 : memref<1x128xi32, #tpu.memory_space<vmem>> -> memref<128xi32, #tpu.memory_space<vmem>>
    %dma_start3A_312 = tpu.memref_slice %arg3[%multiple_of3A_303] : memref<100000xi32, #tpu.memory_space<hbm>> -> memref<128xi32, #tpu.memory_space<hbm>>
    tpu.enqueue_dma source(%dma_start3A_312 : memref<128xi32, #tpu.memory_space<hbm>>) target(%dma_start3A_311 : memref<128xi32, #tpu.memory_space<vmem>>) target_semaphore(%arg16 : memref<!tpu.dma_semaphore, #tpu.memory_space<semaphore_mem>>)
    %dma_start3A_313 = arith.constant 1 : i32
    %dma_start3A_314 = arith.constant 0 : i32
    %dma_start3A_315 = arith.constant 0 : i32
    %dma_start3A_316 = tpu.memref_slice %arg5[%dma_start3A_313, %dma_start3A_314, %dma_start3A_315] : memref<4x128x128xf32, #tpu.memory_space<vmem>> -> memref<1x128x128xf32, #tpu.memory_space<vmem>>
    %dma_start3A_317 = tpu.memref_squeeze %dma_start3A_316 : memref<1x128x128xf32, #tpu.memory_space<vmem>> -> memref<128x128xf32, #tpu.memory_space<vmem>>
    %dma_start3A_318 = arith.constant 0 : i32
    %dma_start3A_319 = tpu.memref_slice %arg2[%multiple_of3A_303, %dma_start3A_318] : memref<100000x128xf32, #tpu.memory_space<hbm>> -> memref<128x128xf32, #tpu.memory_space<hbm>>
    %dma_start3A_320 = arith.constant 0 : i32
    %dma_start3A_321 = arith.constant 0 : i32
    %dma_start3A_322 = tpu.memref_slice %arg5[%dma_start3A_313, %dma_start3A_320, %dma_start3A_321] : memref<4x128x128xf32, #tpu.memory_space<vmem>> -> memref<1x128x128xf32, #tpu.memory_space<vmem>>
    %dma_start3A_323 = tpu.memref_squeeze %dma_start3A_322 : memref<1x128x128xf32, #tpu.memory_space<vmem>> -> memref<128x128xf32, #tpu.memory_space<vmem>>
    %dma_start3A_324 = arith.constant 0 : i32
    %dma_start3A_325 = tpu.memref_slice %arg2[%multiple_of3A_303, %dma_start3A_324] : memref<100000x128xf32, #tpu.memory_space<hbm>> -> memref<128x128xf32, #tpu.memory_space<hbm>>
    tpu.enqueue_dma source(%dma_start3A_325 : memref<128x128xf32, #tpu.memory_space<hbm>>) target(%dma_start3A_323 : memref<128x128xf32, #tpu.memory_space<vmem>>) target_semaphore(%arg12 : memref<!tpu.dma_semaphore, #tpu.memory_space<semaphore_mem>>)
    %add3A_326 = arith.constant 96 : i32
    %add3A_327 = arith.addi %add3A, %add3A_326 : i32
    %mul3A_328 = arith.constant 128 : i32
    %mul3A_329 = arith.muli %add3A_327, %mul3A_328 : i32
    %add3A_330 = arith.constant 61440 : i32
    %add3A_331 = arith.addi %add3A_330, %mul3A_329 : i32
    %multiple_of3A_332 = tpu.assume_multiple %add3A_331, 128 : i32
    %dma_wait3A_333 = arith.constant 3 : i32
    %dma_wait3A_334 = arith.constant 0 : i32
    %dma_wait3A_335 = tpu.memref_slice %arg6[%dma_wait3A_333, %dma_wait3A_334] : memref<4x128xi32, #tpu.memory_space<vmem>> -> memref<1x128xi32, #tpu.memory_space<vmem>>
    %dma_wait3A_336 = tpu.memref_squeeze %dma_wait3A_335 : memref<1x128xi32, #tpu.memory_space<vmem>> -> memref<128xi32, #tpu.memory_space<vmem>>
    %dma_wait3A_337 = tpu.memref_slice %arg3[%multiple_of3A_332] : memref<100000xi32, #tpu.memory_space<hbm>> -> memref<128xi32, #tpu.memory_space<hbm>>
    %dma_wait3A_338 = arith.constant 0 : i32
    %dma_wait3A_339 = tpu.memref_slice %arg6[%dma_wait3A_333, %dma_wait3A_338] : memref<4x128xi32, #tpu.memory_space<vmem>> -> memref<1x128xi32, #tpu.memory_space<vmem>>
    %dma_wait3A_340 = tpu.memref_squeeze %dma_wait3A_339 : memref<1x128xi32, #tpu.memory_space<vmem>> -> memref<128xi32, #tpu.memory_space<vmem>>
    %dma_wait3A_341 = tpu.memref_slice %arg3[%multiple_of3A_332] : memref<100000xi32, #tpu.memory_space<hbm>> -> memref<128xi32, #tpu.memory_space<hbm>>
    tpu.wait_dma2 semaphore(%arg18 : memref<!tpu.dma_semaphore, #tpu.memory_space<semaphore_mem>>) src(%dma_wait3A_341 : memref<128xi32, #tpu.memory_space<hbm>>) dst(%dma_wait3A_340 : memref<128xi32, #tpu.memory_space<vmem>>)
    %dma_wait3A_342 = arith.constant 3 : i32
    %dma_wait3A_343 = arith.constant 0 : i32
    %dma_wait3A_344 = arith.constant 0 : i32
    %dma_wait3A_345 = tpu.memref_slice %arg5[%dma_wait3A_342, %dma_wait3A_343, %dma_wait3A_344] : memref<4x128x128xf32, #tpu.memory_space<vmem>> -> memref<1x128x128xf32, #tpu.memory_space<vmem>>
    %dma_wait3A_346 = tpu.memref_squeeze %dma_wait3A_345 : memref<1x128x128xf32, #tpu.memory_space<vmem>> -> memref<128x128xf32, #tpu.memory_space<vmem>>
    %dma_wait3A_347 = arith.constant 0 : i32
    %dma_wait3A_348 = tpu.memref_slice %arg2[%multiple_of3A_332, %dma_wait3A_347] : memref<100000x128xf32, #tpu.memory_space<hbm>> -> memref<128x128xf32, #tpu.memory_space<hbm>>
    %dma_wait3A_349 = arith.constant 0 : i32
    %dma_wait3A_350 = arith.constant 0 : i32
    %dma_wait3A_351 = tpu.memref_slice %arg5[%dma_wait3A_342, %dma_wait3A_349, %dma_wait3A_350] : memref<4x128x128xf32, #tpu.memory_space<vmem>> -> memref<1x128x128xf32, #tpu.memory_space<vmem>>
    %dma_wait3A_352 = tpu.memref_squeeze %dma_wait3A_351 : memref<1x128x128xf32, #tpu.memory_space<vmem>> -> memref<128x128xf32, #tpu.memory_space<vmem>>
    %dma_wait3A_353 = arith.constant 0 : i32
    %dma_wait3A_354 = tpu.memref_slice %arg2[%multiple_of3A_332, %dma_wait3A_353] : memref<100000x128xf32, #tpu.memory_space<hbm>> -> memref<128x128xf32, #tpu.memory_space<hbm>>
    tpu.wait_dma2 semaphore(%arg14 : memref<!tpu.dma_semaphore, #tpu.memory_space<semaphore_mem>>) src(%dma_wait3A_354 : memref<128x128xf32, #tpu.memory_space<hbm>>) dst(%dma_wait3A_352 : memref<128x128xf32, #tpu.memory_space<vmem>>)
    %dma_start3A_355 = arith.constant 3 : i32
    %dma_start3A_356 = arith.constant 3 : i32
    %dma_start3A_357 = arith.constant 0 : i32
    %dma_start3A_358 = arith.constant 0 : i32
    %dma_start3A_359 = tpu.memref_slice %arg5[%dma_start3A_355, %dma_start3A_357, %dma_start3A_358] : memref<4x128x128xf32, #tpu.memory_space<vmem>> -> memref<1x128x128xf32, #tpu.memory_space<vmem>>
    %dma_start3A_360 = tpu.memref_squeeze %dma_start3A_359 : memref<1x128x128xf32, #tpu.memory_space<vmem>> -> memref<128x128xf32, #tpu.memory_space<vmem>>
    %dma_start3A_361 = arith.constant 0 : i32
    %dma_start3A_362 = tpu.memref_slice %arg6[%dma_start3A_356, %dma_start3A_361] : memref<4x128xi32, #tpu.memory_space<vmem>> -> memref<1x128xi32, #tpu.memory_space<vmem>>
    %dma_start3A_363 = tpu.memref_squeeze %dma_start3A_362 : memref<1x128xi32, #tpu.memory_space<vmem>> -> memref<128xi32, #tpu.memory_space<vmem>>
    %dma_start3A_364 = arith.constant 0 : i32
    %dma_start3A_365 = arith.constant 0 : i32
    %dma_start3A_366 = tpu.memref_slice %arg10[%dma_start3A_364, %dma_start3A_365] : memref<50x128xf32, #tpu.memory_space<vmem_shared>> -> memref<50x128xf32, #tpu.memory_space<vmem_shared>>
    tpu.enqueue_indirect_dma source(%dma_start3A_360 : memref<128x128xf32, #tpu.memory_space<vmem>>) target(%dma_start3A_366 : memref<50x128xf32, #tpu.memory_space<vmem_shared>>) offsets(%dma_start3A_363 : memref<128xi32, #tpu.memory_space<vmem>>) semaphore(%arg22 : memref<!tpu.dma_semaphore, #tpu.memory_space<semaphore_mem>>) {add = true}
    %dma_wait3A_367 = arith.constant 2 : i32
    %dma_wait3A_368 = arith.constant 2 : i32
    %dma_wait3A_369 = arith.constant 0 : i32
    %dma_wait3A_370 = arith.constant 0 : i32
    %dma_wait3A_371 = tpu.memref_slice %arg5[%dma_wait3A_367, %dma_wait3A_369, %dma_wait3A_370] : memref<4x128x128xf32, #tpu.memory_space<vmem>> -> memref<1x128x128xf32, #tpu.memory_space<vmem>>
    %dma_wait3A_372 = tpu.memref_squeeze %dma_wait3A_371 : memref<1x128x128xf32, #tpu.memory_space<vmem>> -> memref<128x128xf32, #tpu.memory_space<vmem>>
    %dma_wait3A_373 = arith.constant 0 : i32
    %dma_wait3A_374 = tpu.memref_slice %arg6[%dma_wait3A_368, %dma_wait3A_373] : memref<4x128xi32, #tpu.memory_space<vmem>> -> memref<1x128xi32, #tpu.memory_space<vmem>>
    %dma_wait3A_375 = tpu.memref_squeeze %dma_wait3A_374 : memref<1x128xi32, #tpu.memory_space<vmem>> -> memref<128xi32, #tpu.memory_space<vmem>>
    %dma_wait3A_376 = arith.constant 0 : i32
    %dma_wait3A_377 = arith.constant 0 : i32
    %dma_wait3A_378 = tpu.memref_slice %arg10[%dma_wait3A_376, %dma_wait3A_377] : memref<50x128xf32, #tpu.memory_space<vmem_shared>> -> memref<50x128xf32, #tpu.memory_space<vmem_shared>>
    tpu.wait_indirect_dma semaphore(%arg21 : memref<!tpu.dma_semaphore, #tpu.memory_space<semaphore_mem>>) src(%dma_wait3A_372 : memref<128x128xf32, #tpu.memory_space<vmem>>) dst(%dma_wait3A_378 : memref<50x128xf32, #tpu.memory_space<vmem_shared>>)
    %add3A_379 = arith.constant 192 : i32
    %add3A_380 = arith.addi %add3A, %add3A_379 : i32
    %mul3A_381 = arith.constant 128 : i32
    %mul3A_382 = arith.muli %add3A_380, %mul3A_381 : i32
    %add3A_383 = arith.constant 61440 : i32
    %add3A_384 = arith.addi %add3A_383, %mul3A_382 : i32
    %multiple_of3A_385 = tpu.assume_multiple %add3A_384, 128 : i32
    %dma_start3A_386 = arith.constant 2 : i32
    %dma_start3A_387 = arith.constant 0 : i32
    %dma_start3A_388 = tpu.memref_slice %arg6[%dma_start3A_386, %dma_start3A_387] : memref<4x128xi32, #tpu.memory_space<vmem>> -> memref<1x128xi32, #tpu.memory_space<vmem>>
    %dma_start3A_389 = tpu.memref_squeeze %dma_start3A_388 : memref<1x128xi32, #tpu.memory_space<vmem>> -> memref<128xi32, #tpu.memory_space<vmem>>
    %dma_start3A_390 = tpu.memref_slice %arg3[%multiple_of3A_385] : memref<100000xi32, #tpu.memory_space<hbm>> -> memref<128xi32, #tpu.memory_space<hbm>>
    %dma_start3A_391 = arith.constant 0 : i32
    %dma_start3A_392 = tpu.memref_slice %arg6[%dma_start3A_386, %dma_start3A_391] : memref<4x128xi32, #tpu.memory_space<vmem>> -> memref<1x128xi32, #tpu.memory_space<vmem>>
    %dma_start3A_393 = tpu.memref_squeeze %dma_start3A_392 : memref<1x128xi32, #tpu.memory_space<vmem>> -> memref<128xi32, #tpu.memory_space<vmem>>
    %dma_start3A_394 = tpu.memref_slice %arg3[%multiple_of3A_385] : memref<100000xi32, #tpu.memory_space<hbm>> -> memref<128xi32, #tpu.memory_space<hbm>>
    tpu.enqueue_dma source(%dma_start3A_394 : memref<128xi32, #tpu.memory_space<hbm>>) target(%dma_start3A_393 : memref<128xi32, #tpu.memory_space<vmem>>) target_semaphore(%arg17 : memref<!tpu.dma_semaphore, #tpu.memory_space<semaphore_mem>>)
    %dma_start3A_395 = arith.constant 2 : i32
    %dma_start3A_396 = arith.constant 0 : i32
    %dma_start3A_397 = arith.constant 0 : i32
    %dma_start3A_398 = tpu.memref_slice %arg5[%dma_start3A_395, %dma_start3A_396, %dma_start3A_397] : memref<4x128x128xf32, #tpu.memory_space<vmem>> -> memref<1x128x128xf32, #tpu.memory_space<vmem>>
    %dma_start3A_399 = tpu.memref_squeeze %dma_start3A_398 : memref<1x128x128xf32, #tpu.memory_space<vmem>> -> memref<128x128xf32, #tpu.memory_space<vmem>>
    %dma_start3A_400 = arith.constant 0 : i32
    %dma_start3A_401 = tpu.memref_slice %arg2[%multiple_of3A_385, %dma_start3A_400] : memref<100000x128xf32, #tpu.memory_space<hbm>> -> memref<128x128xf32, #tpu.memory_space<hbm>>
    %dma_start3A_402 = arith.constant 0 : i32
    %dma_start3A_403 = arith.constant 0 : i32
    %dma_start3A_404 = tpu.memref_slice %arg5[%dma_start3A_395, %dma_start3A_402, %dma_start3A_403] : memref<4x128x128xf32, #tpu.memory_space<vmem>> -> memref<1x128x128xf32, #tpu.memory_space<vmem>>
    %dma_start3A_405 = tpu.memref_squeeze %dma_start3A_404 : memref<1x128x128xf32, #tpu.memory_space<vmem>> -> memref<128x128xf32, #tpu.memory_space<vmem>>
    %dma_start3A_406 = arith.constant 0 : i32
    %dma_start3A_407 = tpu.memref_slice %arg2[%multiple_of3A_385, %dma_start3A_406] : memref<100000x128xf32, #tpu.memory_space<hbm>> -> memref<128x128xf32, #tpu.memory_space<hbm>>
    tpu.enqueue_dma source(%dma_start3A_407 : memref<128x128xf32, #tpu.memory_space<hbm>>) target(%dma_start3A_405 : memref<128x128xf32, #tpu.memory_space<vmem>>) target_semaphore(%arg13 : memref<!tpu.dma_semaphore, #tpu.memory_space<semaphore_mem>>)
    %add3A_408 = arith.constant 128 : i32
    %add3A_409 = arith.addi %add3A, %add3A_408 : i32
    %mul3A_410 = arith.constant 128 : i32
    %mul3A_411 = arith.muli %add3A_409, %mul3A_410 : i32
    %add3A_412 = arith.constant 61440 : i32
    %add3A_413 = arith.addi %add3A_412, %mul3A_411 : i32
    %multiple_of3A_414 = tpu.assume_multiple %add3A_413, 128 : i32
    %dma_wait3A_415 = arith.constant 0 : i32
    %dma_wait3A_416 = arith.constant 0 : i32
    %dma_wait3A_417 = tpu.memref_slice %arg6[%dma_wait3A_415, %dma_wait3A_416] : memref<4x128xi32, #tpu.memory_space<vmem>> -> memref<1x128xi32, #tpu.memory_space<vmem>>
    %dma_wait3A_418 = tpu.memref_squeeze %dma_wait3A_417 : memref<1x128xi32, #tpu.memory_space<vmem>> -> memref<128xi32, #tpu.memory_space<vmem>>
    %dma_wait3A_419 = tpu.memref_slice %arg3[%multiple_of3A_414] : memref<100000xi32, #tpu.memory_space<hbm>> -> memref<128xi32, #tpu.memory_space<hbm>>
    %dma_wait3A_420 = arith.constant 0 : i32
    %dma_wait3A_421 = tpu.memref_slice %arg6[%dma_wait3A_415, %dma_wait3A_420] : memref<4x128xi32, #tpu.memory_space<vmem>> -> memref<1x128xi32, #tpu.memory_space<vmem>>
    %dma_wait3A_422 = tpu.memref_squeeze %dma_wait3A_421 : memref<1x128xi32, #tpu.memory_space<vmem>> -> memref<128xi32, #tpu.memory_space<vmem>>
    %dma_wait3A_423 = tpu.memref_slice %arg3[%multiple_of3A_414] : memref<100000xi32, #tpu.memory_space<hbm>> -> memref<128xi32, #tpu.memory_space<hbm>>
    tpu.wait_dma2 semaphore(%arg15 : memref<!tpu.dma_semaphore, #tpu.memory_space<semaphore_mem>>) src(%dma_wait3A_423 : memref<128xi32, #tpu.memory_space<hbm>>) dst(%dma_wait3A_422 : memref<128xi32, #tpu.memory_space<vmem>>)
    %dma_wait3A_424 = arith.constant 0 : i32
    %dma_wait3A_425 = arith.constant 0 : i32
    %dma_wait3A_426 = arith.constant 0 : i32
    %dma_wait3A_427 = tpu.memref_slice %arg5[%dma_wait3A_424, %dma_wait3A_425, %dma_wait3A_426] : memref<4x128x128xf32, #tpu.memory_space<vmem>> -> memref<1x128x128xf32, #tpu.memory_space<vmem>>
    %dma_wait3A_428 = tpu.memref_squeeze %dma_wait3A_427 : memref<1x128x128xf32, #tpu.memory_space<vmem>> -> memref<128x128xf32, #tpu.memory_space<vmem>>
    %dma_wait3A_429 = arith.constant 0 : i32
    %dma_wait3A_430 = tpu.memref_slice %arg2[%multiple_of3A_414, %dma_wait3A_429] : memref<100000x128xf32, #tpu.memory_space<hbm>> -> memref<128x128xf32, #tpu.memory_space<hbm>>
    %dma_wait3A_431 = arith.constant 0 : i32
    %dma_wait3A_432 = arith.constant 0 : i32
    %dma_wait3A_433 = tpu.memref_slice %arg5[%dma_wait3A_424, %dma_wait3A_431, %dma_wait3A_432] : memref<4x128x128xf32, #tpu.memory_space<vmem>> -> memref<1x128x128xf32, #tpu.memory_space<vmem>>
    %dma_wait3A_434 = tpu.memref_squeeze %dma_wait3A_433 : memref<1x128x128xf32, #tpu.memory_space<vmem>> -> memref<128x128xf32, #tpu.memory_space<vmem>>
    %dma_wait3A_435 = arith.constant 0 : i32
    %dma_wait3A_436 = tpu.memref_slice %arg2[%multiple_of3A_414, %dma_wait3A_435] : memref<100000x128xf32, #tpu.memory_space<hbm>> -> memref<128x128xf32, #tpu.memory_space<hbm>>
    tpu.wait_dma2 semaphore(%arg11 : memref<!tpu.dma_semaphore, #tpu.memory_space<semaphore_mem>>) src(%dma_wait3A_436 : memref<128x128xf32, #tpu.memory_space<hbm>>) dst(%dma_wait3A_434 : memref<128x128xf32, #tpu.memory_space<vmem>>)
    %dma_start3A_437 = arith.constant 0 : i32
    %dma_start3A_438 = arith.constant 0 : i32
    %dma_start3A_439 = arith.constant 0 : i32
    %dma_start3A_440 = arith.constant 0 : i32
    %dma_start3A_441 = tpu.memref_slice %arg5[%dma_start3A_437, %dma_start3A_439, %dma_start3A_440] : memref<4x128x128xf32, #tpu.memory_space<vmem>> -> memref<1x128x128xf32, #tpu.memory_space<vmem>>
    %dma_start3A_442 = tpu.memref_squeeze %dma_start3A_441 : memref<1x128x128xf32, #tpu.memory_space<vmem>> -> memref<128x128xf32, #tpu.memory_space<vmem>>
    %dma_start3A_443 = arith.constant 0 : i32
    %dma_start3A_444 = tpu.memref_slice %arg6[%dma_start3A_438, %dma_start3A_443] : memref<4x128xi32, #tpu.memory_space<vmem>> -> memref<1x128xi32, #tpu.memory_space<vmem>>
    %dma_start3A_445 = tpu.memref_squeeze %dma_start3A_444 : memref<1x128xi32, #tpu.memory_space<vmem>> -> memref<128xi32, #tpu.memory_space<vmem>>
    %dma_start3A_446 = arith.constant 0 : i32
    %dma_start3A_447 = arith.constant 0 : i32
    %dma_start3A_448 = tpu.memref_slice %arg10[%dma_start3A_446, %dma_start3A_447] : memref<50x128xf32, #tpu.memory_space<vmem_shared>> -> memref<50x128xf32, #tpu.memory_space<vmem_shared>>
    tpu.enqueue_indirect_dma source(%dma_start3A_442 : memref<128x128xf32, #tpu.memory_space<vmem>>) target(%dma_start3A_448 : memref<50x128xf32, #tpu.memory_space<vmem_shared>>) offsets(%dma_start3A_445 : memref<128xi32, #tpu.memory_space<vmem>>) semaphore(%arg19 : memref<!tpu.dma_semaphore, #tpu.memory_space<semaphore_mem>>) {add = true}
    %dma_wait3A_449 = arith.constant 3 : i32
    %dma_wait3A_450 = arith.constant 3 : i32
    %dma_wait3A_451 = arith.constant 0 : i32
    %dma_wait3A_452 = arith.constant 0 : i32
    %dma_wait3A_453 = tpu.memref_slice %arg5[%dma_wait3A_449, %dma_wait3A_451, %dma_wait3A_452] : memref<4x128x128xf32, #tpu.memory_space<vmem>> -> memref<1x128x128xf32, #tpu.memory_space<vmem>>
    %dma_wait3A_454 = tpu.memref_squeeze %dma_wait3A_453 : memref<1x128x128xf32, #tpu.memory_space<vmem>> -> memref<128x128xf32, #tpu.memory_space<vmem>>
    %dma_wait3A_455 = arith.constant 0 : i32
    %dma_wait3A_456 = tpu.memref_slice %arg6[%dma_wait3A_450, %dma_wait3A_455] : memref<4x128xi32, #tpu.memory_space<vmem>> -> memref<1x128xi32, #tpu.memory_space<vmem>>
    %dma_wait3A_457 = tpu.memref_squeeze %dma_wait3A_456 : memref<1x128xi32, #tpu.memory_space<vmem>> -> memref<128xi32, #tpu.memory_space<vmem>>
    %dma_wait3A_458 = arith.constant 0 : i32
    %dma_wait3A_459 = arith.constant 0 : i32
    %dma_wait3A_460 = tpu.memref_slice %arg10[%dma_wait3A_458, %dma_wait3A_459] : memref<50x128xf32, #tpu.memory_space<vmem_shared>> -> memref<50x128xf32, #tpu.memory_space<vmem_shared>>
    tpu.wait_indirect_dma semaphore(%arg22 : memref<!tpu.dma_semaphore, #tpu.memory_space<semaphore_mem>>) src(%dma_wait3A_454 : memref<128x128xf32, #tpu.memory_space<vmem>>) dst(%dma_wait3A_460 : memref<50x128xf32, #tpu.memory_space<vmem_shared>>)
    %add3A_461 = arith.constant 224 : i32
    %add3A_462 = arith.addi %add3A, %add3A_461 : i32
    %mul3A_463 = arith.constant 128 : i32
    %mul3A_464 = arith.muli %add3A_462, %mul3A_463 : i32
    %add3A_465 = arith.constant 61440 : i32
    %add3A_466 = arith.addi %add3A_465, %mul3A_464 : i32
    %multiple_of3A_467 = tpu.assume_multiple %add3A_466, 128 : i32
    %dma_start3A_468 = arith.constant 3 : i32
    %dma_start3A_469 = arith.constant 0 : i32
    %dma_start3A_470 = tpu.memref_slice %arg6[%dma_start3A_468, %dma_start3A_469] : memref<4x128xi32, #tpu.memory_space<vmem>> -> memref<1x128xi32, #tpu.memory_space<vmem>>
    %dma_start3A_471 = tpu.memref_squeeze %dma_start3A_470 : memref<1x128xi32, #tpu.memory_space<vmem>> -> memref<128xi32, #tpu.memory_space<vmem>>
    %dma_start3A_472 = tpu.memref_slice %arg3[%multiple_of3A_467] : memref<100000xi32, #tpu.memory_space<hbm>> -> memref<128xi32, #tpu.memory_space<hbm>>
    %dma_start3A_473 = arith.constant 0 : i32
    %dma_start3A_474 = tpu.memref_slice %arg6[%dma_start3A_468, %dma_start3A_473] : memref<4x128xi32, #tpu.memory_space<vmem>> -> memref<1x128xi32, #tpu.memory_space<vmem>>
    %dma_start3A_475 = tpu.memref_squeeze %dma_start3A_474 : memref<1x128xi32, #tpu.memory_space<vmem>> -> memref<128xi32, #tpu.memory_space<vmem>>
    %dma_start3A_476 = tpu.memref_slice %arg3[%multiple_of3A_467] : memref<100000xi32, #tpu.memory_space<hbm>> -> memref<128xi32, #tpu.memory_space<hbm>>
    tpu.enqueue_dma source(%dma_start3A_476 : memref<128xi32, #tpu.memory_space<hbm>>) target(%dma_start3A_475 : memref<128xi32, #tpu.memory_space<vmem>>) target_semaphore(%arg18 : memref<!tpu.dma_semaphore, #tpu.memory_space<semaphore_mem>>)
    %dma_start3A_477 = arith.constant 3 : i32
    %dma_start3A_478 = arith.constant 0 : i32
    %dma_start3A_479 = arith.constant 0 : i32
    %dma_start3A_480 = tpu.memref_slice %arg5[%dma_start3A_477, %dma_start3A_478, %dma_start3A_479] : memref<4x128x128xf32, #tpu.memory_space<vmem>> -> memref<1x128x128xf32, #tpu.memory_space<vmem>>
    %dma_start3A_481 = tpu.memref_squeeze %dma_start3A_480 : memref<1x128x128xf32, #tpu.memory_space<vmem>> -> memref<128x128xf32, #tpu.memory_space<vmem>>
    %dma_start3A_482 = arith.constant 0 : i32
    %dma_start3A_483 = tpu.memref_slice %arg2[%multiple_of3A_467, %dma_start3A_482] : memref<100000x128xf32, #tpu.memory_space<hbm>> -> memref<128x128xf32, #tpu.memory_space<hbm>>
    %dma_start3A_484 = arith.constant 0 : i32
    %dma_start3A_485 = arith.constant 0 : i32
    %dma_start3A_486 = tpu.memref_slice %arg5[%dma_start3A_477, %dma_start3A_484, %dma_start3A_485] : memref<4x128x128xf32, #tpu.memory_space<vmem>> -> memref<1x128x128xf32, #tpu.memory_space<vmem>>
    %dma_start3A_487 = tpu.memref_squeeze %dma_start3A_486 : memref<1x128x128xf32, #tpu.memory_space<vmem>> -> memref<128x128xf32, #tpu.memory_space<vmem>>
    %dma_start3A_488 = arith.constant 0 : i32
    %dma_start3A_489 = tpu.memref_slice %arg2[%multiple_of3A_467, %dma_start3A_488] : memref<100000x128xf32, #tpu.memory_space<hbm>> -> memref<128x128xf32, #tpu.memory_space<hbm>>
    tpu.enqueue_dma source(%dma_start3A_489 : memref<128x128xf32, #tpu.memory_space<hbm>>) target(%dma_start3A_487 : memref<128x128xf32, #tpu.memory_space<vmem>>) target_semaphore(%arg14 : memref<!tpu.dma_semaphore, #tpu.memory_space<semaphore_mem>>)
    %add3A_490 = arith.constant 160 : i32
    %add3A_491 = arith.addi %add3A, %add3A_490 : i32
    %mul3A_492 = arith.constant 128 : i32
    %mul3A_493 = arith.muli %add3A_491, %mul3A_492 : i32
    %add3A_494 = arith.constant 61440 : i32
    %add3A_495 = arith.addi %add3A_494, %mul3A_493 : i32
    %multiple_of3A_496 = tpu.assume_multiple %add3A_495, 128 : i32
    %dma_wait3A_497 = arith.constant 1 : i32
    %dma_wait3A_498 = arith.constant 0 : i32
    %dma_wait3A_499 = tpu.memref_slice %arg6[%dma_wait3A_497, %dma_wait3A_498] : memref<4x128xi32, #tpu.memory_space<vmem>> -> memref<1x128xi32, #tpu.memory_space<vmem>>
    %dma_wait3A_500 = tpu.memref_squeeze %dma_wait3A_499 : memref<1x128xi32, #tpu.memory_space<vmem>> -> memref<128xi32, #tpu.memory_space<vmem>>
    %dma_wait3A_501 = tpu.memref_slice %arg3[%multiple_of3A_496] : memref<100000xi32, #tpu.memory_space<hbm>> -> memref<128xi32, #tpu.memory_space<hbm>>
    %dma_wait3A_502 = arith.constant 0 : i32
    %dma_wait3A_503 = tpu.memref_slice %arg6[%dma_wait3A_497, %dma_wait3A_502] : memref<4x128xi32, #tpu.memory_space<vmem>> -> memref<1x128xi32, #tpu.memory_space<vmem>>
    %dma_wait3A_504 = tpu.memref_squeeze %dma_wait3A_503 : memref<1x128xi32, #tpu.memory_space<vmem>> -> memref<128xi32, #tpu.memory_space<vmem>>
    %dma_wait3A_505 = tpu.memref_slice %arg3[%multiple_of3A_496] : memref<100000xi32, #tpu.memory_space<hbm>> -> memref<128xi32, #tpu.memory_space<hbm>>
    tpu.wait_dma2 semaphore(%arg16 : memref<!tpu.dma_semaphore, #tpu.memory_space<semaphore_mem>>) src(%dma_wait3A_505 : memref<128xi32, #tpu.memory_space<hbm>>) dst(%dma_wait3A_504 : memref<128xi32, #tpu.memory_space<vmem>>)
    %dma_wait3A_506 = arith.constant 1 : i32
    %dma_wait3A_507 = arith.constant 0 : i32
    %dma_wait3A_508 = arith.constant 0 : i32
    %dma_wait3A_509 = tpu.memref_slice %arg5[%dma_wait3A_506, %dma_wait3A_507, %dma_wait3A_508] : memref<4x128x128xf32, #tpu.memory_space<vmem>> -> memref<1x128x128xf32, #tpu.memory_space<vmem>>
    %dma_wait3A_510 = tpu.memref_squeeze %dma_wait3A_509 : memref<1x128x128xf32, #tpu.memory_space<vmem>> -> memref<128x128xf32, #tpu.memory_space<vmem>>
    %dma_wait3A_511 = arith.constant 0 : i32
    %dma_wait3A_512 = tpu.memref_slice %arg2[%multiple_of3A_496, %dma_wait3A_511] : memref<100000x128xf32, #tpu.memory_space<hbm>> -> memref<128x128xf32, #tpu.memory_space<hbm>>
    %dma_wait3A_513 = arith.constant 0 : i32
    %dma_wait3A_514 = arith.constant 0 : i32
    %dma_wait3A_515 = tpu.memref_slice %arg5[%dma_wait3A_506, %dma_wait3A_513, %dma_wait3A_514] : memref<4x128x128xf32, #tpu.memory_space<vmem>> -> memref<1x128x128xf32, #tpu.memory_space<vmem>>
    %dma_wait3A_516 = tpu.memref_squeeze %dma_wait3A_515 : memref<1x128x128xf32, #tpu.memory_space<vmem>> -> memref<128x128xf32, #tpu.memory_space<vmem>>
    %dma_wait3A_517 = arith.constant 0 : i32
    %dma_wait3A_518 = tpu.memref_slice %arg2[%multiple_of3A_496, %dma_wait3A_517] : memref<100000x128xf32, #tpu.memory_space<hbm>> -> memref<128x128xf32, #tpu.memory_space<hbm>>
    tpu.wait_dma2 semaphore(%arg12 : memref<!tpu.dma_semaphore, #tpu.memory_space<semaphore_mem>>) src(%dma_wait3A_518 : memref<128x128xf32, #tpu.memory_space<hbm>>) dst(%dma_wait3A_516 : memref<128x128xf32, #tpu.memory_space<vmem>>)
    %dma_start3A_519 = arith.constant 1 : i32
    %dma_start3A_520 = arith.constant 1 : i32
    %dma_start3A_521 = arith.constant 0 : i32
    %dma_start3A_522 = arith.constant 0 : i32
    %dma_start3A_523 = tpu.memref_slice %arg5[%dma_start3A_519, %dma_start3A_521, %dma_start3A_522] : memref<4x128x128xf32, #tpu.memory_space<vmem>> -> memref<1x128x128xf32, #tpu.memory_space<vmem>>
    %dma_start3A_524 = tpu.memref_squeeze %dma_start3A_523 : memref<1x128x128xf32, #tpu.memory_space<vmem>> -> memref<128x128xf32, #tpu.memory_space<vmem>>
    %dma_start3A_525 = arith.constant 0 : i32
    %dma_start3A_526 = tpu.memref_slice %arg6[%dma_start3A_520, %dma_start3A_525] : memref<4x128xi32, #tpu.memory_space<vmem>> -> memref<1x128xi32, #tpu.memory_space<vmem>>
    %dma_start3A_527 = tpu.memref_squeeze %dma_start3A_526 : memref<1x128xi32, #tpu.memory_space<vmem>> -> memref<128xi32, #tpu.memory_space<vmem>>
    %dma_start3A_528 = arith.constant 0 : i32
    %dma_start3A_529 = arith.constant 0 : i32
    %dma_start3A_530 = tpu.memref_slice %arg10[%dma_start3A_528, %dma_start3A_529] : memref<50x128xf32, #tpu.memory_space<vmem_shared>> -> memref<50x128xf32, #tpu.memory_space<vmem_shared>>
    tpu.enqueue_indirect_dma source(%dma_start3A_524 : memref<128x128xf32, #tpu.memory_space<vmem>>) target(%dma_start3A_530 : memref<50x128xf32, #tpu.memory_space<vmem_shared>>) offsets(%dma_start3A_527 : memref<128xi32, #tpu.memory_space<vmem>>) semaphore(%arg20 : memref<!tpu.dma_semaphore, #tpu.memory_space<semaphore_mem>>) {add = true}
    %dma_wait3A_531 = arith.constant 0 : i32
    %dma_wait3A_532 = arith.constant 0 : i32
    %dma_wait3A_533 = arith.constant 0 : i32
    %dma_wait3A_534 = arith.constant 0 : i32
    %dma_wait3A_535 = tpu.memref_slice %arg5[%dma_wait3A_531, %dma_wait3A_533, %dma_wait3A_534] : memref<4x128x128xf32, #tpu.memory_space<vmem>> -> memref<1x128x128xf32, #tpu.memory_space<vmem>>
    %dma_wait3A_536 = tpu.memref_squeeze %dma_wait3A_535 : memref<1x128x128xf32, #tpu.memory_space<vmem>> -> memref<128x128xf32, #tpu.memory_space<vmem>>
    %dma_wait3A_537 = arith.constant 0 : i32
    %dma_wait3A_538 = tpu.memref_slice %arg6[%dma_wait3A_532, %dma_wait3A_537] : memref<4x128xi32, #tpu.memory_space<vmem>> -> memref<1x128xi32, #tpu.memory_space<vmem>>
    %dma_wait3A_539 = tpu.memref_squeeze %dma_wait3A_538 : memref<1x128xi32, #tpu.memory_space<vmem>> -> memref<128xi32, #tpu.memory_space<vmem>>
    %dma_wait3A_540 = arith.constant 0 : i32
    %dma_wait3A_541 = arith.constant 0 : i32
    %dma_wait3A_542 = tpu.memref_slice %arg10[%dma_wait3A_540, %dma_wait3A_541] : memref<50x128xf32, #tpu.memory_space<vmem_shared>> -> memref<50x128xf32, #tpu.memory_space<vmem_shared>>
    tpu.wait_indirect_dma semaphore(%arg19 : memref<!tpu.dma_semaphore, #tpu.memory_space<semaphore_mem>>) src(%dma_wait3A_536 : memref<128x128xf32, #tpu.memory_space<vmem>>) dst(%dma_wait3A_542 : memref<50x128xf32, #tpu.memory_space<vmem_shared>>)
    %add3A_543 = arith.constant 256 : i32
    %add3A_544 = arith.addi %add3A, %add3A_543 : i32
    %mul3A_545 = arith.constant 128 : i32
    %mul3A_546 = arith.muli %add3A_544, %mul3A_545 : i32
    %add3A_547 = arith.constant 61440 : i32
    %add3A_548 = arith.addi %add3A_547, %mul3A_546 : i32
    %multiple_of3A_549 = tpu.assume_multiple %add3A_548, 128 : i32
    %dma_start3A_550 = arith.constant 0 : i32
    %dma_start3A_551 = arith.constant 0 : i32
    %dma_start3A_552 = tpu.memref_slice %arg6[%dma_start3A_550, %dma_start3A_551] : memref<4x128xi32, #tpu.memory_space<vmem>> -> memref<1x128xi32, #tpu.memory_space<vmem>>
    %dma_start3A_553 = tpu.memref_squeeze %dma_start3A_552 : memref<1x128xi32, #tpu.memory_space<vmem>> -> memref<128xi32, #tpu.memory_space<vmem>>
    %dma_start3A_554 = tpu.memref_slice %arg3[%multiple_of3A_549] : memref<100000xi32, #tpu.memory_space<hbm>> -> memref<128xi32, #tpu.memory_space<hbm>>
    %dma_start3A_555 = arith.constant 0 : i32
    %dma_start3A_556 = tpu.memref_slice %arg6[%dma_start3A_550, %dma_start3A_555] : memref<4x128xi32, #tpu.memory_space<vmem>> -> memref<1x128xi32, #tpu.memory_space<vmem>>
    %dma_start3A_557 = tpu.memref_squeeze %dma_start3A_556 : memref<1x128xi32, #tpu.memory_space<vmem>> -> memref<128xi32, #tpu.memory_space<vmem>>
    %dma_start3A_558 = tpu.memref_slice %arg3[%multiple_of3A_549] : memref<100000xi32, #tpu.memory_space<hbm>> -> memref<128xi32, #tpu.memory_space<hbm>>
    tpu.enqueue_dma source(%dma_start3A_558 : memref<128xi32, #tpu.memory_space<hbm>>) target(%dma_start3A_557 : memref<128xi32, #tpu.memory_space<vmem>>) target_semaphore(%arg15 : memref<!tpu.dma_semaphore, #tpu.memory_space<semaphore_mem>>)
    %dma_start3A_559 = arith.constant 0 : i32
    %dma_start3A_560 = arith.constant 0 : i32
    %dma_start3A_561 = arith.constant 0 : i32
    %dma_start3A_562 = tpu.memref_slice %arg5[%dma_start3A_559, %dma_start3A_560, %dma_start3A_561] : memref<4x128x128xf32, #tpu.memory_space<vmem>> -> memref<1x128x128xf32, #tpu.memory_space<vmem>>
    %dma_start3A_563 = tpu.memref_squeeze %dma_start3A_562 : memref<1x128x128xf32, #tpu.memory_space<vmem>> -> memref<128x128xf32, #tpu.memory_space<vmem>>
    %dma_start3A_564 = arith.constant 0 : i32
    %dma_start3A_565 = tpu.memref_slice %arg2[%multiple_of3A_549, %dma_start3A_564] : memref<100000x128xf32, #tpu.memory_space<hbm>> -> memref<128x128xf32, #tpu.memory_space<hbm>>
    %dma_start3A_566 = arith.constant 0 : i32
    %dma_start3A_567 = arith.constant 0 : i32
    %dma_start3A_568 = tpu.memref_slice %arg5[%dma_start3A_559, %dma_start3A_566, %dma_start3A_567] : memref<4x128x128xf32, #tpu.memory_space<vmem>> -> memref<1x128x128xf32, #tpu.memory_space<vmem>>
    %dma_start3A_569 = tpu.memref_squeeze %dma_start3A_568 : memref<1x128x128xf32, #tpu.memory_space<vmem>> -> memref<128x128xf32, #tpu.memory_space<vmem>>
    %dma_start3A_570 = arith.constant 0 : i32
    %dma_start3A_571 = tpu.memref_slice %arg2[%multiple_of3A_549, %dma_start3A_570] : memref<100000x128xf32, #tpu.memory_space<hbm>> -> memref<128x128xf32, #tpu.memory_space<hbm>>
    tpu.enqueue_dma source(%dma_start3A_571 : memref<128x128xf32, #tpu.memory_space<hbm>>) target(%dma_start3A_569 : memref<128x128xf32, #tpu.memory_space<vmem>>) target_semaphore(%arg11 : memref<!tpu.dma_semaphore, #tpu.memory_space<semaphore_mem>>)
    %add3A_572 = arith.constant 192 : i32
    %add3A_573 = arith.addi %add3A, %add3A_572 : i32
    %mul3A_574 = arith.constant 128 : i32
    %mul3A_575 = arith.muli %add3A_573, %mul3A_574 : i32
    %add3A_576 = arith.constant 61440 : i32
    %add3A_577 = arith.addi %add3A_576, %mul3A_575 : i32
    %multiple_of3A_578 = tpu.assume_multiple %add3A_577, 128 : i32
    %dma_wait3A_579 = arith.constant 2 : i32
    %dma_wait3A_580 = arith.constant 0 : i32
    %dma_wait3A_581 = tpu.memref_slice %arg6[%dma_wait3A_579, %dma_wait3A_580] : memref<4x128xi32, #tpu.memory_space<vmem>> -> memref<1x128xi32, #tpu.memory_space<vmem>>
    %dma_wait3A_582 = tpu.memref_squeeze %dma_wait3A_581 : memref<1x128xi32, #tpu.memory_space<vmem>> -> memref<128xi32, #tpu.memory_space<vmem>>
    %dma_wait3A_583 = tpu.memref_slice %arg3[%multiple_of3A_578] : memref<100000xi32, #tpu.memory_space<hbm>> -> memref<128xi32, #tpu.memory_space<hbm>>
    %dma_wait3A_584 = arith.constant 0 : i32
    %dma_wait3A_585 = tpu.memref_slice %arg6[%dma_wait3A_579, %dma_wait3A_584] : memref<4x128xi32, #tpu.memory_space<vmem>> -> memref<1x128xi32, #tpu.memory_space<vmem>>
    %dma_wait3A_586 = tpu.memref_squeeze %dma_wait3A_585 : memref<1x128xi32, #tpu.memory_space<vmem>> -> memref<128xi32, #tpu.memory_space<vmem>>
    %dma_wait3A_587 = tpu.memref_slice %arg3[%multiple_of3A_578] : memref<100000xi32, #tpu.memory_space<hbm>> -> memref<128xi32, #tpu.memory_space<hbm>>
    tpu.wait_dma2 semaphore(%arg17 : memref<!tpu.dma_semaphore, #tpu.memory_space<semaphore_mem>>) src(%dma_wait3A_587 : memref<128xi32, #tpu.memory_space<hbm>>) dst(%dma_wait3A_586 : memref<128xi32, #tpu.memory_space<vmem>>)
    %dma_wait3A_588 = arith.constant 2 : i32
    %dma_wait3A_589 = arith.constant 0 : i32
    %dma_wait3A_590 = arith.constant 0 : i32
    %dma_wait3A_591 = tpu.memref_slice %arg5[%dma_wait3A_588, %dma_wait3A_589, %dma_wait3A_590] : memref<4x128x128xf32, #tpu.memory_space<vmem>> -> memref<1x128x128xf32, #tpu.memory_space<vmem>>
    %dma_wait3A_592 = tpu.memref_squeeze %dma_wait3A_591 : memref<1x128x128xf32, #tpu.memory_space<vmem>> -> memref<128x128xf32, #tpu.memory_space<vmem>>
    %dma_wait3A_593 = arith.constant 0 : i32
    %dma_wait3A_594 = tpu.memref_slice %arg2[%multiple_of3A_578, %dma_wait3A_593] : memref<100000x128xf32, #tpu.memory_space<hbm>> -> memref<128x128xf32, #tpu.memory_space<hbm>>
    %dma_wait3A_595 = arith.constant 0 : i32
    %dma_wait3A_596 = arith.constant 0 : i32
    %dma_wait3A_597 = tpu.memref_slice %arg5[%dma_wait3A_588, %dma_wait3A_595, %dma_wait3A_596] : memref<4x128x128xf32, #tpu.memory_space<vmem>> -> memref<1x128x128xf32, #tpu.memory_space<vmem>>
    %dma_wait3A_598 = tpu.memref_squeeze %dma_wait3A_597 : memref<1x128x128xf32, #tpu.memory_space<vmem>> -> memref<128x128xf32, #tpu.memory_space<vmem>>
    %dma_wait3A_599 = arith.constant 0 : i32
    %dma_wait3A_600 = tpu.memref_slice %arg2[%multiple_of3A_578, %dma_wait3A_599] : memref<100000x128xf32, #tpu.memory_space<hbm>> -> memref<128x128xf32, #tpu.memory_space<hbm>>
    tpu.wait_dma2 semaphore(%arg13 : memref<!tpu.dma_semaphore, #tpu.memory_space<semaphore_mem>>) src(%dma_wait3A_600 : memref<128x128xf32, #tpu.memory_space<hbm>>) dst(%dma_wait3A_598 : memref<128x128xf32, #tpu.memory_space<vmem>>)
    %dma_start3A_601 = arith.constant 2 : i32
    %dma_start3A_602 = arith.constant 2 : i32
    %dma_start3A_603 = arith.constant 0 : i32
    %dma_start3A_604 = arith.constant 0 : i32
    %dma_start3A_605 = tpu.memref_slice %arg5[%dma_start3A_601, %dma_start3A_603, %dma_start3A_604] : memref<4x128x128xf32, #tpu.memory_space<vmem>> -> memref<1x128x128xf32, #tpu.memory_space<vmem>>
    %dma_start3A_606 = tpu.memref_squeeze %dma_start3A_605 : memref<1x128x128xf32, #tpu.memory_space<vmem>> -> memref<128x128xf32, #tpu.memory_space<vmem>>
    %dma_start3A_607 = arith.constant 0 : i32
    %dma_start3A_608 = tpu.memref_slice %arg6[%dma_start3A_602, %dma_start3A_607] : memref<4x128xi32, #tpu.memory_space<vmem>> -> memref<1x128xi32, #tpu.memory_space<vmem>>
    %dma_start3A_609 = tpu.memref_squeeze %dma_start3A_608 : memref<1x128xi32, #tpu.memory_space<vmem>> -> memref<128xi32, #tpu.memory_space<vmem>>
    %dma_start3A_610 = arith.constant 0 : i32
    %dma_start3A_611 = arith.constant 0 : i32
    %dma_start3A_612 = tpu.memref_slice %arg10[%dma_start3A_610, %dma_start3A_611] : memref<50x128xf32, #tpu.memory_space<vmem_shared>> -> memref<50x128xf32, #tpu.memory_space<vmem_shared>>
    tpu.enqueue_indirect_dma source(%dma_start3A_606 : memref<128x128xf32, #tpu.memory_space<vmem>>) target(%dma_start3A_612 : memref<50x128xf32, #tpu.memory_space<vmem_shared>>) offsets(%dma_start3A_609 : memref<128xi32, #tpu.memory_space<vmem>>) semaphore(%arg21 : memref<!tpu.dma_semaphore, #tpu.memory_space<semaphore_mem>>) {add = true}
    %dma_wait3A_613 = arith.constant 1 : i32
    %dma_wait3A_614 = arith.constant 1 : i32
    %dma_wait3A_615 = arith.constant 0 : i32
    %dma_wait3A_616 = arith.constant 0 : i32
    %dma_wait3A_617 = tpu.memref_slice %arg5[%dma_wait3A_613, %dma_wait3A_615, %dma_wait3A_616] : memref<4x128x128xf32, #tpu.memory_space<vmem>> -> memref<1x128x128xf32, #tpu.memory_space<vmem>>
    %dma_wait3A_618 = tpu.memref_squeeze %dma_wait3A_617 : memref<1x128x128xf32, #tpu.memory_space<vmem>> -> memref<128x128xf32, #tpu.memory_space<vmem>>
    %dma_wait3A_619 = arith.constant 0 : i32
    %dma_wait3A_620 = tpu.memref_slice %arg6[%dma_wait3A_614, %dma_wait3A_619] : memref<4x128xi32, #tpu.memory_space<vmem>> -> memref<1x128xi32, #tpu.memory_space<vmem>>
    %dma_wait3A_621 = tpu.memref_squeeze %dma_wait3A_620 : memref<1x128xi32, #tpu.memory_space<vmem>> -> memref<128xi32, #tpu.memory_space<vmem>>
    %dma_wait3A_622 = arith.constant 0 : i32
    %dma_wait3A_623 = arith.constant 0 : i32
    %dma_wait3A_624 = tpu.memref_slice %arg10[%dma_wait3A_622, %dma_wait3A_623] : memref<50x128xf32, #tpu.memory_space<vmem_shared>> -> memref<50x128xf32, #tpu.memory_space<vmem_shared>>
    tpu.wait_indirect_dma semaphore(%arg20 : memref<!tpu.dma_semaphore, #tpu.memory_space<semaphore_mem>>) src(%dma_wait3A_618 : memref<128x128xf32, #tpu.memory_space<vmem>>) dst(%dma_wait3A_624 : memref<50x128xf32, #tpu.memory_space<vmem_shared>>)
    %lt3A = arith.constant 13 : i32
    %lt3A_625 = arith.cmpi slt, %add3A, %lt3A : i32
    %convert_element_type3A_626 = arith.extui %lt3A_625 : i1 to i32
    %cond3A_627 = arith.constant 0 : i32
    %cond3A_628 = arith.cmpi ne, %convert_element_type3A_626, %cond3A_627 : i32
    scf.if %cond3A_628 {
      %add3A_750 = arith.constant 288 : i32
      %add3A_751 = arith.addi %add3A, %add3A_750 : i32
      %mul3A_752 = arith.constant 128 : i32
      %mul3A_753 = arith.muli %add3A_751, %mul3A_752 : i32
      %add3A_754 = arith.constant 61440 : i32
      %add3A_755 = arith.addi %add3A_754, %mul3A_753 : i32
      %multiple_of3A_756 = tpu.assume_multiple %add3A_755, 128 : i32
      %dma_start3A_757 = arith.constant 1 : i32
      %dma_start3A_758 = arith.constant 0 : i32
      %dma_start3A_759 = tpu.memref_slice %arg6[%dma_start3A_757, %dma_start3A_758] : memref<4x128xi32, #tpu.memory_space<vmem>> -> memref<1x128xi32, #tpu.memory_space<vmem>>
      %dma_start3A_760 = tpu.memref_squeeze %dma_start3A_759 : memref<1x128xi32, #tpu.memory_space<vmem>> -> memref<128xi32, #tpu.memory_space<vmem>>
      %dma_start3A_761 = tpu.memref_slice %arg3[%multiple_of3A_756] : memref<100000xi32, #tpu.memory_space<hbm>> -> memref<128xi32, #tpu.memory_space<hbm>>
      %dma_start3A_762 = arith.constant 0 : i32
      %dma_start3A_763 = tpu.memref_slice %arg6[%dma_start3A_757, %dma_start3A_762] : memref<4x128xi32, #tpu.memory_space<vmem>> -> memref<1x128xi32, #tpu.memory_space<vmem>>
      %dma_start3A_764 = tpu.memref_squeeze %dma_start3A_763 : memref<1x128xi32, #tpu.memory_space<vmem>> -> memref<128xi32, #tpu.memory_space<vmem>>
      %dma_start3A_765 = tpu.memref_slice %arg3[%multiple_of3A_756] : memref<100000xi32, #tpu.memory_space<hbm>> -> memref<128xi32, #tpu.memory_space<hbm>>
      tpu.enqueue_dma source(%dma_start3A_765 : memref<128xi32, #tpu.memory_space<hbm>>) target(%dma_start3A_764 : memref<128xi32, #tpu.memory_space<vmem>>) target_semaphore(%arg16 : memref<!tpu.dma_semaphore, #tpu.memory_space<semaphore_mem>>)
      %dma_start3A_766 = arith.constant 1 : i32
      %dma_start3A_767 = arith.constant 0 : i32
      %dma_start3A_768 = arith.constant 0 : i32
      %dma_start3A_769 = tpu.memref_slice %arg5[%dma_start3A_766, %dma_start3A_767, %dma_start3A_768] : memref<4x128x128xf32, #tpu.memory_space<vmem>> -> memref<1x128x128xf32, #tpu.memory_space<vmem>>
      %dma_start3A_770 = tpu.memref_squeeze %dma_start3A_769 : memref<1x128x128xf32, #tpu.memory_space<vmem>> -> memref<128x128xf32, #tpu.memory_space<vmem>>
      %dma_start3A_771 = arith.constant 0 : i32
      %dma_start3A_772 = tpu.memref_slice %arg2[%multiple_of3A_756, %dma_start3A_771] : memref<100000x128xf32, #tpu.memory_space<hbm>> -> memref<128x128xf32, #tpu.memory_space<hbm>>
      %dma_start3A_773 = arith.constant 0 : i32
      %dma_start3A_774 = arith.constant 0 : i32
      %dma_start3A_775 = tpu.memref_slice %arg5[%dma_start3A_766, %dma_start3A_773, %dma_start3A_774] : memref<4x128x128xf32, #tpu.memory_space<vmem>> -> memref<1x128x128xf32, #tpu.memory_space<vmem>>
      %dma_start3A_776 = tpu.memref_squeeze %dma_start3A_775 : memref<1x128x128xf32, #tpu.memory_space<vmem>> -> memref<128x128xf32, #tpu.memory_space<vmem>>
      %dma_start3A_777 = arith.constant 0 : i32
      %dma_start3A_778 = tpu.memref_slice %arg2[%multiple_of3A_756, %dma_start3A_777] : memref<100000x128xf32, #tpu.memory_space<hbm>> -> memref<128x128xf32, #tpu.memory_space<hbm>>
      tpu.enqueue_dma source(%dma_start3A_778 : memref<128x128xf32, #tpu.memory_space<hbm>>) target(%dma_start3A_776 : memref<128x128xf32, #tpu.memory_space<vmem>>) target_semaphore(%arg12 : memref<!tpu.dma_semaphore, #tpu.memory_space<semaphore_mem>>)
    } else {
    }
    %add3A_629 = arith.constant 224 : i32
    %add3A_630 = arith.addi %add3A, %add3A_629 : i32
    %mul3A_631 = arith.constant 128 : i32
    %mul3A_632 = arith.muli %add3A_630, %mul3A_631 : i32
    %add3A_633 = arith.constant 61440 : i32
    %add3A_634 = arith.addi %add3A_633, %mul3A_632 : i32
    %multiple_of3A_635 = tpu.assume_multiple %add3A_634, 128 : i32
    %dma_wait3A_636 = arith.constant 3 : i32
    %dma_wait3A_637 = arith.constant 0 : i32
    %dma_wait3A_638 = tpu.memref_slice %arg6[%dma_wait3A_636, %dma_wait3A_637] : memref<4x128xi32, #tpu.memory_space<vmem>> -> memref<1x128xi32, #tpu.memory_space<vmem>>
    %dma_wait3A_639 = tpu.memref_squeeze %dma_wait3A_638 : memref<1x128xi32, #tpu.memory_space<vmem>> -> memref<128xi32, #tpu.memory_space<vmem>>
    %dma_wait3A_640 = tpu.memref_slice %arg3[%multiple_of3A_635] : memref<100000xi32, #tpu.memory_space<hbm>> -> memref<128xi32, #tpu.memory_space<hbm>>
    %dma_wait3A_641 = arith.constant 0 : i32
    %dma_wait3A_642 = tpu.memref_slice %arg6[%dma_wait3A_636, %dma_wait3A_641] : memref<4x128xi32, #tpu.memory_space<vmem>> -> memref<1x128xi32, #tpu.memory_space<vmem>>
    %dma_wait3A_643 = tpu.memref_squeeze %dma_wait3A_642 : memref<1x128xi32, #tpu.memory_space<vmem>> -> memref<128xi32, #tpu.memory_space<vmem>>
    %dma_wait3A_644 = tpu.memref_slice %arg3[%multiple_of3A_635] : memref<100000xi32, #tpu.memory_space<hbm>> -> memref<128xi32, #tpu.memory_space<hbm>>
    tpu.wait_dma2 semaphore(%arg18 : memref<!tpu.dma_semaphore, #tpu.memory_space<semaphore_mem>>) src(%dma_wait3A_644 : memref<128xi32, #tpu.memory_space<hbm>>) dst(%dma_wait3A_643 : memref<128xi32, #tpu.memory_space<vmem>>)
    %dma_wait3A_645 = arith.constant 3 : i32
    %dma_wait3A_646 = arith.constant 0 : i32
    %dma_wait3A_647 = arith.constant 0 : i32
    %dma_wait3A_648 = tpu.memref_slice %arg5[%dma_wait3A_645, %dma_wait3A_646, %dma_wait3A_647] : memref<4x128x128xf32, #tpu.memory_space<vmem>> -> memref<1x128x128xf32, #tpu.memory_space<vmem>>
    %dma_wait3A_649 = tpu.memref_squeeze %dma_wait3A_648 : memref<1x128x128xf32, #tpu.memory_space<vmem>> -> memref<128x128xf32, #tpu.memory_space<vmem>>
    %dma_wait3A_650 = arith.constant 0 : i32
    %dma_wait3A_651 = tpu.memref_slice %arg2[%multiple_of3A_635, %dma_wait3A_650] : memref<100000x128xf32, #tpu.memory_space<hbm>> -> memref<128x128xf32, #tpu.memory_space<hbm>>
    %dma_wait3A_652 = arith.constant 0 : i32
    %dma_wait3A_653 = arith.constant 0 : i32
    %dma_wait3A_654 = tpu.memref_slice %arg5[%dma_wait3A_645, %dma_wait3A_652, %dma_wait3A_653] : memref<4x128x128xf32, #tpu.memory_space<vmem>> -> memref<1x128x128xf32, #tpu.memory_space<vmem>>
    %dma_wait3A_655 = tpu.memref_squeeze %dma_wait3A_654 : memref<1x128x128xf32, #tpu.memory_space<vmem>> -> memref<128x128xf32, #tpu.memory_space<vmem>>
    %dma_wait3A_656 = arith.constant 0 : i32
    %dma_wait3A_657 = tpu.memref_slice %arg2[%multiple_of3A_635, %dma_wait3A_656] : memref<100000x128xf32, #tpu.memory_space<hbm>> -> memref<128x128xf32, #tpu.memory_space<hbm>>
    tpu.wait_dma2 semaphore(%arg14 : memref<!tpu.dma_semaphore, #tpu.memory_space<semaphore_mem>>) src(%dma_wait3A_657 : memref<128x128xf32, #tpu.memory_space<hbm>>) dst(%dma_wait3A_655 : memref<128x128xf32, #tpu.memory_space<vmem>>)
    %dma_start3A_658 = arith.constant 3 : i32
    %dma_start3A_659 = arith.constant 3 : i32
    %dma_start3A_660 = arith.constant 0 : i32
    %dma_start3A_661 = arith.constant 0 : i32
    %dma_start3A_662 = tpu.memref_slice %arg5[%dma_start3A_658, %dma_start3A_660, %dma_start3A_661] : memref<4x128x128xf32, #tpu.memory_space<vmem>> -> memref<1x128x128xf32, #tpu.memory_space<vmem>>
    %dma_start3A_663 = tpu.memref_squeeze %dma_start3A_662 : memref<1x128x128xf32, #tpu.memory_space<vmem>> -> memref<128x128xf32, #tpu.memory_space<vmem>>
    %dma_start3A_664 = arith.constant 0 : i32
    %dma_start3A_665 = tpu.memref_slice %arg6[%dma_start3A_659, %dma_start3A_664] : memref<4x128xi32, #tpu.memory_space<vmem>> -> memref<1x128xi32, #tpu.memory_space<vmem>>
    %dma_start3A_666 = tpu.memref_squeeze %dma_start3A_665 : memref<1x128xi32, #tpu.memory_space<vmem>> -> memref<128xi32, #tpu.memory_space<vmem>>
    %dma_start3A_667 = arith.constant 0 : i32
    %dma_start3A_668 = arith.constant 0 : i32
    %dma_start3A_669 = tpu.memref_slice %arg10[%dma_start3A_667, %dma_start3A_668] : memref<50x128xf32, #tpu.memory_space<vmem_shared>> -> memref<50x128xf32, #tpu.memory_space<vmem_shared>>
    tpu.enqueue_indirect_dma source(%dma_start3A_663 : memref<128x128xf32, #tpu.memory_space<vmem>>) target(%dma_start3A_669 : memref<50x128xf32, #tpu.memory_space<vmem_shared>>) offsets(%dma_start3A_666 : memref<128xi32, #tpu.memory_space<vmem>>) semaphore(%arg22 : memref<!tpu.dma_semaphore, #tpu.memory_space<semaphore_mem>>) {add = true}
    %dma_wait3A_670 = arith.constant 2 : i32
    %dma_wait3A_671 = arith.constant 2 : i32
    %dma_wait3A_672 = arith.constant 0 : i32
    %dma_wait3A_673 = arith.constant 0 : i32
    %dma_wait3A_674 = tpu.memref_slice %arg5[%dma_wait3A_670, %dma_wait3A_672, %dma_wait3A_673] : memref<4x128x128xf32, #tpu.memory_space<vmem>> -> memref<1x128x128xf32, #tpu.memory_space<vmem>>
    %dma_wait3A_675 = tpu.memref_squeeze %dma_wait3A_674 : memref<1x128x128xf32, #tpu.memory_space<vmem>> -> memref<128x128xf32, #tpu.memory_space<vmem>>
    %dma_wait3A_676 = arith.constant 0 : i32
    %dma_wait3A_677 = tpu.memref_slice %arg6[%dma_wait3A_671, %dma_wait3A_676] : memref<4x128xi32, #tpu.memory_space<vmem>> -> memref<1x128xi32, #tpu.memory_space<vmem>>
    %dma_wait3A_678 = tpu.memref_squeeze %dma_wait3A_677 : memref<1x128xi32, #tpu.memory_space<vmem>> -> memref<128xi32, #tpu.memory_space<vmem>>
    %dma_wait3A_679 = arith.constant 0 : i32
    %dma_wait3A_680 = arith.constant 0 : i32
    %dma_wait3A_681 = tpu.memref_slice %arg10[%dma_wait3A_679, %dma_wait3A_680] : memref<50x128xf32, #tpu.memory_space<vmem_shared>> -> memref<50x128xf32, #tpu.memory_space<vmem_shared>>
    tpu.wait_indirect_dma semaphore(%arg21 : memref<!tpu.dma_semaphore, #tpu.memory_space<semaphore_mem>>) src(%dma_wait3A_675 : memref<128x128xf32, #tpu.memory_space<vmem>>) dst(%dma_wait3A_681 : memref<50x128xf32, #tpu.memory_space<vmem_shared>>)
    %add3A_682 = arith.constant 256 : i32
    %add3A_683 = arith.addi %add3A, %add3A_682 : i32
    %mul3A_684 = arith.constant 128 : i32
    %mul3A_685 = arith.muli %add3A_683, %mul3A_684 : i32
    %add3A_686 = arith.constant 61440 : i32
    %add3A_687 = arith.addi %add3A_686, %mul3A_685 : i32
    %multiple_of3A_688 = tpu.assume_multiple %add3A_687, 128 : i32
    %dma_wait3A_689 = arith.constant 0 : i32
    %dma_wait3A_690 = arith.constant 0 : i32
    %dma_wait3A_691 = tpu.memref_slice %arg6[%dma_wait3A_689, %dma_wait3A_690] : memref<4x128xi32, #tpu.memory_space<vmem>> -> memref<1x128xi32, #tpu.memory_space<vmem>>
    %dma_wait3A_692 = tpu.memref_squeeze %dma_wait3A_691 : memref<1x128xi32, #tpu.memory_space<vmem>> -> memref<128xi32, #tpu.memory_space<vmem>>
    %dma_wait3A_693 = tpu.memref_slice %arg3[%multiple_of3A_688] : memref<100000xi32, #tpu.memory_space<hbm>> -> memref<128xi32, #tpu.memory_space<hbm>>
    %dma_wait3A_694 = arith.constant 0 : i32
    %dma_wait3A_695 = tpu.memref_slice %arg6[%dma_wait3A_689, %dma_wait3A_694] : memref<4x128xi32, #tpu.memory_space<vmem>> -> memref<1x128xi32, #tpu.memory_space<vmem>>
    %dma_wait3A_696 = tpu.memref_squeeze %dma_wait3A_695 : memref<1x128xi32, #tpu.memory_space<vmem>> -> memref<128xi32, #tpu.memory_space<vmem>>
    %dma_wait3A_697 = tpu.memref_slice %arg3[%multiple_of3A_688] : memref<100000xi32, #tpu.memory_space<hbm>> -> memref<128xi32, #tpu.memory_space<hbm>>
    tpu.wait_dma2 semaphore(%arg15 : memref<!tpu.dma_semaphore, #tpu.memory_space<semaphore_mem>>) src(%dma_wait3A_697 : memref<128xi32, #tpu.memory_space<hbm>>) dst(%dma_wait3A_696 : memref<128xi32, #tpu.memory_space<vmem>>)
    %dma_wait3A_698 = arith.constant 0 : i32
    %dma_wait3A_699 = arith.constant 0 : i32
    %dma_wait3A_700 = arith.constant 0 : i32
    %dma_wait3A_701 = tpu.memref_slice %arg5[%dma_wait3A_698, %dma_wait3A_699, %dma_wait3A_700] : memref<4x128x128xf32, #tpu.memory_space<vmem>> -> memref<1x128x128xf32, #tpu.memory_space<vmem>>
    %dma_wait3A_702 = tpu.memref_squeeze %dma_wait3A_701 : memref<1x128x128xf32, #tpu.memory_space<vmem>> -> memref<128x128xf32, #tpu.memory_space<vmem>>
    %dma_wait3A_703 = arith.constant 0 : i32
    %dma_wait3A_704 = tpu.memref_slice %arg2[%multiple_of3A_688, %dma_wait3A_703] : memref<100000x128xf32, #tpu.memory_space<hbm>> -> memref<128x128xf32, #tpu.memory_space<hbm>>
    %dma_wait3A_705 = arith.constant 0 : i32
    %dma_wait3A_706 = arith.constant 0 : i32
    %dma_wait3A_707 = tpu.memref_slice %arg5[%dma_wait3A_698, %dma_wait3A_705, %dma_wait3A_706] : memref<4x128x128xf32, #tpu.memory_space<vmem>> -> memref<1x128x128xf32, #tpu.memory_space<vmem>>
    %dma_wait3A_708 = tpu.memref_squeeze %dma_wait3A_707 : memref<1x128x128xf32, #tpu.memory_space<vmem>> -> memref<128x128xf32, #tpu.memory_space<vmem>>
    %dma_wait3A_709 = arith.constant 0 : i32
    %dma_wait3A_710 = tpu.memref_slice %arg2[%multiple_of3A_688, %dma_wait3A_709] : memref<100000x128xf32, #tpu.memory_space<hbm>> -> memref<128x128xf32, #tpu.memory_space<hbm>>
    tpu.wait_dma2 semaphore(%arg11 : memref<!tpu.dma_semaphore, #tpu.memory_space<semaphore_mem>>) src(%dma_wait3A_710 : memref<128x128xf32, #tpu.memory_space<hbm>>) dst(%dma_wait3A_708 : memref<128x128xf32, #tpu.memory_space<vmem>>)
    %dma_start3A_711 = arith.constant 0 : i32
    %dma_start3A_712 = arith.constant 0 : i32
    %dma_start3A_713 = arith.constant 0 : i32
    %dma_start3A_714 = arith.constant 0 : i32
    %dma_start3A_715 = tpu.memref_slice %arg5[%dma_start3A_711, %dma_start3A_713, %dma_start3A_714] : memref<4x128x128xf32, #tpu.memory_space<vmem>> -> memref<1x128x128xf32, #tpu.memory_space<vmem>>
    %dma_start3A_716 = tpu.memref_squeeze %dma_start3A_715 : memref<1x128x128xf32, #tpu.memory_space<vmem>> -> memref<128x128xf32, #tpu.memory_space<vmem>>
    %dma_start3A_717 = arith.constant 0 : i32
    %dma_start3A_718 = tpu.memref_slice %arg6[%dma_start3A_712, %dma_start3A_717] : memref<4x128xi32, #tpu.memory_space<vmem>> -> memref<1x128xi32, #tpu.memory_space<vmem>>
    %dma_start3A_719 = tpu.memref_squeeze %dma_start3A_718 : memref<1x128xi32, #tpu.memory_space<vmem>> -> memref<128xi32, #tpu.memory_space<vmem>>
    %dma_start3A_720 = arith.constant 0 : i32
    %dma_start3A_721 = arith.constant 0 : i32
    %dma_start3A_722 = tpu.memref_slice %arg10[%dma_start3A_720, %dma_start3A_721] : memref<50x128xf32, #tpu.memory_space<vmem_shared>> -> memref<50x128xf32, #tpu.memory_space<vmem_shared>>
    tpu.enqueue_indirect_dma source(%dma_start3A_716 : memref<128x128xf32, #tpu.memory_space<vmem>>) target(%dma_start3A_722 : memref<50x128xf32, #tpu.memory_space<vmem_shared>>) offsets(%dma_start3A_719 : memref<128xi32, #tpu.memory_space<vmem>>) semaphore(%arg19 : memref<!tpu.dma_semaphore, #tpu.memory_space<semaphore_mem>>) {add = true}
    %lt3A_723 = arith.constant 13 : i32
    %lt3A_724 = arith.cmpi slt, %add3A, %lt3A_723 : i32
    %convert_element_type3A_725 = arith.extui %lt3A_724 : i1 to i32
    %cond3A_726 = arith.constant 0 : i32
    %cond3A_727 = arith.cmpi ne, %convert_element_type3A_725, %cond3A_726 : i32
    scf.if %cond3A_727 {
      %dma_wait3A_750 = arith.constant 3 : i32
      %dma_wait3A_751 = arith.constant 3 : i32
      %dma_wait3A_752 = arith.constant 0 : i32
      %dma_wait3A_753 = arith.constant 0 : i32
      %dma_wait3A_754 = tpu.memref_slice %arg5[%dma_wait3A_750, %dma_wait3A_752, %dma_wait3A_753] : memref<4x128x128xf32, #tpu.memory_space<vmem>> -> memref<1x128x128xf32, #tpu.memory_space<vmem>>
      %dma_wait3A_755 = tpu.memref_squeeze %dma_wait3A_754 : memref<1x128x128xf32, #tpu.memory_space<vmem>> -> memref<128x128xf32, #tpu.memory_space<vmem>>
      %dma_wait3A_756 = arith.constant 0 : i32
      %dma_wait3A_757 = tpu.memref_slice %arg6[%dma_wait3A_751, %dma_wait3A_756] : memref<4x128xi32, #tpu.memory_space<vmem>> -> memref<1x128xi32, #tpu.memory_space<vmem>>
      %dma_wait3A_758 = tpu.memref_squeeze %dma_wait3A_757 : memref<1x128xi32, #tpu.memory_space<vmem>> -> memref<128xi32, #tpu.memory_space<vmem>>
      %dma_wait3A_759 = arith.constant 0 : i32
      %dma_wait3A_760 = arith.constant 0 : i32
      %dma_wait3A_761 = tpu.memref_slice %arg10[%dma_wait3A_759, %dma_wait3A_760] : memref<50x128xf32, #tpu.memory_space<vmem_shared>> -> memref<50x128xf32, #tpu.memory_space<vmem_shared>>
      tpu.wait_indirect_dma semaphore(%arg22 : memref<!tpu.dma_semaphore, #tpu.memory_space<semaphore_mem>>) src(%dma_wait3A_755 : memref<128x128xf32, #tpu.memory_space<vmem>>) dst(%dma_wait3A_761 : memref<50x128xf32, #tpu.memory_space<vmem_shared>>)
      %add3A_762 = arith.constant 288 : i32
      %add3A_763 = arith.addi %add3A, %add3A_762 : i32
      %mul3A_764 = arith.constant 128 : i32
      %mul3A_765 = arith.muli %add3A_763, %mul3A_764 : i32
      %add3A_766 = arith.constant 61440 : i32
      %add3A_767 = arith.addi %add3A_766, %mul3A_765 : i32
      %multiple_of3A_768 = tpu.assume_multiple %add3A_767, 128 : i32
      %dma_wait3A_769 = arith.constant 1 : i32
      %dma_wait3A_770 = arith.constant 0 : i32
      %dma_wait3A_771 = tpu.memref_slice %arg6[%dma_wait3A_769, %dma_wait3A_770] : memref<4x128xi32, #tpu.memory_space<vmem>> -> memref<1x128xi32, #tpu.memory_space<vmem>>
      %dma_wait3A_772 = tpu.memref_squeeze %dma_wait3A_771 : memref<1x128xi32, #tpu.memory_space<vmem>> -> memref<128xi32, #tpu.memory_space<vmem>>
      %dma_wait3A_773 = tpu.memref_slice %arg3[%multiple_of3A_768] : memref<100000xi32, #tpu.memory_space<hbm>> -> memref<128xi32, #tpu.memory_space<hbm>>
      %dma_wait3A_774 = arith.constant 0 : i32
      %dma_wait3A_775 = tpu.memref_slice %arg6[%dma_wait3A_769, %dma_wait3A_774] : memref<4x128xi32, #tpu.memory_space<vmem>> -> memref<1x128xi32, #tpu.memory_space<vmem>>
      %dma_wait3A_776 = tpu.memref_squeeze %dma_wait3A_775 : memref<1x128xi32, #tpu.memory_space<vmem>> -> memref<128xi32, #tpu.memory_space<vmem>>
      %dma_wait3A_777 = tpu.memref_slice %arg3[%multiple_of3A_768] : memref<100000xi32, #tpu.memory_space<hbm>> -> memref<128xi32, #tpu.memory_space<hbm>>
      tpu.wait_dma2 semaphore(%arg16 : memref<!tpu.dma_semaphore, #tpu.memory_space<semaphore_mem>>) src(%dma_wait3A_777 : memref<128xi32, #tpu.memory_space<hbm>>) dst(%dma_wait3A_776 : memref<128xi32, #tpu.memory_space<vmem>>)
      %dma_wait3A_778 = arith.constant 1 : i32
      %dma_wait3A_779 = arith.constant 0 : i32
      %dma_wait3A_780 = arith.constant 0 : i32
      %dma_wait3A_781 = tpu.memref_slice %arg5[%dma_wait3A_778, %dma_wait3A_779, %dma_wait3A_780] : memref<4x128x128xf32, #tpu.memory_space<vmem>> -> memref<1x128x128xf32, #tpu.memory_space<vmem>>
      %dma_wait3A_782 = tpu.memref_squeeze %dma_wait3A_781 : memref<1x128x128xf32, #tpu.memory_space<vmem>> -> memref<128x128xf32, #tpu.memory_space<vmem>>
      %dma_wait3A_783 = arith.constant 0 : i32
      %dma_wait3A_784 = tpu.memref_slice %arg2[%multiple_of3A_768, %dma_wait3A_783] : memref<100000x128xf32, #tpu.memory_space<hbm>> -> memref<128x128xf32, #tpu.memory_space<hbm>>
      %dma_wait3A_785 = arith.constant 0 : i32
      %dma_wait3A_786 = arith.constant 0 : i32
      %dma_wait3A_787 = tpu.memref_slice %arg5[%dma_wait3A_778, %dma_wait3A_785, %dma_wait3A_786] : memref<4x128x128xf32, #tpu.memory_space<vmem>> -> memref<1x128x128xf32, #tpu.memory_space<vmem>>
      %dma_wait3A_788 = tpu.memref_squeeze %dma_wait3A_787 : memref<1x128x128xf32, #tpu.memory_space<vmem>> -> memref<128x128xf32, #tpu.memory_space<vmem>>
      %dma_wait3A_789 = arith.constant 0 : i32
      %dma_wait3A_790 = tpu.memref_slice %arg2[%multiple_of3A_768, %dma_wait3A_789] : memref<100000x128xf32, #tpu.memory_space<hbm>> -> memref<128x128xf32, #tpu.memory_space<hbm>>
      tpu.wait_dma2 semaphore(%arg12 : memref<!tpu.dma_semaphore, #tpu.memory_space<semaphore_mem>>) src(%dma_wait3A_790 : memref<128x128xf32, #tpu.memory_space<hbm>>) dst(%dma_wait3A_788 : memref<128x128xf32, #tpu.memory_space<vmem>>)
      %dma_start3A_791 = arith.constant 1 : i32
      %dma_start3A_792 = arith.constant 1 : i32
      %dma_start3A_793 = arith.constant 0 : i32
      %dma_start3A_794 = arith.constant 0 : i32
      %dma_start3A_795 = tpu.memref_slice %arg5[%dma_start3A_791, %dma_start3A_793, %dma_start3A_794] : memref<4x128x128xf32, #tpu.memory_space<vmem>> -> memref<1x128x128xf32, #tpu.memory_space<vmem>>
      %dma_start3A_796 = tpu.memref_squeeze %dma_start3A_795 : memref<1x128x128xf32, #tpu.memory_space<vmem>> -> memref<128x128xf32, #tpu.memory_space<vmem>>
      %dma_start3A_797 = arith.constant 0 : i32
      %dma_start3A_798 = tpu.memref_slice %arg6[%dma_start3A_792, %dma_start3A_797] : memref<4x128xi32, #tpu.memory_space<vmem>> -> memref<1x128xi32, #tpu.memory_space<vmem>>
      %dma_start3A_799 = tpu.memref_squeeze %dma_start3A_798 : memref<1x128xi32, #tpu.memory_space<vmem>> -> memref<128xi32, #tpu.memory_space<vmem>>
      %dma_start3A_800 = arith.constant 0 : i32
      %dma_start3A_801 = arith.constant 0 : i32
      %dma_start3A_802 = tpu.memref_slice %arg10[%dma_start3A_800, %dma_start3A_801] : memref<50x128xf32, #tpu.memory_space<vmem_shared>> -> memref<50x128xf32, #tpu.memory_space<vmem_shared>>
      tpu.enqueue_indirect_dma source(%dma_start3A_796 : memref<128x128xf32, #tpu.memory_space<vmem>>) target(%dma_start3A_802 : memref<50x128xf32, #tpu.memory_space<vmem_shared>>) offsets(%dma_start3A_799 : memref<128xi32, #tpu.memory_space<vmem>>) semaphore(%arg20 : memref<!tpu.dma_semaphore, #tpu.memory_space<semaphore_mem>>) {add = true}
    } else {
    }
    %lt3A_728 = arith.constant 13 : i32
    %lt3A_729 = arith.cmpi slt, %add3A, %lt3A_728 : i32
    %convert_element_type3A_730 = arith.extui %lt3A_729 : i1 to i32
    %cond3A_731 = arith.constant 0 : i32
    %cond3A_732 = arith.cmpi ne, %convert_element_type3A_730, %cond3A_731 : i32
    scf.if %cond3A_732 {
      %dma_wait3A_750 = arith.constant 0 : i32
      %dma_wait3A_751 = arith.constant 0 : i32
      %dma_wait3A_752 = arith.constant 0 : i32
      %dma_wait3A_753 = arith.constant 0 : i32
      %dma_wait3A_754 = tpu.memref_slice %arg5[%dma_wait3A_750, %dma_wait3A_752, %dma_wait3A_753] : memref<4x128x128xf32, #tpu.memory_space<vmem>> -> memref<1x128x128xf32, #tpu.memory_space<vmem>>
      %dma_wait3A_755 = tpu.memref_squeeze %dma_wait3A_754 : memref<1x128x128xf32, #tpu.memory_space<vmem>> -> memref<128x128xf32, #tpu.memory_space<vmem>>
      %dma_wait3A_756 = arith.constant 0 : i32
      %dma_wait3A_757 = tpu.memref_slice %arg6[%dma_wait3A_751, %dma_wait3A_756] : memref<4x128xi32, #tpu.memory_space<vmem>> -> memref<1x128xi32, #tpu.memory_space<vmem>>
      %dma_wait3A_758 = tpu.memref_squeeze %dma_wait3A_757 : memref<1x128xi32, #tpu.memory_space<vmem>> -> memref<128xi32, #tpu.memory_space<vmem>>
      %dma_wait3A_759 = arith.constant 0 : i32
      %dma_wait3A_760 = arith.constant 0 : i32
      %dma_wait3A_761 = tpu.memref_slice %arg10[%dma_wait3A_759, %dma_wait3A_760] : memref<50x128xf32, #tpu.memory_space<vmem_shared>> -> memref<50x128xf32, #tpu.memory_space<vmem_shared>>
      tpu.wait_indirect_dma semaphore(%arg19 : memref<!tpu.dma_semaphore, #tpu.memory_space<semaphore_mem>>) src(%dma_wait3A_755 : memref<128x128xf32, #tpu.memory_space<vmem>>) dst(%dma_wait3A_761 : memref<50x128xf32, #tpu.memory_space<vmem_shared>>)
      %dma_wait3A_762 = arith.constant 1 : i32
      %dma_wait3A_763 = arith.constant 1 : i32
      %dma_wait3A_764 = arith.constant 0 : i32
      %dma_wait3A_765 = arith.constant 0 : i32
      %dma_wait3A_766 = tpu.memref_slice %arg5[%dma_wait3A_762, %dma_wait3A_764, %dma_wait3A_765] : memref<4x128x128xf32, #tpu.memory_space<vmem>> -> memref<1x128x128xf32, #tpu.memory_space<vmem>>
      %dma_wait3A_767 = tpu.memref_squeeze %dma_wait3A_766 : memref<1x128x128xf32, #tpu.memory_space<vmem>> -> memref<128x128xf32, #tpu.memory_space<vmem>>
      %dma_wait3A_768 = arith.constant 0 : i32
      %dma_wait3A_769 = tpu.memref_slice %arg6[%dma_wait3A_763, %dma_wait3A_768] : memref<4x128xi32, #tpu.memory_space<vmem>> -> memref<1x128xi32, #tpu.memory_space<vmem>>
      %dma_wait3A_770 = tpu.memref_squeeze %dma_wait3A_769 : memref<1x128xi32, #tpu.memory_space<vmem>> -> memref<128xi32, #tpu.memory_space<vmem>>
      %dma_wait3A_771 = arith.constant 0 : i32
      %dma_wait3A_772 = arith.constant 0 : i32
      %dma_wait3A_773 = tpu.memref_slice %arg10[%dma_wait3A_771, %dma_wait3A_772] : memref<50x128xf32, #tpu.memory_space<vmem_shared>> -> memref<50x128xf32, #tpu.memory_space<vmem_shared>>
      tpu.wait_indirect_dma semaphore(%arg20 : memref<!tpu.dma_semaphore, #tpu.memory_space<semaphore_mem>>) src(%dma_wait3A_767 : memref<128x128xf32, #tpu.memory_space<vmem>>) dst(%dma_wait3A_773 : memref<50x128xf32, #tpu.memory_space<vmem_shared>>)
    } else {
    }
    %lt3A_733 = arith.constant 13 : i32
    %lt3A_734 = arith.cmpi slt, %add3A, %lt3A_733 : i32
    %not3A = arith.constant true
    %not3A_735 = arith.xori %lt3A_734, %not3A : i1
    %convert_element_type3A_736 = arith.extui %not3A_735 : i1 to i32
    %cond3A_737 = arith.constant 0 : i32
    %cond3A_738 = arith.cmpi ne, %convert_element_type3A_736, %cond3A_737 : i32
    scf.if %cond3A_738 {
      %dma_wait3A_750 = arith.constant 3 : i32
      %dma_wait3A_751 = arith.constant 3 : i32
      %dma_wait3A_752 = arith.constant 0 : i32
      %dma_wait3A_753 = arith.constant 0 : i32
      %dma_wait3A_754 = tpu.memref_slice %arg5[%dma_wait3A_750, %dma_wait3A_752, %dma_wait3A_753] : memref<4x128x128xf32, #tpu.memory_space<vmem>> -> memref<1x128x128xf32, #tpu.memory_space<vmem>>
      %dma_wait3A_755 = tpu.memref_squeeze %dma_wait3A_754 : memref<1x128x128xf32, #tpu.memory_space<vmem>> -> memref<128x128xf32, #tpu.memory_space<vmem>>
      %dma_wait3A_756 = arith.constant 0 : i32
      %dma_wait3A_757 = tpu.memref_slice %arg6[%dma_wait3A_751, %dma_wait3A_756] : memref<4x128xi32, #tpu.memory_space<vmem>> -> memref<1x128xi32, #tpu.memory_space<vmem>>
      %dma_wait3A_758 = tpu.memref_squeeze %dma_wait3A_757 : memref<1x128xi32, #tpu.memory_space<vmem>> -> memref<128xi32, #tpu.memory_space<vmem>>
      %dma_wait3A_759 = arith.constant 0 : i32
      %dma_wait3A_760 = arith.constant 0 : i32
      %dma_wait3A_761 = tpu.memref_slice %arg10[%dma_wait3A_759, %dma_wait3A_760] : memref<50x128xf32, #tpu.memory_space<vmem_shared>> -> memref<50x128xf32, #tpu.memory_space<vmem_shared>>
      tpu.wait_indirect_dma semaphore(%arg22 : memref<!tpu.dma_semaphore, #tpu.memory_space<semaphore_mem>>) src(%dma_wait3A_755 : memref<128x128xf32, #tpu.memory_space<vmem>>) dst(%dma_wait3A_761 : memref<50x128xf32, #tpu.memory_space<vmem_shared>>)
      %dma_wait3A_762 = arith.constant 0 : i32
      %dma_wait3A_763 = arith.constant 0 : i32
      %dma_wait3A_764 = arith.constant 0 : i32
      %dma_wait3A_765 = arith.constant 0 : i32
      %dma_wait3A_766 = tpu.memref_slice %arg5[%dma_wait3A_762, %dma_wait3A_764, %dma_wait3A_765] : memref<4x128x128xf32, #tpu.memory_space<vmem>> -> memref<1x128x128xf32, #tpu.memory_space<vmem>>
      %dma_wait3A_767 = tpu.memref_squeeze %dma_wait3A_766 : memref<1x128x128xf32, #tpu.memory_space<vmem>> -> memref<128x128xf32, #tpu.memory_space<vmem>>
      %dma_wait3A_768 = arith.constant 0 : i32
      %dma_wait3A_769 = tpu.memref_slice %arg6[%dma_wait3A_763, %dma_wait3A_768] : memref<4x128xi32, #tpu.memory_space<vmem>> -> memref<1x128xi32, #tpu.memory_space<vmem>>
      %dma_wait3A_770 = tpu.memref_squeeze %dma_wait3A_769 : memref<1x128xi32, #tpu.memory_space<vmem>> -> memref<128xi32, #tpu.memory_space<vmem>>
      %dma_wait3A_771 = arith.constant 0 : i32
      %dma_wait3A_772 = arith.constant 0 : i32
      %dma_wait3A_773 = tpu.memref_slice %arg10[%dma_wait3A_771, %dma_wait3A_772] : memref<50x128xf32, #tpu.memory_space<vmem_shared>> -> memref<50x128xf32, #tpu.memory_space<vmem_shared>>
      tpu.wait_indirect_dma semaphore(%arg19 : memref<!tpu.dma_semaphore, #tpu.memory_space<semaphore_mem>>) src(%dma_wait3A_767 : memref<128x128xf32, #tpu.memory_space<vmem>>) dst(%dma_wait3A_773 : memref<50x128xf32, #tpu.memory_space<vmem_shared>>)
    } else {
    }
    %eq3A_739 = arith.constant 31 : i32
    %eq3A_740 = arith.cmpi eq, %add3A, %eq3A_739 : i32
    %convert_element_type3A_741 = arith.extui %eq3A_740 : i1 to i32
    %cond3A_742 = arith.constant 0 : i32
    %cond3A_743 = arith.cmpi ne, %convert_element_type3A_741, %cond3A_742 : i32
    scf.if %cond3A_743 {
      %dma_wait3A_750 = arith.constant 99968 : i32
      %dma_wait3A_751 = tpu.memref_slice %arg3[%dma_wait3A_750] : memref<100000xi32, #tpu.memory_space<hbm>> -> memref<32xi32, #tpu.memory_space<hbm>>
      %dma_wait3A_752 = arith.constant 99968 : i32
      %dma_wait3A_753 = tpu.memref_slice %arg3[%dma_wait3A_752] : memref<100000xi32, #tpu.memory_space<hbm>> -> memref<32xi32, #tpu.memory_space<hbm>>
      tpu.wait_dma2 semaphore(%arg23 : memref<!tpu.dma_semaphore, #tpu.memory_space<semaphore_mem>>) src(%dma_wait3A_753 : memref<32xi32, #tpu.memory_space<hbm>>) dst(%arg8 : memref<32xi32, #tpu.memory_space<vmem>>)
      %dma_wait3A_754 = arith.constant 99968 : i32
      %dma_wait3A_755 = arith.constant 0 : i32
      %dma_wait3A_756 = tpu.memref_slice %arg2[%dma_wait3A_754, %dma_wait3A_755] : memref<100000x128xf32, #tpu.memory_space<hbm>> -> memref<32x128xf32, #tpu.memory_space<hbm>>
      %dma_wait3A_757 = arith.constant 99968 : i32
      %dma_wait3A_758 = arith.constant 0 : i32
      %dma_wait3A_759 = tpu.memref_slice %arg2[%dma_wait3A_757, %dma_wait3A_758] : memref<100000x128xf32, #tpu.memory_space<hbm>> -> memref<32x128xf32, #tpu.memory_space<hbm>>
      tpu.wait_dma2 semaphore(%arg23 : memref<!tpu.dma_semaphore, #tpu.memory_space<semaphore_mem>>) src(%dma_wait3A_759 : memref<32x128xf32, #tpu.memory_space<hbm>>) dst(%arg7 : memref<32x128xf32, #tpu.memory_space<vmem>>)
      "tpu.region"() ({
        %run_scoped3A = tpu.sem_alloc : memref<!tpu.dma_semaphore, #tpu.memory_space<semaphore_mem>>
        %dma_start3A_760 = arith.constant 0 : i32
        %dma_start3A_761 = arith.constant 0 : i32
        %dma_start3A_762 = tpu.memref_slice %arg10[%dma_start3A_760, %dma_start3A_761] : memref<50x128xf32, #tpu.memory_space<vmem_shared>> -> memref<50x128xf32, #tpu.memory_space<vmem_shared>>
        tpu.enqueue_indirect_dma source(%arg7 : memref<32x128xf32, #tpu.memory_space<vmem>>) target(%dma_start3A_762 : memref<50x128xf32, #tpu.memory_space<vmem_shared>>) offsets(%arg8 : memref<32xi32, #tpu.memory_space<vmem>>) semaphore(%run_scoped3A : memref<!tpu.dma_semaphore, #tpu.memory_space<semaphore_mem>>) {add = true}
        %dma_wait3A_763 = arith.constant 0 : i32
        %dma_wait3A_764 = arith.constant 0 : i32
        %dma_wait3A_765 = tpu.memref_slice %arg10[%dma_wait3A_763, %dma_wait3A_764] : memref<50x128xf32, #tpu.memory_space<vmem_shared>> -> memref<50x128xf32, #tpu.memory_space<vmem_shared>>
        tpu.wait_indirect_dma semaphore(%run_scoped3A : memref<!tpu.dma_semaphore, #tpu.memory_space<semaphore_mem>>) src(%arg7 : memref<32x128xf32, #tpu.memory_space<vmem>>) dst(%dma_wait3A_765 : memref<50x128xf32, #tpu.memory_space<vmem_shared>>)
        tpu.yield
      }) : () -> ()
    } else {
    }
    %barrier3A_744 = arith.constant 0 : index
    tpu.barrier barrier_id(%barrier3A_744)
    %eq3A_745 = arith.constant 0 : i32
    %eq3A_746 = arith.cmpi eq, %arg1, %eq3A_745 : i32
    %convert_element_type3A_747 = arith.extui %eq3A_746 : i1 to i32
    %cond3A_748 = arith.constant 0 : i32
    %cond3A_749 = arith.cmpi ne, %convert_element_type3A_747, %cond3A_748 : i32
    scf.if %cond3A_749 {
      "tpu.region"() ({
        %run_scoped3A = tpu.sem_alloc : memref<!tpu.dma_semaphore, #tpu.memory_space<semaphore_mem>>
        %dma_start3A_750 = arith.constant 0 : i32
        %dma_start3A_751 = arith.constant 0 : i32
        %dma_start3A_752 = tpu.memref_slice %arg4[%arg0, %dma_start3A_750, %dma_start3A_751] : memref<2x50x128xf32, #tpu.memory_space<hbm>> -> memref<1x50x128xf32, #tpu.memory_space<hbm>>
        %dma_start3A_753 = tpu.memref_squeeze %dma_start3A_752 : memref<1x50x128xf32, #tpu.memory_space<hbm>> -> memref<50x128xf32, #tpu.memory_space<hbm>>
        tpu.enqueue_dma source(%arg10 : memref<50x128xf32, #tpu.memory_space<vmem_shared>>) target(%dma_start3A_753 : memref<50x128xf32, #tpu.memory_space<hbm>>) target_semaphore(%run_scoped3A : memref<!tpu.dma_semaphore, #tpu.memory_space<semaphore_mem>>)
        %dma_wait3A_754 = arith.constant 0 : i32
        %dma_wait3A_755 = arith.constant 0 : i32
        %dma_wait3A_756 = tpu.memref_slice %arg4[%arg0, %dma_wait3A_754, %dma_wait3A_755] : memref<2x50x128xf32, #tpu.memory_space<hbm>> -> memref<1x50x128xf32, #tpu.memory_space<hbm>>
        %dma_wait3A_757 = tpu.memref_squeeze %dma_wait3A_756 : memref<1x50x128xf32, #tpu.memory_space<hbm>> -> memref<50x128xf32, #tpu.memory_space<hbm>>
        tpu.wait_dma2 semaphore(%run_scoped3A : memref<!tpu.dma_semaphore, #tpu.memory_space<semaphore_mem>>) src(%arg10 : memref<50x128xf32, #tpu.memory_space<vmem_shared>>) dst(%dma_wait3A_757 : memref<50x128xf32, #tpu.memory_space<hbm>>)
        tpu.yield
      }) : () -> ()
    } else {
    }
    return
  }
}

module attributes {stable_mosaic.version = 14 : i64} {
  func.func @tc_body(%arg0: memref<2x50x128xf32, #tpu.memory_space<vmem>>, %arg1: memref<64x128xf32, #tpu.memory_space<vmem>>, %arg2: memref<64x50xf32, #tpu.memory_space<vmem>>, %arg3: memref<1x64x128xf32, #tpu.memory_space<vmem>>, %arg4: memref<64x128xf32, #tpu.memory_space<vmem>>) attributes {dimension_semantics = [], scalar_prefetch = 0 : i64, scratch_operands = 0 : i64, tpu.core_type = #tpu.core_type<tc>} {
    %get3A = arith.constant 0 : index
    %get3A_0 = arith.constant 0 : index
    %get3A_1 = arith.constant 0 : index
    %get3A_2 = vector.load %arg0[%get3A, %get3A_0, %get3A_1] : memref<2x50x128xf32, #tpu.memory_space<vmem>>, vector<1x50x128xf32>
    %get3A_3 = vector.shape_cast %get3A_2 : vector<1x50x128xf32> to vector<50x128xf32>
    %get3A_4 = arith.constant 1 : index
    %get3A_5 = arith.constant 0 : index
    %get3A_6 = arith.constant 0 : index
    %get3A_7 = vector.load %arg0[%get3A_4, %get3A_5, %get3A_6] : memref<2x50x128xf32, #tpu.memory_space<vmem>>, vector<1x50x128xf32>
    %get3A_8 = vector.shape_cast %get3A_7 : vector<1x50x128xf32> to vector<50x128xf32>
    %add3A = arith.addf %get3A_3, %get3A_8 : vector<50x128xf32>
    %get3A_9 = arith.constant 0 : index
    %get3A_10 = arith.constant 0 : index
    %get3A_11 = vector.load %arg1[%get3A_9, %get3A_10] : memref<64x128xf32, #tpu.memory_space<vmem>>, vector<50x128xf32>
    %add3A_12 = arith.addf %add3A, %get3A_11 : vector<50x128xf32>
    %get3A_13 = arith.constant 0 : index
    %get3A_14 = arith.constant 0 : index
    %get3A_15 = vector.load %arg2[%get3A_13, %get3A_14] : memref<64x50xf32, #tpu.memory_space<vmem>>, vector<64x50xf32>
    %dot_general3A = arith.constant dense<0.000000e+00> : vector<64x128xf32>
    %dot_general3A_16 = tpu.matmul %get3A_15, %add3A_12, %dot_general3A {dimension_numbers = #tpu.dot_dimension_numbers<[1], [0], [0], [1], [0, 0, 1, 1], [], []>, transpose_lhs_hint = false} : vector<64x50xf32>, vector<50x128xf32>, vector<64x128xf32> -> vector<64x128xf32>
    %get3A_17 = arith.constant 0 : index
    %get3A_18 = arith.constant 0 : index
    %get3A_19 = arith.constant 0 : index
    %get3A_20 = vector.load %arg3[%get3A_17, %get3A_18, %get3A_19] : memref<1x64x128xf32, #tpu.memory_space<vmem>>, vector<1x64x128xf32>
    %get3A_21 = vector.shape_cast %get3A_20 : vector<1x64x128xf32> to vector<64x128xf32>
    %add3A_22 = arith.addf %dot_general3A_16, %get3A_21 : vector<64x128xf32>
    %swap3A = arith.constant 0 : index
    %swap3A_23 = arith.constant 0 : index
    %swap3A_24 = vector.load %arg4[%swap3A, %swap3A_23] : memref<64x128xf32, #tpu.memory_space<vmem>>, vector<64x128xf32>
    tpu.vector_store %arg4[%swap3A, %swap3A_23], %add3A_22 {strides = array<i32>} : memref<64x128xf32, #tpu.memory_space<vmem>>, vector<64x128xf32>,
    return
  }
}

module attributes {stable_mosaic.version = 14 : i64} {
  func.func @body(%arg0: i32, %arg1: memref<4096xi32, #tpu.memory_space<vmem>>, %arg2: memref<4096x128xf32, #tpu.memory_space<vmem>>, %arg3: memref<64x128xf32, #tpu.memory_space<vmem>>) attributes {dimension_semantics = [#tpu.dimension_semantics<arbitrary>], iteration_bounds = array<i64: 15>, scalar_prefetch = 0 : i64, scratch_operands = 0 : i64, tpu.core_type = #tpu.core_type<tc>, window_params = [{transform_indices = @transform_0, window_bounds = array<i64: 4096>}, {transform_indices = @transform_1, window_bounds = array<i64: 4096, 128>}, {pipeline_mode = #tpu.pipeline_mode<synchronous>, transform_indices = @transform_2, window_bounds = array<i64: 64, 128>}]} {
    %eq3A = arith.constant 0 : i32
    %eq3A_0 = arith.cmpi eq, %arg0, %eq3A : i32
    %convert_element_type3A = arith.extui %eq3A_0 : i1 to i32
    %cond3A = arith.constant 0 : i32
    %cond3A_1 = arith.cmpi ne, %convert_element_type3A, %cond3A : i32
    scf.if %cond3A_1 {
      %broadcast_in_dim3A_18 = arith.constant 0.000000e+00 : f32
      %broadcast_in_dim3A_19 = vector.broadcast %broadcast_in_dim3A_18 : f32 to vector<64x128xf32>
      %swap3A_20 = arith.constant 0 : index
      %swap3A_21 = arith.constant 0 : index
      %swap3A_22 = vector.load %arg3[%swap3A_20, %swap3A_21] : memref<64x128xf32, #tpu.memory_space<vmem>>, vector<64x128xf32>
      tpu.vector_store %arg3[%swap3A_20, %swap3A_21], %broadcast_in_dim3A_19 {strides = array<i32>} : memref<64x128xf32, #tpu.memory_space<vmem>>, vector<64x128xf32>,
    } else {
    }
    %get3A = arith.constant 0 : index
    %get3A_2 = vector.load %arg1[%get3A] : memref<4096xi32, #tpu.memory_space<vmem>>, vector<4096xi32>
    %reshape3A = vector.shape_cast %get3A_2 : vector<4096xi32> to vector<1x4096xi32>
    %iota3A = tpu.iota {dimensions = array<i32: 0>} : vector<64x4096xi32>
    %broadcast_in_dim3A = vector.shape_cast %reshape3A : vector<1x4096xi32> to vector<1x4096xi32>
    %broadcast_in_dim3A_3 = vector.broadcast %broadcast_in_dim3A : vector<1x4096xi32> to vector<64x4096xi32>
    %eq3A_4 = arith.cmpi eq, %iota3A, %broadcast_in_dim3A_3 : vector<64x4096xi32>
    %convert_element_type3A_5 = arith.extui %eq3A_4 : vector<64x4096xi1> to vector<64x4096xi32>
    %convert_element_type3A_6 = arith.sitofp %convert_element_type3A_5 : vector<64x4096xi32> to vector<64x4096xf32>
    %convert_element_type3A_7 = arith.truncf %convert_element_type3A_6 : vector<64x4096xf32> to vector<64x4096xbf16>
    %get3A_8 = arith.constant 0 : index
    %get3A_9 = arith.constant 0 : index
    %get3A_10 = vector.load %arg2[%get3A_8, %get3A_9] : memref<4096x128xf32, #tpu.memory_space<vmem>>, vector<4096x128xf32>
    %convert_element_type3A_11 = arith.truncf %get3A_10 : vector<4096x128xf32> to vector<4096x128xbf16>
    %get3A_12 = arith.constant 0 : index
    %get3A_13 = arith.constant 0 : index
    %get3A_14 = vector.load %arg3[%get3A_12, %get3A_13] : memref<64x128xf32, #tpu.memory_space<vmem>>, vector<64x128xf32>
    %dot_general3A = arith.constant dense<0.000000e+00> : vector<64x128xf32>
    %dot_general3A_15 = tpu.matmul %convert_element_type3A_7, %convert_element_type3A_11, %dot_general3A {dimension_numbers = #tpu.dot_dimension_numbers<[1], [0], [0], [1], [0, 0, 1, 1], [], []>, transpose_lhs_hint = false} : vector<64x4096xbf16>, vector<4096x128xbf16>, vector<64x128xf32> -> vector<64x128xf32>
    %add3A = arith.addf %get3A_14, %dot_general3A_15 : vector<64x128xf32>
    %swap3A = arith.constant 0 : index
    %swap3A_16 = arith.constant 0 : index
    %swap3A_17 = vector.load %arg3[%swap3A, %swap3A_16] : memref<64x128xf32, #tpu.memory_space<vmem>>, vector<64x128xf32>
    tpu.vector_store %arg3[%swap3A, %swap3A_16], %add3A {strides = array<i32>} : memref<64x128xf32, #tpu.memory_space<vmem>>, vector<64x128xf32>,
    return
  }
  func.func @transform_0(%arg0: i32) -> i32 {
    %c0_i32 = arith.constant 0 : i32
    return %arg0 : i32
  }
  func.func @transform_1(%arg0: i32) -> (i32, i32) {
    %c0_i32 = arith.constant 0 : i32
    %c0_i32_0 = arith.constant 0 : i32
    return %arg0, %c0_i32 : i32, i32
  }
  func.func @transform_2(%arg0: i32) -> (i32, i32) {
    %c0_i32 = arith.constant 0 : i32
    %c0_i32_0 = arith.constant 0 : i32
    %c0_i32_1 = arith.constant 0 : i32
    return %c0_i32, %c0_i32_0 : i32, i32
  }
}

</mosaic_0001>

<sc_bundles>
// kernel: kernel.5.cloned.1.call-start
scs
__scs_entry_jumppad:
0x0: {  	(pc) =	sbr.rel $0x88, $3  }
0x1: {  	(tag) =	ssettag $0x0;
	lr =	simm.s32 $0x1  }
0x2: {  	[smem:$0x3F9D] =	sst lr;
	_ =	strace $0xD0000000  }
0x3: {  	_ = 	snop  }
0x4: {  	_ = 	snop  }
0x5: {  	_ = 	snop  }
0x6: {  	_ = 	snop  }
0x7: {  	_ = 	snop  }
__scs_overlays_trampoline_lowered:
0x8: {  	[smem:$0x3FAC] =	sst s0  }
0x9: {  	[smem:$0x3FAD] =	sst s1  }
0xa: {  	[smem:$0x3FAE] =	sst s2  }
0xb: {  	[smem:$0x3FAF] =	sst s3  }
0xc: {  	[smem:$0x3FB0] =	sst s4  }
0xd: {  	[smem:$0x3FB1] =	sst s5  }
0xe: {  	[smem:$0x3FB2] =	sst s6  }
0xf: {  	[smem:$0x3FB3] =	sst s7  }
0x10: {  	[smem:$0x3FB4] =	sst s8  }
0x11: {  	[smem:$0x3FB5] =	sst s9;
	s0 =	simm.s32 @!p0 $0x0  }
0x12: {  	s1 =	sld [smem:$0x3F9B];
	s0 =	simm.s32 @p0 $0x1  }
0x13: {  	[smem:$0x3FB6] =	sst s0;
	s0 =	simm.s32 @!p1 $0x0  }
0x14: {  	s2 =	sld [smem:$0x3F9A];
	s0 =	simm.s32 @p1 $0x1  }
0x15: {  	[smem:$0x3FB7] =	sst s0;
	s0 =	simm.s32 @!p2 $0x0  }
0x16: {  	s3 =	sld [smem:$0x3FDB];
	s0 =	simm.s32 @p2 $0x1  }
0x17: {  	s4 =	simm.s32 $0x1BF5;
	[smem:$0x3FB9] =	sst s0  }
0x18: {  	s0 =	sld [smem:$0x3F9C];
	_ =	swait.ge [sflag:s4], $0x0  }
0x19: {  	s7 =	sld [smem:$0x3F9D]  }
0x1a: {  	s8 =	sadd.s32 $0xFFFFE003, lr  }
0x1b: {  	s9 =	sadd.s32 $0xFFFFFEF7, lr;
	s5 =	simm.s32 $0xFFFFFFFF;
	p2 =	slt.u32 s8, $0xFFFFF086  }
0x1c: {  	p1 =	slt.u32 s9, $0xF7A;
	s5 =	simm.s32 @!p2 $0x0  }
0x1d: {  	s5 =	simm.s32 @p1 $0x1;
	p0 =	seq.s32 s7, s2  }
0x1e: {  	s7 =	smul.u32 @!p0 $0xF7A, s2;
	p2 =	seq.s32 @!p0 s5, $0x0  }
0x1f: {  	s9 =	smul.u32 $0xF7A, s1;
	s8 =	simm.s32 @!p0 $0x1BF5;
	p2 =	por !p2, p0  }
0x20: {  	[sflag:s8] =	ssyncset.s32 @!p0 $0xFFFFF086;
	s6 =	sadd.s32 @!p0 s3, s7;
	s7 =	simm.s32 @!p0 $0x108  }
0x21: {  	s3 =	sadd.s32 s3, s9;
	s6 =	sadd.s32 @!p0 $0x88, s6;
	s7 =	simm.s32 @p2 $0x1082  }
0x22: {  	[simem:s7], [sflag:s8] =	dma.local @!p0 [hbm:s6], $0xF7A  }
0x23: {  	s9 =	sor.u32 $0xD0000000, s2;
	s6 =	simm.s32 $0x108;
	_ =	swait.ge @!p0 [sflag:s8], $0x0  }
0x24: {  	s3 =	sadd.s32 $0x88, s3;
	s6 =	simm.s32 @!p1 $0x1082;
	[sflag:s4] =	ssyncset.s32 $0xFFFFF086  }
0x25: {  	[simem:s6], [sflag:s4] =	dma.local [hbm:s3], $0xF7A  }
0x26: {  	[smem:$0x3F9D] =	sst s1;
	(tag) =	ssettag s2;
	_ =	strace s9  }
0x27: {  	s1 =	sld [smem:$0x3FAD]  }
0x28: {  	s2 =	sld [smem:$0x3FAE]  }
0x29: {  	s4 =	sld [smem:$0x3FB0]  }
0x2a: {  	p0 =	seq.s32 s5, $0x0;
	s5 =	sld [smem:$0x3FB1]  }
0x2b: {  	s6 =	sld [smem:$0x3FB2]  }
0x2c: {  	s7 =	sld [smem:$0x3FB3]  }
0x2d: {  	s3 =	simm.s32 $0x108;
	s8 =	sld [smem:$0x3FB4]  }
0x2e: {  	s3 =	simm.s32 @!p0 $0x1082;
	s9 =	sld [smem:$0x3FB5]  }
0x2f: {  	lr =	sadd.s32 s0, s3;
	s0 =	sld [smem:$0x3FAC]  }
0x30: {  	s3 =	sld [smem:$0x3FAF]  }
0x31: {  	[smem:$0x3FB8] =	sst s10  }
0x32: {  	s10 =	sld [smem:$0x3FB6];
	_ =	sdelay $0x3  }
0x33: {  	p0 =	seq.s32 s10, $0x1;
	s10 =	sld [smem:$0x3FB8];
	_ =	sdelay $0x3  }
0x34: {  	[smem:$0x3FB8] =	sst s10  }
0x35: {  	s10 =	sld [smem:$0x3FB7];
	_ =	sdelay $0x3  }
0x36: {  	p1 =	seq.s32 s10, $0x1;
	s10 =	sld [smem:$0x3FB8];
	_ =	sdelay $0x3  }
0x37: {  	[smem:$0x3FB8] =	sst s10  }
0x38: {  	s10 =	sld [smem:$0x3FB9]  }
0x39: {  	_ = 	snop;
	(pc) =	sbr.ind lr, $3  }
0x3a: {  	_ = 	snop  }
0x3b: {  	_ = 	snop  }
0x3c: {  	p2 =	seq.s32 s10, $0x1;
	s10 =	sld [smem:$0x3FB8]  }
0x3d: {  	_ =	shalt  }
0x3e: {  	_ =	shalt  }
0x3f: {  	_ =	shalt  }
0x40: {  	_ =	shalt  }
0x41: {  	_ =	shalt  }
0x42: {  	_ =	shalt  }
0x43: {  	_ =	shalt  }
0x44: {  	_ =	shalt  }
0x45: {  	_ =	shalt  }
0x46: {  	_ =	shalt  }
0x47: {  	_ =	shalt  }
0x48: {  	_ =	shalt  }
0x49: {  	_ =	shalt  }
0x4a: {  	_ =	shalt  }
0x4b: {  	_ =	shalt  }
0x4c: {  	_ =	shalt  }
0x4d: {  	_ =	shalt  }
0x4e: {  	_ =	shalt  }
0x4f: {  	_ =	shalt  }
0x50: {  	_ =	shalt  }
0x51: {  	_ =	shalt  }
0x52: {  	_ =	shalt  }
0x53: {  	_ =	shalt  }
0x54: {  	_ =	shalt  }
0x55: {  	_ =	shalt  }
0x56: {  	_ =	shalt  }
0x57: {  	_ =	shalt  }
0x58: {  	_ =	shalt  }
0x59: {  	_ =	shalt  }
0x5a: {  	_ =	shalt  }
0x5b: {  	_ =	shalt  }
0x5c: {  	_ =	shalt  }
0x5d: {  	_ =	shalt  }
0x5e: {  	_ =	shalt  }
0x5f: {  	_ =	shalt  }
0x60: {  	_ =	shalt  }
0x61: {  	_ =	shalt  }
0x62: {  	_ =	shalt  }
0x63: {  	_ =	shalt  }
0x64: {  	_ =	shalt  }
0x65: {  	_ =	shalt  }
0x66: {  	_ =	shalt  }
0x67: {  	_ =	shalt  }
0x68: {  	_ =	shalt  }
0x69: {  	_ =	shalt  }
0x6a: {  	_ =	shalt  }
0x6b: {  	_ =	shalt  }
0x6c: {  	_ =	shalt  }
0x6d: {  	_ =	shalt  }
0x6e: {  	_ =	shalt  }
0x6f: {  	_ =	shalt  }
0x70: {  	_ =	shalt  }
0x71: {  	_ =	shalt  }
0x72: {  	_ =	shalt  }
0x73: {  	_ =	shalt  }
0x74: {  	_ =	shalt  }
0x75: {  	_ =	shalt  }
0x76: {  	_ =	shalt  }
0x77: {  	_ =	shalt  }
0x78: {  	_ =	shalt  }
0x79: {  	_ =	shalt  }
0x7a: {  	_ =	shalt  }
0x7b: {  	_ =	shalt  }
0x7c: {  	_ =	shalt  }
0x7d: {  	_ =	shalt  }
0x7e: {  	_ =	shalt  }
0x7f: {  	_ =	shalt  }
0x80: {  	_ =	shalt  }
0x81: {  	_ =	shalt  }
0x82: {  	_ =	shalt  }
0x83: {  	_ =	shalt  }
0x84: {  	_ =	shalt  }
0x85: {  	_ =	shalt  }
0x86: {  	_ =	shalt  }
0x87: {  	_ =	shalt  }
.Lfunc_end0:
.L_simem_size_0:
called_computation_lowered:
.L_overlay_start_0:
0x88: {  	s2 =	sld [smem:$0x3FD9]  }
0x89: {  	s3 =	sld [smem:$0x3FFE];
	_ =	sdelay $0x1  }
0x8a: {  	s1 =	srdreg.scid  }
0x8b: {  	s0 =	sand.u32 $0x1, s1  }
0x8c: {  	s17 =	sshll.u32 s0, $0xA;
	s2 =	sadd.s32 s3, s2  }
0x8d: {  	s2 =	sadd.s32 s2, s17  }
0x8e: {  	[smem:$0x3FC4] =	sst s2  }
0x8f: {  	_ = 	snop  }
0x90: {  	s2 =	sld [smem:$0x3FC9]  }
0x91: {  	s18 =	sld [smem:$0x3FC8];
	(tm) =	ssettm $0x1  }
0x92: {  	s4 =	sld [smem:$0x3FFB];
	_ =	sdelay $0x3  }
0x93: {  	_ =	strace s4  }
0x94: {  	s4 =	sld [smem:$0x3FFC];
	_ =	sdelay $0x3  }
0x95: {  	_ =	strace s4  }
0x96: {  	s4 =	sld [smem:$0x3FFD];
	_ =	sdelay $0x3  }
0x97: {  	_ =	strace s4  }
0x98: {  	_ =	strace $0x8FFFFFFF  }
0x99: {  	s19 =	sld [smem:$0x3FDB];
	_ =	sdelay $0x1  }
0x9a: {  	s5 =	simm.s32 $_scs_section_size  }
0x9b: {  	s6 =	simm.s32 $_size__tile_overlayer_lowered;
	s7 =	simm.s32 $_tile_overlayer_lowered  }
0x9c: {  	s22 =	simm.s32 $0x1BFF;
	s21 =	sshll.u32 s7, $0x1;
	s4 =	sadd.s32 s5, s19  }
0x9d: {  	s8 =	simm.s32 $0x0;
	s20 =	sshll.u32 s6, $0x1;
	s6 =	sadd.s32 s21, s4  }
0x9e: {  	[timem:s8], [sflag:s22] =	dma.local [hbm:s6], s20  }
0x9f: {  	_ =	swait.ge [sflag:s22], s20  }
0xa0: {  	s5 =	ssub.s32 $0x0, s20;
	[sflag:s22] =	ssyncset.done $0x0  }
0xa1: {  	[sflag:s22] =	ssyncadd.s32 s5;
	_ =	sdelay $0x1  }
0xa2: {  	s23 =	simm.s32 $0x1B8B  }
0xa3: {  	_ =	swait.ge [sflag:s23], $0x1  }
0xa4: {  	[sflag:s23] =	ssyncset.done $0x0  }
0xa5: {  	s25 =	simm.s32 $0x1B8E;
	s24 =	sld [smem:$0x3FFE];
	[sflag:s23] =	ssyncadd.s32 $0xFFFFFFFF  }
0xa6: {  	s26 =	simm.s32 $execute0_lowered;
	[smem:$0x3FD2] =	sst s25  }
0xa7: {  	s6 =	sshll.u32 s26, $0x1;
	_ =	strace $0x80000046;
	[dreg:$0x1] =	wrdreg $0xFFFFFFFF  }
0xa8: {  	s28 =	simm.s32 $_size_execute0_lowered;
	s4 =	sadd.s32 s4, s6;
	[dreg:$0x0] =	wrdreg $0x0  }
0xa9: {  	s6 =	sshll.u32 s28, $0x1;
	[dreg:$0x2] =	wrdreg s4  }
0xaa: {  	[dreg:$0x3] =	wrdreg s6  }
0xab: {  	[dreg:$0x4] =	wrdreg $0xC0  }
0xac: {  	_ =	task [dreg:s8], $0x5FFFF  }
0xad: {  	[dreg:$0x1] =	wrdreg $0xFFFFFFFF  }
0xae: {  	[dreg:$0x0] =	wrdreg $0x60  }
0xaf: {  	[dreg:$0x2] =	wrdreg s2  }
0xb0: {  	[dreg:$0x3] =	wrdreg s18  }
0xb1: {  	[dreg:$0x4] =	wrdreg s24  }
0xb2: {  	[dreg:$0x5] =	wrdreg $0x12E800  }
0xb3: {  	[dreg:$0x6] =	wrdreg $0x9  }
0xb4: {  	_ =	task.clear_ibuf [dreg:s8], $0x7FFFF;
	_ =	strace $0x90000046  }
0xb5: {  	s29 =	simm.s32 $0x9;
	_ =	strace $0x80000048  }
0xb6: {  	_ =	swait.ge [sflag:s29], $0x1  }
0xb7: {  	[sflag:s29] =	ssyncadd.s32 $0xFFFFFFFF  }
0xb8: {  	_ =	strace $0x90000048  }
0xb9: {  	_ =	sfence  }
0xba: {  	s30 =	sld [smem:$0x0];
	_ =	sdelay $0x2  }
0xbb: {  	s31 =	sshll.u32 s1, $0xD;
	s1 =	sshrl.u32 s1, $0x2  }
0xbc: {  	s3 =	sand.u32 $0x4000, s31;
	s1 =	sadd.s32 s1, s30  }
0xbd: {  	s0 =	sor.u32 s3, s0;
	s1 =	sshll.u32 s1, $0x11  }
0xbe: {  	s0 =	sor.u32 s1, s0  }
0xbf: {  	s0 =	sadd.s32 $0x8F2B, s0  }
0xc0: {  	[sflag:s0] =	ssyncadd.remote.s32 $0x1  }
0xc1: {  	_ =	sfence.sel $0xFFFF  }
0xc2: {  	[dreg:$0x0] =	wrdreg $0xFFFFFFFF;
	(pc) =	sbr.abs _section_cstart, $3  }
0xc3: {  	[dreg:$0x1] =	wrdreg $0xFFFFFFFF  }
0xc4: {  	_ =	task.clear_ibuf [dreg:s8], $0x2FFFF;
	_ =	strace $0x9FFFFFFF  }
0xc5: {  	(tm) =	ssettm $0x7FFFFFFF  }
tec
execute0_lowered:
.L_overlay_start_1:
0x0: {  	(tag) =	ssettag $0x1  }
0x1: {  	s0 =	rddreg [dreg:$0x0]  }
0x2: {  	s3 =	rddreg [dreg:$0x1]  }
0x3: {  	s4 =	rddreg [dreg:$0x2]  }
0x4: {  	s1 =	rddreg [dreg:$0x3]  }
0x5: {  	s5 =	srdreg.scid;
	s6 =	stileid.u32;
	s2 =	simm.s32 $0x0  }
0x6: {  	s28 =	simm.s32 $0x10000;
	s29 =	simm.s32 $0x10080;
	s30 =	simm.s32 $0x4000  }
0x7: {  	s31 =	simm.s32 $0x10100;
	s5 =	sand.u32 $0x1, s5;
	s7 =	sshll.u32 s6, $0x1  }
0x8: {  	[smem:$0x7FF] =	sst s2;
	p0 =	sne.s32 s6, $0x0;
	s8 =	smul.u32 $0x380, s5  }
0x9: {  	s7 =	sor.u32 s5, s7;
	_ =	strace $0x80000047;
	s5 =	ssub.s32 $0x2, s5  }
0xa: {  	s9 =	sshll.u32 s7, $0x7;
	s25 =	sshrl.u32 s5, $0x1;
	p1 =	sne.s32 s7, $0x1F  }
0xb: {  	p2 =	sgt.u32 s7, $0xC;
	s4 =	sadd.s32 s8, s4;
	s10 =	sor.u32 $0xF000, s9  }
0xc: {  	s5 =	ssub.s32 s5, s25;
	s11 =	sor.u32 $0x10000, s9;
	s15 =	sor.u32 $0x11000, s9  }
0xd: {  	s20 =	sor.u32 $0x13000, s9;
	s25 =	sor.u32 $0x17000, s9;
	p3 =	sne.s32 @p2 s7, $0x1F  }
0xe: {  	s26 =	sshrl.u32 s10, $0x3;
	s12 =	sshll.u32 s10, $0x4;
	s13 =	sshrl.u32 s11, $0x3  }
0xf: {  	s16 =	sshll.u32 s11, $0x4;
	s17 =	sshrl.u32 s15, $0x3;
	s21 =	sshrl.u32 s20, $0x3  }
0x10: {  	s20 =	sshll.u32 s20, $0x4;
	s6 =	sshll.u32 s25, $0x4;
	p3 =	por p3, !p2  }
0x11: {  	s8 =	sadd.s32 s3, s26;
	s14 =	sadd.s32 s3, s13;
	s10 =	sadd.s32 s0, s16  }
0x12: {  	s18 =	sadd.s32 s3, s17;
	s13 =	sor.u32 $0x14000, s9;
	[dreg:$0x5] =	wrdreg s8  }
0x13: {  	s11 =	sadd.s32 s3, s21;
	s26 =	sshrl.u32 s25, $0x3;
	[dreg:$0x7] =	wrdreg s14  }
0x14: {  	s25 =	sadd.s32 s0, s6;
	s6 =	simm.s32 $0x10180;
	[dreg:$0x8] =	wrdreg s10  }
0x15: {  	s8 =	sadd.s32 s0, s12;
	s12 =	sor.u32 $0x12000, s9;
	[dreg:$0x9] =	wrdreg s18  }
0x16: {  	s14 =	sor.u32 $0x15000, s9;
	[dreg:$0xb] =	wrdreg s11;
	s22 =	sshrl.u32 s13, $0x3  }
0x17: {  	s7 =	sadd.s32 s3, s26;
	s21 =	sshll.u32 s13, $0x4;
	[dreg:$0x18] =	wrdreg s25  }
0x18: {  	s25 =	sadd.s32 $0xC00, s4;
	s4 =	simm.s32 $0x1;
	s13 =	simm.s32 $0xA  }
0x19: {  	[dreg:$0x6] =	wrdreg s8;
	s19 =	sshrl.u32 s12, $0x3;
	s8 =	sshll.u32 s15, $0x4  }
0x1a: {  	s15 =	sshrl.u32 s14, $0x3;
	s11 =	sadd.s32 s3, s22;
	[dreg:$0xf] =	wrdreg s7  }
0x1b: {  	s22 =	sadd.s32 s0, s21;
	s7 =	simm.s32 $0xC000;
	s10 =	sadd.s32 s3, s19  }
0x1c: {  	[dreg:$0xc] =	wrdreg s11;
	s23 =	sadd.s32 s3, s15;
	s11 =	sor.u32 $0x16000, s9  }
0x1d: {  	s9 =	sor.u32 $0x18000, s9;
	s18 =	sadd.s32 s0, s8;
	[dreg:$0x15] =	wrdreg s22  }
0x1e: {  	s19 =	sshll.u32 s12, $0x4;
	s8 =	simm.s32 $0x6;
	[dreg:$0xa] =	wrdreg s10  }
0x1f: {  	s12 =	simm.s32 $0x3;
	[dreg:$0xd] =	wrdreg s23;
	s24 =	sshrl.u32 s11, $0x3  }
0x20: {  	s16 =	sshrl.u32 s9, $0x3;
	[dreg:$0x12] =	wrdreg s18;
	s23 =	sshll.u32 s14, $0x4  }
0x21: {  	s26 =	sshll.u32 s9, $0x4;
	s9 =	simm.s32 $0x2;
	s10 =	simm.s32 $0x9  }
0x22: {  	s14 =	simm.s32 $0x8;
	s15 =	sadd.s32 s3, s24;
	s17 =	sadd.s32 s3, s16  }
0x23: {  	s3 =	sadd.s32 $0x30D0, s3;
	s24 =	sshll.u32 s11, $0x4;
	[dreg:$0xe] =	wrdreg s15  }
0x24: {  	s11 =	simm.s32 $0x7;
	s16 =	simm.s32 $0xB;
	[dreg:$0x10] =	wrdreg s17  }
0x25: {  	[dreg:$0x11] =	wrdreg s3;
	s3 =	sadd.s32 s0, s19;
	s15 =	simm.s32 $0x4  }
.Ltmp0:
0x26: {  	[dreg:$0x13] =	wrdreg s3;
	s3 =	sadd.s32 s0, s20;
	(pc) =	sbr.rel .LBB2_1-.Ltmp0, $4  }
0x27: {  	s17 =	simm.s32 $0xC;
	[dreg:$0x14] =	wrdreg s3;
	s3 =	sadd.s32 s0, s23  }
0x28: {  	s23 =	sadd.s32 s0, s26;
	s26 =	smax.u32 s5, $0x1;
	s5 =	simm.s32 $0x80  }
0x29: {  	[dreg:$0x16] =	wrdreg s3;
	s3 =	sadd.s32 s0, s24;
	s24 =	sadd.s32 $0x186800, s0  }
0x2a: {  	v0 =	vimm.f32 $0.0e+00;
	s0 =	simm.s32 $0x8000;
	[dreg:$0x17] =	wrdreg s3;
	s3 =	simm.s32 $0x5  }
.LBB2_3:
0x2b: {  	[bflag:$0x0] =	sbarrier.arrive $0xFFFF  }
0x2c: {  	s18 =	rddreg [dreg:$0x9]  }
0x2d: {  	[tilespmem:s31], [sflag:$0x7] =	stream.linear.gather [hbm4b:s18+s2], $0x80, $0x38;
	[tilespmem:$0x13010] =	vst v63  }
0x2e: {  	s22 =	rddreg [dreg:$0x12]  }
0x2f: {  	[tilespmem:s0], [sflag:$0x3] =	stream.linear.gather [hbm4b:s22+s2], $0x4000, $0x38;
	[tilespmem:$0x13010] =	vst v63  }
0x30: {  	_ =	swait.ge [sflag:s3], $0x80  }
0x31: {  	[sflag:s3] =	ssyncset.done $0x0  }
0x32: {  	[sflag:s3] =	ssyncadd.s32 $0xFFFFFF80  }
0x33: {  	_ =	swait.ge [sflag:s4], $0x4000  }
0x34: {  	[sflag:s4] =	ssyncset.done $0x0  }
0x35: {  	[sflag:s4] =	ssyncadd.s32 $0xFFFFC000  }
0x36: {  	[spmem:s1] =	stream.indirect.scatter.add.f32 [tilespmem:s2], [sflag:$0x9], $0x80, s28, s5, $0xb8;
	[tilespmem:$0x13010] =	vst v63  }
0x37: {  	s19 =	rddreg [dreg:$0xa]  }
0x38: {  	[tilespmem:s6], [sflag:$0x8] =	stream.linear.gather [hbm4b:s19+s2], $0x80, $0x38;
	[tilespmem:$0x13010] =	vst v63  }
0x39: {  	s20 =	rddreg [dreg:$0x13]  }
0x3a: {  	[tilespmem:s7], [sflag:$0x4] =	stream.linear.gather [hbm4b:s20+s2], $0x4000, $0x38;
	[tilespmem:$0x13010] =	vst v63  }
0x3b: {  	_ =	swait.ge [sflag:s8], $0x80  }
0x3c: {  	[sflag:s8] =	ssyncset.done $0x0  }
0x3d: {  	[sflag:s8] =	ssyncadd.s32 $0xFFFFFF80  }
0x3e: {  	_ =	swait.ge [sflag:s9], $0x4000  }
0x3f: {  	[sflag:s9] =	ssyncset.done $0x0  }
0x40: {  	[sflag:s9] =	ssyncadd.s32 $0xFFFFC000  }
0x41: {  	[spmem:s1] =	stream.indirect.scatter.add.f32 [tilespmem:s30], [sflag:$0xA], $0x80, s29, s5, $0xb8;
	[tilespmem:$0x13010] =	vst v63  }
0x42: {  	_ =	swait.ge [sflag:s10], $0x4000  }
0x43: {  	[sflag:s10] =	ssyncset.done $0x0  }
0x44: {  	s21 =	rddreg [dreg:$0xb];
	[sflag:s10] =	ssyncadd.s32 $0xFFFFC000  }
0x45: {  	[tilespmem:s28], [sflag:$0x5] =	stream.linear.gather [hbm4b:s21+s2], $0x80, $0x38;
	[tilespmem:$0x13010] =	vst v63  }
0x46: {  	s22 =	rddreg [dreg:$0x14]  }
0x47: {  	[tilespmem:s2], [sflag:$0x1] =	stream.linear.gather [hbm4b:s22+s2], $0x4000, $0x38;
	[tilespmem:$0x13010] =	vst v63  }
0x48: {  	_ =	swait.ge [sflag:s11], $0x80  }
0x49: {  	[sflag:s11] =	ssyncset.done $0x0  }
0x4a: {  	[sflag:s11] =	ssyncadd.s32 $0xFFFFFF80  }
0x4b: {  	_ =	swait.ge [sflag:s12], $0x4000  }
0x4c: {  	[sflag:s12] =	ssyncset.done $0x0  }
0x4d: {  	[sflag:s12] =	ssyncadd.s32 $0xFFFFC000  }
0x4e: {  	[spmem:s1] =	stream.indirect.scatter.add.f32 [tilespmem:s0], [sflag:$0xB], $0x80, s31, s5, $0xb8;
	[tilespmem:$0x13010] =	vst v63  }
0x4f: {  	_ =	swait.ge [sflag:s13], $0x4000  }
0x50: {  	[sflag:s13] =	ssyncset.done $0x0  }
0x51: {  	s19 =	rddreg [dreg:$0xc];
	[sflag:s13] =	ssyncadd.s32 $0xFFFFC000  }
0x52: {  	[tilespmem:s29], [sflag:$0x6] =	stream.linear.gather [hbm4b:s19+s2], $0x80, $0x38;
	[tilespmem:$0x13010] =	vst v63  }
0x53: {  	s20 =	rddreg [dreg:$0x15]  }
0x54: {  	[tilespmem:s30], [sflag:$0x2] =	stream.linear.gather [hbm4b:s20+s2], $0x4000, $0x38;
	[tilespmem:$0x13010] =	vst v63  }
0x55: {  	_ =	swait.ge [sflag:s14], $0x80  }
0x56: {  	[sflag:s14] =	ssyncset.done $0x0  }
0x57: {  	[sflag:s14] =	ssyncadd.s32 $0xFFFFFF80  }
0x58: {  	_ =	swait.ge [sflag:s15], $0x4000  }
0x59: {  	[sflag:s15] =	ssyncset.done $0x0  }
0x5a: {  	[sflag:s15] =	ssyncadd.s32 $0xFFFFC000  }
0x5b: {  	[spmem:s1] =	stream.indirect.scatter.add.f32 [tilespmem:s7], [sflag:$0xC], $0x80, s6, s5, $0xb8;
	[tilespmem:$0x13010] =	vst v63  }
0x5c: {  	_ =	swait.ge [sflag:s16], $0x4000  }
0x5d: {  	[sflag:s16] =	ssyncset.done $0x0  }
0x5e: {  	s21 =	rddreg [dreg:$0xd];
	[sflag:s16] =	ssyncadd.s32 $0xFFFFC000  }
0x5f: {  	[tilespmem:s31], [sflag:$0x7] =	stream.linear.gather [hbm4b:s21+s2], $0x80, $0x38;
	[tilespmem:$0x13010] =	vst v63  }
0x60: {  	s22 =	rddreg [dreg:$0x16]  }
0x61: {  	[tilespmem:s0], [sflag:$0x3] =	stream.linear.gather [hbm4b:s22+s2], $0x4000, $0x38;
	[tilespmem:$0x13010] =	vst v63  }
0x62: {  	_ =	swait.ge [sflag:s3], $0x80  }
0x63: {  	[sflag:s3] =	ssyncset.done $0x0  }
0x64: {  	[sflag:s3] =	ssyncadd.s32 $0xFFFFFF80  }
0x65: {  	_ =	swait.ge [sflag:s4], $0x4000  }
0x66: {  	[sflag:s4] =	ssyncset.done $0x0  }
0x67: {  	[sflag:s4] =	ssyncadd.s32 $0xFFFFC000  }
0x68: {  	[spmem:s1] =	stream.indirect.scatter.add.f32 [tilespmem:s2], [sflag:$0x9], $0x80, s28, s5, $0xb8;
	[tilespmem:$0x13010] =	vst v63  }
0x69: {  	_ =	swait.ge [sflag:s17], $0x4000  }
0x6a: {  	[sflag:s17] =	ssyncset.done $0x0  }
0x6b: {  	s19 =	rddreg [dreg:$0xe];
	[sflag:s17] =	ssyncadd.s32 $0xFFFFC000  }
0x6c: {  	[tilespmem:s6], [sflag:$0x8] =	stream.linear.gather [hbm4b:s19+s2], $0x80, $0x38;
	[tilespmem:$0x13010] =	vst v63  }
0x6d: {  	s20 =	rddreg [dreg:$0x17]  }
0x6e: {  	[tilespmem:s7], [sflag:$0x4] =	stream.linear.gather [hbm4b:s20+s2], $0x4000, $0x38;
	[tilespmem:$0x13010] =	vst v63  }
0x6f: {  	_ =	swait.ge [sflag:s8], $0x80  }
0x70: {  	[sflag:s8] =	ssyncset.done $0x0  }
0x71: {  	[sflag:s8] =	ssyncadd.s32 $0xFFFFFF80  }
0x72: {  	_ =	swait.ge [sflag:s9], $0x4000  }
0x73: {  	[sflag:s9] =	ssyncset.done $0x0  }
0x74: {  	[sflag:s9] =	ssyncadd.s32 $0xFFFFC000  }
0x75: {  	[spmem:s1] =	stream.indirect.scatter.add.f32 [tilespmem:s30], [sflag:$0xA], $0x80, s29, s5, $0xb8;
	[tilespmem:$0x13010] =	vst v63  }
0x76: {  	_ =	swait.ge [sflag:s10], $0x4000  }
0x77: {  	[sflag:s10] =	ssyncset.done $0x0  }
0x78: {  	s21 =	rddreg [dreg:$0xf];
	[sflag:s10] =	ssyncadd.s32 $0xFFFFC000  }
0x79: {  	[tilespmem:s28], [sflag:$0x5] =	stream.linear.gather [hbm4b:s21+s2], $0x80, $0x38;
	[tilespmem:$0x13010] =	vst v63  }
0x7a: {  	s22 =	rddreg [dreg:$0x18]  }
0x7b: {  	[tilespmem:s2], [sflag:$0x1] =	stream.linear.gather [hbm4b:s22+s2], $0x4000, $0x38;
	[tilespmem:$0x13010] =	vst v63  }
0x7c: {  	_ =	swait.ge [sflag:s11], $0x80  }
0x7d: {  	[sflag:s11] =	ssyncset.done $0x0  }
0x7e: {  	[sflag:s11] =	ssyncadd.s32 $0xFFFFFF80  }
0x7f: {  	_ =	swait.ge [sflag:s12], $0x4000  }
0x80: {  	[sflag:s12] =	ssyncset.done $0x0  }
0x81: {  	[sflag:s12] =	ssyncadd.s32 $0xFFFFC000  }
0x82: {  	[spmem:s1] =	stream.indirect.scatter.add.f32 [tilespmem:s0], [sflag:$0xB], $0x80, s31, s5, $0xb8;
	[tilespmem:$0x13010] =	vst v63  }
0x83: {  	_ =	swait.ge [sflag:s13], $0x4000  }
0x84: {  	s18 =	simm.s32 @!p2 $0x0;
	[sflag:s13] =	ssyncset.done $0x0  }
0x85: {  	s19 =	simm.s32 @!p2 $0x10080;
	s20 =	rddreg [dreg:$0x10];
	[sflag:s13] =	ssyncadd.s32 $0xFFFFC000  }
0x86: {  	[tilespmem:s19], [sflag:$0x6] =	stream.linear.gather @!p2 [hbm4b:s20+s18], $0x80, $0x38;
	[tilespmem:$0x13010] =	vst v63  }
0x87: {  	s20 =	simm.s32 @!p2 $0x4000  }
0x88: {  	[tilespmem:s20], [sflag:$0x2] =	stream.linear.gather @!p2 [hbm4b:s23+s18], $0x4000, $0x38;
	[tilespmem:$0x13010] =	vst v63  }
0x89: {  	_ =	swait.ge [sflag:s14], $0x80  }
0x8a: {  	[sflag:s14] =	ssyncset.done $0x0  }
0x8b: {  	[sflag:s14] =	ssyncadd.s32 $0xFFFFFF80  }
0x8c: {  	_ =	swait.ge [sflag:s15], $0x4000  }
0x8d: {  	[sflag:s15] =	ssyncset.done $0x0  }
0x8e: {  	[sflag:s15] =	ssyncadd.s32 $0xFFFFC000  }
0x8f: {  	[spmem:s1] =	stream.indirect.scatter.add.f32 [tilespmem:s7], [sflag:$0xC], $0x80, s6, s5, $0xb8;
	[tilespmem:$0x13010] =	vst v63  }
0x90: {  	_ =	swait.ge [sflag:s16], $0x4000  }
0x91: {  	[sflag:s16] =	ssyncset.done $0x0  }
0x92: {  	[sflag:s16] =	ssyncadd.s32 $0xFFFFC000  }
0x93: {  	_ =	swait.ge [sflag:s3], $0x80  }
0x94: {  	[sflag:s3] =	ssyncset.done $0x0  }
0x95: {  	[sflag:s3] =	ssyncadd.s32 $0xFFFFFF80  }
0x96: {  	_ =	swait.ge [sflag:s4], $0x4000  }
0x97: {  	[sflag:s4] =	ssyncset.done $0x0  }
0x98: {  	[sflag:s4] =	ssyncadd.s32 $0xFFFFC000  }
0x99: {  	[spmem:s1] =	stream.indirect.scatter.add.f32 [tilespmem:s2], [sflag:$0x9], $0x80, s28, s5, $0xb8;
	[tilespmem:$0x13010] =	vst v63  }
0x9a: {  	_ =	swait.ge [sflag:s17], $0x4000  }
0x9b: {  	[sflag:s17] =	ssyncset.done $0x0  }
0x9c: {  	s18 =	simm.s32 @p2 $0x9;
	[sflag:s17] =	ssyncadd.s32 $0xFFFFC000  }
0x9d: {  	_ =	swait.ge @p2 [sflag:s18], $0x4000  }
0x9e: {  	[sflag:s18] =	ssyncset.done @p2 $0x0  }
0x9f: {  	[sflag:s18] =	ssyncadd.s32 @p2 $0xFFFFC000;
	s18 =	simm.s32 @!p3 $0xD  }
0xa0: {  	_ =	swait.ge @!p3 [sflag:s18], $0x20  }
0xa1: {  	[sflag:s18] =	ssyncset.done @!p3 $0x0  }
0xa2: {  	[sflag:s18] =	ssyncadd.s32 @!p3 $0xFFFFFFE0  }
0xa3: {  	_ =	swait.ge @!p3 [sflag:s18], $0x1000  }
0xa4: {  	s21 =	simm.s32 @!p3 $0x11200;
	[sflag:s18] =	ssyncset.done @!p3 $0x0  }
0xa5: {  	s22 =	simm.s32 @!p3 $0x10200;
	[sflag:s18] =	ssyncadd.s32 @!p3 $0xFFFFF000;
	s18 =	simm.s32 @!p3 $0x20  }
0xa6: {  	[spmem:s1] =	stream.indirect.scatter.add.f32 @!p3 [tilespmem:s22], [sflag:$0xE], $0x80, s21, s18, $0xb8;
	[tilespmem:$0x13010] =	vst v63  }
0xa7: {  	s18 =	simm.s32 @!p3 $0xE  }
0xa8: {  	_ =	swait.ge @!p3 [sflag:s18], $0x1000  }
0xa9: {  	[sflag:s18] =	ssyncset.done @!p3 $0x0  }
0xaa: {  	[sflag:s18] =	ssyncadd.s32 @!p3 $0xFFFFF000;
	s18 =	simm.s32 @!p2 $0x6  }
0xab: {  	_ =	swait.ge @!p2 [sflag:s18], $0x80  }
0xac: {  	[sflag:s18] =	ssyncset.done @!p2 $0x0  }
0xad: {  	[sflag:s18] =	ssyncadd.s32 @!p2 $0xFFFFFF80;
	s18 =	simm.s32 @!p2 $0x2  }
0xae: {  	_ =	swait.ge @!p2 [sflag:s18], $0x4000  }
0xaf: {  	[sflag:s18] =	ssyncset.done @!p2 $0x0  }
0xb0: {  	[sflag:s18] =	ssyncadd.s32 @!p2 $0xFFFFC000;
	s18 =	simm.s32 @!p2 $0x80  }
0xb1: {  	[spmem:s1] =	stream.indirect.scatter.add.f32 @!p2 [tilespmem:s20], [sflag:$0xA], $0x80, s19, s18, $0xb8;
	[tilespmem:$0x13010] =	vst v63  }
0xb2: {  	s18 =	simm.s32 @!p2 $0x9  }
0xb3: {  	_ =	swait.ge @!p2 [sflag:s18], $0x4000  }
0xb4: {  	[sflag:s18] =	ssyncset.done @!p2 $0x0  }
0xb5: {  	[sflag:s18] =	ssyncadd.s32 @!p2 $0xFFFFC000;
	s18 =	simm.s32 @!p2 $0xA  }
0xb6: {  	_ =	swait.ge @!p2 [sflag:s18], $0x4000  }
0xb7: {  	s26 =	sadd.s32 $0xFFFFFFFF, s26;
	[sflag:s18] =	ssyncset.done @!p2 $0x0  }
0xb8: {  	p4 =	sne.s32 s26, $0x0;
	[sflag:s18] =	ssyncadd.s32 @!p2 $0xFFFFC000  }
0xb9: {  	s19 =	simm.s32 @!p0 $0x1C0E;
	s18 =	sshrl.u32 @!p0 s1, $0x3;
	[bflag:$0x0] =	sbarrier.arrive $0xFFFF  }
0xba: {  	[hbm:s25], [sflag:s19] =	dma.local @!p0 [spmem:s18], $0x320  }
.Ltmp1:
0xbb: {  	_ = 	snop;
	(pc) =	sbr.rel @!p4 .LBB2_4-.Ltmp1, $4  }
0xbc: {  	s18 =	simm.s32 @!p0 $0xE  }
0xbd: {  	_ =	swait.ge @!p0 [sflag:s18], $0x320  }
0xbe: {  	[sflag:s18] =	ssyncset.done @!p0 $0x0  }
0xbf: {  	[sflag:s18] =	ssyncadd.s32 @!p0 $0xFFFFFCE0  }
.LBB2_1:
0xc0: {  	s18 =	rddreg [dreg:$0x5]  }
0xc1: {  	[tilespmem:s28], [sflag:$0x5] =	stream.linear.gather [hbm4b:s18+s2], $0x80, $0x38;
	[tilespmem:$0x13010] =	vst v63  }
0xc2: {  	s20 =	rddreg [dreg:$0x6]  }
0xc3: {  	[tilespmem:s2], [sflag:$0x1] =	stream.linear.gather [hbm4b:s20+s2], $0x4000, $0x38;
	[tilespmem:$0x13010] =	vst v63  }
0xc4: {  	s21 =	rddreg [dreg:$0x7]  }
0xc5: {  	[tilespmem:s29], [sflag:$0x6] =	stream.linear.gather [hbm4b:s21+s2], $0x80, $0x38;
	[tilespmem:$0x13010] =	vst v63  }
0xc6: {  	s22 =	rddreg [dreg:$0x8]  }
0xc7: {  	[tilespmem:s30], [sflag:$0x2] =	stream.linear.gather [hbm4b:s22+s2], $0x4000, $0x38;
	[tilespmem:$0x13010] =	vst v63  }
.Ltmp2:
0xc8: {  	_ = 	snop;
	(pc) =	sbr.rel @p0 .LBB2_3-.Ltmp2, $4  }
0xc9: {  	s19 =	simm.s32 @!p1 $0x11200;
	s18 =	simm.s32 @!p1 $0x0;
	s20 =	rddreg [dreg:$0x11]  }
0xca: {  	[tilespmem:s19], [sflag:$0xD] =	stream.linear.gather @!p1 [hbm4b:s20+s18], $0x20, $0x38;
	[tilespmem:$0x13010] =	vst v63  }
0xcb: {  	s19 =	simm.s32 @!p1 $0x10200  }
0xcc: {  	[tilespmem:s19], [sflag:$0xD] =	stream.linear.gather @!p1 [hbm4b:s24+s18], $0x1000, $0x38;
	[tilespmem:$0x13010] =	vst v63  }
0xcd: {  	[tilespmem:$0x11280] =	vst v0  }
0xce: {  	[tilespmem:$0x11290] =	vst v0  }
0xcf: {  	[tilespmem:$0x112A0] =	vst v0  }
0xd0: {  	[tilespmem:$0x112B0] =	vst v0  }
0xd1: {  	[tilespmem:$0x112C0] =	vst v0  }
0xd2: {  	[tilespmem:$0x112D0] =	vst v0  }
0xd3: {  	[tilespmem:$0x112E0] =	vst v0  }
0xd4: {  	[tilespmem:$0x112F0] =	vst v0  }
0xd5: {  	[tilespmem:$0x11300] =	vst v0  }
0xd6: {  	[tilespmem:$0x11310] =	vst v0  }
0xd7: {  	[tilespmem:$0x11320] =	vst v0  }
0xd8: {  	[tilespmem:$0x11330] =	vst v0  }
0xd9: {  	[tilespmem:$0x11340] =	vst v0  }
0xda: {  	[tilespmem:$0x11350] =	vst v0  }
0xdb: {  	[tilespmem:$0x11360] =	vst v0  }
0xdc: {  	[tilespmem:$0x11370] =	vst v0  }
0xdd: {  	[tilespmem:$0x11380] =	vst v0  }
0xde: {  	[tilespmem:$0x11390] =	vst v0  }
0xdf: {  	[tilespmem:$0x113A0] =	vst v0  }
0xe0: {  	[tilespmem:$0x113B0] =	vst v0  }
0xe1: {  	[tilespmem:$0x113C0] =	vst v0  }
0xe2: {  	[tilespmem:$0x113D0] =	vst v0  }
0xe3: {  	[tilespmem:$0x113E0] =	vst v0  }
0xe4: {  	[tilespmem:$0x113F0] =	vst v0  }
0xe5: {  	[tilespmem:$0x11400] =	vst v0  }
0xe6: {  	[tilespmem:$0x11410] =	vst v0  }
0xe7: {  	[tilespmem:$0x11420] =	vst v0  }
0xe8: {  	[tilespmem:$0x11430] =	vst v0  }
0xe9: {  	[tilespmem:$0x11440] =	vst v0  }
0xea: {  	[tilespmem:$0x11450] =	vst v0  }
0xeb: {  	[tilespmem:$0x11460] =	vst v0  }
0xec: {  	[tilespmem:$0x11470] =	vst v0  }
0xed: {  	[tilespmem:$0x11480] =	vst v0  }
0xee: {  	[tilespmem:$0x11490] =	vst v0  }
0xef: {  	[tilespmem:$0x114A0] =	vst v0  }
0xf0: {  	[tilespmem:$0x114B0] =	vst v0  }
0xf1: {  	[tilespmem:$0x114C0] =	vst v0  }
0xf2: {  	[tilespmem:$0x114D0] =	vst v0  }
0xf3: {  	[tilespmem:$0x114E0] =	vst v0  }
0xf4: {  	[tilespmem:$0x114F0] =	vst v0  }
0xf5: {  	[tilespmem:$0x11500] =	vst v0  }
0xf6: {  	[tilespmem:$0x11510] =	vst v0  }
0xf7: {  	[tilespmem:$0x11520] =	vst v0  }
0xf8: {  	[tilespmem:$0x11530] =	vst v0  }
0xf9: {  	[tilespmem:$0x11540] =	vst v0  }
0xfa: {  	[tilespmem:$0x11550] =	vst v0  }
0xfb: {  	[tilespmem:$0x11560] =	vst v0  }
0xfc: {  	[tilespmem:$0x11570] =	vst v0  }
0xfd: {  	[tilespmem:$0x11580] =	vst v0  }
0xfe: {  	[tilespmem:$0x11590] =	vst v0  }
0xff: {  	[tilespmem:$0x115A0] =	vst v0  }
0x100: {  	[tilespmem:$0x115B0] =	vst v0  }
0x101: {  	[tilespmem:$0x115C0] =	vst v0  }
0x102: {  	[tilespmem:$0x115D0] =	vst v0  }
0x103: {  	[tilespmem:$0x115E0] =	vst v0  }
0x104: {  	[tilespmem:$0x115F0] =	vst v0  }
0x105: {  	[tilespmem:$0x11600] =	vst v0  }
0x106: {  	[tilespmem:$0x11610] =	vst v0  }
0x107: {  	[tilespmem:$0x11620] =	vst v0  }
0x108: {  	[tilespmem:$0x11630] =	vst v0  }
0x109: {  	[tilespmem:$0x11640] =	vst v0  }
0x10a: {  	[tilespmem:$0x11650] =	vst v0  }
0x10b: {  	[tilespmem:$0x11660] =	vst v0  }
0x10c: {  	[tilespmem:$0x11670] =	vst v0  }
0x10d: {  	[tilespmem:$0x11680] =	vst v0  }
0x10e: {  	[tilespmem:$0x11690] =	vst v0  }
0x10f: {  	[tilespmem:$0x116A0] =	vst v0  }
0x110: {  	[tilespmem:$0x116B0] =	vst v0  }
0x111: {  	[tilespmem:$0x116C0] =	vst v0  }
0x112: {  	[tilespmem:$0x116D0] =	vst v0  }
0x113: {  	[tilespmem:$0x116E0] =	vst v0  }
0x114: {  	[tilespmem:$0x116F0] =	vst v0  }
0x115: {  	[tilespmem:$0x11700] =	vst v0  }
0x116: {  	[tilespmem:$0x11710] =	vst v0  }
0x117: {  	[tilespmem:$0x11720] =	vst v0  }
0x118: {  	[tilespmem:$0x11730] =	vst v0  }
0x119: {  	[tilespmem:$0x11740] =	vst v0  }
0x11a: {  	[tilespmem:$0x11750] =	vst v0  }
0x11b: {  	[tilespmem:$0x11760] =	vst v0  }
0x11c: {  	[tilespmem:$0x11770] =	vst v0  }
0x11d: {  	[tilespmem:$0x11780] =	vst v0  }
0x11e: {  	[tilespmem:$0x11790] =	vst v0  }
0x11f: {  	[tilespmem:$0x117A0] =	vst v0  }
0x120: {  	[tilespmem:$0x117B0] =	vst v0  }
0x121: {  	[tilespmem:$0x117C0] =	vst v0  }
0x122: {  	[tilespmem:$0x117D0] =	vst v0  }
0x123: {  	[tilespmem:$0x117E0] =	vst v0  }
0x124: {  	[tilespmem:$0x117F0] =	vst v0  }
0x125: {  	[tilespmem:$0x11800] =	vst v0  }
0x126: {  	[tilespmem:$0x11810] =	vst v0  }
0x127: {  	[tilespmem:$0x11820] =	vst v0  }
0x128: {  	[tilespmem:$0x11830] =	vst v0  }
0x129: {  	[tilespmem:$0x11840] =	vst v0  }
0x12a: {  	[tilespmem:$0x11850] =	vst v0  }
0x12b: {  	[tilespmem:$0x11860] =	vst v0  }
0x12c: {  	[tilespmem:$0x11870] =	vst v0  }
0x12d: {  	[tilespmem:$0x11880] =	vst v0  }
0x12e: {  	[tilespmem:$0x11890] =	vst v0  }
0x12f: {  	[tilespmem:$0x118A0] =	vst v0  }
0x130: {  	[tilespmem:$0x118B0] =	vst v0  }
0x131: {  	[tilespmem:$0x118C0] =	vst v0  }
0x132: {  	[tilespmem:$0x118D0] =	vst v0  }
0x133: {  	[tilespmem:$0x118E0] =	vst v0  }
0x134: {  	[tilespmem:$0x118F0] =	vst v0  }
0x135: {  	[tilespmem:$0x11900] =	vst v0  }
0x136: {  	[tilespmem:$0x11910] =	vst v0  }
0x137: {  	[tilespmem:$0x11920] =	vst v0  }
0x138: {  	[tilespmem:$0x11930] =	vst v0  }
0x139: {  	[tilespmem:$0x11940] =	vst v0  }
0x13a: {  	[tilespmem:$0x11950] =	vst v0  }
0x13b: {  	[tilespmem:$0x11960] =	vst v0  }
0x13c: {  	[tilespmem:$0x11970] =	vst v0  }
0x13d: {  	[tilespmem:$0x11980] =	vst v0  }
0x13e: {  	[tilespmem:$0x11990] =	vst v0  }
0x13f: {  	[tilespmem:$0x119A0] =	vst v0  }
0x140: {  	[tilespmem:$0x119B0] =	vst v0  }
0x141: {  	[tilespmem:$0x119C0] =	vst v0  }
0x142: {  	[tilespmem:$0x119D0] =	vst v0  }
0x143: {  	[tilespmem:$0x119E0] =	vst v0  }
0x144: {  	[tilespmem:$0x119F0] =	vst v0  }
0x145: {  	[tilespmem:$0x11A00] =	vst v0  }
0x146: {  	[tilespmem:$0x11A10] =	vst v0  }
0x147: {  	[tilespmem:$0x11A20] =	vst v0  }
0x148: {  	[tilespmem:$0x11A30] =	vst v0  }
0x149: {  	[tilespmem:$0x11A40] =	vst v0  }
0x14a: {  	[tilespmem:$0x11A50] =	vst v0  }
0x14b: {  	[tilespmem:$0x11A60] =	vst v0  }
0x14c: {  	[tilespmem:$0x11A70] =	vst v0  }
0x14d: {  	[tilespmem:$0x11A80] =	vst v0  }
0x14e: {  	[tilespmem:$0x11A90] =	vst v0  }
0x14f: {  	[tilespmem:$0x11AA0] =	vst v0  }
0x150: {  	[tilespmem:$0x11AB0] =	vst v0  }
0x151: {  	[tilespmem:$0x11AC0] =	vst v0  }
0x152: {  	[tilespmem:$0x11AD0] =	vst v0  }
0x153: {  	[tilespmem:$0x11AE0] =	vst v0  }
0x154: {  	[tilespmem:$0x11AF0] =	vst v0  }
0x155: {  	[tilespmem:$0x11B00] =	vst v0  }
0x156: {  	[tilespmem:$0x11B10] =	vst v0  }
0x157: {  	[tilespmem:$0x11B20] =	vst v0  }
0x158: {  	[tilespmem:$0x11B30] =	vst v0  }
0x159: {  	[tilespmem:$0x11B40] =	vst v0  }
0x15a: {  	[tilespmem:$0x11B50] =	vst v0  }
0x15b: {  	[tilespmem:$0x11B60] =	vst v0  }
0x15c: {  	[tilespmem:$0x11B70] =	vst v0  }
0x15d: {  	[tilespmem:$0x11B80] =	vst v0  }
0x15e: {  	[tilespmem:$0x11B90] =	vst v0  }
0x15f: {  	[tilespmem:$0x11BA0] =	vst v0  }
0x160: {  	[tilespmem:$0x11BB0] =	vst v0  }
0x161: {  	[tilespmem:$0x11BC0] =	vst v0  }
0x162: {  	[tilespmem:$0x11BD0] =	vst v0  }
0x163: {  	[tilespmem:$0x11BE0] =	vst v0  }
0x164: {  	[tilespmem:$0x11BF0] =	vst v0  }
0x165: {  	[tilespmem:$0x11C00] =	vst v0  }
0x166: {  	[tilespmem:$0x11C10] =	vst v0  }
0x167: {  	[tilespmem:$0x11C20] =	vst v0  }
0x168: {  	[tilespmem:$0x11C30] =	vst v0  }
0x169: {  	[tilespmem:$0x11C40] =	vst v0  }
0x16a: {  	[tilespmem:$0x11C50] =	vst v0  }
0x16b: {  	[tilespmem:$0x11C60] =	vst v0  }
0x16c: {  	[tilespmem:$0x11C70] =	vst v0  }
0x16d: {  	[tilespmem:$0x11C80] =	vst v0  }
0x16e: {  	[tilespmem:$0x11C90] =	vst v0  }
0x16f: {  	[tilespmem:$0x11CA0] =	vst v0  }
0x170: {  	[tilespmem:$0x11CB0] =	vst v0  }
0x171: {  	[tilespmem:$0x11CC0] =	vst v0  }
0x172: {  	[tilespmem:$0x11CD0] =	vst v0  }
0x173: {  	[tilespmem:$0x11CE0] =	vst v0  }
0x174: {  	[tilespmem:$0x11CF0] =	vst v0  }
0x175: {  	[tilespmem:$0x11D00] =	vst v0  }
0x176: {  	[tilespmem:$0x11D10] =	vst v0  }
0x177: {  	[tilespmem:$0x11D20] =	vst v0  }
0x178: {  	[tilespmem:$0x11D30] =	vst v0  }
0x179: {  	[tilespmem:$0x11D40] =	vst v0  }
0x17a: {  	[tilespmem:$0x11D50] =	vst v0  }
0x17b: {  	[tilespmem:$0x11D60] =	vst v0  }
0x17c: {  	[tilespmem:$0x11D70] =	vst v0  }
0x17d: {  	[tilespmem:$0x11D80] =	vst v0  }
0x17e: {  	[tilespmem:$0x11D90] =	vst v0  }
0x17f: {  	[tilespmem:$0x11DA0] =	vst v0  }
0x180: {  	[tilespmem:$0x11DB0] =	vst v0  }
0x181: {  	[tilespmem:$0x11DC0] =	vst v0  }
0x182: {  	[tilespmem:$0x11DD0] =	vst v0  }
0x183: {  	[tilespmem:$0x11DE0] =	vst v0  }
0x184: {  	[tilespmem:$0x11DF0] =	vst v0  }
0x185: {  	[tilespmem:$0x11E00] =	vst v0  }
0x186: {  	[tilespmem:$0x11E10] =	vst v0  }
0x187: {  	[tilespmem:$0x11E20] =	vst v0  }
0x188: {  	[tilespmem:$0x11E30] =	vst v0  }
0x189: {  	[tilespmem:$0x11E40] =	vst v0  }
0x18a: {  	[tilespmem:$0x11E50] =	vst v0  }
0x18b: {  	[tilespmem:$0x11E60] =	vst v0  }
0x18c: {  	[tilespmem:$0x11E70] =	vst v0  }
0x18d: {  	[tilespmem:$0x11E80] =	vst v0  }
0x18e: {  	[tilespmem:$0x11E90] =	vst v0  }
0x18f: {  	[tilespmem:$0x11EA0] =	vst v0  }
0x190: {  	[tilespmem:$0x11EB0] =	vst v0  }
0x191: {  	[tilespmem:$0x11EC0] =	vst v0  }
0x192: {  	[tilespmem:$0x11ED0] =	vst v0  }
0x193: {  	[tilespmem:$0x11EE0] =	vst v0  }
0x194: {  	[tilespmem:$0x11EF0] =	vst v0  }
0x195: {  	[tilespmem:$0x11F00] =	vst v0  }
0x196: {  	[tilespmem:$0x11F10] =	vst v0  }
0x197: {  	[tilespmem:$0x11F20] =	vst v0  }
0x198: {  	[tilespmem:$0x11F30] =	vst v0  }
0x199: {  	[tilespmem:$0x11F40] =	vst v0  }
0x19a: {  	[tilespmem:$0x11F50] =	vst v0  }
0x19b: {  	[tilespmem:$0x11F60] =	vst v0  }
0x19c: {  	[tilespmem:$0x11F70] =	vst v0  }
0x19d: {  	[tilespmem:$0x11F80] =	vst v0  }
0x19e: {  	[tilespmem:$0x11F90] =	vst v0  }
0x19f: {  	[tilespmem:$0x11FA0] =	vst v0  }
0x1a0: {  	[tilespmem:$0x11FB0] =	vst v0  }
0x1a1: {  	[tilespmem:$0x11FC0] =	vst v0  }
0x1a2: {  	[tilespmem:$0x11FD0] =	vst v0  }
0x1a3: {  	[tilespmem:$0x11FE0] =	vst v0  }
0x1a4: {  	[tilespmem:$0x11FF0] =	vst v0  }
0x1a5: {  	[tilespmem:$0x12000] =	vst v0  }
0x1a6: {  	[tilespmem:$0x12010] =	vst v0  }
0x1a7: {  	[tilespmem:$0x12020] =	vst v0  }
0x1a8: {  	[tilespmem:$0x12030] =	vst v0  }
0x1a9: {  	[tilespmem:$0x12040] =	vst v0  }
0x1aa: {  	[tilespmem:$0x12050] =	vst v0  }
0x1ab: {  	[tilespmem:$0x12060] =	vst v0  }
0x1ac: {  	[tilespmem:$0x12070] =	vst v0  }
0x1ad: {  	[tilespmem:$0x12080] =	vst v0  }
0x1ae: {  	[tilespmem:$0x12090] =	vst v0  }
0x1af: {  	[tilespmem:$0x120A0] =	vst v0  }
0x1b0: {  	[tilespmem:$0x120B0] =	vst v0  }
0x1b1: {  	[tilespmem:$0x120C0] =	vst v0  }
0x1b2: {  	[tilespmem:$0x120D0] =	vst v0  }
0x1b3: {  	[tilespmem:$0x120E0] =	vst v0  }
0x1b4: {  	[tilespmem:$0x120F0] =	vst v0  }
0x1b5: {  	[tilespmem:$0x12100] =	vst v0  }
0x1b6: {  	[tilespmem:$0x12110] =	vst v0  }
0x1b7: {  	[tilespmem:$0x12120] =	vst v0  }
0x1b8: {  	[tilespmem:$0x12130] =	vst v0  }
0x1b9: {  	[tilespmem:$0x12140] =	vst v0  }
0x1ba: {  	[tilespmem:$0x12150] =	vst v0  }
0x1bb: {  	[tilespmem:$0x12160] =	vst v0  }
0x1bc: {  	[tilespmem:$0x12170] =	vst v0  }
0x1bd: {  	[tilespmem:$0x12180] =	vst v0  }
0x1be: {  	[tilespmem:$0x12190] =	vst v0  }
0x1bf: {  	[tilespmem:$0x121A0] =	vst v0  }
0x1c0: {  	[tilespmem:$0x121B0] =	vst v0  }
0x1c1: {  	[tilespmem:$0x121C0] =	vst v0  }
0x1c2: {  	[tilespmem:$0x121D0] =	vst v0  }
0x1c3: {  	[tilespmem:$0x121E0] =	vst v0  }
0x1c4: {  	[tilespmem:$0x121F0] =	vst v0  }
0x1c5: {  	[tilespmem:$0x12200] =	vst v0  }
0x1c6: {  	[tilespmem:$0x12210] =	vst v0  }
0x1c7: {  	[tilespmem:$0x12220] =	vst v0  }
0x1c8: {  	[tilespmem:$0x12230] =	vst v0  }
0x1c9: {  	[tilespmem:$0x12240] =	vst v0  }
0x1ca: {  	[tilespmem:$0x12250] =	vst v0  }
0x1cb: {  	[tilespmem:$0x12260] =	vst v0  }
0x1cc: {  	[tilespmem:$0x12B70] =	vst v0  }
0x1cd: {  	[tilespmem:$0x12270] =	vst v0  }
0x1ce: {  	[tilespmem:$0x12280] =	vst v0  }
0x1cf: {  	[tilespmem:$0x12290] =	vst v0  }
0x1d0: {  	[tilespmem:$0x122A0] =	vst v0  }
0x1d1: {  	[tilespmem:$0x122B0] =	vst v0  }
0x1d2: {  	[tilespmem:$0x122C0] =	vst v0  }
0x1d3: {  	[tilespmem:$0x122D0] =	vst v0  }
0x1d4: {  	[tilespmem:$0x122E0] =	vst v0  }
0x1d5: {  	[tilespmem:$0x122F0] =	vst v0  }
0x1d6: {  	[tilespmem:$0x12300] =	vst v0  }
0x1d7: {  	[tilespmem:$0x12310] =	vst v0  }
0x1d8: {  	[tilespmem:$0x12320] =	vst v0  }
0x1d9: {  	[tilespmem:$0x12330] =	vst v0  }
0x1da: {  	[tilespmem:$0x12340] =	vst v0  }
0x1db: {  	[tilespmem:$0x12350] =	vst v0  }
0x1dc: {  	[tilespmem:$0x12360] =	vst v0  }
0x1dd: {  	[tilespmem:$0x12370] =	vst v0  }
0x1de: {  	[tilespmem:$0x12380] =	vst v0  }
0x1df: {  	[tilespmem:$0x12390] =	vst v0  }
0x1e0: {  	[tilespmem:$0x123A0] =	vst v0  }
0x1e1: {  	[tilespmem:$0x123B0] =	vst v0  }
0x1e2: {  	[tilespmem:$0x123C0] =	vst v0  }
0x1e3: {  	[tilespmem:$0x123D0] =	vst v0  }
0x1e4: {  	[tilespmem:$0x123E0] =	vst v0  }
0x1e5: {  	[tilespmem:$0x123F0] =	vst v0  }
0x1e6: {  	[tilespmem:$0x12400] =	vst v0  }
0x1e7: {  	[tilespmem:$0x12410] =	vst v0  }
0x1e8: {  	[tilespmem:$0x12420] =	vst v0  }
0x1e9: {  	[tilespmem:$0x12430] =	vst v0  }
0x1ea: {  	[tilespmem:$0x12440] =	vst v0  }
0x1eb: {  	[tilespmem:$0x12450] =	vst v0  }
0x1ec: {  	[tilespmem:$0x12460] =	vst v0  }
0x1ed: {  	[tilespmem:$0x12470] =	vst v0  }
0x1ee: {  	[tilespmem:$0x12480] =	vst v0  }
0x1ef: {  	[tilespmem:$0x12490] =	vst v0  }
0x1f0: {  	[tilespmem:$0x124A0] =	vst v0  }
0x1f1: {  	[tilespmem:$0x124B0] =	vst v0  }
0x1f2: {  	[tilespmem:$0x124C0] =	vst v0  }
0x1f3: {  	[tilespmem:$0x124D0] =	vst v0  }
0x1f4: {  	[tilespmem:$0x124E0] =	vst v0  }
0x1f5: {  	[tilespmem:$0x124F0] =	vst v0  }
0x1f6: {  	[tilespmem:$0x12500] =	vst v0  }
0x1f7: {  	[tilespmem:$0x12510] =	vst v0  }
0x1f8: {  	[tilespmem:$0x12520] =	vst v0  }
0x1f9: {  	[tilespmem:$0x12530] =	vst v0  }
0x1fa: {  	[tilespmem:$0x12540] =	vst v0  }
0x1fb: {  	[tilespmem:$0x12550] =	vst v0  }
0x1fc: {  	[tilespmem:$0x12560] =	vst v0  }
0x1fd: {  	[tilespmem:$0x12570] =	vst v0  }
0x1fe: {  	[tilespmem:$0x12580] =	vst v0  }
0x1ff: {  	[tilespmem:$0x12590] =	vst v0  }
0x200: {  	[tilespmem:$0x125A0] =	vst v0  }
0x201: {  	[tilespmem:$0x125B0] =	vst v0  }
0x202: {  	[tilespmem:$0x125C0] =	vst v0  }
0x203: {  	[tilespmem:$0x125D0] =	vst v0  }
0x204: {  	[tilespmem:$0x125E0] =	vst v0  }
0x205: {  	[tilespmem:$0x125F0] =	vst v0  }
0x206: {  	[tilespmem:$0x12600] =	vst v0  }
0x207: {  	[tilespmem:$0x12610] =	vst v0  }
0x208: {  	[tilespmem:$0x12620] =	vst v0  }
0x209: {  	[tilespmem:$0x12630] =	vst v0  }
0x20a: {  	[tilespmem:$0x12640] =	vst v0  }
0x20b: {  	[tilespmem:$0x12650] =	vst v0  }
0x20c: {  	[tilespmem:$0x12660] =	vst v0  }
0x20d: {  	[tilespmem:$0x12670] =	vst v0  }
0x20e: {  	[tilespmem:$0x12680] =	vst v0  }
0x20f: {  	[tilespmem:$0x12690] =	vst v0  }
0x210: {  	[tilespmem:$0x126A0] =	vst v0  }
0x211: {  	[tilespmem:$0x126B0] =	vst v0  }
0x212: {  	[tilespmem:$0x126C0] =	vst v0  }
0x213: {  	[tilespmem:$0x126D0] =	vst v0  }
0x214: {  	[tilespmem:$0x126E0] =	vst v0  }
0x215: {  	[tilespmem:$0x126F0] =	vst v0  }
0x216: {  	[tilespmem:$0x12700] =	vst v0  }
0x217: {  	[tilespmem:$0x12710] =	vst v0  }
0x218: {  	[tilespmem:$0x12720] =	vst v0  }
0x219: {  	[tilespmem:$0x12730] =	vst v0  }
0x21a: {  	[tilespmem:$0x12740] =	vst v0  }
0x21b: {  	[tilespmem:$0x12750] =	vst v0  }
0x21c: {  	[tilespmem:$0x12760] =	vst v0  }
0x21d: {  	[tilespmem:$0x12770] =	vst v0  }
0x21e: {  	[tilespmem:$0x12780] =	vst v0  }
0x21f: {  	[tilespmem:$0x12790] =	vst v0  }
0x220: {  	[tilespmem:$0x127A0] =	vst v0  }
0x221: {  	[tilespmem:$0x127B0] =	vst v0  }
0x222: {  	[tilespmem:$0x127C0] =	vst v0  }
0x223: {  	[tilespmem:$0x127D0] =	vst v0  }
0x224: {  	[tilespmem:$0x127E0] =	vst v0  }
0x225: {  	[tilespmem:$0x127F0] =	vst v0  }
0x226: {  	[tilespmem:$0x12800] =	vst v0  }
0x227: {  	[tilespmem:$0x12810] =	vst v0  }
0x228: {  	[tilespmem:$0x12820] =	vst v0  }
0x229: {  	[tilespmem:$0x12830] =	vst v0  }
0x22a: {  	[tilespmem:$0x12840] =	vst v0  }
0x22b: {  	[tilespmem:$0x12850] =	vst v0  }
0x22c: {  	[tilespmem:$0x12860] =	vst v0  }
0x22d: {  	[tilespmem:$0x12870] =	vst v0  }
0x22e: {  	[tilespmem:$0x12880] =	vst v0  }
0x22f: {  	[tilespmem:$0x12890] =	vst v0  }
0x230: {  	[tilespmem:$0x128A0] =	vst v0  }
0x231: {  	[tilespmem:$0x128B0] =	vst v0  }
0x232: {  	[tilespmem:$0x128C0] =	vst v0  }
0x233: {  	[tilespmem:$0x128D0] =	vst v0  }
0x234: {  	[tilespmem:$0x128E0] =	vst v0  }
0x235: {  	[tilespmem:$0x128F0] =	vst v0  }
0x236: {  	[tilespmem:$0x12900] =	vst v0  }
0x237: {  	[tilespmem:$0x12910] =	vst v0  }
0x238: {  	[tilespmem:$0x12920] =	vst v0  }
0x239: {  	[tilespmem:$0x12930] =	vst v0  }
0x23a: {  	[tilespmem:$0x12940] =	vst v0  }
0x23b: {  	[tilespmem:$0x12950] =	vst v0  }
0x23c: {  	[tilespmem:$0x12960] =	vst v0  }
0x23d: {  	[tilespmem:$0x12970] =	vst v0  }
0x23e: {  	[tilespmem:$0x12980] =	vst v0  }
0x23f: {  	[tilespmem:$0x12990] =	vst v0  }
0x240: {  	[tilespmem:$0x129A0] =	vst v0  }
0x241: {  	[tilespmem:$0x129B0] =	vst v0  }
0x242: {  	[tilespmem:$0x129C0] =	vst v0  }
0x243: {  	[tilespmem:$0x129D0] =	vst v0  }
0x244: {  	[tilespmem:$0x129E0] =	vst v0  }
0x245: {  	[tilespmem:$0x129F0] =	vst v0  }
0x246: {  	[tilespmem:$0x12A00] =	vst v0  }
0x247: {  	[tilespmem:$0x12A10] =	vst v0  }
0x248: {  	[tilespmem:$0x12A20] =	vst v0  }
0x249: {  	[tilespmem:$0x12A30] =	vst v0  }
0x24a: {  	[tilespmem:$0x12A40] =	vst v0  }
0x24b: {  	[tilespmem:$0x12A50] =	vst v0  }
0x24c: {  	[tilespmem:$0x12A60] =	vst v0  }
0x24d: {  	[tilespmem:$0x12A70] =	vst v0  }
0x24e: {  	[tilespmem:$0x12A80] =	vst v0  }
0x24f: {  	[tilespmem:$0x12A90] =	vst v0  }
0x250: {  	[tilespmem:$0x12AA0] =	vst v0  }
0x251: {  	[tilespmem:$0x12AB0] =	vst v0  }
0x252: {  	[tilespmem:$0x12AC0] =	vst v0  }
0x253: {  	[tilespmem:$0x12AD0] =	vst v0  }
0x254: {  	[tilespmem:$0x12AE0] =	vst v0  }
0x255: {  	[tilespmem:$0x12AF0] =	vst v0  }
0x256: {  	[tilespmem:$0x12B00] =	vst v0  }
0x257: {  	[tilespmem:$0x12B10] =	vst v0  }
0x258: {  	[tilespmem:$0x12B20] =	vst v0  }
0x259: {  	[tilespmem:$0x12B30] =	vst v0  }
0x25a: {  	[tilespmem:$0x12B40] =	vst v0  }
0x25b: {  	[tilespmem:$0x12B50] =	vst v0  }
.Ltmp3:
0x25c: {  	[tilespmem:$0x12B60] =	vst v0;
	s18 =	simm.s32 $0x11280;
	s22 =	simm.s32 $0xE;
	(pc) =	sbr.rel .LBB2_3-.Ltmp3, $4  }
0x25d: {  	[spmem:s1] =	stream.linear.scatter [tilespmem:s18], [sflag:$0xE], $0x1900, $0x38;
	[tilespmem:$0x13010] =	vst v63  }
0x25e: {  	_ =	swait.ge [sflag:s22], $0x1900  }
0x25f: {  	[sflag:s22] =	ssyncset.done $0x0  }
0x260: {  	[sflag:s22] =	ssyncadd.s32 $0xFFFFE700  }
.LBB2_4:
0x261: {  	_ =	sfence.sel $0x180000  }
0x262: {  	[bflag:$0x0] =	sbarrier.arrive $0xFFFF  }
0x263: {  	_ =	strace $0x90000047  }
0x264: {  	[bflag:$0x2] =	sbarrier.arrive $0xFFFF  }
0x265: {  	s0 =	rddreg [dreg:$0x4]  }
0x266: {  	s0 =	sadd.s32 @!p0 $0x100000, s0  }
0x267: {  	[sflag:s0] =	ssyncadd.tile.s32 @!p0 $0x1;
	_ =	shalt  }
.Lfunc_end2:
_tile_overlayer_lowered:
.L_overlay_start_2:
0x268: {  	(tag) =	ssettag $0x2  }
0x269: {  	s0 =	rddreg [dreg:$0x0];
	s2 =	stileid.u32  }
0x26a: {  	s1 =	rddreg [dreg:$0x1];
	p0 =	sne.s32 s2, $0x0  }
0x26b: {  	s3 =	rddreg [dreg:$0x2];
	[bflag:$0x3] =	sbarrier.arrive $0xFFFF;
	s2 =	simm.s32 @!p0 $0x1C0E  }
0x26c: {  	[timem:s3], [sflag:s2] =	dma.local @!p0 [hbm:s0], s1  }
0x26d: {  	s0 =	simm.s32 @!p0 $0xE  }
0x26e: {  	_ =	swait.ge @!p0 [sflag:s0], s1  }
0x26f: {  	s1 =	ssub.s32 @!p0 $0x0, s1;
	[sflag:s0] =	ssyncset.done @!p0 $0x0  }
0x270: {  	[sflag:s0] =	ssyncadd.s32 @!p0 s1  }
0x271: {  	[bflag:$0x3] =	sbarrier.arrive $0xFFFF  }
0x272: {  	_ =	shalt  }

</sc_bundles>
